<compile_context>
chip_gen: v7x
topology: tpu7x:2x2x1
jax: 0.10.2.dev20260603
libtpu: 0.0.44.dev20260713+nightly
codegen_flags: <defaults>
</compile_context>

<pallas_src>
import functools

import jax
import jax.numpy as jnp
from jax import lax
from jax.experimental import pallas as pl
from jax.experimental.pallas import tpu as pltpu
from jax.experimental.pallas import tpu_sc as plsc

DIM = 512
NSL = 8
ROWS = 6
BATCH = 16384
NC, NSUB, L = 2, 16, 16
NW = NC * NSUB
BPW = BATCH // NW
CH = 32
NCHUNK = BPW // CH
NPAIR = NCHUNK // 2


@functools.partial(
    pl.kernel,
    out_type=jax.ShapeDtypeStruct((BATCH, 1, DIM), jnp.float32),
    mesh=plsc.VectorSubcoreMesh(core_axis_name="c", subcore_axis_name="s"),
    scratch_types=[
        pltpu.VMEM((BPW,), jnp.int32),
        pltpu.VMEM((ROWS, NSL * DIM), jnp.float32),
        pltpu.VMEM((ROWS, 1, DIM), jnp.float32),
        pltpu.VMEM((CH, 1, DIM), jnp.float32),
        pltpu.VMEM((CH, 1, DIM), jnp.float32),
        pltpu.VMEM((CH, 1, DIM), jnp.float32),
        pltpu.VMEM((CH, 1, DIM), jnp.float32),
        pltpu.SemaphoreType.DMA,
        pltpu.SemaphoreType.DMA,
        pltpu.SemaphoreType.DMA,
        pltpu.SemaphoreType.DMA,
    ],
)
def _walk_embed(z_hbm, idx_hbm, wt_hbm, out_hbm,
                idx_v, wtv, wsv, zb0, ob0, zb1, ob1,
                zs0, os0, zs1, os1):
    wid = lax.axis_index("s") * NC + lax.axis_index("c")
    base = wid * BPW

    zb, ob = (zb0, zb1), (ob0, ob1)
    zs, osm = (zs0, zs1), (os0, os1)

    def start_in(c, b):
        pltpu.async_copy(z_hbm.at[pl.ds(base + c * CH, CH)], zb[b], zs[b])

    start_in(0, 0)
    start_in(1, 1)
    pltpu.sync_copy(wt_hbm, wtv)
    pltpu.sync_copy(idx_hbm.at[pl.ds(base, BPW)], idx_v)

    for r in range(ROWS):

        @plsc.parallel_loop(0, DIM // L, 1, unroll=2)
        def _(v):
            o = v * L
            acc = wtv[r, pl.ds(o, L)]
            for i in range(1, NSL):
                acc = acc + wtv[r, pl.ds(i * DIM + o, L)]
            wsv[r, 0, pl.ds(o, L)] = acc

    def pair(it, carry):
        for b in range(2):
            c = it * 2 + b
            row0 = base + c * CH
            pltpu.make_async_copy(z_hbm.at[pl.ds(row0, CH)], zb[b], zs[b]).wait()

            @pl.when(it >= 1)
            def _():
                for g in range(CH // L):
                    pltpu.make_async_copy(
                        ob[b].at[pl.ds(g * L, L)],
                        out_hbm.at[pl.ds(row0 + g * L, L)], osm[b]).wait()

            for g in range(CH // L):
                idxv = idx_v[pl.ds(c * CH + g * L, L)]
                svals = [idxv[j] for j in range(L)]

                for h in range(8):

                    @plsc.parallel_loop(0, DIM // L, 1, unroll=2)
                    def _(v):
                        o = v * L
                        for j in range(h * (L // 8), (h + 1) * (L // 8)):
                            r = g * L + j
                            ob[b][r, 0, pl.ds(o, L)] = (
                                zb[b][r, 0, pl.ds(o, L)]
                                + wsv[svals[j], 0, pl.ds(o, L)])

                pltpu.async_copy(ob[b].at[pl.ds(g * L, L)],
                                 out_hbm.at[pl.ds(row0 + g * L, L)], osm[b])

            @pl.when(it < NPAIR - 1)
            def _():
                start_in(c + 2, b)
        return carry

    lax.fori_loop(0, NPAIR, pair, 0)

    for b in range(2):
        row0 = base + (NCHUNK - 2 + b) * CH
        for g in range(CH // L):
            pltpu.make_async_copy(ob[b].at[pl.ds(g * L, L)],
                                  out_hbm.at[pl.ds(row0 + g * L, L)],
                                  osm[b]).wait()


def kernel(z, w, index_, alpha=1):
    wt = jnp.transpose(w.reshape(ROWS, DIM, NSL), (0, 2, 1)).reshape(ROWS, NSL * DIM)
    return _walk_embed(z, index_, wt)

# --- scband reference (transcript-rebuilt; emitter-appended) ---
"""Pipeline reference for scband-walk-embed-3358664426008 (READ-ONLY COPY).

The authoritative reference and input builder live on the scoring server;
editing this copy changes nothing except your own understanding.
"""

import jax, jax.numpy as jnp
import numpy as np

DIM_Z = 512
NSLIDERS = 8
BATCH = 16384
N_ROWS = 6

def setup_inputs(seed: int = 0) -> dict:
    key = jax.random.key(seed)
    k1, k2, k3 = jax.random.split(key, 3)
    z = jax.random.normal(k1, (BATCH, 1, DIM_Z), dtype=jnp.float32)
    index_ = jax.random.randint(k2, (BATCH,), 0, N_ROWS, dtype=jnp.int32)
    # learned parameter bank w['smile'] ~ N(0, 0.02), shape [6, 1, dim_z, Nsliders]
    w = (jax.random.normal(k3, (N_ROWS, 1, DIM_Z, NSLIDERS), dtype=jnp.float32) * 0.02)
    alpha = 1  # unused by forward, kept for signature fidelity
    return {"z": z, "w": w, "index_": index_, "alpha": alpha}

def reference(z, w, index_, alpha=1):
    # faithful translation of WalkEmbed.forward for name='smile'
    z_new = z
    for i in range(NSLIDERS):
        z_new = z_new + w[index_, :, :, i]
    return z_new

if __name__ == "__main__":
    import jax
    _d = setup_inputs()
    print(jax.jit(kernel)(*tuple(_d.values())))

</pallas_src>

<mosaic_0001>
#map = affine_map<(d0, d1) -> (0, 0, 0)>
#map1 = affine_map<(d0, d1) -> (0)>
#map2 = affine_map<(d0, d1) -> (0, 0)>
module attributes {stable_mosaic.version = 14 : i64} {
  func.func @_walk_embed(%arg0: i32, %arg1: i32, %arg2: memref<16384x1x512xf32, #tpu.memory_space<hbm>>, %arg3: memref<16384xi32, #tpu.memory_space<hbm>>, %arg4: memref<6x4096xf32, #tpu.memory_space<hbm>>, %arg5: memref<16384x1x512xf32, #tpu.memory_space<hbm>>, %arg6: memref<512xi32, #tpu.memory_space<vmem>>, %arg7: memref<6x4096xf32, #tpu.memory_space<vmem>>, %arg8: memref<6x1x512xf32, #tpu.memory_space<vmem>>, %arg9: memref<32x1x512xf32, #tpu.memory_space<vmem>>, %arg10: memref<32x1x512xf32, #tpu.memory_space<vmem>>, %arg11: memref<32x1x512xf32, #tpu.memory_space<vmem>>, %arg12: memref<32x1x512xf32, #tpu.memory_space<vmem>>, %arg13: memref<!tpu.dma_semaphore, #tpu.memory_space<semaphore_mem>>, %arg14: memref<!tpu.dma_semaphore, #tpu.memory_space<semaphore_mem>>, %arg15: memref<!tpu.dma_semaphore, #tpu.memory_space<semaphore_mem>>, %arg16: memref<!tpu.dma_semaphore, #tpu.memory_space<semaphore_mem>>) attributes {dimension_semantics = [#tpu.dimension_semantics<core_parallel>, #tpu.dimension_semantics<subcore_parallel>], iteration_bounds = array<i64: 2, 16>, scalar_prefetch = 0 : i64, scratch_operands = 11 : i64, tpu.core_type = #tpu.core_type<sc_vector_subcore>, window_params = [{transform_indices = #map}, {transform_indices = #map1}, {transform_indices = #map2}, {transform_indices = #map}]} {
    %mul3A = arith.constant 2 : i32
    %mul3A_0 = arith.muli %arg1, %mul3A : i32
    %add3A = arith.addi %mul3A_0, %arg0 : i32
    %mul3A_1 = arith.constant 512 : i32
    %mul3A_2 = arith.muli %add3A, %mul3A_1 : i32
    %add3A_3 = arith.constant 0 : i32
    %add3A_4 = arith.addi %mul3A_2, %add3A_3 : i32
    %dma_start3A = arith.constant 0 : i32
    %dma_start3A_5 = arith.constant 0 : i32
    %dma_start3A_6 = tpu.memref_slice %arg2[%add3A_4, %dma_start3A, %dma_start3A_5] : memref<16384x1x512xf32, #tpu.memory_space<hbm>> -> memref<32x1x512xf32, #tpu.memory_space<hbm>>
    %dma_start3A_7 = arith.constant 0 : i32
    %dma_start3A_8 = arith.constant 0 : i32
    %dma_start3A_9 = tpu.memref_slice %arg2[%add3A_4, %dma_start3A_7, %dma_start3A_8] : memref<16384x1x512xf32, #tpu.memory_space<hbm>> -> memref<32x1x512xf32, #tpu.memory_space<hbm>>
    tpu.enqueue_dma source(%dma_start3A_9 : memref<32x1x512xf32, #tpu.memory_space<hbm>>) target(%arg9 : memref<32x1x512xf32, #tpu.memory_space<vmem>>) target_semaphore(%arg13 : memref<!tpu.dma_semaphore, #tpu.memory_space<semaphore_mem>>)
    %add3A_10 = arith.constant 32 : i32
    %add3A_11 = arith.addi %mul3A_2, %add3A_10 : i32
    %dma_start3A_12 = arith.constant 0 : i32
    %dma_start3A_13 = arith.constant 0 : i32
    %dma_start3A_14 = tpu.memref_slice %arg2[%add3A_11, %dma_start3A_12, %dma_start3A_13] : memref<16384x1x512xf32, #tpu.memory_space<hbm>> -> memref<32x1x512xf32, #tpu.memory_space<hbm>>
    %dma_start3A_15 = arith.constant 0 : i32
    %dma_start3A_16 = arith.constant 0 : i32
    %dma_start3A_17 = tpu.memref_slice %arg2[%add3A_11, %dma_start3A_15, %dma_start3A_16] : memref<16384x1x512xf32, #tpu.memory_space<hbm>> -> memref<32x1x512xf32, #tpu.memory_space<hbm>>
    tpu.enqueue_dma source(%dma_start3A_17 : memref<32x1x512xf32, #tpu.memory_space<hbm>>) target(%arg11 : memref<32x1x512xf32, #tpu.memory_space<vmem>>) target_semaphore(%arg15 : memref<!tpu.dma_semaphore, #tpu.memory_space<semaphore_mem>>)
    "tpu.region"() ({
      %run_scoped3A = tpu.sem_alloc : memref<!tpu.dma_semaphore, #tpu.memory_space<semaphore_mem>>
      tpu.enqueue_dma source(%arg4 : memref<6x4096xf32, #tpu.memory_space<hbm>>) target(%arg7 : memref<6x4096xf32, #tpu.memory_space<vmem>>) target_semaphore(%run_scoped3A : memref<!tpu.dma_semaphore, #tpu.memory_space<semaphore_mem>>)
      tpu.wait_dma2 semaphore(%run_scoped3A : memref<!tpu.dma_semaphore, #tpu.memory_space<semaphore_mem>>) src(%arg4 : memref<6x4096xf32, #tpu.memory_space<hbm>>) dst(%arg7 : memref<6x4096xf32, #tpu.memory_space<vmem>>)
      tpu.yield
    }) : () -> ()
    "tpu.region"() ({
      %run_scoped3A = tpu.sem_alloc : memref<!tpu.dma_semaphore, #tpu.memory_space<semaphore_mem>>
      %dma_start3A_107 = tpu.memref_slice %arg3[%mul3A_2] : memref<16384xi32, #tpu.memory_space<hbm>> -> memref<512xi32, #tpu.memory_space<hbm>>
      %dma_start3A_108 = tpu.memref_slice %arg3[%mul3A_2] : memref<16384xi32, #tpu.memory_space<hbm>> -> memref<512xi32, #tpu.memory_space<hbm>>
      tpu.enqueue_dma source(%dma_start3A_108 : memref<512xi32, #tpu.memory_space<hbm>>) target(%arg6 : memref<512xi32, #tpu.memory_space<vmem>>) target_semaphore(%run_scoped3A : memref<!tpu.dma_semaphore, #tpu.memory_space<semaphore_mem>>)
      %dma_wait3A_109 = tpu.memref_slice %arg3[%mul3A_2] : memref<16384xi32, #tpu.memory_space<hbm>> -> memref<512xi32, #tpu.memory_space<hbm>>
      %dma_wait3A_110 = tpu.memref_slice %arg3[%mul3A_2] : memref<16384xi32, #tpu.memory_space<hbm>> -> memref<512xi32, #tpu.memory_space<hbm>>
      tpu.wait_dma2 semaphore(%run_scoped3A : memref<!tpu.dma_semaphore, #tpu.memory_space<semaphore_mem>>) src(%dma_wait3A_110 : memref<512xi32, #tpu.memory_space<hbm>>) dst(%arg6 : memref<512xi32, #tpu.memory_space<vmem>>)
      tpu.yield
    }) : () -> ()
    %parallel_loop3A = arith.constant 0 : i32
    %parallel_loop3A_18 = arith.constant 32 : i32
    %parallel_loop3A_19 = arith.constant 1 : i32
    scf.for %parallel_loop3A_107 = %parallel_loop3A to %parallel_loop3A_18 step %parallel_loop3A_19  : i32 {
      %parallel_loop3A_108 = arith.constant 16 : i32
      %parallel_loop3A_109 = arith.muli %parallel_loop3A_107, %parallel_loop3A_108 : i32
      %parallel_loop3A_110 = arith.constant 0 : i32
      %parallel_loop3A_111 = arith.index_cast %parallel_loop3A_110 : i32 to index
      %parallel_loop3A_112 = arith.index_cast %parallel_loop3A_109 : i32 to index
      %parallel_loop3A_113 = tpu.vector_load %arg7[%parallel_loop3A_111, %parallel_loop3A_112] {strides = array<i32>} : memref<6x4096xf32, #tpu.memory_space<vmem>>, vector<1x16xf32>,
      %parallel_loop3A_114 = vector.shape_cast %parallel_loop3A_113 : vector<1x16xf32> to vector<16xf32>
      %parallel_loop3A_115 = arith.constant 512 : i32
      %parallel_loop3A_116 = arith.addi %parallel_loop3A_115, %parallel_loop3A_109 : i32
      %parallel_loop3A_117 = arith.constant 0 : i32
      %parallel_loop3A_118 = arith.index_cast %parallel_loop3A_117 : i32 to index
      %parallel_loop3A_119 = arith.index_cast %parallel_loop3A_116 : i32 to index
      %parallel_loop3A_120 = tpu.vector_load %arg7[%parallel_loop3A_118, %parallel_loop3A_119] {strides = array<i32>} : memref<6x4096xf32, #tpu.memory_space<vmem>>, vector<1x16xf32>,
      %parallel_loop3A_121 = vector.shape_cast %parallel_loop3A_120 : vector<1x16xf32> to vector<16xf32>
      %parallel_loop3A_122 = arith.addf %parallel_loop3A_114, %parallel_loop3A_121 : vector<16xf32>
      %parallel_loop3A_123 = arith.constant 1024 : i32
      %parallel_loop3A_124 = arith.addi %parallel_loop3A_123, %parallel_loop3A_109 : i32
      %parallel_loop3A_125 = arith.constant 0 : i32
      %parallel_loop3A_126 = arith.index_cast %parallel_loop3A_125 : i32 to index
      %parallel_loop3A_127 = arith.index_cast %parallel_loop3A_124 : i32 to index
      %parallel_loop3A_128 = tpu.vector_load %arg7[%parallel_loop3A_126, %parallel_loop3A_127] {strides = array<i32>} : memref<6x4096xf32, #tpu.memory_space<vmem>>, vector<1x16xf32>,
      %parallel_loop3A_129 = vector.shape_cast %parallel_loop3A_128 : vector<1x16xf32> to vector<16xf32>
      %parallel_loop3A_130 = arith.addf %parallel_loop3A_122, %parallel_loop3A_129 : vector<16xf32>
      %parallel_loop3A_131 = arith.constant 1536 : i32
      %parallel_loop3A_132 = arith.addi %parallel_loop3A_131, %parallel_loop3A_109 : i32
      %parallel_loop3A_133 = arith.constant 0 : i32
      %parallel_loop3A_134 = arith.index_cast %parallel_loop3A_133 : i32 to index
      %parallel_loop3A_135 = arith.index_cast %parallel_loop3A_132 : i32 to index
      %parallel_loop3A_136 = tpu.vector_load %arg7[%parallel_loop3A_134, %parallel_loop3A_135] {strides = array<i32>} : memref<6x4096xf32, #tpu.memory_space<vmem>>, vector<1x16xf32>,
      %parallel_loop3A_137 = vector.shape_cast %parallel_loop3A_136 : vector<1x16xf32> to vector<16xf32>
      %parallel_loop3A_138 = arith.addf %parallel_loop3A_130, %parallel_loop3A_137 : vector<16xf32>
      %parallel_loop3A_139 = arith.constant 2048 : i32
      %parallel_loop3A_140 = arith.addi %parallel_loop3A_139, %parallel_loop3A_109 : i32
      %parallel_loop3A_141 = arith.constant 0 : i32
      %parallel_loop3A_142 = arith.index_cast %parallel_loop3A_141 : i32 to index
      %parallel_loop3A_143 = arith.index_cast %parallel_loop3A_140 : i32 to index
      %parallel_loop3A_144 = tpu.vector_load %arg7[%parallel_loop3A_142, %parallel_loop3A_143] {strides = array<i32>} : memref<6x4096xf32, #tpu.memory_space<vmem>>, vector<1x16xf32>,
      %parallel_loop3A_145 = vector.shape_cast %parallel_loop3A_144 : vector<1x16xf32> to vector<16xf32>
      %parallel_loop3A_146 = arith.addf %parallel_loop3A_138, %parallel_loop3A_145 : vector<16xf32>
      %parallel_loop3A_147 = arith.constant 2560 : i32
      %parallel_loop3A_148 = arith.addi %parallel_loop3A_147, %parallel_loop3A_109 : i32
      %parallel_loop3A_149 = arith.constant 0 : i32
      %parallel_loop3A_150 = arith.index_cast %parallel_loop3A_149 : i32 to index
      %parallel_loop3A_151 = arith.index_cast %parallel_loop3A_148 : i32 to index
      %parallel_loop3A_152 = tpu.vector_load %arg7[%parallel_loop3A_150, %parallel_loop3A_151] {strides = array<i32>} : memref<6x4096xf32, #tpu.memory_space<vmem>>, vector<1x16xf32>,
      %parallel_loop3A_153 = vector.shape_cast %parallel_loop3A_152 : vector<1x16xf32> to vector<16xf32>
      %parallel_loop3A_154 = arith.addf %parallel_loop3A_146, %parallel_loop3A_153 : vector<16xf32>
      %parallel_loop3A_155 = arith.constant 3072 : i32
      %parallel_loop3A_156 = arith.addi %parallel_loop3A_155, %parallel_loop3A_109 : i32
      %parallel_loop3A_157 = arith.constant 0 : i32
      %parallel_loop3A_158 = arith.index_cast %parallel_loop3A_157 : i32 to index
      %parallel_loop3A_159 = arith.index_cast %parallel_loop3A_156 : i32 to index
      %parallel_loop3A_160 = tpu.vector_load %arg7[%parallel_loop3A_158, %parallel_loop3A_159] {strides = array<i32>} : memref<6x4096xf32, #tpu.memory_space<vmem>>, vector<1x16xf32>,
      %parallel_loop3A_161 = vector.shape_cast %parallel_loop3A_160 : vector<1x16xf32> to vector<16xf32>
      %parallel_loop3A_162 = arith.addf %parallel_loop3A_154, %parallel_loop3A_161 : vector<16xf32>
      %parallel_loop3A_163 = arith.constant 3584 : i32
      %parallel_loop3A_164 = arith.addi %parallel_loop3A_163, %parallel_loop3A_109 : i32
      %parallel_loop3A_165 = arith.constant 0 : i32
      %parallel_loop3A_166 = arith.index_cast %parallel_loop3A_165 : i32 to index
      %parallel_loop3A_167 = arith.index_cast %parallel_loop3A_164 : i32 to index
      %parallel_loop3A_168 = tpu.vector_load %arg7[%parallel_loop3A_166, %parallel_loop3A_167] {strides = array<i32>} : memref<6x4096xf32, #tpu.memory_space<vmem>>, vector<1x16xf32>,
      %parallel_loop3A_169 = vector.shape_cast %parallel_loop3A_168 : vector<1x16xf32> to vector<16xf32>
      %parallel_loop3A_170 = arith.addf %parallel_loop3A_162, %parallel_loop3A_169 : vector<16xf32>
      %parallel_loop3A_171 = arith.constant 0 : i32
      %parallel_loop3A_172 = arith.constant 0 : i32
      %parallel_loop3A_173 = arith.index_cast %parallel_loop3A_171 : i32 to index
      %parallel_loop3A_174 = arith.index_cast %parallel_loop3A_172 : i32 to index
      %parallel_loop3A_175 = arith.index_cast %parallel_loop3A_109 : i32 to index
      %parallel_loop3A_176 = tpu.vector_load %arg8[%parallel_loop3A_173, %parallel_loop3A_174, %parallel_loop3A_175] {strides = array<i32>} : memref<6x1x512xf32, #tpu.memory_space<vmem>>, vector<1x1x16xf32>,
      %parallel_loop3A_177 = vector.shape_cast %parallel_loop3A_176 : vector<1x1x16xf32> to vector<16xf32>
      %parallel_loop3A_178 = vector.shape_cast %parallel_loop3A_170 : vector<16xf32> to vector<1x1x16xf32>
      tpu.vector_store %arg8[%parallel_loop3A_173, %parallel_loop3A_174, %parallel_loop3A_175], %parallel_loop3A_178 {strides = array<i32>} : memref<6x1x512xf32, #tpu.memory_space<vmem>>, vector<1x1x16xf32>,
    } {sc.loop_unroll_factor = 2 : i64, sc.parallel_access}
    %parallel_loop3A_20 = arith.constant 0 : i32
    %parallel_loop3A_21 = arith.constant 32 : i32
    %parallel_loop3A_22 = arith.constant 1 : i32
    scf.for %parallel_loop3A_107 = %parallel_loop3A_20 to %parallel_loop3A_21 step %parallel_loop3A_22  : i32 {
      %parallel_loop3A_108 = arith.constant 16 : i32
      %parallel_loop3A_109 = arith.muli %parallel_loop3A_107, %parallel_loop3A_108 : i32
      %parallel_loop3A_110 = arith.constant 1 : i32
      %parallel_loop3A_111 = arith.index_cast %parallel_loop3A_110 : i32 to index
      %parallel_loop3A_112 = arith.index_cast %parallel_loop3A_109 : i32 to index
      %parallel_loop3A_113 = tpu.vector_load %arg7[%parallel_loop3A_111, %parallel_loop3A_112] {strides = array<i32>} : memref<6x4096xf32, #tpu.memory_space<vmem>>, vector<1x16xf32>,
      %parallel_loop3A_114 = vector.shape_cast %parallel_loop3A_113 : vector<1x16xf32> to vector<16xf32>
      %parallel_loop3A_115 = arith.constant 512 : i32
      %parallel_loop3A_116 = arith.addi %parallel_loop3A_115, %parallel_loop3A_109 : i32
      %parallel_loop3A_117 = arith.constant 1 : i32
      %parallel_loop3A_118 = arith.index_cast %parallel_loop3A_117 : i32 to index
      %parallel_loop3A_119 = arith.index_cast %parallel_loop3A_116 : i32 to index
      %parallel_loop3A_120 = tpu.vector_load %arg7[%parallel_loop3A_118, %parallel_loop3A_119] {strides = array<i32>} : memref<6x4096xf32, #tpu.memory_space<vmem>>, vector<1x16xf32>,
      %parallel_loop3A_121 = vector.shape_cast %parallel_loop3A_120 : vector<1x16xf32> to vector<16xf32>
      %parallel_loop3A_122 = arith.addf %parallel_loop3A_114, %parallel_loop3A_121 : vector<16xf32>
      %parallel_loop3A_123 = arith.constant 1024 : i32
      %parallel_loop3A_124 = arith.addi %parallel_loop3A_123, %parallel_loop3A_109 : i32
      %parallel_loop3A_125 = arith.constant 1 : i32
      %parallel_loop3A_126 = arith.index_cast %parallel_loop3A_125 : i32 to index
      %parallel_loop3A_127 = arith.index_cast %parallel_loop3A_124 : i32 to index
      %parallel_loop3A_128 = tpu.vector_load %arg7[%parallel_loop3A_126, %parallel_loop3A_127] {strides = array<i32>} : memref<6x4096xf32, #tpu.memory_space<vmem>>, vector<1x16xf32>,
      %parallel_loop3A_129 = vector.shape_cast %parallel_loop3A_128 : vector<1x16xf32> to vector<16xf32>
      %parallel_loop3A_130 = arith.addf %parallel_loop3A_122, %parallel_loop3A_129 : vector<16xf32>
      %parallel_loop3A_131 = arith.constant 1536 : i32
      %parallel_loop3A_132 = arith.addi %parallel_loop3A_131, %parallel_loop3A_109 : i32
      %parallel_loop3A_133 = arith.constant 1 : i32
      %parallel_loop3A_134 = arith.index_cast %parallel_loop3A_133 : i32 to index
      %parallel_loop3A_135 = arith.index_cast %parallel_loop3A_132 : i32 to index
      %parallel_loop3A_136 = tpu.vector_load %arg7[%parallel_loop3A_134, %parallel_loop3A_135] {strides = array<i32>} : memref<6x4096xf32, #tpu.memory_space<vmem>>, vector<1x16xf32>,
      %parallel_loop3A_137 = vector.shape_cast %parallel_loop3A_136 : vector<1x16xf32> to vector<16xf32>
      %parallel_loop3A_138 = arith.addf %parallel_loop3A_130, %parallel_loop3A_137 : vector<16xf32>
      %parallel_loop3A_139 = arith.constant 2048 : i32
      %parallel_loop3A_140 = arith.addi %parallel_loop3A_139, %parallel_loop3A_109 : i32
      %parallel_loop3A_141 = arith.constant 1 : i32
      %parallel_loop3A_142 = arith.index_cast %parallel_loop3A_141 : i32 to index
      %parallel_loop3A_143 = arith.index_cast %parallel_loop3A_140 : i32 to index
      %parallel_loop3A_144 = tpu.vector_load %arg7[%parallel_loop3A_142, %parallel_loop3A_143] {strides = array<i32>} : memref<6x4096xf32, #tpu.memory_space<vmem>>, vector<1x16xf32>,
      %parallel_loop3A_145 = vector.shape_cast %parallel_loop3A_144 : vector<1x16xf32> to vector<16xf32>
      %parallel_loop3A_146 = arith.addf %parallel_loop3A_138, %parallel_loop3A_145 : vector<16xf32>
      %parallel_loop3A_147 = arith.constant 2560 : i32
      %parallel_loop3A_148 = arith.addi %parallel_loop3A_147, %parallel_loop3A_109 : i32
      %parallel_loop3A_149 = arith.constant 1 : i32
      %parallel_loop3A_150 = arith.index_cast %parallel_loop3A_149 : i32 to index
      %parallel_loop3A_151 = arith.index_cast %parallel_loop3A_148 : i32 to index
      %parallel_loop3A_152 = tpu.vector_load %arg7[%parallel_loop3A_150, %parallel_loop3A_151] {strides = array<i32>} : memref<6x4096xf32, #tpu.memory_space<vmem>>, vector<1x16xf32>,
      %parallel_loop3A_153 = vector.shape_cast %parallel_loop3A_152 : vector<1x16xf32> to vector<16xf32>
      %parallel_loop3A_154 = arith.addf %parallel_loop3A_146, %parallel_loop3A_153 : vector<16xf32>
      %parallel_loop3A_155 = arith.constant 3072 : i32
      %parallel_loop3A_156 = arith.addi %parallel_loop3A_155, %parallel_loop3A_109 : i32
      %parallel_loop3A_157 = arith.constant 1 : i32
      %parallel_loop3A_158 = arith.index_cast %parallel_loop3A_157 : i32 to index
      %parallel_loop3A_159 = arith.index_cast %parallel_loop3A_156 : i32 to index
      %parallel_loop3A_160 = tpu.vector_load %arg7[%parallel_loop3A_158, %parallel_loop3A_159] {strides = array<i32>} : memref<6x4096xf32, #tpu.memory_space<vmem>>, vector<1x16xf32>,
      %parallel_loop3A_161 = vector.shape_cast %parallel_loop3A_160 : vector<1x16xf32> to vector<16xf32>
      %parallel_loop3A_162 = arith.addf %parallel_loop3A_154, %parallel_loop3A_161 : vector<16xf32>
      %parallel_loop3A_163 = arith.constant 3584 : i32
      %parallel_loop3A_164 = arith.addi %parallel_loop3A_163, %parallel_loop3A_109 : i32
      %parallel_loop3A_165 = arith.constant 1 : i32
      %parallel_loop3A_166 = arith.index_cast %parallel_loop3A_165 : i32 to index
      %parallel_loop3A_167 = arith.index_cast %parallel_loop3A_164 : i32 to index
      %parallel_loop3A_168 = tpu.vector_load %arg7[%parallel_loop3A_166, %parallel_loop3A_167] {strides = array<i32>} : memref<6x4096xf32, #tpu.memory_space<vmem>>, vector<1x16xf32>,
      %parallel_loop3A_169 = vector.shape_cast %parallel_loop3A_168 : vector<1x16xf32> to vector<16xf32>
      %parallel_loop3A_170 = arith.addf %parallel_loop3A_162, %parallel_loop3A_169 : vector<16xf32>
      %parallel_loop3A_171 = arith.constant 1 : i32
      %parallel_loop3A_172 = arith.constant 0 : i32
      %parallel_loop3A_173 = arith.index_cast %parallel_loop3A_171 : i32 to index
      %parallel_loop3A_174 = arith.index_cast %parallel_loop3A_172 : i32 to index
      %parallel_loop3A_175 = arith.index_cast %parallel_loop3A_109 : i32 to index
      %parallel_loop3A_176 = tpu.vector_load %arg8[%parallel_loop3A_173, %parallel_loop3A_174, %parallel_loop3A_175] {strides = array<i32>} : memref<6x1x512xf32, #tpu.memory_space<vmem>>, vector<1x1x16xf32>,
      %parallel_loop3A_177 = vector.shape_cast %parallel_loop3A_176 : vector<1x1x16xf32> to vector<16xf32>
      %parallel_loop3A_178 = vector.shape_cast %parallel_loop3A_170 : vector<16xf32> to vector<1x1x16xf32>
      tpu.vector_store %arg8[%parallel_loop3A_173, %parallel_loop3A_174, %parallel_loop3A_175], %parallel_loop3A_178 {strides = array<i32>} : memref<6x1x512xf32, #tpu.memory_space<vmem>>, vector<1x1x16xf32>,
    } {sc.loop_unroll_factor = 2 : i64, sc.parallel_access}
    %parallel_loop3A_23 = arith.constant 0 : i32
    %parallel_loop3A_24 = arith.constant 32 : i32
    %parallel_loop3A_25 = arith.constant 1 : i32
    scf.for %parallel_loop3A_107 = %parallel_loop3A_23 to %parallel_loop3A_24 step %parallel_loop3A_25  : i32 {
      %parallel_loop3A_108 = arith.constant 16 : i32
      %parallel_loop3A_109 = arith.muli %parallel_loop3A_107, %parallel_loop3A_108 : i32
      %parallel_loop3A_110 = arith.constant 2 : i32
      %parallel_loop3A_111 = arith.index_cast %parallel_loop3A_110 : i32 to index
      %parallel_loop3A_112 = arith.index_cast %parallel_loop3A_109 : i32 to index
      %parallel_loop3A_113 = tpu.vector_load %arg7[%parallel_loop3A_111, %parallel_loop3A_112] {strides = array<i32>} : memref<6x4096xf32, #tpu.memory_space<vmem>>, vector<1x16xf32>,
      %parallel_loop3A_114 = vector.shape_cast %parallel_loop3A_113 : vector<1x16xf32> to vector<16xf32>
      %parallel_loop3A_115 = arith.constant 512 : i32
      %parallel_loop3A_116 = arith.addi %parallel_loop3A_115, %parallel_loop3A_109 : i32
      %parallel_loop3A_117 = arith.constant 2 : i32
      %parallel_loop3A_118 = arith.index_cast %parallel_loop3A_117 : i32 to index
      %parallel_loop3A_119 = arith.index_cast %parallel_loop3A_116 : i32 to index
      %parallel_loop3A_120 = tpu.vector_load %arg7[%parallel_loop3A_118, %parallel_loop3A_119] {strides = array<i32>} : memref<6x4096xf32, #tpu.memory_space<vmem>>, vector<1x16xf32>,
      %parallel_loop3A_121 = vector.shape_cast %parallel_loop3A_120 : vector<1x16xf32> to vector<16xf32>
      %parallel_loop3A_122 = arith.addf %parallel_loop3A_114, %parallel_loop3A_121 : vector<16xf32>
      %parallel_loop3A_123 = arith.constant 1024 : i32
      %parallel_loop3A_124 = arith.addi %parallel_loop3A_123, %parallel_loop3A_109 : i32
      %parallel_loop3A_125 = arith.constant 2 : i32
      %parallel_loop3A_126 = arith.index_cast %parallel_loop3A_125 : i32 to index
      %parallel_loop3A_127 = arith.index_cast %parallel_loop3A_124 : i32 to index
      %parallel_loop3A_128 = tpu.vector_load %arg7[%parallel_loop3A_126, %parallel_loop3A_127] {strides = array<i32>} : memref<6x4096xf32, #tpu.memory_space<vmem>>, vector<1x16xf32>,
      %parallel_loop3A_129 = vector.shape_cast %parallel_loop3A_128 : vector<1x16xf32> to vector<16xf32>
      %parallel_loop3A_130 = arith.addf %parallel_loop3A_122, %parallel_loop3A_129 : vector<16xf32>
      %parallel_loop3A_131 = arith.constant 1536 : i32
      %parallel_loop3A_132 = arith.addi %parallel_loop3A_131, %parallel_loop3A_109 : i32
      %parallel_loop3A_133 = arith.constant 2 : i32
      %parallel_loop3A_134 = arith.index_cast %parallel_loop3A_133 : i32 to index
      %parallel_loop3A_135 = arith.index_cast %parallel_loop3A_132 : i32 to index
      %parallel_loop3A_136 = tpu.vector_load %arg7[%parallel_loop3A_134, %parallel_loop3A_135] {strides = array<i32>} : memref<6x4096xf32, #tpu.memory_space<vmem>>, vector<1x16xf32>,
      %parallel_loop3A_137 = vector.shape_cast %parallel_loop3A_136 : vector<1x16xf32> to vector<16xf32>
      %parallel_loop3A_138 = arith.addf %parallel_loop3A_130, %parallel_loop3A_137 : vector<16xf32>
      %parallel_loop3A_139 = arith.constant 2048 : i32
      %parallel_loop3A_140 = arith.addi %parallel_loop3A_139, %parallel_loop3A_109 : i32
      %parallel_loop3A_141 = arith.constant 2 : i32
      %parallel_loop3A_142 = arith.index_cast %parallel_loop3A_141 : i32 to index
      %parallel_loop3A_143 = arith.index_cast %parallel_loop3A_140 : i32 to index
      %parallel_loop3A_144 = tpu.vector_load %arg7[%parallel_loop3A_142, %parallel_loop3A_143] {strides = array<i32>} : memref<6x4096xf32, #tpu.memory_space<vmem>>, vector<1x16xf32>,
      %parallel_loop3A_145 = vector.shape_cast %parallel_loop3A_144 : vector<1x16xf32> to vector<16xf32>
      %parallel_loop3A_146 = arith.addf %parallel_loop3A_138, %parallel_loop3A_145 : vector<16xf32>
      %parallel_loop3A_147 = arith.constant 2560 : i32
      %parallel_loop3A_148 = arith.addi %parallel_loop3A_147, %parallel_loop3A_109 : i32
      %parallel_loop3A_149 = arith.constant 2 : i32
      %parallel_loop3A_150 = arith.index_cast %parallel_loop3A_149 : i32 to index
      %parallel_loop3A_151 = arith.index_cast %parallel_loop3A_148 : i32 to index
      %parallel_loop3A_152 = tpu.vector_load %arg7[%parallel_loop3A_150, %parallel_loop3A_151] {strides = array<i32>} : memref<6x4096xf32, #tpu.memory_space<vmem>>, vector<1x16xf32>,
      %parallel_loop3A_153 = vector.shape_cast %parallel_loop3A_152 : vector<1x16xf32> to vector<16xf32>
      %parallel_loop3A_154 = arith.addf %parallel_loop3A_146, %parallel_loop3A_153 : vector<16xf32>
      %parallel_loop3A_155 = arith.constant 3072 : i32
      %parallel_loop3A_156 = arith.addi %parallel_loop3A_155, %parallel_loop3A_109 : i32
      %parallel_loop3A_157 = arith.constant 2 : i32
      %parallel_loop3A_158 = arith.index_cast %parallel_loop3A_157 : i32 to index
      %parallel_loop3A_159 = arith.index_cast %parallel_loop3A_156 : i32 to index
      %parallel_loop3A_160 = tpu.vector_load %arg7[%parallel_loop3A_158, %parallel_loop3A_159] {strides = array<i32>} : memref<6x4096xf32, #tpu.memory_space<vmem>>, vector<1x16xf32>,
      %parallel_loop3A_161 = vector.shape_cast %parallel_loop3A_160 : vector<1x16xf32> to vector<16xf32>
      %parallel_loop3A_162 = arith.addf %parallel_loop3A_154, %parallel_loop3A_161 : vector<16xf32>
      %parallel_loop3A_163 = arith.constant 3584 : i32
      %parallel_loop3A_164 = arith.addi %parallel_loop3A_163, %parallel_loop3A_109 : i32
      %parallel_loop3A_165 = arith.constant 2 : i32
      %parallel_loop3A_166 = arith.index_cast %parallel_loop3A_165 : i32 to index
      %parallel_loop3A_167 = arith.index_cast %parallel_loop3A_164 : i32 to index
      %parallel_loop3A_168 = tpu.vector_load %arg7[%parallel_loop3A_166, %parallel_loop3A_167] {strides = array<i32>} : memref<6x4096xf32, #tpu.memory_space<vmem>>, vector<1x16xf32>,
      %parallel_loop3A_169 = vector.shape_cast %parallel_loop3A_168 : vector<1x16xf32> to vector<16xf32>
      %parallel_loop3A_170 = arith.addf %parallel_loop3A_162, %parallel_loop3A_169 : vector<16xf32>
      %parallel_loop3A_171 = arith.constant 2 : i32
      %parallel_loop3A_172 = arith.constant 0 : i32
      %parallel_loop3A_173 = arith.index_cast %parallel_loop3A_171 : i32 to index
      %parallel_loop3A_174 = arith.index_cast %parallel_loop3A_172 : i32 to index
      %parallel_loop3A_175 = arith.index_cast %parallel_loop3A_109 : i32 to index
      %parallel_loop3A_176 = tpu.vector_load %arg8[%parallel_loop3A_173, %parallel_loop3A_174, %parallel_loop3A_175] {strides = array<i32>} : memref<6x1x512xf32, #tpu.memory_space<vmem>>, vector<1x1x16xf32>,
      %parallel_loop3A_177 = vector.shape_cast %parallel_loop3A_176 : vector<1x1x16xf32> to vector<16xf32>
      %parallel_loop3A_178 = vector.shape_cast %parallel_loop3A_170 : vector<16xf32> to vector<1x1x16xf32>
      tpu.vector_store %arg8[%parallel_loop3A_173, %parallel_loop3A_174, %parallel_loop3A_175], %parallel_loop3A_178 {strides = array<i32>} : memref<6x1x512xf32, #tpu.memory_space<vmem>>, vector<1x1x16xf32>,
    } {sc.loop_unroll_factor = 2 : i64, sc.parallel_access}
    %parallel_loop3A_26 = arith.constant 0 : i32
    %parallel_loop3A_27 = arith.constant 32 : i32
    %parallel_loop3A_28 = arith.constant 1 : i32
    scf.for %parallel_loop3A_107 = %parallel_loop3A_26 to %parallel_loop3A_27 step %parallel_loop3A_28  : i32 {
      %parallel_loop3A_108 = arith.constant 16 : i32
      %parallel_loop3A_109 = arith.muli %parallel_loop3A_107, %parallel_loop3A_108 : i32
      %parallel_loop3A_110 = arith.constant 3 : i32
      %parallel_loop3A_111 = arith.index_cast %parallel_loop3A_110 : i32 to index
      %parallel_loop3A_112 = arith.index_cast %parallel_loop3A_109 : i32 to index
      %parallel_loop3A_113 = tpu.vector_load %arg7[%parallel_loop3A_111, %parallel_loop3A_112] {strides = array<i32>} : memref<6x4096xf32, #tpu.memory_space<vmem>>, vector<1x16xf32>,
      %parallel_loop3A_114 = vector.shape_cast %parallel_loop3A_113 : vector<1x16xf32> to vector<16xf32>
      %parallel_loop3A_115 = arith.constant 512 : i32
      %parallel_loop3A_116 = arith.addi %parallel_loop3A_115, %parallel_loop3A_109 : i32
      %parallel_loop3A_117 = arith.constant 3 : i32
      %parallel_loop3A_118 = arith.index_cast %parallel_loop3A_117 : i32 to index
      %parallel_loop3A_119 = arith.index_cast %parallel_loop3A_116 : i32 to index
      %parallel_loop3A_120 = tpu.vector_load %arg7[%parallel_loop3A_118, %parallel_loop3A_119] {strides = array<i32>} : memref<6x4096xf32, #tpu.memory_space<vmem>>, vector<1x16xf32>,
      %parallel_loop3A_121 = vector.shape_cast %parallel_loop3A_120 : vector<1x16xf32> to vector<16xf32>
      %parallel_loop3A_122 = arith.addf %parallel_loop3A_114, %parallel_loop3A_121 : vector<16xf32>
      %parallel_loop3A_123 = arith.constant 1024 : i32
      %parallel_loop3A_124 = arith.addi %parallel_loop3A_123, %parallel_loop3A_109 : i32
      %parallel_loop3A_125 = arith.constant 3 : i32
      %parallel_loop3A_126 = arith.index_cast %parallel_loop3A_125 : i32 to index
      %parallel_loop3A_127 = arith.index_cast %parallel_loop3A_124 : i32 to index
      %parallel_loop3A_128 = tpu.vector_load %arg7[%parallel_loop3A_126, %parallel_loop3A_127] {strides = array<i32>} : memref<6x4096xf32, #tpu.memory_space<vmem>>, vector<1x16xf32>,
      %parallel_loop3A_129 = vector.shape_cast %parallel_loop3A_128 : vector<1x16xf32> to vector<16xf32>
      %parallel_loop3A_130 = arith.addf %parallel_loop3A_122, %parallel_loop3A_129 : vector<16xf32>
      %parallel_loop3A_131 = arith.constant 1536 : i32
      %parallel_loop3A_132 = arith.addi %parallel_loop3A_131, %parallel_loop3A_109 : i32
      %parallel_loop3A_133 = arith.constant 3 : i32
      %parallel_loop3A_134 = arith.index_cast %parallel_loop3A_133 : i32 to index
      %parallel_loop3A_135 = arith.index_cast %parallel_loop3A_132 : i32 to index
      %parallel_loop3A_136 = tpu.vector_load %arg7[%parallel_loop3A_134, %parallel_loop3A_135] {strides = array<i32>} : memref<6x4096xf32, #tpu.memory_space<vmem>>, vector<1x16xf32>,
      %parallel_loop3A_137 = vector.shape_cast %parallel_loop3A_136 : vector<1x16xf32> to vector<16xf32>
      %parallel_loop3A_138 = arith.addf %parallel_loop3A_130, %parallel_loop3A_137 : vector<16xf32>
      %parallel_loop3A_139 = arith.constant 2048 : i32
      %parallel_loop3A_140 = arith.addi %parallel_loop3A_139, %parallel_loop3A_109 : i32
      %parallel_loop3A_141 = arith.constant 3 : i32
      %parallel_loop3A_142 = arith.index_cast %parallel_loop3A_141 : i32 to index
      %parallel_loop3A_143 = arith.index_cast %parallel_loop3A_140 : i32 to index
      %parallel_loop3A_144 = tpu.vector_load %arg7[%parallel_loop3A_142, %parallel_loop3A_143] {strides = array<i32>} : memref<6x4096xf32, #tpu.memory_space<vmem>>, vector<1x16xf32>,
      %parallel_loop3A_145 = vector.shape_cast %parallel_loop3A_144 : vector<1x16xf32> to vector<16xf32>
      %parallel_loop3A_146 = arith.addf %parallel_loop3A_138, %parallel_loop3A_145 : vector<16xf32>
      %parallel_loop3A_147 = arith.constant 2560 : i32
      %parallel_loop3A_148 = arith.addi %parallel_loop3A_147, %parallel_loop3A_109 : i32
      %parallel_loop3A_149 = arith.constant 3 : i32
      %parallel_loop3A_150 = arith.index_cast %parallel_loop3A_149 : i32 to index
      %parallel_loop3A_151 = arith.index_cast %parallel_loop3A_148 : i32 to index
      %parallel_loop3A_152 = tpu.vector_load %arg7[%parallel_loop3A_150, %parallel_loop3A_151] {strides = array<i32>} : memref<6x4096xf32, #tpu.memory_space<vmem>>, vector<1x16xf32>,
      %parallel_loop3A_153 = vector.shape_cast %parallel_loop3A_152 : vector<1x16xf32> to vector<16xf32>
      %parallel_loop3A_154 = arith.addf %parallel_loop3A_146, %parallel_loop3A_153 : vector<16xf32>
      %parallel_loop3A_155 = arith.constant 3072 : i32
      %parallel_loop3A_156 = arith.addi %parallel_loop3A_155, %parallel_loop3A_109 : i32
      %parallel_loop3A_157 = arith.constant 3 : i32
      %parallel_loop3A_158 = arith.index_cast %parallel_loop3A_157 : i32 to index
      %parallel_loop3A_159 = arith.index_cast %parallel_loop3A_156 : i32 to index
      %parallel_loop3A_160 = tpu.vector_load %arg7[%parallel_loop3A_158, %parallel_loop3A_159] {strides = array<i32>} : memref<6x4096xf32, #tpu.memory_space<vmem>>, vector<1x16xf32>,
      %parallel_loop3A_161 = vector.shape_cast %parallel_loop3A_160 : vector<1x16xf32> to vector<16xf32>
      %parallel_loop3A_162 = arith.addf %parallel_loop3A_154, %parallel_loop3A_161 : vector<16xf32>
      %parallel_loop3A_163 = arith.constant 3584 : i32
      %parallel_loop3A_164 = arith.addi %parallel_loop3A_163, %parallel_loop3A_109 : i32
      %parallel_loop3A_165 = arith.constant 3 : i32
      %parallel_loop3A_166 = arith.index_cast %parallel_loop3A_165 : i32 to index
      %parallel_loop3A_167 = arith.index_cast %parallel_loop3A_164 : i32 to index
      %parallel_loop3A_168 = tpu.vector_load %arg7[%parallel_loop3A_166, %parallel_loop3A_167] {strides = array<i32>} : memref<6x4096xf32, #tpu.memory_space<vmem>>, vector<1x16xf32>,
      %parallel_loop3A_169 = vector.shape_cast %parallel_loop3A_168 : vector<1x16xf32> to vector<16xf32>
      %parallel_loop3A_170 = arith.addf %parallel_loop3A_162, %parallel_loop3A_169 : vector<16xf32>
      %parallel_loop3A_171 = arith.constant 3 : i32
      %parallel_loop3A_172 = arith.constant 0 : i32
      %parallel_loop3A_173 = arith.index_cast %parallel_loop3A_171 : i32 to index
      %parallel_loop3A_174 = arith.index_cast %parallel_loop3A_172 : i32 to index
      %parallel_loop3A_175 = arith.index_cast %parallel_loop3A_109 : i32 to index
      %parallel_loop3A_176 = tpu.vector_load %arg8[%parallel_loop3A_173, %parallel_loop3A_174, %parallel_loop3A_175] {strides = array<i32>} : memref<6x1x512xf32, #tpu.memory_space<vmem>>, vector<1x1x16xf32>,
      %parallel_loop3A_177 = vector.shape_cast %parallel_loop3A_176 : vector<1x1x16xf32> to vector<16xf32>
      %parallel_loop3A_178 = vector.shape_cast %parallel_loop3A_170 : vector<16xf32> to vector<1x1x16xf32>
      tpu.vector_store %arg8[%parallel_loop3A_173, %parallel_loop3A_174, %parallel_loop3A_175], %parallel_loop3A_178 {strides = array<i32>} : memref<6x1x512xf32, #tpu.memory_space<vmem>>, vector<1x1x16xf32>,
    } {sc.loop_unroll_factor = 2 : i64, sc.parallel_access}
    %parallel_loop3A_29 = arith.constant 0 : i32
    %parallel_loop3A_30 = arith.constant 32 : i32
    %parallel_loop3A_31 = arith.constant 1 : i32
    scf.for %parallel_loop3A_107 = %parallel_loop3A_29 to %parallel_loop3A_30 step %parallel_loop3A_31  : i32 {
      %parallel_loop3A_108 = arith.constant 16 : i32
      %parallel_loop3A_109 = arith.muli %parallel_loop3A_107, %parallel_loop3A_108 : i32
      %parallel_loop3A_110 = arith.constant 4 : i32
      %parallel_loop3A_111 = arith.index_cast %parallel_loop3A_110 : i32 to index
      %parallel_loop3A_112 = arith.index_cast %parallel_loop3A_109 : i32 to index
      %parallel_loop3A_113 = tpu.vector_load %arg7[%parallel_loop3A_111, %parallel_loop3A_112] {strides = array<i32>} : memref<6x4096xf32, #tpu.memory_space<vmem>>, vector<1x16xf32>,
      %parallel_loop3A_114 = vector.shape_cast %parallel_loop3A_113 : vector<1x16xf32> to vector<16xf32>
      %parallel_loop3A_115 = arith.constant 512 : i32
      %parallel_loop3A_116 = arith.addi %parallel_loop3A_115, %parallel_loop3A_109 : i32
      %parallel_loop3A_117 = arith.constant 4 : i32
      %parallel_loop3A_118 = arith.index_cast %parallel_loop3A_117 : i32 to index
      %parallel_loop3A_119 = arith.index_cast %parallel_loop3A_116 : i32 to index
      %parallel_loop3A_120 = tpu.vector_load %arg7[%parallel_loop3A_118, %parallel_loop3A_119] {strides = array<i32>} : memref<6x4096xf32, #tpu.memory_space<vmem>>, vector<1x16xf32>,
      %parallel_loop3A_121 = vector.shape_cast %parallel_loop3A_120 : vector<1x16xf32> to vector<16xf32>
      %parallel_loop3A_122 = arith.addf %parallel_loop3A_114, %parallel_loop3A_121 : vector<16xf32>
      %parallel_loop3A_123 = arith.constant 1024 : i32
      %parallel_loop3A_124 = arith.addi %parallel_loop3A_123, %parallel_loop3A_109 : i32
      %parallel_loop3A_125 = arith.constant 4 : i32
      %parallel_loop3A_126 = arith.index_cast %parallel_loop3A_125 : i32 to index
      %parallel_loop3A_127 = arith.index_cast %parallel_loop3A_124 : i32 to index
      %parallel_loop3A_128 = tpu.vector_load %arg7[%parallel_loop3A_126, %parallel_loop3A_127] {strides = array<i32>} : memref<6x4096xf32, #tpu.memory_space<vmem>>, vector<1x16xf32>,
      %parallel_loop3A_129 = vector.shape_cast %parallel_loop3A_128 : vector<1x16xf32> to vector<16xf32>
      %parallel_loop3A_130 = arith.addf %parallel_loop3A_122, %parallel_loop3A_129 : vector<16xf32>
      %parallel_loop3A_131 = arith.constant 1536 : i32
      %parallel_loop3A_132 = arith.addi %parallel_loop3A_131, %parallel_loop3A_109 : i32
      %parallel_loop3A_133 = arith.constant 4 : i32
      %parallel_loop3A_134 = arith.index_cast %parallel_loop3A_133 : i32 to index
      %parallel_loop3A_135 = arith.index_cast %parallel_loop3A_132 : i32 to index
      %parallel_loop3A_136 = tpu.vector_load %arg7[%parallel_loop3A_134, %parallel_loop3A_135] {strides = array<i32>} : memref<6x4096xf32, #tpu.memory_space<vmem>>, vector<1x16xf32>,
      %parallel_loop3A_137 = vector.shape_cast %parallel_loop3A_136 : vector<1x16xf32> to vector<16xf32>
      %parallel_loop3A_138 = arith.addf %parallel_loop3A_130, %parallel_loop3A_137 : vector<16xf32>
      %parallel_loop3A_139 = arith.constant 2048 : i32
      %parallel_loop3A_140 = arith.addi %parallel_loop3A_139, %parallel_loop3A_109 : i32
      %parallel_loop3A_141 = arith.constant 4 : i32
      %parallel_loop3A_142 = arith.index_cast %parallel_loop3A_141 : i32 to index
      %parallel_loop3A_143 = arith.index_cast %parallel_loop3A_140 : i32 to index
      %parallel_loop3A_144 = tpu.vector_load %arg7[%parallel_loop3A_142, %parallel_loop3A_143] {strides = array<i32>} : memref<6x4096xf32, #tpu.memory_space<vmem>>, vector<1x16xf32>,
      %parallel_loop3A_145 = vector.shape_cast %parallel_loop3A_144 : vector<1x16xf32> to vector<16xf32>
      %parallel_loop3A_146 = arith.addf %parallel_loop3A_138, %parallel_loop3A_145 : vector<16xf32>
      %parallel_loop3A_147 = arith.constant 2560 : i32
      %parallel_loop3A_148 = arith.addi %parallel_loop3A_147, %parallel_loop3A_109 : i32
      %parallel_loop3A_149 = arith.constant 4 : i32
      %parallel_loop3A_150 = arith.index_cast %parallel_loop3A_149 : i32 to index
      %parallel_loop3A_151 = arith.index_cast %parallel_loop3A_148 : i32 to index
      %parallel_loop3A_152 = tpu.vector_load %arg7[%parallel_loop3A_150, %parallel_loop3A_151] {strides = array<i32>} : memref<6x4096xf32, #tpu.memory_space<vmem>>, vector<1x16xf32>,
      %parallel_loop3A_153 = vector.shape_cast %parallel_loop3A_152 : vector<1x16xf32> to vector<16xf32>
      %parallel_loop3A_154 = arith.addf %parallel_loop3A_146, %parallel_loop3A_153 : vector<16xf32>
      %parallel_loop3A_155 = arith.constant 3072 : i32
      %parallel_loop3A_156 = arith.addi %parallel_loop3A_155, %parallel_loop3A_109 : i32
      %parallel_loop3A_157 = arith.constant 4 : i32
      %parallel_loop3A_158 = arith.index_cast %parallel_loop3A_157 : i32 to index
      %parallel_loop3A_159 = arith.index_cast %parallel_loop3A_156 : i32 to index
      %parallel_loop3A_160 = tpu.vector_load %arg7[%parallel_loop3A_158, %parallel_loop3A_159] {strides = array<i32>} : memref<6x4096xf32, #tpu.memory_space<vmem>>, vector<1x16xf32>,
      %parallel_loop3A_161 = vector.shape_cast %parallel_loop3A_160 : vector<1x16xf32> to vector<16xf32>
      %parallel_loop3A_162 = arith.addf %parallel_loop3A_154, %parallel_loop3A_161 : vector<16xf32>
      %parallel_loop3A_163 = arith.constant 3584 : i32
      %parallel_loop3A_164 = arith.addi %parallel_loop3A_163, %parallel_loop3A_109 : i32
      %parallel_loop3A_165 = arith.constant 4 : i32
      %parallel_loop3A_166 = arith.index_cast %parallel_loop3A_165 : i32 to index
      %parallel_loop3A_167 = arith.index_cast %parallel_loop3A_164 : i32 to index
      %parallel_loop3A_168 = tpu.vector_load %arg7[%parallel_loop3A_166, %parallel_loop3A_167] {strides = array<i32>} : memref<6x4096xf32, #tpu.memory_space<vmem>>, vector<1x16xf32>,
      %parallel_loop3A_169 = vector.shape_cast %parallel_loop3A_168 : vector<1x16xf32> to vector<16xf32>
      %parallel_loop3A_170 = arith.addf %parallel_loop3A_162, %parallel_loop3A_169 : vector<16xf32>
      %parallel_loop3A_171 = arith.constant 4 : i32
      %parallel_loop3A_172 = arith.constant 0 : i32
      %parallel_loop3A_173 = arith.index_cast %parallel_loop3A_171 : i32 to index
      %parallel_loop3A_174 = arith.index_cast %parallel_loop3A_172 : i32 to index
      %parallel_loop3A_175 = arith.index_cast %parallel_loop3A_109 : i32 to index
      %parallel_loop3A_176 = tpu.vector_load %arg8[%parallel_loop3A_173, %parallel_loop3A_174, %parallel_loop3A_175] {strides = array<i32>} : memref<6x1x512xf32, #tpu.memory_space<vmem>>, vector<1x1x16xf32>,
      %parallel_loop3A_177 = vector.shape_cast %parallel_loop3A_176 : vector<1x1x16xf32> to vector<16xf32>
      %parallel_loop3A_178 = vector.shape_cast %parallel_loop3A_170 : vector<16xf32> to vector<1x1x16xf32>
      tpu.vector_store %arg8[%parallel_loop3A_173, %parallel_loop3A_174, %parallel_loop3A_175], %parallel_loop3A_178 {strides = array<i32>} : memref<6x1x512xf32, #tpu.memory_space<vmem>>, vector<1x1x16xf32>,
    } {sc.loop_unroll_factor = 2 : i64, sc.parallel_access}
    %parallel_loop3A_32 = arith.constant 0 : i32
    %parallel_loop3A_33 = arith.constant 32 : i32
    %parallel_loop3A_34 = arith.constant 1 : i32
    scf.for %parallel_loop3A_107 = %parallel_loop3A_32 to %parallel_loop3A_33 step %parallel_loop3A_34  : i32 {
      %parallel_loop3A_108 = arith.constant 16 : i32
      %parallel_loop3A_109 = arith.muli %parallel_loop3A_107, %parallel_loop3A_108 : i32
      %parallel_loop3A_110 = arith.constant 5 : i32
      %parallel_loop3A_111 = arith.index_cast %parallel_loop3A_110 : i32 to index
      %parallel_loop3A_112 = arith.index_cast %parallel_loop3A_109 : i32 to index
      %parallel_loop3A_113 = tpu.vector_load %arg7[%parallel_loop3A_111, %parallel_loop3A_112] {strides = array<i32>} : memref<6x4096xf32, #tpu.memory_space<vmem>>, vector<1x16xf32>,
      %parallel_loop3A_114 = vector.shape_cast %parallel_loop3A_113 : vector<1x16xf32> to vector<16xf32>
      %parallel_loop3A_115 = arith.constant 512 : i32
      %parallel_loop3A_116 = arith.addi %parallel_loop3A_115, %parallel_loop3A_109 : i32
      %parallel_loop3A_117 = arith.constant 5 : i32
      %parallel_loop3A_118 = arith.index_cast %parallel_loop3A_117 : i32 to index
      %parallel_loop3A_119 = arith.index_cast %parallel_loop3A_116 : i32 to index
      %parallel_loop3A_120 = tpu.vector_load %arg7[%parallel_loop3A_118, %parallel_loop3A_119] {strides = array<i32>} : memref<6x4096xf32, #tpu.memory_space<vmem>>, vector<1x16xf32>,
      %parallel_loop3A_121 = vector.shape_cast %parallel_loop3A_120 : vector<1x16xf32> to vector<16xf32>
      %parallel_loop3A_122 = arith.addf %parallel_loop3A_114, %parallel_loop3A_121 : vector<16xf32>
      %parallel_loop3A_123 = arith.constant 1024 : i32
      %parallel_loop3A_124 = arith.addi %parallel_loop3A_123, %parallel_loop3A_109 : i32
      %parallel_loop3A_125 = arith.constant 5 : i32
      %parallel_loop3A_126 = arith.index_cast %parallel_loop3A_125 : i32 to index
      %parallel_loop3A_127 = arith.index_cast %parallel_loop3A_124 : i32 to index
      %parallel_loop3A_128 = tpu.vector_load %arg7[%parallel_loop3A_126, %parallel_loop3A_127] {strides = array<i32>} : memref<6x4096xf32, #tpu.memory_space<vmem>>, vector<1x16xf32>,
      %parallel_loop3A_129 = vector.shape_cast %parallel_loop3A_128 : vector<1x16xf32> to vector<16xf32>
      %parallel_loop3A_130 = arith.addf %parallel_loop3A_122, %parallel_loop3A_129 : vector<16xf32>
      %parallel_loop3A_131 = arith.constant 1536 : i32
      %parallel_loop3A_132 = arith.addi %parallel_loop3A_131, %parallel_loop3A_109 : i32
      %parallel_loop3A_133 = arith.constant 5 : i32
      %parallel_loop3A_134 = arith.index_cast %parallel_loop3A_133 : i32 to index
      %parallel_loop3A_135 = arith.index_cast %parallel_loop3A_132 : i32 to index
      %parallel_loop3A_136 = tpu.vector_load %arg7[%parallel_loop3A_134, %parallel_loop3A_135] {strides = array<i32>} : memref<6x4096xf32, #tpu.memory_space<vmem>>, vector<1x16xf32>,
      %parallel_loop3A_137 = vector.shape_cast %parallel_loop3A_136 : vector<1x16xf32> to vector<16xf32>
      %parallel_loop3A_138 = arith.addf %parallel_loop3A_130, %parallel_loop3A_137 : vector<16xf32>
      %parallel_loop3A_139 = arith.constant 2048 : i32
      %parallel_loop3A_140 = arith.addi %parallel_loop3A_139, %parallel_loop3A_109 : i32
      %parallel_loop3A_141 = arith.constant 5 : i32
      %parallel_loop3A_142 = arith.index_cast %parallel_loop3A_141 : i32 to index
      %parallel_loop3A_143 = arith.index_cast %parallel_loop3A_140 : i32 to index
      %parallel_loop3A_144 = tpu.vector_load %arg7[%parallel_loop3A_142, %parallel_loop3A_143] {strides = array<i32>} : memref<6x4096xf32, #tpu.memory_space<vmem>>, vector<1x16xf32>,
      %parallel_loop3A_145 = vector.shape_cast %parallel_loop3A_144 : vector<1x16xf32> to vector<16xf32>
      %parallel_loop3A_146 = arith.addf %parallel_loop3A_138, %parallel_loop3A_145 : vector<16xf32>
      %parallel_loop3A_147 = arith.constant 2560 : i32
      %parallel_loop3A_148 = arith.addi %parallel_loop3A_147, %parallel_loop3A_109 : i32
      %parallel_loop3A_149 = arith.constant 5 : i32
      %parallel_loop3A_150 = arith.index_cast %parallel_loop3A_149 : i32 to index
      %parallel_loop3A_151 = arith.index_cast %parallel_loop3A_148 : i32 to index
      %parallel_loop3A_152 = tpu.vector_load %arg7[%parallel_loop3A_150, %parallel_loop3A_151] {strides = array<i32>} : memref<6x4096xf32, #tpu.memory_space<vmem>>, vector<1x16xf32>,
      %parallel_loop3A_153 = vector.shape_cast %parallel_loop3A_152 : vector<1x16xf32> to vector<16xf32>
      %parallel_loop3A_154 = arith.addf %parallel_loop3A_146, %parallel_loop3A_153 : vector<16xf32>
      %parallel_loop3A_155 = arith.constant 3072 : i32
      %parallel_loop3A_156 = arith.addi %parallel_loop3A_155, %parallel_loop3A_109 : i32
      %parallel_loop3A_157 = arith.constant 5 : i32
      %parallel_loop3A_158 = arith.index_cast %parallel_loop3A_157 : i32 to index
      %parallel_loop3A_159 = arith.index_cast %parallel_loop3A_156 : i32 to index
      %parallel_loop3A_160 = tpu.vector_load %arg7[%parallel_loop3A_158, %parallel_loop3A_159] {strides = array<i32>} : memref<6x4096xf32, #tpu.memory_space<vmem>>, vector<1x16xf32>,
      %parallel_loop3A_161 = vector.shape_cast %parallel_loop3A_160 : vector<1x16xf32> to vector<16xf32>
      %parallel_loop3A_162 = arith.addf %parallel_loop3A_154, %parallel_loop3A_161 : vector<16xf32>
      %parallel_loop3A_163 = arith.constant 3584 : i32
      %parallel_loop3A_164 = arith.addi %parallel_loop3A_163, %parallel_loop3A_109 : i32
      %parallel_loop3A_165 = arith.constant 5 : i32
      %parallel_loop3A_166 = arith.index_cast %parallel_loop3A_165 : i32 to index
      %parallel_loop3A_167 = arith.index_cast %parallel_loop3A_164 : i32 to index
      %parallel_loop3A_168 = tpu.vector_load %arg7[%parallel_loop3A_166, %parallel_loop3A_167] {strides = array<i32>} : memref<6x4096xf32, #tpu.memory_space<vmem>>, vector<1x16xf32>,
      %parallel_loop3A_169 = vector.shape_cast %parallel_loop3A_168 : vector<1x16xf32> to vector<16xf32>
      %parallel_loop3A_170 = arith.addf %parallel_loop3A_162, %parallel_loop3A_169 : vector<16xf32>
      %parallel_loop3A_171 = arith.constant 5 : i32
      %parallel_loop3A_172 = arith.constant 0 : i32
      %parallel_loop3A_173 = arith.index_cast %parallel_loop3A_171 : i32 to index
      %parallel_loop3A_174 = arith.index_cast %parallel_loop3A_172 : i32 to index
      %parallel_loop3A_175 = arith.index_cast %parallel_loop3A_109 : i32 to index
      %parallel_loop3A_176 = tpu.vector_load %arg8[%parallel_loop3A_173, %parallel_loop3A_174, %parallel_loop3A_175] {strides = array<i32>} : memref<6x1x512xf32, #tpu.memory_space<vmem>>, vector<1x1x16xf32>,
      %parallel_loop3A_177 = vector.shape_cast %parallel_loop3A_176 : vector<1x1x16xf32> to vector<16xf32>
      %parallel_loop3A_178 = vector.shape_cast %parallel_loop3A_170 : vector<16xf32> to vector<1x1x16xf32>
      tpu.vector_store %arg8[%parallel_loop3A_173, %parallel_loop3A_174, %parallel_loop3A_175], %parallel_loop3A_178 {strides = array<i32>} : memref<6x1x512xf32, #tpu.memory_space<vmem>>, vector<1x1x16xf32>,
    } {sc.loop_unroll_factor = 2 : i64, sc.parallel_access}
    %scan3A = arith.constant 0 : i32
    %scan3A_35 = arith.constant 0 : i32
    %scan3A_36 = arith.constant 8 : i32
    %scan3A_37 = arith.addi %scan3A_35, %scan3A_36 : i32
    %scan3A_38 = arith.constant 1 : i32
    scf.for %scan3A_107 = %scan3A_35 to %scan3A_37 step %scan3A_38  : i32 {
      %mul3A_108 = arith.constant 2 : i32
      %mul3A_109 = arith.muli %scan3A_107, %mul3A_108 : i32
      %add3A_110 = arith.constant 0 : i32
      %add3A_111 = arith.addi %mul3A_109, %add3A_110 : i32
      %mul3A_112 = arith.constant 32 : i32
      %mul3A_113 = arith.muli %add3A_111, %mul3A_112 : i32
      %add3A_114 = arith.addi %mul3A_2, %mul3A_113 : i32
      %dma_wait3A_115 = arith.constant 0 : i32
      %dma_wait3A_116 = arith.constant 0 : i32
      %dma_wait3A_117 = tpu.memref_slice %arg2[%add3A_114, %dma_wait3A_115, %dma_wait3A_116] : memref<16384x1x512xf32, #tpu.memory_space<hbm>> -> memref<32x1x512xf32, #tpu.memory_space<hbm>>
      %dma_wait3A_118 = arith.constant 0 : i32
      %dma_wait3A_119 = arith.constant 0 : i32
      %dma_wait3A_120 = tpu.memref_slice %arg2[%add3A_114, %dma_wait3A_118, %dma_wait3A_119] : memref<16384x1x512xf32, #tpu.memory_space<hbm>> -> memref<32x1x512xf32, #tpu.memory_space<hbm>>
      tpu.wait_dma2 semaphore(%arg13 : memref<!tpu.dma_semaphore, #tpu.memory_space<semaphore_mem>>) src(%dma_wait3A_120 : memref<32x1x512xf32, #tpu.memory_space<hbm>>) dst(%arg9 : memref<32x1x512xf32, #tpu.memory_space<vmem>>)
      %ge3A = arith.constant 1 : i32
      %ge3A_121 = arith.cmpi sge, %scan3A_107, %ge3A : i32
      %convert_element_type3A = arith.extui %ge3A_121 : i1 to i32
      %cond3A = arith.constant 0 : i32
      %cond3A_122 = arith.cmpi ne, %convert_element_type3A, %cond3A : i32
      scf.if %cond3A_122 {
        %add3A_463 = arith.constant 0 : i32
        %add3A_464 = arith.addi %add3A_114, %add3A_463 : i32
        %dma_wait3A_465 = arith.constant 0 : i32
        %dma_wait3A_466 = arith.constant 0 : i32
        %dma_wait3A_467 = arith.constant 0 : i32
        %dma_wait3A_468 = tpu.memref_slice %arg10[%dma_wait3A_465, %dma_wait3A_466, %dma_wait3A_467] : memref<32x1x512xf32, #tpu.memory_space<vmem>> -> memref<16x1x512xf32, #tpu.memory_space<vmem>>
        %dma_wait3A_469 = arith.constant 0 : i32
        %dma_wait3A_470 = arith.constant 0 : i32
        %dma_wait3A_471 = tpu.memref_slice %arg5[%add3A_464, %dma_wait3A_469, %dma_wait3A_470] : memref<16384x1x512xf32, #tpu.memory_space<hbm>> -> memref<16x1x512xf32, #tpu.memory_space<hbm>>
        %dma_wait3A_472 = arith.constant 0 : i32
        %dma_wait3A_473 = arith.constant 0 : i32
        %dma_wait3A_474 = tpu.memref_slice %arg5[%add3A_464, %dma_wait3A_472, %dma_wait3A_473] : memref<16384x1x512xf32, #tpu.memory_space<hbm>> -> memref<16x1x512xf32, #tpu.memory_space<hbm>>
        %dma_wait3A_475 = arith.constant 0 : i32
        %dma_wait3A_476 = arith.constant 0 : i32
        %dma_wait3A_477 = arith.constant 0 : i32
        %dma_wait3A_478 = tpu.memref_slice %arg10[%dma_wait3A_475, %dma_wait3A_476, %dma_wait3A_477] : memref<32x1x512xf32, #tpu.memory_space<vmem>> -> memref<16x1x512xf32, #tpu.memory_space<vmem>>
        tpu.wait_dma2 semaphore(%arg14 : memref<!tpu.dma_semaphore, #tpu.memory_space<semaphore_mem>>) src(%dma_wait3A_478 : memref<16x1x512xf32, #tpu.memory_space<vmem>>) dst(%dma_wait3A_474 : memref<16x1x512xf32, #tpu.memory_space<hbm>>)
        %add3A_479 = arith.constant 16 : i32
        %add3A_480 = arith.addi %add3A_114, %add3A_479 : i32
        %dma_wait3A_481 = arith.constant 16 : i32
        %dma_wait3A_482 = arith.constant 0 : i32
        %dma_wait3A_483 = arith.constant 0 : i32
        %dma_wait3A_484 = tpu.memref_slice %arg10[%dma_wait3A_481, %dma_wait3A_482, %dma_wait3A_483] : memref<32x1x512xf32, #tpu.memory_space<vmem>> -> memref<16x1x512xf32, #tpu.memory_space<vmem>>
        %dma_wait3A_485 = arith.constant 0 : i32
        %dma_wait3A_486 = arith.constant 0 : i32
        %dma_wait3A_487 = tpu.memref_slice %arg5[%add3A_480, %dma_wait3A_485, %dma_wait3A_486] : memref<16384x1x512xf32, #tpu.memory_space<hbm>> -> memref<16x1x512xf32, #tpu.memory_space<hbm>>
        %dma_wait3A_488 = arith.constant 0 : i32
        %dma_wait3A_489 = arith.constant 0 : i32
        %dma_wait3A_490 = tpu.memref_slice %arg5[%add3A_480, %dma_wait3A_488, %dma_wait3A_489] : memref<16384x1x512xf32, #tpu.memory_space<hbm>> -> memref<16x1x512xf32, #tpu.memory_space<hbm>>
        %dma_wait3A_491 = arith.constant 16 : i32
        %dma_wait3A_492 = arith.constant 0 : i32
        %dma_wait3A_493 = arith.constant 0 : i32
        %dma_wait3A_494 = tpu.memref_slice %arg10[%dma_wait3A_491, %dma_wait3A_492, %dma_wait3A_493] : memref<32x1x512xf32, #tpu.memory_space<vmem>> -> memref<16x1x512xf32, #tpu.memory_space<vmem>>
        tpu.wait_dma2 semaphore(%arg14 : memref<!tpu.dma_semaphore, #tpu.memory_space<semaphore_mem>>) src(%dma_wait3A_494 : memref<16x1x512xf32, #tpu.memory_space<vmem>>) dst(%dma_wait3A_490 : memref<16x1x512xf32, #tpu.memory_space<hbm>>)
      } else {
      }
      %mul3A_123 = arith.constant 32 : i32
      %mul3A_124 = arith.muli %add3A_111, %mul3A_123 : i32
      %add3A_125 = arith.constant 0 : i32
      %add3A_126 = arith.addi %mul3A_124, %add3A_125 : i32
      %get3A = arith.index_cast %add3A_126 : i32 to index
      %get3A_127 = tpu.vector_load %arg6[%get3A] {strides = array<i32>} : memref<512xi32, #tpu.memory_space<vmem>>, vector<16xi32>,
      %get3A_128 = vector.shape_cast %get3A_127 : vector<16xi32> to vector<16xi32>
      %slice3A = vector.extract_strided_slice %get3A_128 {offsets = [0], sizes = [1], strides = [1]} : vector<16xi32> to vector<1xi32>
      %squeeze3A = vector.extract %slice3A[0] : i32 from vector<1xi32>
      %slice3A_129 = vector.extract_strided_slice %get3A_128 {offsets = [1], sizes = [1], strides = [1]} : vector<16xi32> to vector<1xi32>
      %squeeze3A_130 = vector.extract %slice3A_129[0] : i32 from vector<1xi32>
      %slice3A_131 = vector.extract_strided_slice %get3A_128 {offsets = [2], sizes = [1], strides = [1]} : vector<16xi32> to vector<1xi32>
      %squeeze3A_132 = vector.extract %slice3A_131[0] : i32 from vector<1xi32>
      %slice3A_133 = vector.extract_strided_slice %get3A_128 {offsets = [3], sizes = [1], strides = [1]} : vector<16xi32> to vector<1xi32>
      %squeeze3A_134 = vector.extract %slice3A_133[0] : i32 from vector<1xi32>
      %slice3A_135 = vector.extract_strided_slice %get3A_128 {offsets = [4], sizes = [1], strides = [1]} : vector<16xi32> to vector<1xi32>
      %squeeze3A_136 = vector.extract %slice3A_135[0] : i32 from vector<1xi32>
      %slice3A_137 = vector.extract_strided_slice %get3A_128 {offsets = [5], sizes = [1], strides = [1]} : vector<16xi32> to vector<1xi32>
      %squeeze3A_138 = vector.extract %slice3A_137[0] : i32 from vector<1xi32>
      %slice3A_139 = vector.extract_strided_slice %get3A_128 {offsets = [6], sizes = [1], strides = [1]} : vector<16xi32> to vector<1xi32>
      %squeeze3A_140 = vector.extract %slice3A_139[0] : i32 from vector<1xi32>
      %slice3A_141 = vector.extract_strided_slice %get3A_128 {offsets = [7], sizes = [1], strides = [1]} : vector<16xi32> to vector<1xi32>
      %squeeze3A_142 = vector.extract %slice3A_141[0] : i32 from vector<1xi32>
      %slice3A_143 = vector.extract_strided_slice %get3A_128 {offsets = [8], sizes = [1], strides = [1]} : vector<16xi32> to vector<1xi32>
      %squeeze3A_144 = vector.extract %slice3A_143[0] : i32 from vector<1xi32>
      %slice3A_145 = vector.extract_strided_slice %get3A_128 {offsets = [9], sizes = [1], strides = [1]} : vector<16xi32> to vector<1xi32>
      %squeeze3A_146 = vector.extract %slice3A_145[0] : i32 from vector<1xi32>
      %slice3A_147 = vector.extract_strided_slice %get3A_128 {offsets = [10], sizes = [1], strides = [1]} : vector<16xi32> to vector<1xi32>
      %squeeze3A_148 = vector.extract %slice3A_147[0] : i32 from vector<1xi32>
      %slice3A_149 = vector.extract_strided_slice %get3A_128 {offsets = [11], sizes = [1], strides = [1]} : vector<16xi32> to vector<1xi32>
      %squeeze3A_150 = vector.extract %slice3A_149[0] : i32 from vector<1xi32>
      %slice3A_151 = vector.extract_strided_slice %get3A_128 {offsets = [12], sizes = [1], strides = [1]} : vector<16xi32> to vector<1xi32>
      %squeeze3A_152 = vector.extract %slice3A_151[0] : i32 from vector<1xi32>
      %slice3A_153 = vector.extract_strided_slice %get3A_128 {offsets = [13], sizes = [1], strides = [1]} : vector<16xi32> to vector<1xi32>
      %squeeze3A_154 = vector.extract %slice3A_153[0] : i32 from vector<1xi32>
      %slice3A_155 = vector.extract_strided_slice %get3A_128 {offsets = [14], sizes = [1], strides = [1]} : vector<16xi32> to vector<1xi32>
      %squeeze3A_156 = vector.extract %slice3A_155[0] : i32 from vector<1xi32>
      %slice3A_157 = vector.extract_strided_slice %get3A_128 {offsets = [15], sizes = [1], strides = [1]} : vector<16xi32> to vector<1xi32>
      %squeeze3A_158 = vector.extract %slice3A_157[0] : i32 from vector<1xi32>
      %parallel_loop3A_159 = arith.constant 0 : i32
      %parallel_loop3A_160 = arith.constant 32 : i32
      %parallel_loop3A_161 = arith.constant 1 : i32
      scf.for %parallel_loop3A_463 = %parallel_loop3A_159 to %parallel_loop3A_160 step %parallel_loop3A_161  : i32 {
        %parallel_loop3A_464 = arith.constant 16 : i32
        %parallel_loop3A_465 = arith.muli %parallel_loop3A_463, %parallel_loop3A_464 : i32
        %parallel_loop3A_466 = arith.constant 0 : i32
        %parallel_loop3A_467 = arith.constant 0 : i32
        %parallel_loop3A_468 = arith.index_cast %parallel_loop3A_466 : i32 to index
        %parallel_loop3A_469 = arith.index_cast %parallel_loop3A_467 : i32 to index
        %parallel_loop3A_470 = arith.index_cast %parallel_loop3A_465 : i32 to index
        %parallel_loop3A_471 = tpu.vector_load %arg9[%parallel_loop3A_468, %parallel_loop3A_469, %parallel_loop3A_470] {strides = array<i32>} : memref<32x1x512xf32, #tpu.memory_space<vmem>>, vector<1x1x16xf32>,
        %parallel_loop3A_472 = vector.shape_cast %parallel_loop3A_471 : vector<1x1x16xf32> to vector<16xf32>
        %parallel_loop3A_473 = arith.constant 0 : i32
        %parallel_loop3A_474 = arith.index_cast %squeeze3A : i32 to index
        %parallel_loop3A_475 = arith.index_cast %parallel_loop3A_473 : i32 to index
        %parallel_loop3A_476 = arith.index_cast %parallel_loop3A_465 : i32 to index
        %parallel_loop3A_477 = tpu.vector_load %arg8[%parallel_loop3A_474, %parallel_loop3A_475, %parallel_loop3A_476] {strides = array<i32>} : memref<6x1x512xf32, #tpu.memory_space<vmem>>, vector<1x1x16xf32>,
        %parallel_loop3A_478 = vector.shape_cast %parallel_loop3A_477 : vector<1x1x16xf32> to vector<16xf32>
        %parallel_loop3A_479 = arith.addf %parallel_loop3A_472, %parallel_loop3A_478 : vector<16xf32>
        %parallel_loop3A_480 = arith.constant 0 : i32
        %parallel_loop3A_481 = arith.constant 0 : i32
        %parallel_loop3A_482 = arith.index_cast %parallel_loop3A_480 : i32 to index
        %parallel_loop3A_483 = arith.index_cast %parallel_loop3A_481 : i32 to index
        %parallel_loop3A_484 = arith.index_cast %parallel_loop3A_465 : i32 to index
        %parallel_loop3A_485 = tpu.vector_load %arg10[%parallel_loop3A_482, %parallel_loop3A_483, %parallel_loop3A_484] {strides = array<i32>} : memref<32x1x512xf32, #tpu.memory_space<vmem>>, vector<1x1x16xf32>,
        %parallel_loop3A_486 = vector.shape_cast %parallel_loop3A_485 : vector<1x1x16xf32> to vector<16xf32>
        %parallel_loop3A_487 = vector.shape_cast %parallel_loop3A_479 : vector<16xf32> to vector<1x1x16xf32>
        tpu.vector_store %arg10[%parallel_loop3A_482, %parallel_loop3A_483, %parallel_loop3A_484], %parallel_loop3A_487 {strides = array<i32>} : memref<32x1x512xf32, #tpu.memory_space<vmem>>, vector<1x1x16xf32>,
        %parallel_loop3A_488 = arith.constant 1 : i32
        %parallel_loop3A_489 = arith.constant 0 : i32
        %parallel_loop3A_490 = arith.index_cast %parallel_loop3A_488 : i32 to index
        %parallel_loop3A_491 = arith.index_cast %parallel_loop3A_489 : i32 to index
        %parallel_loop3A_492 = arith.index_cast %parallel_loop3A_465 : i32 to index
        %parallel_loop3A_493 = tpu.vector_load %arg9[%parallel_loop3A_490, %parallel_loop3A_491, %parallel_loop3A_492] {strides = array<i32>} : memref<32x1x512xf32, #tpu.memory_space<vmem>>, vector<1x1x16xf32>,
        %parallel_loop3A_494 = vector.shape_cast %parallel_loop3A_493 : vector<1x1x16xf32> to vector<16xf32>
        %parallel_loop3A_495 = arith.constant 0 : i32
        %parallel_loop3A_496 = arith.index_cast %squeeze3A_130 : i32 to index
        %parallel_loop3A_497 = arith.index_cast %parallel_loop3A_495 : i32 to index
        %parallel_loop3A_498 = arith.index_cast %parallel_loop3A_465 : i32 to index
        %parallel_loop3A_499 = tpu.vector_load %arg8[%parallel_loop3A_496, %parallel_loop3A_497, %parallel_loop3A_498] {strides = array<i32>} : memref<6x1x512xf32, #tpu.memory_space<vmem>>, vector<1x1x16xf32>,
        %parallel_loop3A_500 = vector.shape_cast %parallel_loop3A_499 : vector<1x1x16xf32> to vector<16xf32>
        %parallel_loop3A_501 = arith.addf %parallel_loop3A_494, %parallel_loop3A_500 : vector<16xf32>
        %parallel_loop3A_502 = arith.constant 1 : i32
        %parallel_loop3A_503 = arith.constant 0 : i32
        %parallel_loop3A_504 = arith.index_cast %parallel_loop3A_502 : i32 to index
        %parallel_loop3A_505 = arith.index_cast %parallel_loop3A_503 : i32 to index
        %parallel_loop3A_506 = arith.index_cast %parallel_loop3A_465 : i32 to index
        %parallel_loop3A_507 = tpu.vector_load %arg10[%parallel_loop3A_504, %parallel_loop3A_505, %parallel_loop3A_506] {strides = array<i32>} : memref<32x1x512xf32, #tpu.memory_space<vmem>>, vector<1x1x16xf32>,
        %parallel_loop3A_508 = vector.shape_cast %parallel_loop3A_507 : vector<1x1x16xf32> to vector<16xf32>
        %parallel_loop3A_509 = vector.shape_cast %parallel_loop3A_501 : vector<16xf32> to vector<1x1x16xf32>
        tpu.vector_store %arg10[%parallel_loop3A_504, %parallel_loop3A_505, %parallel_loop3A_506], %parallel_loop3A_509 {strides = array<i32>} : memref<32x1x512xf32, #tpu.memory_space<vmem>>, vector<1x1x16xf32>,
      } {sc.loop_unroll_factor = 2 : i64, sc.parallel_access}
      %parallel_loop3A_162 = arith.constant 0 : i32
      %parallel_loop3A_163 = arith.constant 32 : i32
      %parallel_loop3A_164 = arith.constant 1 : i32
      scf.for %parallel_loop3A_463 = %parallel_loop3A_162 to %parallel_loop3A_163 step %parallel_loop3A_164  : i32 {
        %parallel_loop3A_464 = arith.constant 16 : i32
        %parallel_loop3A_465 = arith.muli %parallel_loop3A_463, %parallel_loop3A_464 : i32
        %parallel_loop3A_466 = arith.constant 2 : i32
        %parallel_loop3A_467 = arith.constant 0 : i32
        %parallel_loop3A_468 = arith.index_cast %parallel_loop3A_466 : i32 to index
        %parallel_loop3A_469 = arith.index_cast %parallel_loop3A_467 : i32 to index
        %parallel_loop3A_470 = arith.index_cast %parallel_loop3A_465 : i32 to index
        %parallel_loop3A_471 = tpu.vector_load %arg9[%parallel_loop3A_468, %parallel_loop3A_469, %parallel_loop3A_470] {strides = array<i32>} : memref<32x1x512xf32, #tpu.memory_space<vmem>>, vector<1x1x16xf32>,
        %parallel_loop3A_472 = vector.shape_cast %parallel_loop3A_471 : vector<1x1x16xf32> to vector<16xf32>
        %parallel_loop3A_473 = arith.constant 0 : i32
        %parallel_loop3A_474 = arith.index_cast %squeeze3A_132 : i32 to index
        %parallel_loop3A_475 = arith.index_cast %parallel_loop3A_473 : i32 to index
        %parallel_loop3A_476 = arith.index_cast %parallel_loop3A_465 : i32 to index
        %parallel_loop3A_477 = tpu.vector_load %arg8[%parallel_loop3A_474, %parallel_loop3A_475, %parallel_loop3A_476] {strides = array<i32>} : memref<6x1x512xf32, #tpu.memory_space<vmem>>, vector<1x1x16xf32>,
        %parallel_loop3A_478 = vector.shape_cast %parallel_loop3A_477 : vector<1x1x16xf32> to vector<16xf32>
        %parallel_loop3A_479 = arith.addf %parallel_loop3A_472, %parallel_loop3A_478 : vector<16xf32>
        %parallel_loop3A_480 = arith.constant 2 : i32
        %parallel_loop3A_481 = arith.constant 0 : i32
        %parallel_loop3A_482 = arith.index_cast %parallel_loop3A_480 : i32 to index
        %parallel_loop3A_483 = arith.index_cast %parallel_loop3A_481 : i32 to index
        %parallel_loop3A_484 = arith.index_cast %parallel_loop3A_465 : i32 to index
        %parallel_loop3A_485 = tpu.vector_load %arg10[%parallel_loop3A_482, %parallel_loop3A_483, %parallel_loop3A_484] {strides = array<i32>} : memref<32x1x512xf32, #tpu.memory_space<vmem>>, vector<1x1x16xf32>,
        %parallel_loop3A_486 = vector.shape_cast %parallel_loop3A_485 : vector<1x1x16xf32> to vector<16xf32>
        %parallel_loop3A_487 = vector.shape_cast %parallel_loop3A_479 : vector<16xf32> to vector<1x1x16xf32>
        tpu.vector_store %arg10[%parallel_loop3A_482, %parallel_loop3A_483, %parallel_loop3A_484], %parallel_loop3A_487 {strides = array<i32>} : memref<32x1x512xf32, #tpu.memory_space<vmem>>, vector<1x1x16xf32>,
        %parallel_loop3A_488 = arith.constant 3 : i32
        %parallel_loop3A_489 = arith.constant 0 : i32
        %parallel_loop3A_490 = arith.index_cast %parallel_loop3A_488 : i32 to index
        %parallel_loop3A_491 = arith.index_cast %parallel_loop3A_489 : i32 to index
        %parallel_loop3A_492 = arith.index_cast %parallel_loop3A_465 : i32 to index
        %parallel_loop3A_493 = tpu.vector_load %arg9[%parallel_loop3A_490, %parallel_loop3A_491, %parallel_loop3A_492] {strides = array<i32>} : memref<32x1x512xf32, #tpu.memory_space<vmem>>, vector<1x1x16xf32>,
        %parallel_loop3A_494 = vector.shape_cast %parallel_loop3A_493 : vector<1x1x16xf32> to vector<16xf32>
        %parallel_loop3A_495 = arith.constant 0 : i32
        %parallel_loop3A_496 = arith.index_cast %squeeze3A_134 : i32 to index
        %parallel_loop3A_497 = arith.index_cast %parallel_loop3A_495 : i32 to index
        %parallel_loop3A_498 = arith.index_cast %parallel_loop3A_465 : i32 to index
        %parallel_loop3A_499 = tpu.vector_load %arg8[%parallel_loop3A_496, %parallel_loop3A_497, %parallel_loop3A_498] {strides = array<i32>} : memref<6x1x512xf32, #tpu.memory_space<vmem>>, vector<1x1x16xf32>,
        %parallel_loop3A_500 = vector.shape_cast %parallel_loop3A_499 : vector<1x1x16xf32> to vector<16xf32>
        %parallel_loop3A_501 = arith.addf %parallel_loop3A_494, %parallel_loop3A_500 : vector<16xf32>
        %parallel_loop3A_502 = arith.constant 3 : i32
        %parallel_loop3A_503 = arith.constant 0 : i32
        %parallel_loop3A_504 = arith.index_cast %parallel_loop3A_502 : i32 to index
        %parallel_loop3A_505 = arith.index_cast %parallel_loop3A_503 : i32 to index
        %parallel_loop3A_506 = arith.index_cast %parallel_loop3A_465 : i32 to index
        %parallel_loop3A_507 = tpu.vector_load %arg10[%parallel_loop3A_504, %parallel_loop3A_505, %parallel_loop3A_506] {strides = array<i32>} : memref<32x1x512xf32, #tpu.memory_space<vmem>>, vector<1x1x16xf32>,
        %parallel_loop3A_508 = vector.shape_cast %parallel_loop3A_507 : vector<1x1x16xf32> to vector<16xf32>
        %parallel_loop3A_509 = vector.shape_cast %parallel_loop3A_501 : vector<16xf32> to vector<1x1x16xf32>
        tpu.vector_store %arg10[%parallel_loop3A_504, %parallel_loop3A_505, %parallel_loop3A_506], %parallel_loop3A_509 {strides = array<i32>} : memref<32x1x512xf32, #tpu.memory_space<vmem>>, vector<1x1x16xf32>,
      } {sc.loop_unroll_factor = 2 : i64, sc.parallel_access}
      %parallel_loop3A_165 = arith.constant 0 : i32
      %parallel_loop3A_166 = arith.constant 32 : i32
      %parallel_loop3A_167 = arith.constant 1 : i32
      scf.for %parallel_loop3A_463 = %parallel_loop3A_165 to %parallel_loop3A_166 step %parallel_loop3A_167  : i32 {
        %parallel_loop3A_464 = arith.constant 16 : i32
        %parallel_loop3A_465 = arith.muli %parallel_loop3A_463, %parallel_loop3A_464 : i32
        %parallel_loop3A_466 = arith.constant 4 : i32
        %parallel_loop3A_467 = arith.constant 0 : i32
        %parallel_loop3A_468 = arith.index_cast %parallel_loop3A_466 : i32 to index
        %parallel_loop3A_469 = arith.index_cast %parallel_loop3A_467 : i32 to index
        %parallel_loop3A_470 = arith.index_cast %parallel_loop3A_465 : i32 to index
        %parallel_loop3A_471 = tpu.vector_load %arg9[%parallel_loop3A_468, %parallel_loop3A_469, %parallel_loop3A_470] {strides = array<i32>} : memref<32x1x512xf32, #tpu.memory_space<vmem>>, vector<1x1x16xf32>,
        %parallel_loop3A_472 = vector.shape_cast %parallel_loop3A_471 : vector<1x1x16xf32> to vector<16xf32>
        %parallel_loop3A_473 = arith.constant 0 : i32
        %parallel_loop3A_474 = arith.index_cast %squeeze3A_136 : i32 to index
        %parallel_loop3A_475 = arith.index_cast %parallel_loop3A_473 : i32 to index
        %parallel_loop3A_476 = arith.index_cast %parallel_loop3A_465 : i32 to index
        %parallel_loop3A_477 = tpu.vector_load %arg8[%parallel_loop3A_474, %parallel_loop3A_475, %parallel_loop3A_476] {strides = array<i32>} : memref<6x1x512xf32, #tpu.memory_space<vmem>>, vector<1x1x16xf32>,
        %parallel_loop3A_478 = vector.shape_cast %parallel_loop3A_477 : vector<1x1x16xf32> to vector<16xf32>
        %parallel_loop3A_479 = arith.addf %parallel_loop3A_472, %parallel_loop3A_478 : vector<16xf32>
        %parallel_loop3A_480 = arith.constant 4 : i32
        %parallel_loop3A_481 = arith.constant 0 : i32
        %parallel_loop3A_482 = arith.index_cast %parallel_loop3A_480 : i32 to index
        %parallel_loop3A_483 = arith.index_cast %parallel_loop3A_481 : i32 to index
        %parallel_loop3A_484 = arith.index_cast %parallel_loop3A_465 : i32 to index
        %parallel_loop3A_485 = tpu.vector_load %arg10[%parallel_loop3A_482, %parallel_loop3A_483, %parallel_loop3A_484] {strides = array<i32>} : memref<32x1x512xf32, #tpu.memory_space<vmem>>, vector<1x1x16xf32>,
        %parallel_loop3A_486 = vector.shape_cast %parallel_loop3A_485 : vector<1x1x16xf32> to vector<16xf32>
        %parallel_loop3A_487 = vector.shape_cast %parallel_loop3A_479 : vector<16xf32> to vector<1x1x16xf32>
        tpu.vector_store %arg10[%parallel_loop3A_482, %parallel_loop3A_483, %parallel_loop3A_484], %parallel_loop3A_487 {strides = array<i32>} : memref<32x1x512xf32, #tpu.memory_space<vmem>>, vector<1x1x16xf32>,
        %parallel_loop3A_488 = arith.constant 5 : i32
        %parallel_loop3A_489 = arith.constant 0 : i32
        %parallel_loop3A_490 = arith.index_cast %parallel_loop3A_488 : i32 to index
        %parallel_loop3A_491 = arith.index_cast %parallel_loop3A_489 : i32 to index
        %parallel_loop3A_492 = arith.index_cast %parallel_loop3A_465 : i32 to index
        %parallel_loop3A_493 = tpu.vector_load %arg9[%parallel_loop3A_490, %parallel_loop3A_491, %parallel_loop3A_492] {strides = array<i32>} : memref<32x1x512xf32, #tpu.memory_space<vmem>>, vector<1x1x16xf32>,
        %parallel_loop3A_494 = vector.shape_cast %parallel_loop3A_493 : vector<1x1x16xf32> to vector<16xf32>
        %parallel_loop3A_495 = arith.constant 0 : i32
        %parallel_loop3A_496 = arith.index_cast %squeeze3A_138 : i32 to index
        %parallel_loop3A_497 = arith.index_cast %parallel_loop3A_495 : i32 to index
        %parallel_loop3A_498 = arith.index_cast %parallel_loop3A_465 : i32 to index
        %parallel_loop3A_499 = tpu.vector_load %arg8[%parallel_loop3A_496, %parallel_loop3A_497, %parallel_loop3A_498] {strides = array<i32>} : memref<6x1x512xf32, #tpu.memory_space<vmem>>, vector<1x1x16xf32>,
        %parallel_loop3A_500 = vector.shape_cast %parallel_loop3A_499 : vector<1x1x16xf32> to vector<16xf32>
        %parallel_loop3A_501 = arith.addf %parallel_loop3A_494, %parallel_loop3A_500 : vector<16xf32>
        %parallel_loop3A_502 = arith.constant 5 : i32
        %parallel_loop3A_503 = arith.constant 0 : i32
        %parallel_loop3A_504 = arith.index_cast %parallel_loop3A_502 : i32 to index
        %parallel_loop3A_505 = arith.index_cast %parallel_loop3A_503 : i32 to index
        %parallel_loop3A_506 = arith.index_cast %parallel_loop3A_465 : i32 to index
        %parallel_loop3A_507 = tpu.vector_load %arg10[%parallel_loop3A_504, %parallel_loop3A_505, %parallel_loop3A_506] {strides = array<i32>} : memref<32x1x512xf32, #tpu.memory_space<vmem>>, vector<1x1x16xf32>,
        %parallel_loop3A_508 = vector.shape_cast %parallel_loop3A_507 : vector<1x1x16xf32> to vector<16xf32>
        %parallel_loop3A_509 = vector.shape_cast %parallel_loop3A_501 : vector<16xf32> to vector<1x1x16xf32>
        tpu.vector_store %arg10[%parallel_loop3A_504, %parallel_loop3A_505, %parallel_loop3A_506], %parallel_loop3A_509 {strides = array<i32>} : memref<32x1x512xf32, #tpu.memory_space<vmem>>, vector<1x1x16xf32>,
      } {sc.loop_unroll_factor = 2 : i64, sc.parallel_access}
      %parallel_loop3A_168 = arith.constant 0 : i32
      %parallel_loop3A_169 = arith.constant 32 : i32
      %parallel_loop3A_170 = arith.constant 1 : i32
      scf.for %parallel_loop3A_463 = %parallel_loop3A_168 to %parallel_loop3A_169 step %parallel_loop3A_170  : i32 {
        %parallel_loop3A_464 = arith.constant 16 : i32
        %parallel_loop3A_465 = arith.muli %parallel_loop3A_463, %parallel_loop3A_464 : i32
        %parallel_loop3A_466 = arith.constant 6 : i32
        %parallel_loop3A_467 = arith.constant 0 : i32
        %parallel_loop3A_468 = arith.index_cast %parallel_loop3A_466 : i32 to index
        %parallel_loop3A_469 = arith.index_cast %parallel_loop3A_467 : i32 to index
        %parallel_loop3A_470 = arith.index_cast %parallel_loop3A_465 : i32 to index
        %parallel_loop3A_471 = tpu.vector_load %arg9[%parallel_loop3A_468, %parallel_loop3A_469, %parallel_loop3A_470] {strides = array<i32>} : memref<32x1x512xf32, #tpu.memory_space<vmem>>, vector<1x1x16xf32>,
        %parallel_loop3A_472 = vector.shape_cast %parallel_loop3A_471 : vector<1x1x16xf32> to vector<16xf32>
        %parallel_loop3A_473 = arith.constant 0 : i32
        %parallel_loop3A_474 = arith.index_cast %squeeze3A_140 : i32 to index
        %parallel_loop3A_475 = arith.index_cast %parallel_loop3A_473 : i32 to index
        %parallel_loop3A_476 = arith.index_cast %parallel_loop3A_465 : i32 to index
        %parallel_loop3A_477 = tpu.vector_load %arg8[%parallel_loop3A_474, %parallel_loop3A_475, %parallel_loop3A_476] {strides = array<i32>} : memref<6x1x512xf32, #tpu.memory_space<vmem>>, vector<1x1x16xf32>,
        %parallel_loop3A_478 = vector.shape_cast %parallel_loop3A_477 : vector<1x1x16xf32> to vector<16xf32>
        %parallel_loop3A_479 = arith.addf %parallel_loop3A_472, %parallel_loop3A_478 : vector<16xf32>
        %parallel_loop3A_480 = arith.constant 6 : i32
        %parallel_loop3A_481 = arith.constant 0 : i32
        %parallel_loop3A_482 = arith.index_cast %parallel_loop3A_480 : i32 to index
        %parallel_loop3A_483 = arith.index_cast %parallel_loop3A_481 : i32 to index
        %parallel_loop3A_484 = arith.index_cast %parallel_loop3A_465 : i32 to index
        %parallel_loop3A_485 = tpu.vector_load %arg10[%parallel_loop3A_482, %parallel_loop3A_483, %parallel_loop3A_484] {strides = array<i32>} : memref<32x1x512xf32, #tpu.memory_space<vmem>>, vector<1x1x16xf32>,
        %parallel_loop3A_486 = vector.shape_cast %parallel_loop3A_485 : vector<1x1x16xf32> to vector<16xf32>
        %parallel_loop3A_487 = vector.shape_cast %parallel_loop3A_479 : vector<16xf32> to vector<1x1x16xf32>
        tpu.vector_store %arg10[%parallel_loop3A_482, %parallel_loop3A_483, %parallel_loop3A_484], %parallel_loop3A_487 {strides = array<i32>} : memref<32x1x512xf32, #tpu.memory_space<vmem>>, vector<1x1x16xf32>,
        %parallel_loop3A_488 = arith.constant 7 : i32
        %parallel_loop3A_489 = arith.constant 0 : i32
        %parallel_loop3A_490 = arith.index_cast %parallel_loop3A_488 : i32 to index
        %parallel_loop3A_491 = arith.index_cast %parallel_loop3A_489 : i32 to index
        %parallel_loop3A_492 = arith.index_cast %parallel_loop3A_465 : i32 to index
        %parallel_loop3A_493 = tpu.vector_load %arg9[%parallel_loop3A_490, %parallel_loop3A_491, %parallel_loop3A_492] {strides = array<i32>} : memref<32x1x512xf32, #tpu.memory_space<vmem>>, vector<1x1x16xf32>,
        %parallel_loop3A_494 = vector.shape_cast %parallel_loop3A_493 : vector<1x1x16xf32> to vector<16xf32>
        %parallel_loop3A_495 = arith.constant 0 : i32
        %parallel_loop3A_496 = arith.index_cast %squeeze3A_142 : i32 to index
        %parallel_loop3A_497 = arith.index_cast %parallel_loop3A_495 : i32 to index
        %parallel_loop3A_498 = arith.index_cast %parallel_loop3A_465 : i32 to index
        %parallel_loop3A_499 = tpu.vector_load %arg8[%parallel_loop3A_496, %parallel_loop3A_497, %parallel_loop3A_498] {strides = array<i32>} : memref<6x1x512xf32, #tpu.memory_space<vmem>>, vector<1x1x16xf32>,
        %parallel_loop3A_500 = vector.shape_cast %parallel_loop3A_499 : vector<1x1x16xf32> to vector<16xf32>
        %parallel_loop3A_501 = arith.addf %parallel_loop3A_494, %parallel_loop3A_500 : vector<16xf32>
        %parallel_loop3A_502 = arith.constant 7 : i32
        %parallel_loop3A_503 = arith.constant 0 : i32
        %parallel_loop3A_504 = arith.index_cast %parallel_loop3A_502 : i32 to index
        %parallel_loop3A_505 = arith.index_cast %parallel_loop3A_503 : i32 to index
        %parallel_loop3A_506 = arith.index_cast %parallel_loop3A_465 : i32 to index
        %parallel_loop3A_507 = tpu.vector_load %arg10[%parallel_loop3A_504, %parallel_loop3A_505, %parallel_loop3A_506] {strides = array<i32>} : memref<32x1x512xf32, #tpu.memory_space<vmem>>, vector<1x1x16xf32>,
        %parallel_loop3A_508 = vector.shape_cast %parallel_loop3A_507 : vector<1x1x16xf32> to vector<16xf32>
        %parallel_loop3A_509 = vector.shape_cast %parallel_loop3A_501 : vector<16xf32> to vector<1x1x16xf32>
        tpu.vector_store %arg10[%parallel_loop3A_504, %parallel_loop3A_505, %parallel_loop3A_506], %parallel_loop3A_509 {strides = array<i32>} : memref<32x1x512xf32, #tpu.memory_space<vmem>>, vector<1x1x16xf32>,
      } {sc.loop_unroll_factor = 2 : i64, sc.parallel_access}
      %parallel_loop3A_171 = arith.constant 0 : i32
      %parallel_loop3A_172 = arith.constant 32 : i32
      %parallel_loop3A_173 = arith.constant 1 : i32
      scf.for %parallel_loop3A_463 = %parallel_loop3A_171 to %parallel_loop3A_172 step %parallel_loop3A_173  : i32 {
        %parallel_loop3A_464 = arith.constant 16 : i32
        %parallel_loop3A_465 = arith.muli %parallel_loop3A_463, %parallel_loop3A_464 : i32
        %parallel_loop3A_466 = arith.constant 8 : i32
        %parallel_loop3A_467 = arith.constant 0 : i32
        %parallel_loop3A_468 = arith.index_cast %parallel_loop3A_466 : i32 to index
        %parallel_loop3A_469 = arith.index_cast %parallel_loop3A_467 : i32 to index
        %parallel_loop3A_470 = arith.index_cast %parallel_loop3A_465 : i32 to index
        %parallel_loop3A_471 = tpu.vector_load %arg9[%parallel_loop3A_468, %parallel_loop3A_469, %parallel_loop3A_470] {strides = array<i32>} : memref<32x1x512xf32, #tpu.memory_space<vmem>>, vector<1x1x16xf32>,
        %parallel_loop3A_472 = vector.shape_cast %parallel_loop3A_471 : vector<1x1x16xf32> to vector<16xf32>
        %parallel_loop3A_473 = arith.constant 0 : i32
        %parallel_loop3A_474 = arith.index_cast %squeeze3A_144 : i32 to index
        %parallel_loop3A_475 = arith.index_cast %parallel_loop3A_473 : i32 to index
        %parallel_loop3A_476 = arith.index_cast %parallel_loop3A_465 : i32 to index
        %parallel_loop3A_477 = tpu.vector_load %arg8[%parallel_loop3A_474, %parallel_loop3A_475, %parallel_loop3A_476] {strides = array<i32>} : memref<6x1x512xf32, #tpu.memory_space<vmem>>, vector<1x1x16xf32>,
        %parallel_loop3A_478 = vector.shape_cast %parallel_loop3A_477 : vector<1x1x16xf32> to vector<16xf32>
        %parallel_loop3A_479 = arith.addf %parallel_loop3A_472, %parallel_loop3A_478 : vector<16xf32>
        %parallel_loop3A_480 = arith.constant 8 : i32
        %parallel_loop3A_481 = arith.constant 0 : i32
        %parallel_loop3A_482 = arith.index_cast %parallel_loop3A_480 : i32 to index
        %parallel_loop3A_483 = arith.index_cast %parallel_loop3A_481 : i32 to index
        %parallel_loop3A_484 = arith.index_cast %parallel_loop3A_465 : i32 to index
        %parallel_loop3A_485 = tpu.vector_load %arg10[%parallel_loop3A_482, %parallel_loop3A_483, %parallel_loop3A_484] {strides = array<i32>} : memref<32x1x512xf32, #tpu.memory_space<vmem>>, vector<1x1x16xf32>,
        %parallel_loop3A_486 = vector.shape_cast %parallel_loop3A_485 : vector<1x1x16xf32> to vector<16xf32>
        %parallel_loop3A_487 = vector.shape_cast %parallel_loop3A_479 : vector<16xf32> to vector<1x1x16xf32>
        tpu.vector_store %arg10[%parallel_loop3A_482, %parallel_loop3A_483, %parallel_loop3A_484], %parallel_loop3A_487 {strides = array<i32>} : memref<32x1x512xf32, #tpu.memory_space<vmem>>, vector<1x1x16xf32>,
        %parallel_loop3A_488 = arith.constant 9 : i32
        %parallel_loop3A_489 = arith.constant 0 : i32
        %parallel_loop3A_490 = arith.index_cast %parallel_loop3A_488 : i32 to index
        %parallel_loop3A_491 = arith.index_cast %parallel_loop3A_489 : i32 to index
        %parallel_loop3A_492 = arith.index_cast %parallel_loop3A_465 : i32 to index
        %parallel_loop3A_493 = tpu.vector_load %arg9[%parallel_loop3A_490, %parallel_loop3A_491, %parallel_loop3A_492] {strides = array<i32>} : memref<32x1x512xf32, #tpu.memory_space<vmem>>, vector<1x1x16xf32>,
        %parallel_loop3A_494 = vector.shape_cast %parallel_loop3A_493 : vector<1x1x16xf32> to vector<16xf32>
        %parallel_loop3A_495 = arith.constant 0 : i32
        %parallel_loop3A_496 = arith.index_cast %squeeze3A_146 : i32 to index
        %parallel_loop3A_497 = arith.index_cast %parallel_loop3A_495 : i32 to index
        %parallel_loop3A_498 = arith.index_cast %parallel_loop3A_465 : i32 to index
        %parallel_loop3A_499 = tpu.vector_load %arg8[%parallel_loop3A_496, %parallel_loop3A_497, %parallel_loop3A_498] {strides = array<i32>} : memref<6x1x512xf32, #tpu.memory_space<vmem>>, vector<1x1x16xf32>,
        %parallel_loop3A_500 = vector.shape_cast %parallel_loop3A_499 : vector<1x1x16xf32> to vector<16xf32>
        %parallel_loop3A_501 = arith.addf %parallel_loop3A_494, %parallel_loop3A_500 : vector<16xf32>
        %parallel_loop3A_502 = arith.constant 9 : i32
        %parallel_loop3A_503 = arith.constant 0 : i32
        %parallel_loop3A_504 = arith.index_cast %parallel_loop3A_502 : i32 to index
        %parallel_loop3A_505 = arith.index_cast %parallel_loop3A_503 : i32 to index
        %parallel_loop3A_506 = arith.index_cast %parallel_loop3A_465 : i32 to index
        %parallel_loop3A_507 = tpu.vector_load %arg10[%parallel_loop3A_504, %parallel_loop3A_505, %parallel_loop3A_506] {strides = array<i32>} : memref<32x1x512xf32, #tpu.memory_space<vmem>>, vector<1x1x16xf32>,
        %parallel_loop3A_508 = vector.shape_cast %parallel_loop3A_507 : vector<1x1x16xf32> to vector<16xf32>
        %parallel_loop3A_509 = vector.shape_cast %parallel_loop3A_501 : vector<16xf32> to vector<1x1x16xf32>
        tpu.vector_store %arg10[%parallel_loop3A_504, %parallel_loop3A_505, %parallel_loop3A_506], %parallel_loop3A_509 {strides = array<i32>} : memref<32x1x512xf32, #tpu.memory_space<vmem>>, vector<1x1x16xf32>,
      } {sc.loop_unroll_factor = 2 : i64, sc.parallel_access}
      %parallel_loop3A_174 = arith.constant 0 : i32
      %parallel_loop3A_175 = arith.constant 32 : i32
      %parallel_loop3A_176 = arith.constant 1 : i32
      scf.for %parallel_loop3A_463 = %parallel_loop3A_174 to %parallel_loop3A_175 step %parallel_loop3A_176  : i32 {
        %parallel_loop3A_464 = arith.constant 16 : i32
        %parallel_loop3A_465 = arith.muli %parallel_loop3A_463, %parallel_loop3A_464 : i32
        %parallel_loop3A_466 = arith.constant 10 : i32
        %parallel_loop3A_467 = arith.constant 0 : i32
        %parallel_loop3A_468 = arith.index_cast %parallel_loop3A_466 : i32 to index
        %parallel_loop3A_469 = arith.index_cast %parallel_loop3A_467 : i32 to index
        %parallel_loop3A_470 = arith.index_cast %parallel_loop3A_465 : i32 to index
        %parallel_loop3A_471 = tpu.vector_load %arg9[%parallel_loop3A_468, %parallel_loop3A_469, %parallel_loop3A_470] {strides = array<i32>} : memref<32x1x512xf32, #tpu.memory_space<vmem>>, vector<1x1x16xf32>,
        %parallel_loop3A_472 = vector.shape_cast %parallel_loop3A_471 : vector<1x1x16xf32> to vector<16xf32>
        %parallel_loop3A_473 = arith.constant 0 : i32
        %parallel_loop3A_474 = arith.index_cast %squeeze3A_148 : i32 to index
        %parallel_loop3A_475 = arith.index_cast %parallel_loop3A_473 : i32 to index
        %parallel_loop3A_476 = arith.index_cast %parallel_loop3A_465 : i32 to index
        %parallel_loop3A_477 = tpu.vector_load %arg8[%parallel_loop3A_474, %parallel_loop3A_475, %parallel_loop3A_476] {strides = array<i32>} : memref<6x1x512xf32, #tpu.memory_space<vmem>>, vector<1x1x16xf32>,
        %parallel_loop3A_478 = vector.shape_cast %parallel_loop3A_477 : vector<1x1x16xf32> to vector<16xf32>
        %parallel_loop3A_479 = arith.addf %parallel_loop3A_472, %parallel_loop3A_478 : vector<16xf32>
        %parallel_loop3A_480 = arith.constant 10 : i32
        %parallel_loop3A_481 = arith.constant 0 : i32
        %parallel_loop3A_482 = arith.index_cast %parallel_loop3A_480 : i32 to index
        %parallel_loop3A_483 = arith.index_cast %parallel_loop3A_481 : i32 to index
        %parallel_loop3A_484 = arith.index_cast %parallel_loop3A_465 : i32 to index
        %parallel_loop3A_485 = tpu.vector_load %arg10[%parallel_loop3A_482, %parallel_loop3A_483, %parallel_loop3A_484] {strides = array<i32>} : memref<32x1x512xf32, #tpu.memory_space<vmem>>, vector<1x1x16xf32>,
        %parallel_loop3A_486 = vector.shape_cast %parallel_loop3A_485 : vector<1x1x16xf32> to vector<16xf32>
        %parallel_loop3A_487 = vector.shape_cast %parallel_loop3A_479 : vector<16xf32> to vector<1x1x16xf32>
        tpu.vector_store %arg10[%parallel_loop3A_482, %parallel_loop3A_483, %parallel_loop3A_484], %parallel_loop3A_487 {strides = array<i32>} : memref<32x1x512xf32, #tpu.memory_space<vmem>>, vector<1x1x16xf32>,
        %parallel_loop3A_488 = arith.constant 11 : i32
        %parallel_loop3A_489 = arith.constant 0 : i32
        %parallel_loop3A_490 = arith.index_cast %parallel_loop3A_488 : i32 to index
        %parallel_loop3A_491 = arith.index_cast %parallel_loop3A_489 : i32 to index
        %parallel_loop3A_492 = arith.index_cast %parallel_loop3A_465 : i32 to index
        %parallel_loop3A_493 = tpu.vector_load %arg9[%parallel_loop3A_490, %parallel_loop3A_491, %parallel_loop3A_492] {strides = array<i32>} : memref<32x1x512xf32, #tpu.memory_space<vmem>>, vector<1x1x16xf32>,
        %parallel_loop3A_494 = vector.shape_cast %parallel_loop3A_493 : vector<1x1x16xf32> to vector<16xf32>
        %parallel_loop3A_495 = arith.constant 0 : i32
        %parallel_loop3A_496 = arith.index_cast %squeeze3A_150 : i32 to index
        %parallel_loop3A_497 = arith.index_cast %parallel_loop3A_495 : i32 to index
        %parallel_loop3A_498 = arith.index_cast %parallel_loop3A_465 : i32 to index
        %parallel_loop3A_499 = tpu.vector_load %arg8[%parallel_loop3A_496, %parallel_loop3A_497, %parallel_loop3A_498] {strides = array<i32>} : memref<6x1x512xf32, #tpu.memory_space<vmem>>, vector<1x1x16xf32>,
        %parallel_loop3A_500 = vector.shape_cast %parallel_loop3A_499 : vector<1x1x16xf32> to vector<16xf32>
        %parallel_loop3A_501 = arith.addf %parallel_loop3A_494, %parallel_loop3A_500 : vector<16xf32>
        %parallel_loop3A_502 = arith.constant 11 : i32
        %parallel_loop3A_503 = arith.constant 0 : i32
        %parallel_loop3A_504 = arith.index_cast %parallel_loop3A_502 : i32 to index
        %parallel_loop3A_505 = arith.index_cast %parallel_loop3A_503 : i32 to index
        %parallel_loop3A_506 = arith.index_cast %parallel_loop3A_465 : i32 to index
        %parallel_loop3A_507 = tpu.vector_load %arg10[%parallel_loop3A_504, %parallel_loop3A_505, %parallel_loop3A_506] {strides = array<i32>} : memref<32x1x512xf32, #tpu.memory_space<vmem>>, vector<1x1x16xf32>,
        %parallel_loop3A_508 = vector.shape_cast %parallel_loop3A_507 : vector<1x1x16xf32> to vector<16xf32>
        %parallel_loop3A_509 = vector.shape_cast %parallel_loop3A_501 : vector<16xf32> to vector<1x1x16xf32>
        tpu.vector_store %arg10[%parallel_loop3A_504, %parallel_loop3A_505, %parallel_loop3A_506], %parallel_loop3A_509 {strides = array<i32>} : memref<32x1x512xf32, #tpu.memory_space<vmem>>, vector<1x1x16xf32>,
      } {sc.loop_unroll_factor = 2 : i64, sc.parallel_access}
      %parallel_loop3A_177 = arith.constant 0 : i32
      %parallel_loop3A_178 = arith.constant 32 : i32
      %parallel_loop3A_179 = arith.constant 1 : i32
      scf.for %parallel_loop3A_463 = %parallel_loop3A_177 to %parallel_loop3A_178 step %parallel_loop3A_179  : i32 {
        %parallel_loop3A_464 = arith.constant 16 : i32
        %parallel_loop3A_465 = arith.muli %parallel_loop3A_463, %parallel_loop3A_464 : i32
        %parallel_loop3A_466 = arith.constant 12 : i32
        %parallel_loop3A_467 = arith.constant 0 : i32
        %parallel_loop3A_468 = arith.index_cast %parallel_loop3A_466 : i32 to index
        %parallel_loop3A_469 = arith.index_cast %parallel_loop3A_467 : i32 to index
        %parallel_loop3A_470 = arith.index_cast %parallel_loop3A_465 : i32 to index
        %parallel_loop3A_471 = tpu.vector_load %arg9[%parallel_loop3A_468, %parallel_loop3A_469, %parallel_loop3A_470] {strides = array<i32>} : memref<32x1x512xf32, #tpu.memory_space<vmem>>, vector<1x1x16xf32>,
        %parallel_loop3A_472 = vector.shape_cast %parallel_loop3A_471 : vector<1x1x16xf32> to vector<16xf32>
        %parallel_loop3A_473 = arith.constant 0 : i32
        %parallel_loop3A_474 = arith.index_cast %squeeze3A_152 : i32 to index
        %parallel_loop3A_475 = arith.index_cast %parallel_loop3A_473 : i32 to index
        %parallel_loop3A_476 = arith.index_cast %parallel_loop3A_465 : i32 to index
        %parallel_loop3A_477 = tpu.vector_load %arg8[%parallel_loop3A_474, %parallel_loop3A_475, %parallel_loop3A_476] {strides = array<i32>} : memref<6x1x512xf32, #tpu.memory_space<vmem>>, vector<1x1x16xf32>,
        %parallel_loop3A_478 = vector.shape_cast %parallel_loop3A_477 : vector<1x1x16xf32> to vector<16xf32>
        %parallel_loop3A_479 = arith.addf %parallel_loop3A_472, %parallel_loop3A_478 : vector<16xf32>
        %parallel_loop3A_480 = arith.constant 12 : i32
        %parallel_loop3A_481 = arith.constant 0 : i32
        %parallel_loop3A_482 = arith.index_cast %parallel_loop3A_480 : i32 to index
        %parallel_loop3A_483 = arith.index_cast %parallel_loop3A_481 : i32 to index
        %parallel_loop3A_484 = arith.index_cast %parallel_loop3A_465 : i32 to index
        %parallel_loop3A_485 = tpu.vector_load %arg10[%parallel_loop3A_482, %parallel_loop3A_483, %parallel_loop3A_484] {strides = array<i32>} : memref<32x1x512xf32, #tpu.memory_space<vmem>>, vector<1x1x16xf32>,
        %parallel_loop3A_486 = vector.shape_cast %parallel_loop3A_485 : vector<1x1x16xf32> to vector<16xf32>
        %parallel_loop3A_487 = vector.shape_cast %parallel_loop3A_479 : vector<16xf32> to vector<1x1x16xf32>
        tpu.vector_store %arg10[%parallel_loop3A_482, %parallel_loop3A_483, %parallel_loop3A_484], %parallel_loop3A_487 {strides = array<i32>} : memref<32x1x512xf32, #tpu.memory_space<vmem>>, vector<1x1x16xf32>,
        %parallel_loop3A_488 = arith.constant 13 : i32
        %parallel_loop3A_489 = arith.constant 0 : i32
        %parallel_loop3A_490 = arith.index_cast %parallel_loop3A_488 : i32 to index
        %parallel_loop3A_491 = arith.index_cast %parallel_loop3A_489 : i32 to index
        %parallel_loop3A_492 = arith.index_cast %parallel_loop3A_465 : i32 to index
        %parallel_loop3A_493 = tpu.vector_load %arg9[%parallel_loop3A_490, %parallel_loop3A_491, %parallel_loop3A_492] {strides = array<i32>} : memref<32x1x512xf32, #tpu.memory_space<vmem>>, vector<1x1x16xf32>,
        %parallel_loop3A_494 = vector.shape_cast %parallel_loop3A_493 : vector<1x1x16xf32> to vector<16xf32>
        %parallel_loop3A_495 = arith.constant 0 : i32
        %parallel_loop3A_496 = arith.index_cast %squeeze3A_154 : i32 to index
        %parallel_loop3A_497 = arith.index_cast %parallel_loop3A_495 : i32 to index
        %parallel_loop3A_498 = arith.index_cast %parallel_loop3A_465 : i32 to index
        %parallel_loop3A_499 = tpu.vector_load %arg8[%parallel_loop3A_496, %parallel_loop3A_497, %parallel_loop3A_498] {strides = array<i32>} : memref<6x1x512xf32, #tpu.memory_space<vmem>>, vector<1x1x16xf32>,
        %parallel_loop3A_500 = vector.shape_cast %parallel_loop3A_499 : vector<1x1x16xf32> to vector<16xf32>
        %parallel_loop3A_501 = arith.addf %parallel_loop3A_494, %parallel_loop3A_500 : vector<16xf32>
        %parallel_loop3A_502 = arith.constant 13 : i32
        %parallel_loop3A_503 = arith.constant 0 : i32
        %parallel_loop3A_504 = arith.index_cast %parallel_loop3A_502 : i32 to index
        %parallel_loop3A_505 = arith.index_cast %parallel_loop3A_503 : i32 to index
        %parallel_loop3A_506 = arith.index_cast %parallel_loop3A_465 : i32 to index
        %parallel_loop3A_507 = tpu.vector_load %arg10[%parallel_loop3A_504, %parallel_loop3A_505, %parallel_loop3A_506] {strides = array<i32>} : memref<32x1x512xf32, #tpu.memory_space<vmem>>, vector<1x1x16xf32>,
        %parallel_loop3A_508 = vector.shape_cast %parallel_loop3A_507 : vector<1x1x16xf32> to vector<16xf32>
        %parallel_loop3A_509 = vector.shape_cast %parallel_loop3A_501 : vector<16xf32> to vector<1x1x16xf32>
        tpu.vector_store %arg10[%parallel_loop3A_504, %parallel_loop3A_505, %parallel_loop3A_506], %parallel_loop3A_509 {strides = array<i32>} : memref<32x1x512xf32, #tpu.memory_space<vmem>>, vector<1x1x16xf32>,
      } {sc.loop_unroll_factor = 2 : i64, sc.parallel_access}
      %parallel_loop3A_180 = arith.constant 0 : i32
      %parallel_loop3A_181 = arith.constant 32 : i32
      %parallel_loop3A_182 = arith.constant 1 : i32
      scf.for %parallel_loop3A_463 = %parallel_loop3A_180 to %parallel_loop3A_181 step %parallel_loop3A_182  : i32 {
        %parallel_loop3A_464 = arith.constant 16 : i32
        %parallel_loop3A_465 = arith.muli %parallel_loop3A_463, %parallel_loop3A_464 : i32
        %parallel_loop3A_466 = arith.constant 14 : i32
        %parallel_loop3A_467 = arith.constant 0 : i32
        %parallel_loop3A_468 = arith.index_cast %parallel_loop3A_466 : i32 to index
        %parallel_loop3A_469 = arith.index_cast %parallel_loop3A_467 : i32 to index
        %parallel_loop3A_470 = arith.index_cast %parallel_loop3A_465 : i32 to index
        %parallel_loop3A_471 = tpu.vector_load %arg9[%parallel_loop3A_468, %parallel_loop3A_469, %parallel_loop3A_470] {strides = array<i32>} : memref<32x1x512xf32, #tpu.memory_space<vmem>>, vector<1x1x16xf32>,
        %parallel_loop3A_472 = vector.shape_cast %parallel_loop3A_471 : vector<1x1x16xf32> to vector<16xf32>
        %parallel_loop3A_473 = arith.constant 0 : i32
        %parallel_loop3A_474 = arith.index_cast %squeeze3A_156 : i32 to index
        %parallel_loop3A_475 = arith.index_cast %parallel_loop3A_473 : i32 to index
        %parallel_loop3A_476 = arith.index_cast %parallel_loop3A_465 : i32 to index
        %parallel_loop3A_477 = tpu.vector_load %arg8[%parallel_loop3A_474, %parallel_loop3A_475, %parallel_loop3A_476] {strides = array<i32>} : memref<6x1x512xf32, #tpu.memory_space<vmem>>, vector<1x1x16xf32>,
        %parallel_loop3A_478 = vector.shape_cast %parallel_loop3A_477 : vector<1x1x16xf32> to vector<16xf32>
        %parallel_loop3A_479 = arith.addf %parallel_loop3A_472, %parallel_loop3A_478 : vector<16xf32>
        %parallel_loop3A_480 = arith.constant 14 : i32
        %parallel_loop3A_481 = arith.constant 0 : i32
        %parallel_loop3A_482 = arith.index_cast %parallel_loop3A_480 : i32 to index
        %parallel_loop3A_483 = arith.index_cast %parallel_loop3A_481 : i32 to index
        %parallel_loop3A_484 = arith.index_cast %parallel_loop3A_465 : i32 to index
        %parallel_loop3A_485 = tpu.vector_load %arg10[%parallel_loop3A_482, %parallel_loop3A_483, %parallel_loop3A_484] {strides = array<i32>} : memref<32x1x512xf32, #tpu.memory_space<vmem>>, vector<1x1x16xf32>,
        %parallel_loop3A_486 = vector.shape_cast %parallel_loop3A_485 : vector<1x1x16xf32> to vector<16xf32>
        %parallel_loop3A_487 = vector.shape_cast %parallel_loop3A_479 : vector<16xf32> to vector<1x1x16xf32>
        tpu.vector_store %arg10[%parallel_loop3A_482, %parallel_loop3A_483, %parallel_loop3A_484], %parallel_loop3A_487 {strides = array<i32>} : memref<32x1x512xf32, #tpu.memory_space<vmem>>, vector<1x1x16xf32>,
        %parallel_loop3A_488 = arith.constant 15 : i32
        %parallel_loop3A_489 = arith.constant 0 : i32
        %parallel_loop3A_490 = arith.index_cast %parallel_loop3A_488 : i32 to index
        %parallel_loop3A_491 = arith.index_cast %parallel_loop3A_489 : i32 to index
        %parallel_loop3A_492 = arith.index_cast %parallel_loop3A_465 : i32 to index
        %parallel_loop3A_493 = tpu.vector_load %arg9[%parallel_loop3A_490, %parallel_loop3A_491, %parallel_loop3A_492] {strides = array<i32>} : memref<32x1x512xf32, #tpu.memory_space<vmem>>, vector<1x1x16xf32>,
        %parallel_loop3A_494 = vector.shape_cast %parallel_loop3A_493 : vector<1x1x16xf32> to vector<16xf32>
        %parallel_loop3A_495 = arith.constant 0 : i32
        %parallel_loop3A_496 = arith.index_cast %squeeze3A_158 : i32 to index
        %parallel_loop3A_497 = arith.index_cast %parallel_loop3A_495 : i32 to index
        %parallel_loop3A_498 = arith.index_cast %parallel_loop3A_465 : i32 to index
        %parallel_loop3A_499 = tpu.vector_load %arg8[%parallel_loop3A_496, %parallel_loop3A_497, %parallel_loop3A_498] {strides = array<i32>} : memref<6x1x512xf32, #tpu.memory_space<vmem>>, vector<1x1x16xf32>,
        %parallel_loop3A_500 = vector.shape_cast %parallel_loop3A_499 : vector<1x1x16xf32> to vector<16xf32>
        %parallel_loop3A_501 = arith.addf %parallel_loop3A_494, %parallel_loop3A_500 : vector<16xf32>
        %parallel_loop3A_502 = arith.constant 15 : i32
        %parallel_loop3A_503 = arith.constant 0 : i32
        %parallel_loop3A_504 = arith.index_cast %parallel_loop3A_502 : i32 to index
        %parallel_loop3A_505 = arith.index_cast %parallel_loop3A_503 : i32 to index
        %parallel_loop3A_506 = arith.index_cast %parallel_loop3A_465 : i32 to index
        %parallel_loop3A_507 = tpu.vector_load %arg10[%parallel_loop3A_504, %parallel_loop3A_505, %parallel_loop3A_506] {strides = array<i32>} : memref<32x1x512xf32, #tpu.memory_space<vmem>>, vector<1x1x16xf32>,
        %parallel_loop3A_508 = vector.shape_cast %parallel_loop3A_507 : vector<1x1x16xf32> to vector<16xf32>
        %parallel_loop3A_509 = vector.shape_cast %parallel_loop3A_501 : vector<16xf32> to vector<1x1x16xf32>
        tpu.vector_store %arg10[%parallel_loop3A_504, %parallel_loop3A_505, %parallel_loop3A_506], %parallel_loop3A_509 {strides = array<i32>} : memref<32x1x512xf32, #tpu.memory_space<vmem>>, vector<1x1x16xf32>,
      } {sc.loop_unroll_factor = 2 : i64, sc.parallel_access}
      %add3A_183 = arith.constant 0 : i32
      %add3A_184 = arith.addi %add3A_114, %add3A_183 : i32
      %dma_start3A_185 = arith.constant 0 : i32
      %dma_start3A_186 = arith.constant 0 : i32
      %dma_start3A_187 = arith.constant 0 : i32
      %dma_start3A_188 = tpu.memref_slice %arg10[%dma_start3A_185, %dma_start3A_186, %dma_start3A_187] : memref<32x1x512xf32, #tpu.memory_space<vmem>> -> memref<16x1x512xf32, #tpu.memory_space<vmem>>
      %dma_start3A_189 = arith.constant 0 : i32
      %dma_start3A_190 = arith.constant 0 : i32
      %dma_start3A_191 = tpu.memref_slice %arg5[%add3A_184, %dma_start3A_189, %dma_start3A_190] : memref<16384x1x512xf32, #tpu.memory_space<hbm>> -> memref<16x1x512xf32, #tpu.memory_space<hbm>>
      %dma_start3A_192 = arith.constant 0 : i32
      %dma_start3A_193 = arith.constant 0 : i32
      %dma_start3A_194 = tpu.memref_slice %arg5[%add3A_184, %dma_start3A_192, %dma_start3A_193] : memref<16384x1x512xf32, #tpu.memory_space<hbm>> -> memref<16x1x512xf32, #tpu.memory_space<hbm>>
      %dma_start3A_195 = arith.constant 0 : i32
      %dma_start3A_196 = arith.constant 0 : i32
      %dma_start3A_197 = arith.constant 0 : i32
      %dma_start3A_198 = tpu.memref_slice %arg10[%dma_start3A_195, %dma_start3A_196, %dma_start3A_197] : memref<32x1x512xf32, #tpu.memory_space<vmem>> -> memref<16x1x512xf32, #tpu.memory_space<vmem>>
      tpu.enqueue_dma source(%dma_start3A_198 : memref<16x1x512xf32, #tpu.memory_space<vmem>>) target(%dma_start3A_194 : memref<16x1x512xf32, #tpu.memory_space<hbm>>) target_semaphore(%arg14 : memref<!tpu.dma_semaphore, #tpu.memory_space<semaphore_mem>>)
      %mul3A_199 = arith.constant 32 : i32
      %mul3A_200 = arith.muli %add3A_111, %mul3A_199 : i32
      %add3A_201 = arith.constant 16 : i32
      %add3A_202 = arith.addi %mul3A_200, %add3A_201 : i32
      %get3A_203 = arith.index_cast %add3A_202 : i32 to index
      %get3A_204 = tpu.vector_load %arg6[%get3A_203] {strides = array<i32>} : memref<512xi32, #tpu.memory_space<vmem>>, vector<16xi32>,
      %get3A_205 = vector.shape_cast %get3A_204 : vector<16xi32> to vector<16xi32>
      %slice3A_206 = vector.extract_strided_slice %get3A_205 {offsets = [0], sizes = [1], strides = [1]} : vector<16xi32> to vector<1xi32>
      %squeeze3A_207 = vector.extract %slice3A_206[0] : i32 from vector<1xi32>
      %slice3A_208 = vector.extract_strided_slice %get3A_205 {offsets = [1], sizes = [1], strides = [1]} : vector<16xi32> to vector<1xi32>
      %squeeze3A_209 = vector.extract %slice3A_208[0] : i32 from vector<1xi32>
      %slice3A_210 = vector.extract_strided_slice %get3A_205 {offsets = [2], sizes = [1], strides = [1]} : vector<16xi32> to vector<1xi32>
      %squeeze3A_211 = vector.extract %slice3A_210[0] : i32 from vector<1xi32>
      %slice3A_212 = vector.extract_strided_slice %get3A_205 {offsets = [3], sizes = [1], strides = [1]} : vector<16xi32> to vector<1xi32>
      %squeeze3A_213 = vector.extract %slice3A_212[0] : i32 from vector<1xi32>
      %slice3A_214 = vector.extract_strided_slice %get3A_205 {offsets = [4], sizes = [1], strides = [1]} : vector<16xi32> to vector<1xi32>
      %squeeze3A_215 = vector.extract %slice3A_214[0] : i32 from vector<1xi32>
      %slice3A_216 = vector.extract_strided_slice %get3A_205 {offsets = [5], sizes = [1], strides = [1]} : vector<16xi32> to vector<1xi32>
      %squeeze3A_217 = vector.extract %slice3A_216[0] : i32 from vector<1xi32>
      %slice3A_218 = vector.extract_strided_slice %get3A_205 {offsets = [6], sizes = [1], strides = [1]} : vector<16xi32> to vector<1xi32>
      %squeeze3A_219 = vector.extract %slice3A_218[0] : i32 from vector<1xi32>
      %slice3A_220 = vector.extract_strided_slice %get3A_205 {offsets = [7], sizes = [1], strides = [1]} : vector<16xi32> to vector<1xi32>
      %squeeze3A_221 = vector.extract %slice3A_220[0] : i32 from vector<1xi32>
      %slice3A_222 = vector.extract_strided_slice %get3A_205 {offsets = [8], sizes = [1], strides = [1]} : vector<16xi32> to vector<1xi32>
      %squeeze3A_223 = vector.extract %slice3A_222[0] : i32 from vector<1xi32>
      %slice3A_224 = vector.extract_strided_slice %get3A_205 {offsets = [9], sizes = [1], strides = [1]} : vector<16xi32> to vector<1xi32>
      %squeeze3A_225 = vector.extract %slice3A_224[0] : i32 from vector<1xi32>
      %slice3A_226 = vector.extract_strided_slice %get3A_205 {offsets = [10], sizes = [1], strides = [1]} : vector<16xi32> to vector<1xi32>
      %squeeze3A_227 = vector.extract %slice3A_226[0] : i32 from vector<1xi32>
      %slice3A_228 = vector.extract_strided_slice %get3A_205 {offsets = [11], sizes = [1], strides = [1]} : vector<16xi32> to vector<1xi32>
      %squeeze3A_229 = vector.extract %slice3A_228[0] : i32 from vector<1xi32>
      %slice3A_230 = vector.extract_strided_slice %get3A_205 {offsets = [12], sizes = [1], strides = [1]} : vector<16xi32> to vector<1xi32>
      %squeeze3A_231 = vector.extract %slice3A_230[0] : i32 from vector<1xi32>
      %slice3A_232 = vector.extract_strided_slice %get3A_205 {offsets = [13], sizes = [1], strides = [1]} : vector<16xi32> to vector<1xi32>
      %squeeze3A_233 = vector.extract %slice3A_232[0] : i32 from vector<1xi32>
      %slice3A_234 = vector.extract_strided_slice %get3A_205 {offsets = [14], sizes = [1], strides = [1]} : vector<16xi32> to vector<1xi32>
      %squeeze3A_235 = vector.extract %slice3A_234[0] : i32 from vector<1xi32>
      %slice3A_236 = vector.extract_strided_slice %get3A_205 {offsets = [15], sizes = [1], strides = [1]} : vector<16xi32> to vector<1xi32>
      %squeeze3A_237 = vector.extract %slice3A_236[0] : i32 from vector<1xi32>
      %parallel_loop3A_238 = arith.constant 0 : i32
      %parallel_loop3A_239 = arith.constant 32 : i32
      %parallel_loop3A_240 = arith.constant 1 : i32
      scf.for %parallel_loop3A_463 = %parallel_loop3A_238 to %parallel_loop3A_239 step %parallel_loop3A_240  : i32 {
        %parallel_loop3A_464 = arith.constant 16 : i32
        %parallel_loop3A_465 = arith.muli %parallel_loop3A_463, %parallel_loop3A_464 : i32
        %parallel_loop3A_466 = arith.constant 16 : i32
        %parallel_loop3A_467 = arith.constant 0 : i32
        %parallel_loop3A_468 = arith.index_cast %parallel_loop3A_466 : i32 to index
        %parallel_loop3A_469 = arith.index_cast %parallel_loop3A_467 : i32 to index
        %parallel_loop3A_470 = arith.index_cast %parallel_loop3A_465 : i32 to index
        %parallel_loop3A_471 = tpu.vector_load %arg9[%parallel_loop3A_468, %parallel_loop3A_469, %parallel_loop3A_470] {strides = array<i32>} : memref<32x1x512xf32, #tpu.memory_space<vmem>>, vector<1x1x16xf32>,
        %parallel_loop3A_472 = vector.shape_cast %parallel_loop3A_471 : vector<1x1x16xf32> to vector<16xf32>
        %parallel_loop3A_473 = arith.constant 0 : i32
        %parallel_loop3A_474 = arith.index_cast %squeeze3A_207 : i32 to index
        %parallel_loop3A_475 = arith.index_cast %parallel_loop3A_473 : i32 to index
        %parallel_loop3A_476 = arith.index_cast %parallel_loop3A_465 : i32 to index
        %parallel_loop3A_477 = tpu.vector_load %arg8[%parallel_loop3A_474, %parallel_loop3A_475, %parallel_loop3A_476] {strides = array<i32>} : memref<6x1x512xf32, #tpu.memory_space<vmem>>, vector<1x1x16xf32>,
        %parallel_loop3A_478 = vector.shape_cast %parallel_loop3A_477 : vector<1x1x16xf32> to vector<16xf32>
        %parallel_loop3A_479 = arith.addf %parallel_loop3A_472, %parallel_loop3A_478 : vector<16xf32>
        %parallel_loop3A_480 = arith.constant 16 : i32
        %parallel_loop3A_481 = arith.constant 0 : i32
        %parallel_loop3A_482 = arith.index_cast %parallel_loop3A_480 : i32 to index
        %parallel_loop3A_483 = arith.index_cast %parallel_loop3A_481 : i32 to index
        %parallel_loop3A_484 = arith.index_cast %parallel_loop3A_465 : i32 to index
        %parallel_loop3A_485 = tpu.vector_load %arg10[%parallel_loop3A_482, %parallel_loop3A_483, %parallel_loop3A_484] {strides = array<i32>} : memref<32x1x512xf32, #tpu.memory_space<vmem>>, vector<1x1x16xf32>,
        %parallel_loop3A_486 = vector.shape_cast %parallel_loop3A_485 : vector<1x1x16xf32> to vector<16xf32>
        %parallel_loop3A_487 = vector.shape_cast %parallel_loop3A_479 : vector<16xf32> to vector<1x1x16xf32>
        tpu.vector_store %arg10[%parallel_loop3A_482, %parallel_loop3A_483, %parallel_loop3A_484], %parallel_loop3A_487 {strides = array<i32>} : memref<32x1x512xf32, #tpu.memory_space<vmem>>, vector<1x1x16xf32>,
        %parallel_loop3A_488 = arith.constant 17 : i32
        %parallel_loop3A_489 = arith.constant 0 : i32
        %parallel_loop3A_490 = arith.index_cast %parallel_loop3A_488 : i32 to index
        %parallel_loop3A_491 = arith.index_cast %parallel_loop3A_489 : i32 to index
        %parallel_loop3A_492 = arith.index_cast %parallel_loop3A_465 : i32 to index
        %parallel_loop3A_493 = tpu.vector_load %arg9[%parallel_loop3A_490, %parallel_loop3A_491, %parallel_loop3A_492] {strides = array<i32>} : memref<32x1x512xf32, #tpu.memory_space<vmem>>, vector<1x1x16xf32>,
        %parallel_loop3A_494 = vector.shape_cast %parallel_loop3A_493 : vector<1x1x16xf32> to vector<16xf32>
        %parallel_loop3A_495 = arith.constant 0 : i32
        %parallel_loop3A_496 = arith.index_cast %squeeze3A_209 : i32 to index
        %parallel_loop3A_497 = arith.index_cast %parallel_loop3A_495 : i32 to index
        %parallel_loop3A_498 = arith.index_cast %parallel_loop3A_465 : i32 to index
        %parallel_loop3A_499 = tpu.vector_load %arg8[%parallel_loop3A_496, %parallel_loop3A_497, %parallel_loop3A_498] {strides = array<i32>} : memref<6x1x512xf32, #tpu.memory_space<vmem>>, vector<1x1x16xf32>,
        %parallel_loop3A_500 = vector.shape_cast %parallel_loop3A_499 : vector<1x1x16xf32> to vector<16xf32>
        %parallel_loop3A_501 = arith.addf %parallel_loop3A_494, %parallel_loop3A_500 : vector<16xf32>
        %parallel_loop3A_502 = arith.constant 17 : i32
        %parallel_loop3A_503 = arith.constant 0 : i32
        %parallel_loop3A_504 = arith.index_cast %parallel_loop3A_502 : i32 to index
        %parallel_loop3A_505 = arith.index_cast %parallel_loop3A_503 : i32 to index
        %parallel_loop3A_506 = arith.index_cast %parallel_loop3A_465 : i32 to index
        %parallel_loop3A_507 = tpu.vector_load %arg10[%parallel_loop3A_504, %parallel_loop3A_505, %parallel_loop3A_506] {strides = array<i32>} : memref<32x1x512xf32, #tpu.memory_space<vmem>>, vector<1x1x16xf32>,
        %parallel_loop3A_508 = vector.shape_cast %parallel_loop3A_507 : vector<1x1x16xf32> to vector<16xf32>
        %parallel_loop3A_509 = vector.shape_cast %parallel_loop3A_501 : vector<16xf32> to vector<1x1x16xf32>
        tpu.vector_store %arg10[%parallel_loop3A_504, %parallel_loop3A_505, %parallel_loop3A_506], %parallel_loop3A_509 {strides = array<i32>} : memref<32x1x512xf32, #tpu.memory_space<vmem>>, vector<1x1x16xf32>,
      } {sc.loop_unroll_factor = 2 : i64, sc.parallel_access}
      %parallel_loop3A_241 = arith.constant 0 : i32
      %parallel_loop3A_242 = arith.constant 32 : i32
      %parallel_loop3A_243 = arith.constant 1 : i32
      scf.for %parallel_loop3A_463 = %parallel_loop3A_241 to %parallel_loop3A_242 step %parallel_loop3A_243  : i32 {
        %parallel_loop3A_464 = arith.constant 16 : i32
        %parallel_loop3A_465 = arith.muli %parallel_loop3A_463, %parallel_loop3A_464 : i32
        %parallel_loop3A_466 = arith.constant 18 : i32
        %parallel_loop3A_467 = arith.constant 0 : i32
        %parallel_loop3A_468 = arith.index_cast %parallel_loop3A_466 : i32 to index
        %parallel_loop3A_469 = arith.index_cast %parallel_loop3A_467 : i32 to index
        %parallel_loop3A_470 = arith.index_cast %parallel_loop3A_465 : i32 to index
        %parallel_loop3A_471 = tpu.vector_load %arg9[%parallel_loop3A_468, %parallel_loop3A_469, %parallel_loop3A_470] {strides = array<i32>} : memref<32x1x512xf32, #tpu.memory_space<vmem>>, vector<1x1x16xf32>,
        %parallel_loop3A_472 = vector.shape_cast %parallel_loop3A_471 : vector<1x1x16xf32> to vector<16xf32>
        %parallel_loop3A_473 = arith.constant 0 : i32
        %parallel_loop3A_474 = arith.index_cast %squeeze3A_211 : i32 to index
        %parallel_loop3A_475 = arith.index_cast %parallel_loop3A_473 : i32 to index
        %parallel_loop3A_476 = arith.index_cast %parallel_loop3A_465 : i32 to index
        %parallel_loop3A_477 = tpu.vector_load %arg8[%parallel_loop3A_474, %parallel_loop3A_475, %parallel_loop3A_476] {strides = array<i32>} : memref<6x1x512xf32, #tpu.memory_space<vmem>>, vector<1x1x16xf32>,
        %parallel_loop3A_478 = vector.shape_cast %parallel_loop3A_477 : vector<1x1x16xf32> to vector<16xf32>
        %parallel_loop3A_479 = arith.addf %parallel_loop3A_472, %parallel_loop3A_478 : vector<16xf32>
        %parallel_loop3A_480 = arith.constant 18 : i32
        %parallel_loop3A_481 = arith.constant 0 : i32
        %parallel_loop3A_482 = arith.index_cast %parallel_loop3A_480 : i32 to index
        %parallel_loop3A_483 = arith.index_cast %parallel_loop3A_481 : i32 to index
        %parallel_loop3A_484 = arith.index_cast %parallel_loop3A_465 : i32 to index
        %parallel_loop3A_485 = tpu.vector_load %arg10[%parallel_loop3A_482, %parallel_loop3A_483, %parallel_loop3A_484] {strides = array<i32>} : memref<32x1x512xf32, #tpu.memory_space<vmem>>, vector<1x1x16xf32>,
        %parallel_loop3A_486 = vector.shape_cast %parallel_loop3A_485 : vector<1x1x16xf32> to vector<16xf32>
        %parallel_loop3A_487 = vector.shape_cast %parallel_loop3A_479 : vector<16xf32> to vector<1x1x16xf32>
        tpu.vector_store %arg10[%parallel_loop3A_482, %parallel_loop3A_483, %parallel_loop3A_484], %parallel_loop3A_487 {strides = array<i32>} : memref<32x1x512xf32, #tpu.memory_space<vmem>>, vector<1x1x16xf32>,
        %parallel_loop3A_488 = arith.constant 19 : i32
        %parallel_loop3A_489 = arith.constant 0 : i32
        %parallel_loop3A_490 = arith.index_cast %parallel_loop3A_488 : i32 to index
        %parallel_loop3A_491 = arith.index_cast %parallel_loop3A_489 : i32 to index
        %parallel_loop3A_492 = arith.index_cast %parallel_loop3A_465 : i32 to index
        %parallel_loop3A_493 = tpu.vector_load %arg9[%parallel_loop3A_490, %parallel_loop3A_491, %parallel_loop3A_492] {strides = array<i32>} : memref<32x1x512xf32, #tpu.memory_space<vmem>>, vector<1x1x16xf32>,
        %parallel_loop3A_494 = vector.shape_cast %parallel_loop3A_493 : vector<1x1x16xf32> to vector<16xf32>
        %parallel_loop3A_495 = arith.constant 0 : i32
        %parallel_loop3A_496 = arith.index_cast %squeeze3A_213 : i32 to index
        %parallel_loop3A_497 = arith.index_cast %parallel_loop3A_495 : i32 to index
        %parallel_loop3A_498 = arith.index_cast %parallel_loop3A_465 : i32 to index
        %parallel_loop3A_499 = tpu.vector_load %arg8[%parallel_loop3A_496, %parallel_loop3A_497, %parallel_loop3A_498] {strides = array<i32>} : memref<6x1x512xf32, #tpu.memory_space<vmem>>, vector<1x1x16xf32>,
        %parallel_loop3A_500 = vector.shape_cast %parallel_loop3A_499 : vector<1x1x16xf32> to vector<16xf32>
        %parallel_loop3A_501 = arith.addf %parallel_loop3A_494, %parallel_loop3A_500 : vector<16xf32>
        %parallel_loop3A_502 = arith.constant 19 : i32
        %parallel_loop3A_503 = arith.constant 0 : i32
        %parallel_loop3A_504 = arith.index_cast %parallel_loop3A_502 : i32 to index
        %parallel_loop3A_505 = arith.index_cast %parallel_loop3A_503 : i32 to index
        %parallel_loop3A_506 = arith.index_cast %parallel_loop3A_465 : i32 to index
        %parallel_loop3A_507 = tpu.vector_load %arg10[%parallel_loop3A_504, %parallel_loop3A_505, %parallel_loop3A_506] {strides = array<i32>} : memref<32x1x512xf32, #tpu.memory_space<vmem>>, vector<1x1x16xf32>,
        %parallel_loop3A_508 = vector.shape_cast %parallel_loop3A_507 : vector<1x1x16xf32> to vector<16xf32>
        %parallel_loop3A_509 = vector.shape_cast %parallel_loop3A_501 : vector<16xf32> to vector<1x1x16xf32>
        tpu.vector_store %arg10[%parallel_loop3A_504, %parallel_loop3A_505, %parallel_loop3A_506], %parallel_loop3A_509 {strides = array<i32>} : memref<32x1x512xf32, #tpu.memory_space<vmem>>, vector<1x1x16xf32>,
      } {sc.loop_unroll_factor = 2 : i64, sc.parallel_access}
      %parallel_loop3A_244 = arith.constant 0 : i32
      %parallel_loop3A_245 = arith.constant 32 : i32
      %parallel_loop3A_246 = arith.constant 1 : i32
      scf.for %parallel_loop3A_463 = %parallel_loop3A_244 to %parallel_loop3A_245 step %parallel_loop3A_246  : i32 {
        %parallel_loop3A_464 = arith.constant 16 : i32
        %parallel_loop3A_465 = arith.muli %parallel_loop3A_463, %parallel_loop3A_464 : i32
        %parallel_loop3A_466 = arith.constant 20 : i32
        %parallel_loop3A_467 = arith.constant 0 : i32
        %parallel_loop3A_468 = arith.index_cast %parallel_loop3A_466 : i32 to index
        %parallel_loop3A_469 = arith.index_cast %parallel_loop3A_467 : i32 to index
        %parallel_loop3A_470 = arith.index_cast %parallel_loop3A_465 : i32 to index
        %parallel_loop3A_471 = tpu.vector_load %arg9[%parallel_loop3A_468, %parallel_loop3A_469, %parallel_loop3A_470] {strides = array<i32>} : memref<32x1x512xf32, #tpu.memory_space<vmem>>, vector<1x1x16xf32>,
        %parallel_loop3A_472 = vector.shape_cast %parallel_loop3A_471 : vector<1x1x16xf32> to vector<16xf32>
        %parallel_loop3A_473 = arith.constant 0 : i32
        %parallel_loop3A_474 = arith.index_cast %squeeze3A_215 : i32 to index
        %parallel_loop3A_475 = arith.index_cast %parallel_loop3A_473 : i32 to index
        %parallel_loop3A_476 = arith.index_cast %parallel_loop3A_465 : i32 to index
        %parallel_loop3A_477 = tpu.vector_load %arg8[%parallel_loop3A_474, %parallel_loop3A_475, %parallel_loop3A_476] {strides = array<i32>} : memref<6x1x512xf32, #tpu.memory_space<vmem>>, vector<1x1x16xf32>,
        %parallel_loop3A_478 = vector.shape_cast %parallel_loop3A_477 : vector<1x1x16xf32> to vector<16xf32>
        %parallel_loop3A_479 = arith.addf %parallel_loop3A_472, %parallel_loop3A_478 : vector<16xf32>
        %parallel_loop3A_480 = arith.constant 20 : i32
        %parallel_loop3A_481 = arith.constant 0 : i32
        %parallel_loop3A_482 = arith.index_cast %parallel_loop3A_480 : i32 to index
        %parallel_loop3A_483 = arith.index_cast %parallel_loop3A_481 : i32 to index
        %parallel_loop3A_484 = arith.index_cast %parallel_loop3A_465 : i32 to index
        %parallel_loop3A_485 = tpu.vector_load %arg10[%parallel_loop3A_482, %parallel_loop3A_483, %parallel_loop3A_484] {strides = array<i32>} : memref<32x1x512xf32, #tpu.memory_space<vmem>>, vector<1x1x16xf32>,
        %parallel_loop3A_486 = vector.shape_cast %parallel_loop3A_485 : vector<1x1x16xf32> to vector<16xf32>
        %parallel_loop3A_487 = vector.shape_cast %parallel_loop3A_479 : vector<16xf32> to vector<1x1x16xf32>
        tpu.vector_store %arg10[%parallel_loop3A_482, %parallel_loop3A_483, %parallel_loop3A_484], %parallel_loop3A_487 {strides = array<i32>} : memref<32x1x512xf32, #tpu.memory_space<vmem>>, vector<1x1x16xf32>,
        %parallel_loop3A_488 = arith.constant 21 : i32
        %parallel_loop3A_489 = arith.constant 0 : i32
        %parallel_loop3A_490 = arith.index_cast %parallel_loop3A_488 : i32 to index
        %parallel_loop3A_491 = arith.index_cast %parallel_loop3A_489 : i32 to index
        %parallel_loop3A_492 = arith.index_cast %parallel_loop3A_465 : i32 to index
        %parallel_loop3A_493 = tpu.vector_load %arg9[%parallel_loop3A_490, %parallel_loop3A_491, %parallel_loop3A_492] {strides = array<i32>} : memref<32x1x512xf32, #tpu.memory_space<vmem>>, vector<1x1x16xf32>,
        %parallel_loop3A_494 = vector.shape_cast %parallel_loop3A_493 : vector<1x1x16xf32> to vector<16xf32>
        %parallel_loop3A_495 = arith.constant 0 : i32
        %parallel_loop3A_496 = arith.index_cast %squeeze3A_217 : i32 to index
        %parallel_loop3A_497 = arith.index_cast %parallel_loop3A_495 : i32 to index
        %parallel_loop3A_498 = arith.index_cast %parallel_loop3A_465 : i32 to index
        %parallel_loop3A_499 = tpu.vector_load %arg8[%parallel_loop3A_496, %parallel_loop3A_497, %parallel_loop3A_498] {strides = array<i32>} : memref<6x1x512xf32, #tpu.memory_space<vmem>>, vector<1x1x16xf32>,
        %parallel_loop3A_500 = vector.shape_cast %parallel_loop3A_499 : vector<1x1x16xf32> to vector<16xf32>
        %parallel_loop3A_501 = arith.addf %parallel_loop3A_494, %parallel_loop3A_500 : vector<16xf32>
        %parallel_loop3A_502 = arith.constant 21 : i32
        %parallel_loop3A_503 = arith.constant 0 : i32
        %parallel_loop3A_504 = arith.index_cast %parallel_loop3A_502 : i32 to index
        %parallel_loop3A_505 = arith.index_cast %parallel_loop3A_503 : i32 to index
        %parallel_loop3A_506 = arith.index_cast %parallel_loop3A_465 : i32 to index
        %parallel_loop3A_507 = tpu.vector_load %arg10[%parallel_loop3A_504, %parallel_loop3A_505, %parallel_loop3A_506] {strides = array<i32>} : memref<32x1x512xf32, #tpu.memory_space<vmem>>, vector<1x1x16xf32>,
        %parallel_loop3A_508 = vector.shape_cast %parallel_loop3A_507 : vector<1x1x16xf32> to vector<16xf32>
        %parallel_loop3A_509 = vector.shape_cast %parallel_loop3A_501 : vector<16xf32> to vector<1x1x16xf32>
        tpu.vector_store %arg10[%parallel_loop3A_504, %parallel_loop3A_505, %parallel_loop3A_506], %parallel_loop3A_509 {strides = array<i32>} : memref<32x1x512xf32, #tpu.memory_space<vmem>>, vector<1x1x16xf32>,
      } {sc.loop_unroll_factor = 2 : i64, sc.parallel_access}
      %parallel_loop3A_247 = arith.constant 0 : i32
      %parallel_loop3A_248 = arith.constant 32 : i32
      %parallel_loop3A_249 = arith.constant 1 : i32
      scf.for %parallel_loop3A_463 = %parallel_loop3A_247 to %parallel_loop3A_248 step %parallel_loop3A_249  : i32 {
        %parallel_loop3A_464 = arith.constant 16 : i32
        %parallel_loop3A_465 = arith.muli %parallel_loop3A_463, %parallel_loop3A_464 : i32
        %parallel_loop3A_466 = arith.constant 22 : i32
        %parallel_loop3A_467 = arith.constant 0 : i32
        %parallel_loop3A_468 = arith.index_cast %parallel_loop3A_466 : i32 to index
        %parallel_loop3A_469 = arith.index_cast %parallel_loop3A_467 : i32 to index
        %parallel_loop3A_470 = arith.index_cast %parallel_loop3A_465 : i32 to index
        %parallel_loop3A_471 = tpu.vector_load %arg9[%parallel_loop3A_468, %parallel_loop3A_469, %parallel_loop3A_470] {strides = array<i32>} : memref<32x1x512xf32, #tpu.memory_space<vmem>>, vector<1x1x16xf32>,
        %parallel_loop3A_472 = vector.shape_cast %parallel_loop3A_471 : vector<1x1x16xf32> to vector<16xf32>
        %parallel_loop3A_473 = arith.constant 0 : i32
        %parallel_loop3A_474 = arith.index_cast %squeeze3A_219 : i32 to index
        %parallel_loop3A_475 = arith.index_cast %parallel_loop3A_473 : i32 to index
        %parallel_loop3A_476 = arith.index_cast %parallel_loop3A_465 : i32 to index
        %parallel_loop3A_477 = tpu.vector_load %arg8[%parallel_loop3A_474, %parallel_loop3A_475, %parallel_loop3A_476] {strides = array<i32>} : memref<6x1x512xf32, #tpu.memory_space<vmem>>, vector<1x1x16xf32>,
        %parallel_loop3A_478 = vector.shape_cast %parallel_loop3A_477 : vector<1x1x16xf32> to vector<16xf32>
        %parallel_loop3A_479 = arith.addf %parallel_loop3A_472, %parallel_loop3A_478 : vector<16xf32>
        %parallel_loop3A_480 = arith.constant 22 : i32
        %parallel_loop3A_481 = arith.constant 0 : i32
        %parallel_loop3A_482 = arith.index_cast %parallel_loop3A_480 : i32 to index
        %parallel_loop3A_483 = arith.index_cast %parallel_loop3A_481 : i32 to index
        %parallel_loop3A_484 = arith.index_cast %parallel_loop3A_465 : i32 to index
        %parallel_loop3A_485 = tpu.vector_load %arg10[%parallel_loop3A_482, %parallel_loop3A_483, %parallel_loop3A_484] {strides = array<i32>} : memref<32x1x512xf32, #tpu.memory_space<vmem>>, vector<1x1x16xf32>,
        %parallel_loop3A_486 = vector.shape_cast %parallel_loop3A_485 : vector<1x1x16xf32> to vector<16xf32>
        %parallel_loop3A_487 = vector.shape_cast %parallel_loop3A_479 : vector<16xf32> to vector<1x1x16xf32>
        tpu.vector_store %arg10[%parallel_loop3A_482, %parallel_loop3A_483, %parallel_loop3A_484], %parallel_loop3A_487 {strides = array<i32>} : memref<32x1x512xf32, #tpu.memory_space<vmem>>, vector<1x1x16xf32>,
        %parallel_loop3A_488 = arith.constant 23 : i32
        %parallel_loop3A_489 = arith.constant 0 : i32
        %parallel_loop3A_490 = arith.index_cast %parallel_loop3A_488 : i32 to index
        %parallel_loop3A_491 = arith.index_cast %parallel_loop3A_489 : i32 to index
        %parallel_loop3A_492 = arith.index_cast %parallel_loop3A_465 : i32 to index
        %parallel_loop3A_493 = tpu.vector_load %arg9[%parallel_loop3A_490, %parallel_loop3A_491, %parallel_loop3A_492] {strides = array<i32>} : memref<32x1x512xf32, #tpu.memory_space<vmem>>, vector<1x1x16xf32>,
        %parallel_loop3A_494 = vector.shape_cast %parallel_loop3A_493 : vector<1x1x16xf32> to vector<16xf32>
        %parallel_loop3A_495 = arith.constant 0 : i32
        %parallel_loop3A_496 = arith.index_cast %squeeze3A_221 : i32 to index
        %parallel_loop3A_497 = arith.index_cast %parallel_loop3A_495 : i32 to index
        %parallel_loop3A_498 = arith.index_cast %parallel_loop3A_465 : i32 to index
        %parallel_loop3A_499 = tpu.vector_load %arg8[%parallel_loop3A_496, %parallel_loop3A_497, %parallel_loop3A_498] {strides = array<i32>} : memref<6x1x512xf32, #tpu.memory_space<vmem>>, vector<1x1x16xf32>,
        %parallel_loop3A_500 = vector.shape_cast %parallel_loop3A_499 : vector<1x1x16xf32> to vector<16xf32>
        %parallel_loop3A_501 = arith.addf %parallel_loop3A_494, %parallel_loop3A_500 : vector<16xf32>
        %parallel_loop3A_502 = arith.constant 23 : i32
        %parallel_loop3A_503 = arith.constant 0 : i32
        %parallel_loop3A_504 = arith.index_cast %parallel_loop3A_502 : i32 to index
        %parallel_loop3A_505 = arith.index_cast %parallel_loop3A_503 : i32 to index
        %parallel_loop3A_506 = arith.index_cast %parallel_loop3A_465 : i32 to index
        %parallel_loop3A_507 = tpu.vector_load %arg10[%parallel_loop3A_504, %parallel_loop3A_505, %parallel_loop3A_506] {strides = array<i32>} : memref<32x1x512xf32, #tpu.memory_space<vmem>>, vector<1x1x16xf32>,
        %parallel_loop3A_508 = vector.shape_cast %parallel_loop3A_507 : vector<1x1x16xf32> to vector<16xf32>
        %parallel_loop3A_509 = vector.shape_cast %parallel_loop3A_501 : vector<16xf32> to vector<1x1x16xf32>
        tpu.vector_store %arg10[%parallel_loop3A_504, %parallel_loop3A_505, %parallel_loop3A_506], %parallel_loop3A_509 {strides = array<i32>} : memref<32x1x512xf32, #tpu.memory_space<vmem>>, vector<1x1x16xf32>,
      } {sc.loop_unroll_factor = 2 : i64, sc.parallel_access}
      %parallel_loop3A_250 = arith.constant 0 : i32
      %parallel_loop3A_251 = arith.constant 32 : i32
      %parallel_loop3A_252 = arith.constant 1 : i32
      scf.for %parallel_loop3A_463 = %parallel_loop3A_250 to %parallel_loop3A_251 step %parallel_loop3A_252  : i32 {
        %parallel_loop3A_464 = arith.constant 16 : i32
        %parallel_loop3A_465 = arith.muli %parallel_loop3A_463, %parallel_loop3A_464 : i32
        %parallel_loop3A_466 = arith.constant 24 : i32
        %parallel_loop3A_467 = arith.constant 0 : i32
        %parallel_loop3A_468 = arith.index_cast %parallel_loop3A_466 : i32 to index
        %parallel_loop3A_469 = arith.index_cast %parallel_loop3A_467 : i32 to index
        %parallel_loop3A_470 = arith.index_cast %parallel_loop3A_465 : i32 to index
        %parallel_loop3A_471 = tpu.vector_load %arg9[%parallel_loop3A_468, %parallel_loop3A_469, %parallel_loop3A_470] {strides = array<i32>} : memref<32x1x512xf32, #tpu.memory_space<vmem>>, vector<1x1x16xf32>,
        %parallel_loop3A_472 = vector.shape_cast %parallel_loop3A_471 : vector<1x1x16xf32> to vector<16xf32>
        %parallel_loop3A_473 = arith.constant 0 : i32
        %parallel_loop3A_474 = arith.index_cast %squeeze3A_223 : i32 to index
        %parallel_loop3A_475 = arith.index_cast %parallel_loop3A_473 : i32 to index
        %parallel_loop3A_476 = arith.index_cast %parallel_loop3A_465 : i32 to index
        %parallel_loop3A_477 = tpu.vector_load %arg8[%parallel_loop3A_474, %parallel_loop3A_475, %parallel_loop3A_476] {strides = array<i32>} : memref<6x1x512xf32, #tpu.memory_space<vmem>>, vector<1x1x16xf32>,
        %parallel_loop3A_478 = vector.shape_cast %parallel_loop3A_477 : vector<1x1x16xf32> to vector<16xf32>
        %parallel_loop3A_479 = arith.addf %parallel_loop3A_472, %parallel_loop3A_478 : vector<16xf32>
        %parallel_loop3A_480 = arith.constant 24 : i32
        %parallel_loop3A_481 = arith.constant 0 : i32
        %parallel_loop3A_482 = arith.index_cast %parallel_loop3A_480 : i32 to index
        %parallel_loop3A_483 = arith.index_cast %parallel_loop3A_481 : i32 to index
        %parallel_loop3A_484 = arith.index_cast %parallel_loop3A_465 : i32 to index
        %parallel_loop3A_485 = tpu.vector_load %arg10[%parallel_loop3A_482, %parallel_loop3A_483, %parallel_loop3A_484] {strides = array<i32>} : memref<32x1x512xf32, #tpu.memory_space<vmem>>, vector<1x1x16xf32>,
        %parallel_loop3A_486 = vector.shape_cast %parallel_loop3A_485 : vector<1x1x16xf32> to vector<16xf32>
        %parallel_loop3A_487 = vector.shape_cast %parallel_loop3A_479 : vector<16xf32> to vector<1x1x16xf32>
        tpu.vector_store %arg10[%parallel_loop3A_482, %parallel_loop3A_483, %parallel_loop3A_484], %parallel_loop3A_487 {strides = array<i32>} : memref<32x1x512xf32, #tpu.memory_space<vmem>>, vector<1x1x16xf32>,
        %parallel_loop3A_488 = arith.constant 25 : i32
        %parallel_loop3A_489 = arith.constant 0 : i32
        %parallel_loop3A_490 = arith.index_cast %parallel_loop3A_488 : i32 to index
        %parallel_loop3A_491 = arith.index_cast %parallel_loop3A_489 : i32 to index
        %parallel_loop3A_492 = arith.index_cast %parallel_loop3A_465 : i32 to index
        %parallel_loop3A_493 = tpu.vector_load %arg9[%parallel_loop3A_490, %parallel_loop3A_491, %parallel_loop3A_492] {strides = array<i32>} : memref<32x1x512xf32, #tpu.memory_space<vmem>>, vector<1x1x16xf32>,
        %parallel_loop3A_494 = vector.shape_cast %parallel_loop3A_493 : vector<1x1x16xf32> to vector<16xf32>
        %parallel_loop3A_495 = arith.constant 0 : i32
        %parallel_loop3A_496 = arith.index_cast %squeeze3A_225 : i32 to index
        %parallel_loop3A_497 = arith.index_cast %parallel_loop3A_495 : i32 to index
        %parallel_loop3A_498 = arith.index_cast %parallel_loop3A_465 : i32 to index
        %parallel_loop3A_499 = tpu.vector_load %arg8[%parallel_loop3A_496, %parallel_loop3A_497, %parallel_loop3A_498] {strides = array<i32>} : memref<6x1x512xf32, #tpu.memory_space<vmem>>, vector<1x1x16xf32>,
        %parallel_loop3A_500 = vector.shape_cast %parallel_loop3A_499 : vector<1x1x16xf32> to vector<16xf32>
        %parallel_loop3A_501 = arith.addf %parallel_loop3A_494, %parallel_loop3A_500 : vector<16xf32>
        %parallel_loop3A_502 = arith.constant 25 : i32
        %parallel_loop3A_503 = arith.constant 0 : i32
        %parallel_loop3A_504 = arith.index_cast %parallel_loop3A_502 : i32 to index
        %parallel_loop3A_505 = arith.index_cast %parallel_loop3A_503 : i32 to index
        %parallel_loop3A_506 = arith.index_cast %parallel_loop3A_465 : i32 to index
        %parallel_loop3A_507 = tpu.vector_load %arg10[%parallel_loop3A_504, %parallel_loop3A_505, %parallel_loop3A_506] {strides = array<i32>} : memref<32x1x512xf32, #tpu.memory_space<vmem>>, vector<1x1x16xf32>,
        %parallel_loop3A_508 = vector.shape_cast %parallel_loop3A_507 : vector<1x1x16xf32> to vector<16xf32>
        %parallel_loop3A_509 = vector.shape_cast %parallel_loop3A_501 : vector<16xf32> to vector<1x1x16xf32>
        tpu.vector_store %arg10[%parallel_loop3A_504, %parallel_loop3A_505, %parallel_loop3A_506], %parallel_loop3A_509 {strides = array<i32>} : memref<32x1x512xf32, #tpu.memory_space<vmem>>, vector<1x1x16xf32>,
      } {sc.loop_unroll_factor = 2 : i64, sc.parallel_access}
      %parallel_loop3A_253 = arith.constant 0 : i32
      %parallel_loop3A_254 = arith.constant 32 : i32
      %parallel_loop3A_255 = arith.constant 1 : i32
      scf.for %parallel_loop3A_463 = %parallel_loop3A_253 to %parallel_loop3A_254 step %parallel_loop3A_255  : i32 {
        %parallel_loop3A_464 = arith.constant 16 : i32
        %parallel_loop3A_465 = arith.muli %parallel_loop3A_463, %parallel_loop3A_464 : i32
        %parallel_loop3A_466 = arith.constant 26 : i32
        %parallel_loop3A_467 = arith.constant 0 : i32
        %parallel_loop3A_468 = arith.index_cast %parallel_loop3A_466 : i32 to index
        %parallel_loop3A_469 = arith.index_cast %parallel_loop3A_467 : i32 to index
        %parallel_loop3A_470 = arith.index_cast %parallel_loop3A_465 : i32 to index
        %parallel_loop3A_471 = tpu.vector_load %arg9[%parallel_loop3A_468, %parallel_loop3A_469, %parallel_loop3A_470] {strides = array<i32>} : memref<32x1x512xf32, #tpu.memory_space<vmem>>, vector<1x1x16xf32>,
        %parallel_loop3A_472 = vector.shape_cast %parallel_loop3A_471 : vector<1x1x16xf32> to vector<16xf32>
        %parallel_loop3A_473 = arith.constant 0 : i32
        %parallel_loop3A_474 = arith.index_cast %squeeze3A_227 : i32 to index
        %parallel_loop3A_475 = arith.index_cast %parallel_loop3A_473 : i32 to index
        %parallel_loop3A_476 = arith.index_cast %parallel_loop3A_465 : i32 to index
        %parallel_loop3A_477 = tpu.vector_load %arg8[%parallel_loop3A_474, %parallel_loop3A_475, %parallel_loop3A_476] {strides = array<i32>} : memref<6x1x512xf32, #tpu.memory_space<vmem>>, vector<1x1x16xf32>,
        %parallel_loop3A_478 = vector.shape_cast %parallel_loop3A_477 : vector<1x1x16xf32> to vector<16xf32>
        %parallel_loop3A_479 = arith.addf %parallel_loop3A_472, %parallel_loop3A_478 : vector<16xf32>
        %parallel_loop3A_480 = arith.constant 26 : i32
        %parallel_loop3A_481 = arith.constant 0 : i32
        %parallel_loop3A_482 = arith.index_cast %parallel_loop3A_480 : i32 to index
        %parallel_loop3A_483 = arith.index_cast %parallel_loop3A_481 : i32 to index
        %parallel_loop3A_484 = arith.index_cast %parallel_loop3A_465 : i32 to index
        %parallel_loop3A_485 = tpu.vector_load %arg10[%parallel_loop3A_482, %parallel_loop3A_483, %parallel_loop3A_484] {strides = array<i32>} : memref<32x1x512xf32, #tpu.memory_space<vmem>>, vector<1x1x16xf32>,
        %parallel_loop3A_486 = vector.shape_cast %parallel_loop3A_485 : vector<1x1x16xf32> to vector<16xf32>
        %parallel_loop3A_487 = vector.shape_cast %parallel_loop3A_479 : vector<16xf32> to vector<1x1x16xf32>
        tpu.vector_store %arg10[%parallel_loop3A_482, %parallel_loop3A_483, %parallel_loop3A_484], %parallel_loop3A_487 {strides = array<i32>} : memref<32x1x512xf32, #tpu.memory_space<vmem>>, vector<1x1x16xf32>,
        %parallel_loop3A_488 = arith.constant 27 : i32
        %parallel_loop3A_489 = arith.constant 0 : i32
        %parallel_loop3A_490 = arith.index_cast %parallel_loop3A_488 : i32 to index
        %parallel_loop3A_491 = arith.index_cast %parallel_loop3A_489 : i32 to index
        %parallel_loop3A_492 = arith.index_cast %parallel_loop3A_465 : i32 to index
        %parallel_loop3A_493 = tpu.vector_load %arg9[%parallel_loop3A_490, %parallel_loop3A_491, %parallel_loop3A_492] {strides = array<i32>} : memref<32x1x512xf32, #tpu.memory_space<vmem>>, vector<1x1x16xf32>,
        %parallel_loop3A_494 = vector.shape_cast %parallel_loop3A_493 : vector<1x1x16xf32> to vector<16xf32>
        %parallel_loop3A_495 = arith.constant 0 : i32
        %parallel_loop3A_496 = arith.index_cast %squeeze3A_229 : i32 to index
        %parallel_loop3A_497 = arith.index_cast %parallel_loop3A_495 : i32 to index
        %parallel_loop3A_498 = arith.index_cast %parallel_loop3A_465 : i32 to index
        %parallel_loop3A_499 = tpu.vector_load %arg8[%parallel_loop3A_496, %parallel_loop3A_497, %parallel_loop3A_498] {strides = array<i32>} : memref<6x1x512xf32, #tpu.memory_space<vmem>>, vector<1x1x16xf32>,
        %parallel_loop3A_500 = vector.shape_cast %parallel_loop3A_499 : vector<1x1x16xf32> to vector<16xf32>
        %parallel_loop3A_501 = arith.addf %parallel_loop3A_494, %parallel_loop3A_500 : vector<16xf32>
        %parallel_loop3A_502 = arith.constant 27 : i32
        %parallel_loop3A_503 = arith.constant 0 : i32
        %parallel_loop3A_504 = arith.index_cast %parallel_loop3A_502 : i32 to index
        %parallel_loop3A_505 = arith.index_cast %parallel_loop3A_503 : i32 to index
        %parallel_loop3A_506 = arith.index_cast %parallel_loop3A_465 : i32 to index
        %parallel_loop3A_507 = tpu.vector_load %arg10[%parallel_loop3A_504, %parallel_loop3A_505, %parallel_loop3A_506] {strides = array<i32>} : memref<32x1x512xf32, #tpu.memory_space<vmem>>, vector<1x1x16xf32>,
        %parallel_loop3A_508 = vector.shape_cast %parallel_loop3A_507 : vector<1x1x16xf32> to vector<16xf32>
        %parallel_loop3A_509 = vector.shape_cast %parallel_loop3A_501 : vector<16xf32> to vector<1x1x16xf32>
        tpu.vector_store %arg10[%parallel_loop3A_504, %parallel_loop3A_505, %parallel_loop3A_506], %parallel_loop3A_509 {strides = array<i32>} : memref<32x1x512xf32, #tpu.memory_space<vmem>>, vector<1x1x16xf32>,
      } {sc.loop_unroll_factor = 2 : i64, sc.parallel_access}
      %parallel_loop3A_256 = arith.constant 0 : i32
      %parallel_loop3A_257 = arith.constant 32 : i32
      %parallel_loop3A_258 = arith.constant 1 : i32
      scf.for %parallel_loop3A_463 = %parallel_loop3A_256 to %parallel_loop3A_257 step %parallel_loop3A_258  : i32 {
        %parallel_loop3A_464 = arith.constant 16 : i32
        %parallel_loop3A_465 = arith.muli %parallel_loop3A_463, %parallel_loop3A_464 : i32
        %parallel_loop3A_466 = arith.constant 28 : i32
        %parallel_loop3A_467 = arith.constant 0 : i32
        %parallel_loop3A_468 = arith.index_cast %parallel_loop3A_466 : i32 to index
        %parallel_loop3A_469 = arith.index_cast %parallel_loop3A_467 : i32 to index
        %parallel_loop3A_470 = arith.index_cast %parallel_loop3A_465 : i32 to index
        %parallel_loop3A_471 = tpu.vector_load %arg9[%parallel_loop3A_468, %parallel_loop3A_469, %parallel_loop3A_470] {strides = array<i32>} : memref<32x1x512xf32, #tpu.memory_space<vmem>>, vector<1x1x16xf32>,
        %parallel_loop3A_472 = vector.shape_cast %parallel_loop3A_471 : vector<1x1x16xf32> to vector<16xf32>
        %parallel_loop3A_473 = arith.constant 0 : i32
        %parallel_loop3A_474 = arith.index_cast %squeeze3A_231 : i32 to index
        %parallel_loop3A_475 = arith.index_cast %parallel_loop3A_473 : i32 to index
        %parallel_loop3A_476 = arith.index_cast %parallel_loop3A_465 : i32 to index
        %parallel_loop3A_477 = tpu.vector_load %arg8[%parallel_loop3A_474, %parallel_loop3A_475, %parallel_loop3A_476] {strides = array<i32>} : memref<6x1x512xf32, #tpu.memory_space<vmem>>, vector<1x1x16xf32>,
        %parallel_loop3A_478 = vector.shape_cast %parallel_loop3A_477 : vector<1x1x16xf32> to vector<16xf32>
        %parallel_loop3A_479 = arith.addf %parallel_loop3A_472, %parallel_loop3A_478 : vector<16xf32>
        %parallel_loop3A_480 = arith.constant 28 : i32
        %parallel_loop3A_481 = arith.constant 0 : i32
        %parallel_loop3A_482 = arith.index_cast %parallel_loop3A_480 : i32 to index
        %parallel_loop3A_483 = arith.index_cast %parallel_loop3A_481 : i32 to index
        %parallel_loop3A_484 = arith.index_cast %parallel_loop3A_465 : i32 to index
        %parallel_loop3A_485 = tpu.vector_load %arg10[%parallel_loop3A_482, %parallel_loop3A_483, %parallel_loop3A_484] {strides = array<i32>} : memref<32x1x512xf32, #tpu.memory_space<vmem>>, vector<1x1x16xf32>,
        %parallel_loop3A_486 = vector.shape_cast %parallel_loop3A_485 : vector<1x1x16xf32> to vector<16xf32>
        %parallel_loop3A_487 = vector.shape_cast %parallel_loop3A_479 : vector<16xf32> to vector<1x1x16xf32>
        tpu.vector_store %arg10[%parallel_loop3A_482, %parallel_loop3A_483, %parallel_loop3A_484], %parallel_loop3A_487 {strides = array<i32>} : memref<32x1x512xf32, #tpu.memory_space<vmem>>, vector<1x1x16xf32>,
        %parallel_loop3A_488 = arith.constant 29 : i32
        %parallel_loop3A_489 = arith.constant 0 : i32
        %parallel_loop3A_490 = arith.index_cast %parallel_loop3A_488 : i32 to index
        %parallel_loop3A_491 = arith.index_cast %parallel_loop3A_489 : i32 to index
        %parallel_loop3A_492 = arith.index_cast %parallel_loop3A_465 : i32 to index
        %parallel_loop3A_493 = tpu.vector_load %arg9[%parallel_loop3A_490, %parallel_loop3A_491, %parallel_loop3A_492] {strides = array<i32>} : memref<32x1x512xf32, #tpu.memory_space<vmem>>, vector<1x1x16xf32>,
        %parallel_loop3A_494 = vector.shape_cast %parallel_loop3A_493 : vector<1x1x16xf32> to vector<16xf32>
        %parallel_loop3A_495 = arith.constant 0 : i32
        %parallel_loop3A_496 = arith.index_cast %squeeze3A_233 : i32 to index
        %parallel_loop3A_497 = arith.index_cast %parallel_loop3A_495 : i32 to index
        %parallel_loop3A_498 = arith.index_cast %parallel_loop3A_465 : i32 to index
        %parallel_loop3A_499 = tpu.vector_load %arg8[%parallel_loop3A_496, %parallel_loop3A_497, %parallel_loop3A_498] {strides = array<i32>} : memref<6x1x512xf32, #tpu.memory_space<vmem>>, vector<1x1x16xf32>,
        %parallel_loop3A_500 = vector.shape_cast %parallel_loop3A_499 : vector<1x1x16xf32> to vector<16xf32>
        %parallel_loop3A_501 = arith.addf %parallel_loop3A_494, %parallel_loop3A_500 : vector<16xf32>
        %parallel_loop3A_502 = arith.constant 29 : i32
        %parallel_loop3A_503 = arith.constant 0 : i32
        %parallel_loop3A_504 = arith.index_cast %parallel_loop3A_502 : i32 to index
        %parallel_loop3A_505 = arith.index_cast %parallel_loop3A_503 : i32 to index
        %parallel_loop3A_506 = arith.index_cast %parallel_loop3A_465 : i32 to index
        %parallel_loop3A_507 = tpu.vector_load %arg10[%parallel_loop3A_504, %parallel_loop3A_505, %parallel_loop3A_506] {strides = array<i32>} : memref<32x1x512xf32, #tpu.memory_space<vmem>>, vector<1x1x16xf32>,
        %parallel_loop3A_508 = vector.shape_cast %parallel_loop3A_507 : vector<1x1x16xf32> to vector<16xf32>
        %parallel_loop3A_509 = vector.shape_cast %parallel_loop3A_501 : vector<16xf32> to vector<1x1x16xf32>
        tpu.vector_store %arg10[%parallel_loop3A_504, %parallel_loop3A_505, %parallel_loop3A_506], %parallel_loop3A_509 {strides = array<i32>} : memref<32x1x512xf32, #tpu.memory_space<vmem>>, vector<1x1x16xf32>,
      } {sc.loop_unroll_factor = 2 : i64, sc.parallel_access}
      %parallel_loop3A_259 = arith.constant 0 : i32
      %parallel_loop3A_260 = arith.constant 32 : i32
      %parallel_loop3A_261 = arith.constant 1 : i32
      scf.for %parallel_loop3A_463 = %parallel_loop3A_259 to %parallel_loop3A_260 step %parallel_loop3A_261  : i32 {
        %parallel_loop3A_464 = arith.constant 16 : i32
        %parallel_loop3A_465 = arith.muli %parallel_loop3A_463, %parallel_loop3A_464 : i32
        %parallel_loop3A_466 = arith.constant 30 : i32
        %parallel_loop3A_467 = arith.constant 0 : i32
        %parallel_loop3A_468 = arith.index_cast %parallel_loop3A_466 : i32 to index
        %parallel_loop3A_469 = arith.index_cast %parallel_loop3A_467 : i32 to index
        %parallel_loop3A_470 = arith.index_cast %parallel_loop3A_465 : i32 to index
        %parallel_loop3A_471 = tpu.vector_load %arg9[%parallel_loop3A_468, %parallel_loop3A_469, %parallel_loop3A_470] {strides = array<i32>} : memref<32x1x512xf32, #tpu.memory_space<vmem>>, vector<1x1x16xf32>,
        %parallel_loop3A_472 = vector.shape_cast %parallel_loop3A_471 : vector<1x1x16xf32> to vector<16xf32>
        %parallel_loop3A_473 = arith.constant 0 : i32
        %parallel_loop3A_474 = arith.index_cast %squeeze3A_235 : i32 to index
        %parallel_loop3A_475 = arith.index_cast %parallel_loop3A_473 : i32 to index
        %parallel_loop3A_476 = arith.index_cast %parallel_loop3A_465 : i32 to index
        %parallel_loop3A_477 = tpu.vector_load %arg8[%parallel_loop3A_474, %parallel_loop3A_475, %parallel_loop3A_476] {strides = array<i32>} : memref<6x1x512xf32, #tpu.memory_space<vmem>>, vector<1x1x16xf32>,
        %parallel_loop3A_478 = vector.shape_cast %parallel_loop3A_477 : vector<1x1x16xf32> to vector<16xf32>
        %parallel_loop3A_479 = arith.addf %parallel_loop3A_472, %parallel_loop3A_478 : vector<16xf32>
        %parallel_loop3A_480 = arith.constant 30 : i32
        %parallel_loop3A_481 = arith.constant 0 : i32
        %parallel_loop3A_482 = arith.index_cast %parallel_loop3A_480 : i32 to index
        %parallel_loop3A_483 = arith.index_cast %parallel_loop3A_481 : i32 to index
        %parallel_loop3A_484 = arith.index_cast %parallel_loop3A_465 : i32 to index
        %parallel_loop3A_485 = tpu.vector_load %arg10[%parallel_loop3A_482, %parallel_loop3A_483, %parallel_loop3A_484] {strides = array<i32>} : memref<32x1x512xf32, #tpu.memory_space<vmem>>, vector<1x1x16xf32>,
        %parallel_loop3A_486 = vector.shape_cast %parallel_loop3A_485 : vector<1x1x16xf32> to vector<16xf32>
        %parallel_loop3A_487 = vector.shape_cast %parallel_loop3A_479 : vector<16xf32> to vector<1x1x16xf32>
        tpu.vector_store %arg10[%parallel_loop3A_482, %parallel_loop3A_483, %parallel_loop3A_484], %parallel_loop3A_487 {strides = array<i32>} : memref<32x1x512xf32, #tpu.memory_space<vmem>>, vector<1x1x16xf32>,
        %parallel_loop3A_488 = arith.constant 31 : i32
        %parallel_loop3A_489 = arith.constant 0 : i32
        %parallel_loop3A_490 = arith.index_cast %parallel_loop3A_488 : i32 to index
        %parallel_loop3A_491 = arith.index_cast %parallel_loop3A_489 : i32 to index
        %parallel_loop3A_492 = arith.index_cast %parallel_loop3A_465 : i32 to index
        %parallel_loop3A_493 = tpu.vector_load %arg9[%parallel_loop3A_490, %parallel_loop3A_491, %parallel_loop3A_492] {strides = array<i32>} : memref<32x1x512xf32, #tpu.memory_space<vmem>>, vector<1x1x16xf32>,
        %parallel_loop3A_494 = vector.shape_cast %parallel_loop3A_493 : vector<1x1x16xf32> to vector<16xf32>
        %parallel_loop3A_495 = arith.constant 0 : i32
        %parallel_loop3A_496 = arith.index_cast %squeeze3A_237 : i32 to index
        %parallel_loop3A_497 = arith.index_cast %parallel_loop3A_495 : i32 to index
        %parallel_loop3A_498 = arith.index_cast %parallel_loop3A_465 : i32 to index
        %parallel_loop3A_499 = tpu.vector_load %arg8[%parallel_loop3A_496, %parallel_loop3A_497, %parallel_loop3A_498] {strides = array<i32>} : memref<6x1x512xf32, #tpu.memory_space<vmem>>, vector<1x1x16xf32>,
        %parallel_loop3A_500 = vector.shape_cast %parallel_loop3A_499 : vector<1x1x16xf32> to vector<16xf32>
        %parallel_loop3A_501 = arith.addf %parallel_loop3A_494, %parallel_loop3A_500 : vector<16xf32>
        %parallel_loop3A_502 = arith.constant 31 : i32
        %parallel_loop3A_503 = arith.constant 0 : i32
        %parallel_loop3A_504 = arith.index_cast %parallel_loop3A_502 : i32 to index
        %parallel_loop3A_505 = arith.index_cast %parallel_loop3A_503 : i32 to index
        %parallel_loop3A_506 = arith.index_cast %parallel_loop3A_465 : i32 to index
        %parallel_loop3A_507 = tpu.vector_load %arg10[%parallel_loop3A_504, %parallel_loop3A_505, %parallel_loop3A_506] {strides = array<i32>} : memref<32x1x512xf32, #tpu.memory_space<vmem>>, vector<1x1x16xf32>,
        %parallel_loop3A_508 = vector.shape_cast %parallel_loop3A_507 : vector<1x1x16xf32> to vector<16xf32>
        %parallel_loop3A_509 = vector.shape_cast %parallel_loop3A_501 : vector<16xf32> to vector<1x1x16xf32>
        tpu.vector_store %arg10[%parallel_loop3A_504, %parallel_loop3A_505, %parallel_loop3A_506], %parallel_loop3A_509 {strides = array<i32>} : memref<32x1x512xf32, #tpu.memory_space<vmem>>, vector<1x1x16xf32>,
      } {sc.loop_unroll_factor = 2 : i64, sc.parallel_access}
      %add3A_262 = arith.constant 16 : i32
      %add3A_263 = arith.addi %add3A_114, %add3A_262 : i32
      %dma_start3A_264 = arith.constant 16 : i32
      %dma_start3A_265 = arith.constant 0 : i32
      %dma_start3A_266 = arith.constant 0 : i32
      %dma_start3A_267 = tpu.memref_slice %arg10[%dma_start3A_264, %dma_start3A_265, %dma_start3A_266] : memref<32x1x512xf32, #tpu.memory_space<vmem>> -> memref<16x1x512xf32, #tpu.memory_space<vmem>>
      %dma_start3A_268 = arith.constant 0 : i32
      %dma_start3A_269 = arith.constant 0 : i32
      %dma_start3A_270 = tpu.memref_slice %arg5[%add3A_263, %dma_start3A_268, %dma_start3A_269] : memref<16384x1x512xf32, #tpu.memory_space<hbm>> -> memref<16x1x512xf32, #tpu.memory_space<hbm>>
      %dma_start3A_271 = arith.constant 0 : i32
      %dma_start3A_272 = arith.constant 0 : i32
      %dma_start3A_273 = tpu.memref_slice %arg5[%add3A_263, %dma_start3A_271, %dma_start3A_272] : memref<16384x1x512xf32, #tpu.memory_space<hbm>> -> memref<16x1x512xf32, #tpu.memory_space<hbm>>
      %dma_start3A_274 = arith.constant 16 : i32
      %dma_start3A_275 = arith.constant 0 : i32
      %dma_start3A_276 = arith.constant 0 : i32
      %dma_start3A_277 = tpu.memref_slice %arg10[%dma_start3A_274, %dma_start3A_275, %dma_start3A_276] : memref<32x1x512xf32, #tpu.memory_space<vmem>> -> memref<16x1x512xf32, #tpu.memory_space<vmem>>
      tpu.enqueue_dma source(%dma_start3A_277 : memref<16x1x512xf32, #tpu.memory_space<vmem>>) target(%dma_start3A_273 : memref<16x1x512xf32, #tpu.memory_space<hbm>>) target_semaphore(%arg14 : memref<!tpu.dma_semaphore, #tpu.memory_space<semaphore_mem>>)
      %lt3A = arith.constant 7 : i32
      %lt3A_278 = arith.cmpi slt, %scan3A_107, %lt3A : i32
      %convert_element_type3A_279 = arith.extui %lt3A_278 : i1 to i32
      %cond3A_280 = arith.constant 0 : i32
      %cond3A_281 = arith.cmpi ne, %convert_element_type3A_279, %cond3A_280 : i32
      scf.if %cond3A_281 {
        %add3A_463 = arith.constant 2 : i32
        %add3A_464 = arith.addi %add3A_111, %add3A_463 : i32
        %mul3A_465 = arith.constant 32 : i32
        %mul3A_466 = arith.muli %add3A_464, %mul3A_465 : i32
        %add3A_467 = arith.addi %mul3A_2, %mul3A_466 : i32
        %dma_start3A_468 = arith.constant 0 : i32
        %dma_start3A_469 = arith.constant 0 : i32
        %dma_start3A_470 = tpu.memref_slice %arg2[%add3A_467, %dma_start3A_468, %dma_start3A_469] : memref<16384x1x512xf32, #tpu.memory_space<hbm>> -> memref<32x1x512xf32, #tpu.memory_space<hbm>>
        %dma_start3A_471 = arith.constant 0 : i32
        %dma_start3A_472 = arith.constant 0 : i32
        %dma_start3A_473 = tpu.memref_slice %arg2[%add3A_467, %dma_start3A_471, %dma_start3A_472] : memref<16384x1x512xf32, #tpu.memory_space<hbm>> -> memref<32x1x512xf32, #tpu.memory_space<hbm>>
        tpu.enqueue_dma source(%dma_start3A_473 : memref<32x1x512xf32, #tpu.memory_space<hbm>>) target(%arg9 : memref<32x1x512xf32, #tpu.memory_space<vmem>>) target_semaphore(%arg13 : memref<!tpu.dma_semaphore, #tpu.memory_space<semaphore_mem>>)
      } else {
      }
      %mul3A_282 = arith.constant 2 : i32
      %mul3A_283 = arith.muli %scan3A_107, %mul3A_282 : i32
      %add3A_284 = arith.constant 1 : i32
      %add3A_285 = arith.addi %mul3A_283, %add3A_284 : i32
      %mul3A_286 = arith.constant 32 : i32
      %mul3A_287 = arith.muli %add3A_285, %mul3A_286 : i32
      %add3A_288 = arith.addi %mul3A_2, %mul3A_287 : i32
      %dma_wait3A_289 = arith.constant 0 : i32
      %dma_wait3A_290 = arith.constant 0 : i32
      %dma_wait3A_291 = tpu.memref_slice %arg2[%add3A_288, %dma_wait3A_289, %dma_wait3A_290] : memref<16384x1x512xf32, #tpu.memory_space<hbm>> -> memref<32x1x512xf32, #tpu.memory_space<hbm>>
      %dma_wait3A_292 = arith.constant 0 : i32
      %dma_wait3A_293 = arith.constant 0 : i32
      %dma_wait3A_294 = tpu.memref_slice %arg2[%add3A_288, %dma_wait3A_292, %dma_wait3A_293] : memref<16384x1x512xf32, #tpu.memory_space<hbm>> -> memref<32x1x512xf32, #tpu.memory_space<hbm>>
      tpu.wait_dma2 semaphore(%arg15 : memref<!tpu.dma_semaphore, #tpu.memory_space<semaphore_mem>>) src(%dma_wait3A_294 : memref<32x1x512xf32, #tpu.memory_space<hbm>>) dst(%arg11 : memref<32x1x512xf32, #tpu.memory_space<vmem>>)
      %ge3A_295 = arith.constant 1 : i32
      %ge3A_296 = arith.cmpi sge, %scan3A_107, %ge3A_295 : i32
      %convert_element_type3A_297 = arith.extui %ge3A_296 : i1 to i32
      %cond3A_298 = arith.constant 0 : i32
      %cond3A_299 = arith.cmpi ne, %convert_element_type3A_297, %cond3A_298 : i32
      scf.if %cond3A_299 {
        %add3A_463 = arith.constant 0 : i32
        %add3A_464 = arith.addi %add3A_288, %add3A_463 : i32
        %dma_wait3A_465 = arith.constant 0 : i32
        %dma_wait3A_466 = arith.constant 0 : i32
        %dma_wait3A_467 = arith.constant 0 : i32
        %dma_wait3A_468 = tpu.memref_slice %arg12[%dma_wait3A_465, %dma_wait3A_466, %dma_wait3A_467] : memref<32x1x512xf32, #tpu.memory_space<vmem>> -> memref<16x1x512xf32, #tpu.memory_space<vmem>>
        %dma_wait3A_469 = arith.constant 0 : i32
        %dma_wait3A_470 = arith.constant 0 : i32
        %dma_wait3A_471 = tpu.memref_slice %arg5[%add3A_464, %dma_wait3A_469, %dma_wait3A_470] : memref<16384x1x512xf32, #tpu.memory_space<hbm>> -> memref<16x1x512xf32, #tpu.memory_space<hbm>>
        %dma_wait3A_472 = arith.constant 0 : i32
        %dma_wait3A_473 = arith.constant 0 : i32
        %dma_wait3A_474 = tpu.memref_slice %arg5[%add3A_464, %dma_wait3A_472, %dma_wait3A_473] : memref<16384x1x512xf32, #tpu.memory_space<hbm>> -> memref<16x1x512xf32, #tpu.memory_space<hbm>>
        %dma_wait3A_475 = arith.constant 0 : i32
        %dma_wait3A_476 = arith.constant 0 : i32
        %dma_wait3A_477 = arith.constant 0 : i32
        %dma_wait3A_478 = tpu.memref_slice %arg12[%dma_wait3A_475, %dma_wait3A_476, %dma_wait3A_477] : memref<32x1x512xf32, #tpu.memory_space<vmem>> -> memref<16x1x512xf32, #tpu.memory_space<vmem>>
        tpu.wait_dma2 semaphore(%arg16 : memref<!tpu.dma_semaphore, #tpu.memory_space<semaphore_mem>>) src(%dma_wait3A_478 : memref<16x1x512xf32, #tpu.memory_space<vmem>>) dst(%dma_wait3A_474 : memref<16x1x512xf32, #tpu.memory_space<hbm>>)
        %add3A_479 = arith.constant 16 : i32
        %add3A_480 = arith.addi %add3A_288, %add3A_479 : i32
        %dma_wait3A_481 = arith.constant 16 : i32
        %dma_wait3A_482 = arith.constant 0 : i32
        %dma_wait3A_483 = arith.constant 0 : i32
        %dma_wait3A_484 = tpu.memref_slice %arg12[%dma_wait3A_481, %dma_wait3A_482, %dma_wait3A_483] : memref<32x1x512xf32, #tpu.memory_space<vmem>> -> memref<16x1x512xf32, #tpu.memory_space<vmem>>
        %dma_wait3A_485 = arith.constant 0 : i32
        %dma_wait3A_486 = arith.constant 0 : i32
        %dma_wait3A_487 = tpu.memref_slice %arg5[%add3A_480, %dma_wait3A_485, %dma_wait3A_486] : memref<16384x1x512xf32, #tpu.memory_space<hbm>> -> memref<16x1x512xf32, #tpu.memory_space<hbm>>
        %dma_wait3A_488 = arith.constant 0 : i32
        %dma_wait3A_489 = arith.constant 0 : i32
        %dma_wait3A_490 = tpu.memref_slice %arg5[%add3A_480, %dma_wait3A_488, %dma_wait3A_489] : memref<16384x1x512xf32, #tpu.memory_space<hbm>> -> memref<16x1x512xf32, #tpu.memory_space<hbm>>
        %dma_wait3A_491 = arith.constant 16 : i32
        %dma_wait3A_492 = arith.constant 0 : i32
        %dma_wait3A_493 = arith.constant 0 : i32
        %dma_wait3A_494 = tpu.memref_slice %arg12[%dma_wait3A_491, %dma_wait3A_492, %dma_wait3A_493] : memref<32x1x512xf32, #tpu.memory_space<vmem>> -> memref<16x1x512xf32, #tpu.memory_space<vmem>>
        tpu.wait_dma2 semaphore(%arg16 : memref<!tpu.dma_semaphore, #tpu.memory_space<semaphore_mem>>) src(%dma_wait3A_494 : memref<16x1x512xf32, #tpu.memory_space<vmem>>) dst(%dma_wait3A_490 : memref<16x1x512xf32, #tpu.memory_space<hbm>>)
      } else {
      }
      %mul3A_300 = arith.constant 32 : i32
      %mul3A_301 = arith.muli %add3A_285, %mul3A_300 : i32
      %add3A_302 = arith.constant 0 : i32
      %add3A_303 = arith.addi %mul3A_301, %add3A_302 : i32
      %get3A_304 = arith.index_cast %add3A_303 : i32 to index
      %get3A_305 = tpu.vector_load %arg6[%get3A_304] {strides = array<i32>} : memref<512xi32, #tpu.memory_space<vmem>>, vector<16xi32>,
      %get3A_306 = vector.shape_cast %get3A_305 : vector<16xi32> to vector<16xi32>
      %slice3A_307 = vector.extract_strided_slice %get3A_306 {offsets = [0], sizes = [1], strides = [1]} : vector<16xi32> to vector<1xi32>
      %squeeze3A_308 = vector.extract %slice3A_307[0] : i32 from vector<1xi32>
      %slice3A_309 = vector.extract_strided_slice %get3A_306 {offsets = [1], sizes = [1], strides = [1]} : vector<16xi32> to vector<1xi32>
      %squeeze3A_310 = vector.extract %slice3A_309[0] : i32 from vector<1xi32>
      %slice3A_311 = vector.extract_strided_slice %get3A_306 {offsets = [2], sizes = [1], strides = [1]} : vector<16xi32> to vector<1xi32>
      %squeeze3A_312 = vector.extract %slice3A_311[0] : i32 from vector<1xi32>
      %slice3A_313 = vector.extract_strided_slice %get3A_306 {offsets = [3], sizes = [1], strides = [1]} : vector<16xi32> to vector<1xi32>
      %squeeze3A_314 = vector.extract %slice3A_313[0] : i32 from vector<1xi32>
      %slice3A_315 = vector.extract_strided_slice %get3A_306 {offsets = [4], sizes = [1], strides = [1]} : vector<16xi32> to vector<1xi32>
      %squeeze3A_316 = vector.extract %slice3A_315[0] : i32 from vector<1xi32>
      %slice3A_317 = vector.extract_strided_slice %get3A_306 {offsets = [5], sizes = [1], strides = [1]} : vector<16xi32> to vector<1xi32>
      %squeeze3A_318 = vector.extract %slice3A_317[0] : i32 from vector<1xi32>
      %slice3A_319 = vector.extract_strided_slice %get3A_306 {offsets = [6], sizes = [1], strides = [1]} : vector<16xi32> to vector<1xi32>
      %squeeze3A_320 = vector.extract %slice3A_319[0] : i32 from vector<1xi32>
      %slice3A_321 = vector.extract_strided_slice %get3A_306 {offsets = [7], sizes = [1], strides = [1]} : vector<16xi32> to vector<1xi32>
      %squeeze3A_322 = vector.extract %slice3A_321[0] : i32 from vector<1xi32>
      %slice3A_323 = vector.extract_strided_slice %get3A_306 {offsets = [8], sizes = [1], strides = [1]} : vector<16xi32> to vector<1xi32>
      %squeeze3A_324 = vector.extract %slice3A_323[0] : i32 from vector<1xi32>
      %slice3A_325 = vector.extract_strided_slice %get3A_306 {offsets = [9], sizes = [1], strides = [1]} : vector<16xi32> to vector<1xi32>
      %squeeze3A_326 = vector.extract %slice3A_325[0] : i32 from vector<1xi32>
      %slice3A_327 = vector.extract_strided_slice %get3A_306 {offsets = [10], sizes = [1], strides = [1]} : vector<16xi32> to vector<1xi32>
      %squeeze3A_328 = vector.extract %slice3A_327[0] : i32 from vector<1xi32>
      %slice3A_329 = vector.extract_strided_slice %get3A_306 {offsets = [11], sizes = [1], strides = [1]} : vector<16xi32> to vector<1xi32>
      %squeeze3A_330 = vector.extract %slice3A_329[0] : i32 from vector<1xi32>
      %slice3A_331 = vector.extract_strided_slice %get3A_306 {offsets = [12], sizes = [1], strides = [1]} : vector<16xi32> to vector<1xi32>
      %squeeze3A_332 = vector.extract %slice3A_331[0] : i32 from vector<1xi32>
      %slice3A_333 = vector.extract_strided_slice %get3A_306 {offsets = [13], sizes = [1], strides = [1]} : vector<16xi32> to vector<1xi32>
      %squeeze3A_334 = vector.extract %slice3A_333[0] : i32 from vector<1xi32>
      %slice3A_335 = vector.extract_strided_slice %get3A_306 {offsets = [14], sizes = [1], strides = [1]} : vector<16xi32> to vector<1xi32>
      %squeeze3A_336 = vector.extract %slice3A_335[0] : i32 from vector<1xi32>
      %slice3A_337 = vector.extract_strided_slice %get3A_306 {offsets = [15], sizes = [1], strides = [1]} : vector<16xi32> to vector<1xi32>
      %squeeze3A_338 = vector.extract %slice3A_337[0] : i32 from vector<1xi32>
      %parallel_loop3A_339 = arith.constant 0 : i32
      %parallel_loop3A_340 = arith.constant 32 : i32
      %parallel_loop3A_341 = arith.constant 1 : i32
      scf.for %parallel_loop3A_463 = %parallel_loop3A_339 to %parallel_loop3A_340 step %parallel_loop3A_341  : i32 {
        %parallel_loop3A_464 = arith.constant 16 : i32
        %parallel_loop3A_465 = arith.muli %parallel_loop3A_463, %parallel_loop3A_464 : i32
        %parallel_loop3A_466 = arith.constant 0 : i32
        %parallel_loop3A_467 = arith.constant 0 : i32
        %parallel_loop3A_468 = arith.index_cast %parallel_loop3A_466 : i32 to index
        %parallel_loop3A_469 = arith.index_cast %parallel_loop3A_467 : i32 to index
        %parallel_loop3A_470 = arith.index_cast %parallel_loop3A_465 : i32 to index
        %parallel_loop3A_471 = tpu.vector_load %arg11[%parallel_loop3A_468, %parallel_loop3A_469, %parallel_loop3A_470] {strides = array<i32>} : memref<32x1x512xf32, #tpu.memory_space<vmem>>, vector<1x1x16xf32>,
        %parallel_loop3A_472 = vector.shape_cast %parallel_loop3A_471 : vector<1x1x16xf32> to vector<16xf32>
        %parallel_loop3A_473 = arith.constant 0 : i32
        %parallel_loop3A_474 = arith.index_cast %squeeze3A_308 : i32 to index
        %parallel_loop3A_475 = arith.index_cast %parallel_loop3A_473 : i32 to index
        %parallel_loop3A_476 = arith.index_cast %parallel_loop3A_465 : i32 to index
        %parallel_loop3A_477 = tpu.vector_load %arg8[%parallel_loop3A_474, %parallel_loop3A_475, %parallel_loop3A_476] {strides = array<i32>} : memref<6x1x512xf32, #tpu.memory_space<vmem>>, vector<1x1x16xf32>,
        %parallel_loop3A_478 = vector.shape_cast %parallel_loop3A_477 : vector<1x1x16xf32> to vector<16xf32>
        %parallel_loop3A_479 = arith.addf %parallel_loop3A_472, %parallel_loop3A_478 : vector<16xf32>
        %parallel_loop3A_480 = arith.constant 0 : i32
        %parallel_loop3A_481 = arith.constant 0 : i32
        %parallel_loop3A_482 = arith.index_cast %parallel_loop3A_480 : i32 to index
        %parallel_loop3A_483 = arith.index_cast %parallel_loop3A_481 : i32 to index
        %parallel_loop3A_484 = arith.index_cast %parallel_loop3A_465 : i32 to index
        %parallel_loop3A_485 = tpu.vector_load %arg12[%parallel_loop3A_482, %parallel_loop3A_483, %parallel_loop3A_484] {strides = array<i32>} : memref<32x1x512xf32, #tpu.memory_space<vmem>>, vector<1x1x16xf32>,
        %parallel_loop3A_486 = vector.shape_cast %parallel_loop3A_485 : vector<1x1x16xf32> to vector<16xf32>
        %parallel_loop3A_487 = vector.shape_cast %parallel_loop3A_479 : vector<16xf32> to vector<1x1x16xf32>
        tpu.vector_store %arg12[%parallel_loop3A_482, %parallel_loop3A_483, %parallel_loop3A_484], %parallel_loop3A_487 {strides = array<i32>} : memref<32x1x512xf32, #tpu.memory_space<vmem>>, vector<1x1x16xf32>,
        %parallel_loop3A_488 = arith.constant 1 : i32
        %parallel_loop3A_489 = arith.constant 0 : i32
        %parallel_loop3A_490 = arith.index_cast %parallel_loop3A_488 : i32 to index
        %parallel_loop3A_491 = arith.index_cast %parallel_loop3A_489 : i32 to index
        %parallel_loop3A_492 = arith.index_cast %parallel_loop3A_465 : i32 to index
        %parallel_loop3A_493 = tpu.vector_load %arg11[%parallel_loop3A_490, %parallel_loop3A_491, %parallel_loop3A_492] {strides = array<i32>} : memref<32x1x512xf32, #tpu.memory_space<vmem>>, vector<1x1x16xf32>,
        %parallel_loop3A_494 = vector.shape_cast %parallel_loop3A_493 : vector<1x1x16xf32> to vector<16xf32>
        %parallel_loop3A_495 = arith.constant 0 : i32
        %parallel_loop3A_496 = arith.index_cast %squeeze3A_310 : i32 to index
        %parallel_loop3A_497 = arith.index_cast %parallel_loop3A_495 : i32 to index
        %parallel_loop3A_498 = arith.index_cast %parallel_loop3A_465 : i32 to index
        %parallel_loop3A_499 = tpu.vector_load %arg8[%parallel_loop3A_496, %parallel_loop3A_497, %parallel_loop3A_498] {strides = array<i32>} : memref<6x1x512xf32, #tpu.memory_space<vmem>>, vector<1x1x16xf32>,
        %parallel_loop3A_500 = vector.shape_cast %parallel_loop3A_499 : vector<1x1x16xf32> to vector<16xf32>
        %parallel_loop3A_501 = arith.addf %parallel_loop3A_494, %parallel_loop3A_500 : vector<16xf32>
        %parallel_loop3A_502 = arith.constant 1 : i32
        %parallel_loop3A_503 = arith.constant 0 : i32
        %parallel_loop3A_504 = arith.index_cast %parallel_loop3A_502 : i32 to index
        %parallel_loop3A_505 = arith.index_cast %parallel_loop3A_503 : i32 to index
        %parallel_loop3A_506 = arith.index_cast %parallel_loop3A_465 : i32 to index
        %parallel_loop3A_507 = tpu.vector_load %arg12[%parallel_loop3A_504, %parallel_loop3A_505, %parallel_loop3A_506] {strides = array<i32>} : memref<32x1x512xf32, #tpu.memory_space<vmem>>, vector<1x1x16xf32>,
        %parallel_loop3A_508 = vector.shape_cast %parallel_loop3A_507 : vector<1x1x16xf32> to vector<16xf32>
        %parallel_loop3A_509 = vector.shape_cast %parallel_loop3A_501 : vector<16xf32> to vector<1x1x16xf32>
        tpu.vector_store %arg12[%parallel_loop3A_504, %parallel_loop3A_505, %parallel_loop3A_506], %parallel_loop3A_509 {strides = array<i32>} : memref<32x1x512xf32, #tpu.memory_space<vmem>>, vector<1x1x16xf32>,
      } {sc.loop_unroll_factor = 2 : i64, sc.parallel_access}
      %parallel_loop3A_342 = arith.constant 0 : i32
      %parallel_loop3A_343 = arith.constant 32 : i32
      %parallel_loop3A_344 = arith.constant 1 : i32
      scf.for %parallel_loop3A_463 = %parallel_loop3A_342 to %parallel_loop3A_343 step %parallel_loop3A_344  : i32 {
        %parallel_loop3A_464 = arith.constant 16 : i32
        %parallel_loop3A_465 = arith.muli %parallel_loop3A_463, %parallel_loop3A_464 : i32
        %parallel_loop3A_466 = arith.constant 2 : i32
        %parallel_loop3A_467 = arith.constant 0 : i32
        %parallel_loop3A_468 = arith.index_cast %parallel_loop3A_466 : i32 to index
        %parallel_loop3A_469 = arith.index_cast %parallel_loop3A_467 : i32 to index
        %parallel_loop3A_470 = arith.index_cast %parallel_loop3A_465 : i32 to index
        %parallel_loop3A_471 = tpu.vector_load %arg11[%parallel_loop3A_468, %parallel_loop3A_469, %parallel_loop3A_470] {strides = array<i32>} : memref<32x1x512xf32, #tpu.memory_space<vmem>>, vector<1x1x16xf32>,
        %parallel_loop3A_472 = vector.shape_cast %parallel_loop3A_471 : vector<1x1x16xf32> to vector<16xf32>
        %parallel_loop3A_473 = arith.constant 0 : i32
        %parallel_loop3A_474 = arith.index_cast %squeeze3A_312 : i32 to index
        %parallel_loop3A_475 = arith.index_cast %parallel_loop3A_473 : i32 to index
        %parallel_loop3A_476 = arith.index_cast %parallel_loop3A_465 : i32 to index
        %parallel_loop3A_477 = tpu.vector_load %arg8[%parallel_loop3A_474, %parallel_loop3A_475, %parallel_loop3A_476] {strides = array<i32>} : memref<6x1x512xf32, #tpu.memory_space<vmem>>, vector<1x1x16xf32>,
        %parallel_loop3A_478 = vector.shape_cast %parallel_loop3A_477 : vector<1x1x16xf32> to vector<16xf32>
        %parallel_loop3A_479 = arith.addf %parallel_loop3A_472, %parallel_loop3A_478 : vector<16xf32>
        %parallel_loop3A_480 = arith.constant 2 : i32
        %parallel_loop3A_481 = arith.constant 0 : i32
        %parallel_loop3A_482 = arith.index_cast %parallel_loop3A_480 : i32 to index
        %parallel_loop3A_483 = arith.index_cast %parallel_loop3A_481 : i32 to index
        %parallel_loop3A_484 = arith.index_cast %parallel_loop3A_465 : i32 to index
        %parallel_loop3A_485 = tpu.vector_load %arg12[%parallel_loop3A_482, %parallel_loop3A_483, %parallel_loop3A_484] {strides = array<i32>} : memref<32x1x512xf32, #tpu.memory_space<vmem>>, vector<1x1x16xf32>,
        %parallel_loop3A_486 = vector.shape_cast %parallel_loop3A_485 : vector<1x1x16xf32> to vector<16xf32>
        %parallel_loop3A_487 = vector.shape_cast %parallel_loop3A_479 : vector<16xf32> to vector<1x1x16xf32>
        tpu.vector_store %arg12[%parallel_loop3A_482, %parallel_loop3A_483, %parallel_loop3A_484], %parallel_loop3A_487 {strides = array<i32>} : memref<32x1x512xf32, #tpu.memory_space<vmem>>, vector<1x1x16xf32>,
        %parallel_loop3A_488 = arith.constant 3 : i32
        %parallel_loop3A_489 = arith.constant 0 : i32
        %parallel_loop3A_490 = arith.index_cast %parallel_loop3A_488 : i32 to index
        %parallel_loop3A_491 = arith.index_cast %parallel_loop3A_489 : i32 to index
        %parallel_loop3A_492 = arith.index_cast %parallel_loop3A_465 : i32 to index
        %parallel_loop3A_493 = tpu.vector_load %arg11[%parallel_loop3A_490, %parallel_loop3A_491, %parallel_loop3A_492] {strides = array<i32>} : memref<32x1x512xf32, #tpu.memory_space<vmem>>, vector<1x1x16xf32>,
        %parallel_loop3A_494 = vector.shape_cast %parallel_loop3A_493 : vector<1x1x16xf32> to vector<16xf32>
        %parallel_loop3A_495 = arith.constant 0 : i32
        %parallel_loop3A_496 = arith.index_cast %squeeze3A_314 : i32 to index
        %parallel_loop3A_497 = arith.index_cast %parallel_loop3A_495 : i32 to index
        %parallel_loop3A_498 = arith.index_cast %parallel_loop3A_465 : i32 to index
        %parallel_loop3A_499 = tpu.vector_load %arg8[%parallel_loop3A_496, %parallel_loop3A_497, %parallel_loop3A_498] {strides = array<i32>} : memref<6x1x512xf32, #tpu.memory_space<vmem>>, vector<1x1x16xf32>,
        %parallel_loop3A_500 = vector.shape_cast %parallel_loop3A_499 : vector<1x1x16xf32> to vector<16xf32>
        %parallel_loop3A_501 = arith.addf %parallel_loop3A_494, %parallel_loop3A_500 : vector<16xf32>
        %parallel_loop3A_502 = arith.constant 3 : i32
        %parallel_loop3A_503 = arith.constant 0 : i32
        %parallel_loop3A_504 = arith.index_cast %parallel_loop3A_502 : i32 to index
        %parallel_loop3A_505 = arith.index_cast %parallel_loop3A_503 : i32 to index
        %parallel_loop3A_506 = arith.index_cast %parallel_loop3A_465 : i32 to index
        %parallel_loop3A_507 = tpu.vector_load %arg12[%parallel_loop3A_504, %parallel_loop3A_505, %parallel_loop3A_506] {strides = array<i32>} : memref<32x1x512xf32, #tpu.memory_space<vmem>>, vector<1x1x16xf32>,
        %parallel_loop3A_508 = vector.shape_cast %parallel_loop3A_507 : vector<1x1x16xf32> to vector<16xf32>
        %parallel_loop3A_509 = vector.shape_cast %parallel_loop3A_501 : vector<16xf32> to vector<1x1x16xf32>
        tpu.vector_store %arg12[%parallel_loop3A_504, %parallel_loop3A_505, %parallel_loop3A_506], %parallel_loop3A_509 {strides = array<i32>} : memref<32x1x512xf32, #tpu.memory_space<vmem>>, vector<1x1x16xf32>,
      } {sc.loop_unroll_factor = 2 : i64, sc.parallel_access}
      %parallel_loop3A_345 = arith.constant 0 : i32
      %parallel_loop3A_346 = arith.constant 32 : i32
      %parallel_loop3A_347 = arith.constant 1 : i32
      scf.for %parallel_loop3A_463 = %parallel_loop3A_345 to %parallel_loop3A_346 step %parallel_loop3A_347  : i32 {
        %parallel_loop3A_464 = arith.constant 16 : i32
        %parallel_loop3A_465 = arith.muli %parallel_loop3A_463, %parallel_loop3A_464 : i32
        %parallel_loop3A_466 = arith.constant 4 : i32
        %parallel_loop3A_467 = arith.constant 0 : i32
        %parallel_loop3A_468 = arith.index_cast %parallel_loop3A_466 : i32 to index
        %parallel_loop3A_469 = arith.index_cast %parallel_loop3A_467 : i32 to index
        %parallel_loop3A_470 = arith.index_cast %parallel_loop3A_465 : i32 to index
        %parallel_loop3A_471 = tpu.vector_load %arg11[%parallel_loop3A_468, %parallel_loop3A_469, %parallel_loop3A_470] {strides = array<i32>} : memref<32x1x512xf32, #tpu.memory_space<vmem>>, vector<1x1x16xf32>,
        %parallel_loop3A_472 = vector.shape_cast %parallel_loop3A_471 : vector<1x1x16xf32> to vector<16xf32>
        %parallel_loop3A_473 = arith.constant 0 : i32
        %parallel_loop3A_474 = arith.index_cast %squeeze3A_316 : i32 to index
        %parallel_loop3A_475 = arith.index_cast %parallel_loop3A_473 : i32 to index
        %parallel_loop3A_476 = arith.index_cast %parallel_loop3A_465 : i32 to index
        %parallel_loop3A_477 = tpu.vector_load %arg8[%parallel_loop3A_474, %parallel_loop3A_475, %parallel_loop3A_476] {strides = array<i32>} : memref<6x1x512xf32, #tpu.memory_space<vmem>>, vector<1x1x16xf32>,
        %parallel_loop3A_478 = vector.shape_cast %parallel_loop3A_477 : vector<1x1x16xf32> to vector<16xf32>
        %parallel_loop3A_479 = arith.addf %parallel_loop3A_472, %parallel_loop3A_478 : vector<16xf32>
        %parallel_loop3A_480 = arith.constant 4 : i32
        %parallel_loop3A_481 = arith.constant 0 : i32
        %parallel_loop3A_482 = arith.index_cast %parallel_loop3A_480 : i32 to index
        %parallel_loop3A_483 = arith.index_cast %parallel_loop3A_481 : i32 to index
        %parallel_loop3A_484 = arith.index_cast %parallel_loop3A_465 : i32 to index
        %parallel_loop3A_485 = tpu.vector_load %arg12[%parallel_loop3A_482, %parallel_loop3A_483, %parallel_loop3A_484] {strides = array<i32>} : memref<32x1x512xf32, #tpu.memory_space<vmem>>, vector<1x1x16xf32>,
        %parallel_loop3A_486 = vector.shape_cast %parallel_loop3A_485 : vector<1x1x16xf32> to vector<16xf32>
        %parallel_loop3A_487 = vector.shape_cast %parallel_loop3A_479 : vector<16xf32> to vector<1x1x16xf32>
        tpu.vector_store %arg12[%parallel_loop3A_482, %parallel_loop3A_483, %parallel_loop3A_484], %parallel_loop3A_487 {strides = array<i32>} : memref<32x1x512xf32, #tpu.memory_space<vmem>>, vector<1x1x16xf32>,
        %parallel_loop3A_488 = arith.constant 5 : i32
        %parallel_loop3A_489 = arith.constant 0 : i32
        %parallel_loop3A_490 = arith.index_cast %parallel_loop3A_488 : i32 to index
        %parallel_loop3A_491 = arith.index_cast %parallel_loop3A_489 : i32 to index
        %parallel_loop3A_492 = arith.index_cast %parallel_loop3A_465 : i32 to index
        %parallel_loop3A_493 = tpu.vector_load %arg11[%parallel_loop3A_490, %parallel_loop3A_491, %parallel_loop3A_492] {strides = array<i32>} : memref<32x1x512xf32, #tpu.memory_space<vmem>>, vector<1x1x16xf32>,
        %parallel_loop3A_494 = vector.shape_cast %parallel_loop3A_493 : vector<1x1x16xf32> to vector<16xf32>
        %parallel_loop3A_495 = arith.constant 0 : i32
        %parallel_loop3A_496 = arith.index_cast %squeeze3A_318 : i32 to index
        %parallel_loop3A_497 = arith.index_cast %parallel_loop3A_495 : i32 to index
        %parallel_loop3A_498 = arith.index_cast %parallel_loop3A_465 : i32 to index
        %parallel_loop3A_499 = tpu.vector_load %arg8[%parallel_loop3A_496, %parallel_loop3A_497, %parallel_loop3A_498] {strides = array<i32>} : memref<6x1x512xf32, #tpu.memory_space<vmem>>, vector<1x1x16xf32>,
        %parallel_loop3A_500 = vector.shape_cast %parallel_loop3A_499 : vector<1x1x16xf32> to vector<16xf32>
        %parallel_loop3A_501 = arith.addf %parallel_loop3A_494, %parallel_loop3A_500 : vector<16xf32>
        %parallel_loop3A_502 = arith.constant 5 : i32
        %parallel_loop3A_503 = arith.constant 0 : i32
        %parallel_loop3A_504 = arith.index_cast %parallel_loop3A_502 : i32 to index
        %parallel_loop3A_505 = arith.index_cast %parallel_loop3A_503 : i32 to index
        %parallel_loop3A_506 = arith.index_cast %parallel_loop3A_465 : i32 to index
        %parallel_loop3A_507 = tpu.vector_load %arg12[%parallel_loop3A_504, %parallel_loop3A_505, %parallel_loop3A_506] {strides = array<i32>} : memref<32x1x512xf32, #tpu.memory_space<vmem>>, vector<1x1x16xf32>,
        %parallel_loop3A_508 = vector.shape_cast %parallel_loop3A_507 : vector<1x1x16xf32> to vector<16xf32>
        %parallel_loop3A_509 = vector.shape_cast %parallel_loop3A_501 : vector<16xf32> to vector<1x1x16xf32>
        tpu.vector_store %arg12[%parallel_loop3A_504, %parallel_loop3A_505, %parallel_loop3A_506], %parallel_loop3A_509 {strides = array<i32>} : memref<32x1x512xf32, #tpu.memory_space<vmem>>, vector<1x1x16xf32>,
      } {sc.loop_unroll_factor = 2 : i64, sc.parallel_access}
      %parallel_loop3A_348 = arith.constant 0 : i32
      %parallel_loop3A_349 = arith.constant 32 : i32
      %parallel_loop3A_350 = arith.constant 1 : i32
      scf.for %parallel_loop3A_463 = %parallel_loop3A_348 to %parallel_loop3A_349 step %parallel_loop3A_350  : i32 {
        %parallel_loop3A_464 = arith.constant 16 : i32
        %parallel_loop3A_465 = arith.muli %parallel_loop3A_463, %parallel_loop3A_464 : i32
        %parallel_loop3A_466 = arith.constant 6 : i32
        %parallel_loop3A_467 = arith.constant 0 : i32
        %parallel_loop3A_468 = arith.index_cast %parallel_loop3A_466 : i32 to index
        %parallel_loop3A_469 = arith.index_cast %parallel_loop3A_467 : i32 to index
        %parallel_loop3A_470 = arith.index_cast %parallel_loop3A_465 : i32 to index
        %parallel_loop3A_471 = tpu.vector_load %arg11[%parallel_loop3A_468, %parallel_loop3A_469, %parallel_loop3A_470] {strides = array<i32>} : memref<32x1x512xf32, #tpu.memory_space<vmem>>, vector<1x1x16xf32>,
        %parallel_loop3A_472 = vector.shape_cast %parallel_loop3A_471 : vector<1x1x16xf32> to vector<16xf32>
        %parallel_loop3A_473 = arith.constant 0 : i32
        %parallel_loop3A_474 = arith.index_cast %squeeze3A_320 : i32 to index
        %parallel_loop3A_475 = arith.index_cast %parallel_loop3A_473 : i32 to index
        %parallel_loop3A_476 = arith.index_cast %parallel_loop3A_465 : i32 to index
        %parallel_loop3A_477 = tpu.vector_load %arg8[%parallel_loop3A_474, %parallel_loop3A_475, %parallel_loop3A_476] {strides = array<i32>} : memref<6x1x512xf32, #tpu.memory_space<vmem>>, vector<1x1x16xf32>,
        %parallel_loop3A_478 = vector.shape_cast %parallel_loop3A_477 : vector<1x1x16xf32> to vector<16xf32>
        %parallel_loop3A_479 = arith.addf %parallel_loop3A_472, %parallel_loop3A_478 : vector<16xf32>
        %parallel_loop3A_480 = arith.constant 6 : i32
        %parallel_loop3A_481 = arith.constant 0 : i32
        %parallel_loop3A_482 = arith.index_cast %parallel_loop3A_480 : i32 to index
        %parallel_loop3A_483 = arith.index_cast %parallel_loop3A_481 : i32 to index
        %parallel_loop3A_484 = arith.index_cast %parallel_loop3A_465 : i32 to index
        %parallel_loop3A_485 = tpu.vector_load %arg12[%parallel_loop3A_482, %parallel_loop3A_483, %parallel_loop3A_484] {strides = array<i32>} : memref<32x1x512xf32, #tpu.memory_space<vmem>>, vector<1x1x16xf32>,
        %parallel_loop3A_486 = vector.shape_cast %parallel_loop3A_485 : vector<1x1x16xf32> to vector<16xf32>
        %parallel_loop3A_487 = vector.shape_cast %parallel_loop3A_479 : vector<16xf32> to vector<1x1x16xf32>
        tpu.vector_store %arg12[%parallel_loop3A_482, %parallel_loop3A_483, %parallel_loop3A_484], %parallel_loop3A_487 {strides = array<i32>} : memref<32x1x512xf32, #tpu.memory_space<vmem>>, vector<1x1x16xf32>,
        %parallel_loop3A_488 = arith.constant 7 : i32
        %parallel_loop3A_489 = arith.constant 0 : i32
        %parallel_loop3A_490 = arith.index_cast %parallel_loop3A_488 : i32 to index
        %parallel_loop3A_491 = arith.index_cast %parallel_loop3A_489 : i32 to index
        %parallel_loop3A_492 = arith.index_cast %parallel_loop3A_465 : i32 to index
        %parallel_loop3A_493 = tpu.vector_load %arg11[%parallel_loop3A_490, %parallel_loop3A_491, %parallel_loop3A_492] {strides = array<i32>} : memref<32x1x512xf32, #tpu.memory_space<vmem>>, vector<1x1x16xf32>,
        %parallel_loop3A_494 = vector.shape_cast %parallel_loop3A_493 : vector<1x1x16xf32> to vector<16xf32>
        %parallel_loop3A_495 = arith.constant 0 : i32
        %parallel_loop3A_496 = arith.index_cast %squeeze3A_322 : i32 to index
        %parallel_loop3A_497 = arith.index_cast %parallel_loop3A_495 : i32 to index
        %parallel_loop3A_498 = arith.index_cast %parallel_loop3A_465 : i32 to index
        %parallel_loop3A_499 = tpu.vector_load %arg8[%parallel_loop3A_496, %parallel_loop3A_497, %parallel_loop3A_498] {strides = array<i32>} : memref<6x1x512xf32, #tpu.memory_space<vmem>>, vector<1x1x16xf32>,
        %parallel_loop3A_500 = vector.shape_cast %parallel_loop3A_499 : vector<1x1x16xf32> to vector<16xf32>
        %parallel_loop3A_501 = arith.addf %parallel_loop3A_494, %parallel_loop3A_500 : vector<16xf32>
        %parallel_loop3A_502 = arith.constant 7 : i32
        %parallel_loop3A_503 = arith.constant 0 : i32
        %parallel_loop3A_504 = arith.index_cast %parallel_loop3A_502 : i32 to index
        %parallel_loop3A_505 = arith.index_cast %parallel_loop3A_503 : i32 to index
        %parallel_loop3A_506 = arith.index_cast %parallel_loop3A_465 : i32 to index
        %parallel_loop3A_507 = tpu.vector_load %arg12[%parallel_loop3A_504, %parallel_loop3A_505, %parallel_loop3A_506] {strides = array<i32>} : memref<32x1x512xf32, #tpu.memory_space<vmem>>, vector<1x1x16xf32>,
        %parallel_loop3A_508 = vector.shape_cast %parallel_loop3A_507 : vector<1x1x16xf32> to vector<16xf32>
        %parallel_loop3A_509 = vector.shape_cast %parallel_loop3A_501 : vector<16xf32> to vector<1x1x16xf32>
        tpu.vector_store %arg12[%parallel_loop3A_504, %parallel_loop3A_505, %parallel_loop3A_506], %parallel_loop3A_509 {strides = array<i32>} : memref<32x1x512xf32, #tpu.memory_space<vmem>>, vector<1x1x16xf32>,
      } {sc.loop_unroll_factor = 2 : i64, sc.parallel_access}
      %parallel_loop3A_351 = arith.constant 0 : i32
      %parallel_loop3A_352 = arith.constant 32 : i32
      %parallel_loop3A_353 = arith.constant 1 : i32
      scf.for %parallel_loop3A_463 = %parallel_loop3A_351 to %parallel_loop3A_352 step %parallel_loop3A_353  : i32 {
        %parallel_loop3A_464 = arith.constant 16 : i32
        %parallel_loop3A_465 = arith.muli %parallel_loop3A_463, %parallel_loop3A_464 : i32
        %parallel_loop3A_466 = arith.constant 8 : i32
        %parallel_loop3A_467 = arith.constant 0 : i32
        %parallel_loop3A_468 = arith.index_cast %parallel_loop3A_466 : i32 to index
        %parallel_loop3A_469 = arith.index_cast %parallel_loop3A_467 : i32 to index
        %parallel_loop3A_470 = arith.index_cast %parallel_loop3A_465 : i32 to index
        %parallel_loop3A_471 = tpu.vector_load %arg11[%parallel_loop3A_468, %parallel_loop3A_469, %parallel_loop3A_470] {strides = array<i32>} : memref<32x1x512xf32, #tpu.memory_space<vmem>>, vector<1x1x16xf32>,
        %parallel_loop3A_472 = vector.shape_cast %parallel_loop3A_471 : vector<1x1x16xf32> to vector<16xf32>
        %parallel_loop3A_473 = arith.constant 0 : i32
        %parallel_loop3A_474 = arith.index_cast %squeeze3A_324 : i32 to index
        %parallel_loop3A_475 = arith.index_cast %parallel_loop3A_473 : i32 to index
        %parallel_loop3A_476 = arith.index_cast %parallel_loop3A_465 : i32 to index
        %parallel_loop3A_477 = tpu.vector_load %arg8[%parallel_loop3A_474, %parallel_loop3A_475, %parallel_loop3A_476] {strides = array<i32>} : memref<6x1x512xf32, #tpu.memory_space<vmem>>, vector<1x1x16xf32>,
        %parallel_loop3A_478 = vector.shape_cast %parallel_loop3A_477 : vector<1x1x16xf32> to vector<16xf32>
        %parallel_loop3A_479 = arith.addf %parallel_loop3A_472, %parallel_loop3A_478 : vector<16xf32>
        %parallel_loop3A_480 = arith.constant 8 : i32
        %parallel_loop3A_481 = arith.constant 0 : i32
        %parallel_loop3A_482 = arith.index_cast %parallel_loop3A_480 : i32 to index
        %parallel_loop3A_483 = arith.index_cast %parallel_loop3A_481 : i32 to index
        %parallel_loop3A_484 = arith.index_cast %parallel_loop3A_465 : i32 to index
        %parallel_loop3A_485 = tpu.vector_load %arg12[%parallel_loop3A_482, %parallel_loop3A_483, %parallel_loop3A_484] {strides = array<i32>} : memref<32x1x512xf32, #tpu.memory_space<vmem>>, vector<1x1x16xf32>,
        %parallel_loop3A_486 = vector.shape_cast %parallel_loop3A_485 : vector<1x1x16xf32> to vector<16xf32>
        %parallel_loop3A_487 = vector.shape_cast %parallel_loop3A_479 : vector<16xf32> to vector<1x1x16xf32>
        tpu.vector_store %arg12[%parallel_loop3A_482, %parallel_loop3A_483, %parallel_loop3A_484], %parallel_loop3A_487 {strides = array<i32>} : memref<32x1x512xf32, #tpu.memory_space<vmem>>, vector<1x1x16xf32>,
        %parallel_loop3A_488 = arith.constant 9 : i32
        %parallel_loop3A_489 = arith.constant 0 : i32
        %parallel_loop3A_490 = arith.index_cast %parallel_loop3A_488 : i32 to index
        %parallel_loop3A_491 = arith.index_cast %parallel_loop3A_489 : i32 to index
        %parallel_loop3A_492 = arith.index_cast %parallel_loop3A_465 : i32 to index
        %parallel_loop3A_493 = tpu.vector_load %arg11[%parallel_loop3A_490, %parallel_loop3A_491, %parallel_loop3A_492] {strides = array<i32>} : memref<32x1x512xf32, #tpu.memory_space<vmem>>, vector<1x1x16xf32>,
        %parallel_loop3A_494 = vector.shape_cast %parallel_loop3A_493 : vector<1x1x16xf32> to vector<16xf32>
        %parallel_loop3A_495 = arith.constant 0 : i32
        %parallel_loop3A_496 = arith.index_cast %squeeze3A_326 : i32 to index
        %parallel_loop3A_497 = arith.index_cast %parallel_loop3A_495 : i32 to index
        %parallel_loop3A_498 = arith.index_cast %parallel_loop3A_465 : i32 to index
        %parallel_loop3A_499 = tpu.vector_load %arg8[%parallel_loop3A_496, %parallel_loop3A_497, %parallel_loop3A_498] {strides = array<i32>} : memref<6x1x512xf32, #tpu.memory_space<vmem>>, vector<1x1x16xf32>,
        %parallel_loop3A_500 = vector.shape_cast %parallel_loop3A_499 : vector<1x1x16xf32> to vector<16xf32>
        %parallel_loop3A_501 = arith.addf %parallel_loop3A_494, %parallel_loop3A_500 : vector<16xf32>
        %parallel_loop3A_502 = arith.constant 9 : i32
        %parallel_loop3A_503 = arith.constant 0 : i32
        %parallel_loop3A_504 = arith.index_cast %parallel_loop3A_502 : i32 to index
        %parallel_loop3A_505 = arith.index_cast %parallel_loop3A_503 : i32 to index
        %parallel_loop3A_506 = arith.index_cast %parallel_loop3A_465 : i32 to index
        %parallel_loop3A_507 = tpu.vector_load %arg12[%parallel_loop3A_504, %parallel_loop3A_505, %parallel_loop3A_506] {strides = array<i32>} : memref<32x1x512xf32, #tpu.memory_space<vmem>>, vector<1x1x16xf32>,
        %parallel_loop3A_508 = vector.shape_cast %parallel_loop3A_507 : vector<1x1x16xf32> to vector<16xf32>
        %parallel_loop3A_509 = vector.shape_cast %parallel_loop3A_501 : vector<16xf32> to vector<1x1x16xf32>
        tpu.vector_store %arg12[%parallel_loop3A_504, %parallel_loop3A_505, %parallel_loop3A_506], %parallel_loop3A_509 {strides = array<i32>} : memref<32x1x512xf32, #tpu.memory_space<vmem>>, vector<1x1x16xf32>,
      } {sc.loop_unroll_factor = 2 : i64, sc.parallel_access}
      %parallel_loop3A_354 = arith.constant 0 : i32
      %parallel_loop3A_355 = arith.constant 32 : i32
      %parallel_loop3A_356 = arith.constant 1 : i32
      scf.for %parallel_loop3A_463 = %parallel_loop3A_354 to %parallel_loop3A_355 step %parallel_loop3A_356  : i32 {
        %parallel_loop3A_464 = arith.constant 16 : i32
        %parallel_loop3A_465 = arith.muli %parallel_loop3A_463, %parallel_loop3A_464 : i32
        %parallel_loop3A_466 = arith.constant 10 : i32
        %parallel_loop3A_467 = arith.constant 0 : i32
        %parallel_loop3A_468 = arith.index_cast %parallel_loop3A_466 : i32 to index
        %parallel_loop3A_469 = arith.index_cast %parallel_loop3A_467 : i32 to index
        %parallel_loop3A_470 = arith.index_cast %parallel_loop3A_465 : i32 to index
        %parallel_loop3A_471 = tpu.vector_load %arg11[%parallel_loop3A_468, %parallel_loop3A_469, %parallel_loop3A_470] {strides = array<i32>} : memref<32x1x512xf32, #tpu.memory_space<vmem>>, vector<1x1x16xf32>,
        %parallel_loop3A_472 = vector.shape_cast %parallel_loop3A_471 : vector<1x1x16xf32> to vector<16xf32>
        %parallel_loop3A_473 = arith.constant 0 : i32
        %parallel_loop3A_474 = arith.index_cast %squeeze3A_328 : i32 to index
        %parallel_loop3A_475 = arith.index_cast %parallel_loop3A_473 : i32 to index
        %parallel_loop3A_476 = arith.index_cast %parallel_loop3A_465 : i32 to index
        %parallel_loop3A_477 = tpu.vector_load %arg8[%parallel_loop3A_474, %parallel_loop3A_475, %parallel_loop3A_476] {strides = array<i32>} : memref<6x1x512xf32, #tpu.memory_space<vmem>>, vector<1x1x16xf32>,
        %parallel_loop3A_478 = vector.shape_cast %parallel_loop3A_477 : vector<1x1x16xf32> to vector<16xf32>
        %parallel_loop3A_479 = arith.addf %parallel_loop3A_472, %parallel_loop3A_478 : vector<16xf32>
        %parallel_loop3A_480 = arith.constant 10 : i32
        %parallel_loop3A_481 = arith.constant 0 : i32
        %parallel_loop3A_482 = arith.index_cast %parallel_loop3A_480 : i32 to index
        %parallel_loop3A_483 = arith.index_cast %parallel_loop3A_481 : i32 to index
        %parallel_loop3A_484 = arith.index_cast %parallel_loop3A_465 : i32 to index
        %parallel_loop3A_485 = tpu.vector_load %arg12[%parallel_loop3A_482, %parallel_loop3A_483, %parallel_loop3A_484] {strides = array<i32>} : memref<32x1x512xf32, #tpu.memory_space<vmem>>, vector<1x1x16xf32>,
        %parallel_loop3A_486 = vector.shape_cast %parallel_loop3A_485 : vector<1x1x16xf32> to vector<16xf32>
        %parallel_loop3A_487 = vector.shape_cast %parallel_loop3A_479 : vector<16xf32> to vector<1x1x16xf32>
        tpu.vector_store %arg12[%parallel_loop3A_482, %parallel_loop3A_483, %parallel_loop3A_484], %parallel_loop3A_487 {strides = array<i32>} : memref<32x1x512xf32, #tpu.memory_space<vmem>>, vector<1x1x16xf32>,
        %parallel_loop3A_488 = arith.constant 11 : i32
        %parallel_loop3A_489 = arith.constant 0 : i32
        %parallel_loop3A_490 = arith.index_cast %parallel_loop3A_488 : i32 to index
        %parallel_loop3A_491 = arith.index_cast %parallel_loop3A_489 : i32 to index
        %parallel_loop3A_492 = arith.index_cast %parallel_loop3A_465 : i32 to index
        %parallel_loop3A_493 = tpu.vector_load %arg11[%parallel_loop3A_490, %parallel_loop3A_491, %parallel_loop3A_492] {strides = array<i32>} : memref<32x1x512xf32, #tpu.memory_space<vmem>>, vector<1x1x16xf32>,
        %parallel_loop3A_494 = vector.shape_cast %parallel_loop3A_493 : vector<1x1x16xf32> to vector<16xf32>
        %parallel_loop3A_495 = arith.constant 0 : i32
        %parallel_loop3A_496 = arith.index_cast %squeeze3A_330 : i32 to index
        %parallel_loop3A_497 = arith.index_cast %parallel_loop3A_495 : i32 to index
        %parallel_loop3A_498 = arith.index_cast %parallel_loop3A_465 : i32 to index
        %parallel_loop3A_499 = tpu.vector_load %arg8[%parallel_loop3A_496, %parallel_loop3A_497, %parallel_loop3A_498] {strides = array<i32>} : memref<6x1x512xf32, #tpu.memory_space<vmem>>, vector<1x1x16xf32>,
        %parallel_loop3A_500 = vector.shape_cast %parallel_loop3A_499 : vector<1x1x16xf32> to vector<16xf32>
        %parallel_loop3A_501 = arith.addf %parallel_loop3A_494, %parallel_loop3A_500 : vector<16xf32>
        %parallel_loop3A_502 = arith.constant 11 : i32
        %parallel_loop3A_503 = arith.constant 0 : i32
        %parallel_loop3A_504 = arith.index_cast %parallel_loop3A_502 : i32 to index
        %parallel_loop3A_505 = arith.index_cast %parallel_loop3A_503 : i32 to index
        %parallel_loop3A_506 = arith.index_cast %parallel_loop3A_465 : i32 to index
        %parallel_loop3A_507 = tpu.vector_load %arg12[%parallel_loop3A_504, %parallel_loop3A_505, %parallel_loop3A_506] {strides = array<i32>} : memref<32x1x512xf32, #tpu.memory_space<vmem>>, vector<1x1x16xf32>,
        %parallel_loop3A_508 = vector.shape_cast %parallel_loop3A_507 : vector<1x1x16xf32> to vector<16xf32>
        %parallel_loop3A_509 = vector.shape_cast %parallel_loop3A_501 : vector<16xf32> to vector<1x1x16xf32>
        tpu.vector_store %arg12[%parallel_loop3A_504, %parallel_loop3A_505, %parallel_loop3A_506], %parallel_loop3A_509 {strides = array<i32>} : memref<32x1x512xf32, #tpu.memory_space<vmem>>, vector<1x1x16xf32>,
      } {sc.loop_unroll_factor = 2 : i64, sc.parallel_access}
      %parallel_loop3A_357 = arith.constant 0 : i32
      %parallel_loop3A_358 = arith.constant 32 : i32
      %parallel_loop3A_359 = arith.constant 1 : i32
      scf.for %parallel_loop3A_463 = %parallel_loop3A_357 to %parallel_loop3A_358 step %parallel_loop3A_359  : i32 {
        %parallel_loop3A_464 = arith.constant 16 : i32
        %parallel_loop3A_465 = arith.muli %parallel_loop3A_463, %parallel_loop3A_464 : i32
        %parallel_loop3A_466 = arith.constant 12 : i32
        %parallel_loop3A_467 = arith.constant 0 : i32
        %parallel_loop3A_468 = arith.index_cast %parallel_loop3A_466 : i32 to index
        %parallel_loop3A_469 = arith.index_cast %parallel_loop3A_467 : i32 to index
        %parallel_loop3A_470 = arith.index_cast %parallel_loop3A_465 : i32 to index
        %parallel_loop3A_471 = tpu.vector_load %arg11[%parallel_loop3A_468, %parallel_loop3A_469, %parallel_loop3A_470] {strides = array<i32>} : memref<32x1x512xf32, #tpu.memory_space<vmem>>, vector<1x1x16xf32>,
        %parallel_loop3A_472 = vector.shape_cast %parallel_loop3A_471 : vector<1x1x16xf32> to vector<16xf32>
        %parallel_loop3A_473 = arith.constant 0 : i32
        %parallel_loop3A_474 = arith.index_cast %squeeze3A_332 : i32 to index
        %parallel_loop3A_475 = arith.index_cast %parallel_loop3A_473 : i32 to index
        %parallel_loop3A_476 = arith.index_cast %parallel_loop3A_465 : i32 to index
        %parallel_loop3A_477 = tpu.vector_load %arg8[%parallel_loop3A_474, %parallel_loop3A_475, %parallel_loop3A_476] {strides = array<i32>} : memref<6x1x512xf32, #tpu.memory_space<vmem>>, vector<1x1x16xf32>,
        %parallel_loop3A_478 = vector.shape_cast %parallel_loop3A_477 : vector<1x1x16xf32> to vector<16xf32>
        %parallel_loop3A_479 = arith.addf %parallel_loop3A_472, %parallel_loop3A_478 : vector<16xf32>
        %parallel_loop3A_480 = arith.constant 12 : i32
        %parallel_loop3A_481 = arith.constant 0 : i32
        %parallel_loop3A_482 = arith.index_cast %parallel_loop3A_480 : i32 to index
        %parallel_loop3A_483 = arith.index_cast %parallel_loop3A_481 : i32 to index
        %parallel_loop3A_484 = arith.index_cast %parallel_loop3A_465 : i32 to index
        %parallel_loop3A_485 = tpu.vector_load %arg12[%parallel_loop3A_482, %parallel_loop3A_483, %parallel_loop3A_484] {strides = array<i32>} : memref<32x1x512xf32, #tpu.memory_space<vmem>>, vector<1x1x16xf32>,
        %parallel_loop3A_486 = vector.shape_cast %parallel_loop3A_485 : vector<1x1x16xf32> to vector<16xf32>
        %parallel_loop3A_487 = vector.shape_cast %parallel_loop3A_479 : vector<16xf32> to vector<1x1x16xf32>
        tpu.vector_store %arg12[%parallel_loop3A_482, %parallel_loop3A_483, %parallel_loop3A_484], %parallel_loop3A_487 {strides = array<i32>} : memref<32x1x512xf32, #tpu.memory_space<vmem>>, vector<1x1x16xf32>,
        %parallel_loop3A_488 = arith.constant 13 : i32
        %parallel_loop3A_489 = arith.constant 0 : i32
        %parallel_loop3A_490 = arith.index_cast %parallel_loop3A_488 : i32 to index
        %parallel_loop3A_491 = arith.index_cast %parallel_loop3A_489 : i32 to index
        %parallel_loop3A_492 = arith.index_cast %parallel_loop3A_465 : i32 to index
        %parallel_loop3A_493 = tpu.vector_load %arg11[%parallel_loop3A_490, %parallel_loop3A_491, %parallel_loop3A_492] {strides = array<i32>} : memref<32x1x512xf32, #tpu.memory_space<vmem>>, vector<1x1x16xf32>,
        %parallel_loop3A_494 = vector.shape_cast %parallel_loop3A_493 : vector<1x1x16xf32> to vector<16xf32>
        %parallel_loop3A_495 = arith.constant 0 : i32
        %parallel_loop3A_496 = arith.index_cast %squeeze3A_334 : i32 to index
        %parallel_loop3A_497 = arith.index_cast %parallel_loop3A_495 : i32 to index
        %parallel_loop3A_498 = arith.index_cast %parallel_loop3A_465 : i32 to index
        %parallel_loop3A_499 = tpu.vector_load %arg8[%parallel_loop3A_496, %parallel_loop3A_497, %parallel_loop3A_498] {strides = array<i32>} : memref<6x1x512xf32, #tpu.memory_space<vmem>>, vector<1x1x16xf32>,
        %parallel_loop3A_500 = vector.shape_cast %parallel_loop3A_499 : vector<1x1x16xf32> to vector<16xf32>
        %parallel_loop3A_501 = arith.addf %parallel_loop3A_494, %parallel_loop3A_500 : vector<16xf32>
        %parallel_loop3A_502 = arith.constant 13 : i32
        %parallel_loop3A_503 = arith.constant 0 : i32
        %parallel_loop3A_504 = arith.index_cast %parallel_loop3A_502 : i32 to index
        %parallel_loop3A_505 = arith.index_cast %parallel_loop3A_503 : i32 to index
        %parallel_loop3A_506 = arith.index_cast %parallel_loop3A_465 : i32 to index
        %parallel_loop3A_507 = tpu.vector_load %arg12[%parallel_loop3A_504, %parallel_loop3A_505, %parallel_loop3A_506] {strides = array<i32>} : memref<32x1x512xf32, #tpu.memory_space<vmem>>, vector<1x1x16xf32>,
        %parallel_loop3A_508 = vector.shape_cast %parallel_loop3A_507 : vector<1x1x16xf32> to vector<16xf32>
        %parallel_loop3A_509 = vector.shape_cast %parallel_loop3A_501 : vector<16xf32> to vector<1x1x16xf32>
        tpu.vector_store %arg12[%parallel_loop3A_504, %parallel_loop3A_505, %parallel_loop3A_506], %parallel_loop3A_509 {strides = array<i32>} : memref<32x1x512xf32, #tpu.memory_space<vmem>>, vector<1x1x16xf32>,
      } {sc.loop_unroll_factor = 2 : i64, sc.parallel_access}
      %parallel_loop3A_360 = arith.constant 0 : i32
      %parallel_loop3A_361 = arith.constant 32 : i32
      %parallel_loop3A_362 = arith.constant 1 : i32
      scf.for %parallel_loop3A_463 = %parallel_loop3A_360 to %parallel_loop3A_361 step %parallel_loop3A_362  : i32 {
        %parallel_loop3A_464 = arith.constant 16 : i32
        %parallel_loop3A_465 = arith.muli %parallel_loop3A_463, %parallel_loop3A_464 : i32
        %parallel_loop3A_466 = arith.constant 14 : i32
        %parallel_loop3A_467 = arith.constant 0 : i32
        %parallel_loop3A_468 = arith.index_cast %parallel_loop3A_466 : i32 to index
        %parallel_loop3A_469 = arith.index_cast %parallel_loop3A_467 : i32 to index
        %parallel_loop3A_470 = arith.index_cast %parallel_loop3A_465 : i32 to index
        %parallel_loop3A_471 = tpu.vector_load %arg11[%parallel_loop3A_468, %parallel_loop3A_469, %parallel_loop3A_470] {strides = array<i32>} : memref<32x1x512xf32, #tpu.memory_space<vmem>>, vector<1x1x16xf32>,
        %parallel_loop3A_472 = vector.shape_cast %parallel_loop3A_471 : vector<1x1x16xf32> to vector<16xf32>
        %parallel_loop3A_473 = arith.constant 0 : i32
        %parallel_loop3A_474 = arith.index_cast %squeeze3A_336 : i32 to index
        %parallel_loop3A_475 = arith.index_cast %parallel_loop3A_473 : i32 to index
        %parallel_loop3A_476 = arith.index_cast %parallel_loop3A_465 : i32 to index
        %parallel_loop3A_477 = tpu.vector_load %arg8[%parallel_loop3A_474, %parallel_loop3A_475, %parallel_loop3A_476] {strides = array<i32>} : memref<6x1x512xf32, #tpu.memory_space<vmem>>, vector<1x1x16xf32>,
        %parallel_loop3A_478 = vector.shape_cast %parallel_loop3A_477 : vector<1x1x16xf32> to vector<16xf32>
        %parallel_loop3A_479 = arith.addf %parallel_loop3A_472, %parallel_loop3A_478 : vector<16xf32>
        %parallel_loop3A_480 = arith.constant 14 : i32
        %parallel_loop3A_481 = arith.constant 0 : i32
        %parallel_loop3A_482 = arith.index_cast %parallel_loop3A_480 : i32 to index
        %parallel_loop3A_483 = arith.index_cast %parallel_loop3A_481 : i32 to index
        %parallel_loop3A_484 = arith.index_cast %parallel_loop3A_465 : i32 to index
        %parallel_loop3A_485 = tpu.vector_load %arg12[%parallel_loop3A_482, %parallel_loop3A_483, %parallel_loop3A_484] {strides = array<i32>} : memref<32x1x512xf32, #tpu.memory_space<vmem>>, vector<1x1x16xf32>,
        %parallel_loop3A_486 = vector.shape_cast %parallel_loop3A_485 : vector<1x1x16xf32> to vector<16xf32>
        %parallel_loop3A_487 = vector.shape_cast %parallel_loop3A_479 : vector<16xf32> to vector<1x1x16xf32>
        tpu.vector_store %arg12[%parallel_loop3A_482, %parallel_loop3A_483, %parallel_loop3A_484], %parallel_loop3A_487 {strides = array<i32>} : memref<32x1x512xf32, #tpu.memory_space<vmem>>, vector<1x1x16xf32>,
        %parallel_loop3A_488 = arith.constant 15 : i32
        %parallel_loop3A_489 = arith.constant 0 : i32
        %parallel_loop3A_490 = arith.index_cast %parallel_loop3A_488 : i32 to index
        %parallel_loop3A_491 = arith.index_cast %parallel_loop3A_489 : i32 to index
        %parallel_loop3A_492 = arith.index_cast %parallel_loop3A_465 : i32 to index
        %parallel_loop3A_493 = tpu.vector_load %arg11[%parallel_loop3A_490, %parallel_loop3A_491, %parallel_loop3A_492] {strides = array<i32>} : memref<32x1x512xf32, #tpu.memory_space<vmem>>, vector<1x1x16xf32>,
        %parallel_loop3A_494 = vector.shape_cast %parallel_loop3A_493 : vector<1x1x16xf32> to vector<16xf32>
        %parallel_loop3A_495 = arith.constant 0 : i32
        %parallel_loop3A_496 = arith.index_cast %squeeze3A_338 : i32 to index
        %parallel_loop3A_497 = arith.index_cast %parallel_loop3A_495 : i32 to index
        %parallel_loop3A_498 = arith.index_cast %parallel_loop3A_465 : i32 to index
        %parallel_loop3A_499 = tpu.vector_load %arg8[%parallel_loop3A_496, %parallel_loop3A_497, %parallel_loop3A_498] {strides = array<i32>} : memref<6x1x512xf32, #tpu.memory_space<vmem>>, vector<1x1x16xf32>,
        %parallel_loop3A_500 = vector.shape_cast %parallel_loop3A_499 : vector<1x1x16xf32> to vector<16xf32>
        %parallel_loop3A_501 = arith.addf %parallel_loop3A_494, %parallel_loop3A_500 : vector<16xf32>
        %parallel_loop3A_502 = arith.constant 15 : i32
        %parallel_loop3A_503 = arith.constant 0 : i32
        %parallel_loop3A_504 = arith.index_cast %parallel_loop3A_502 : i32 to index
        %parallel_loop3A_505 = arith.index_cast %parallel_loop3A_503 : i32 to index
        %parallel_loop3A_506 = arith.index_cast %parallel_loop3A_465 : i32 to index
        %parallel_loop3A_507 = tpu.vector_load %arg12[%parallel_loop3A_504, %parallel_loop3A_505, %parallel_loop3A_506] {strides = array<i32>} : memref<32x1x512xf32, #tpu.memory_space<vmem>>, vector<1x1x16xf32>,
        %parallel_loop3A_508 = vector.shape_cast %parallel_loop3A_507 : vector<1x1x16xf32> to vector<16xf32>
        %parallel_loop3A_509 = vector.shape_cast %parallel_loop3A_501 : vector<16xf32> to vector<1x1x16xf32>
        tpu.vector_store %arg12[%parallel_loop3A_504, %parallel_loop3A_505, %parallel_loop3A_506], %parallel_loop3A_509 {strides = array<i32>} : memref<32x1x512xf32, #tpu.memory_space<vmem>>, vector<1x1x16xf32>,
      } {sc.loop_unroll_factor = 2 : i64, sc.parallel_access}
      %add3A_363 = arith.constant 0 : i32
      %add3A_364 = arith.addi %add3A_288, %add3A_363 : i32
      %dma_start3A_365 = arith.constant 0 : i32
      %dma_start3A_366 = arith.constant 0 : i32
      %dma_start3A_367 = arith.constant 0 : i32
      %dma_start3A_368 = tpu.memref_slice %arg12[%dma_start3A_365, %dma_start3A_366, %dma_start3A_367] : memref<32x1x512xf32, #tpu.memory_space<vmem>> -> memref<16x1x512xf32, #tpu.memory_space<vmem>>
      %dma_start3A_369 = arith.constant 0 : i32
      %dma_start3A_370 = arith.constant 0 : i32
      %dma_start3A_371 = tpu.memref_slice %arg5[%add3A_364, %dma_start3A_369, %dma_start3A_370] : memref<16384x1x512xf32, #tpu.memory_space<hbm>> -> memref<16x1x512xf32, #tpu.memory_space<hbm>>
      %dma_start3A_372 = arith.constant 0 : i32
      %dma_start3A_373 = arith.constant 0 : i32
      %dma_start3A_374 = tpu.memref_slice %arg5[%add3A_364, %dma_start3A_372, %dma_start3A_373] : memref<16384x1x512xf32, #tpu.memory_space<hbm>> -> memref<16x1x512xf32, #tpu.memory_space<hbm>>
      %dma_start3A_375 = arith.constant 0 : i32
      %dma_start3A_376 = arith.constant 0 : i32
      %dma_start3A_377 = arith.constant 0 : i32
      %dma_start3A_378 = tpu.memref_slice %arg12[%dma_start3A_375, %dma_start3A_376, %dma_start3A_377] : memref<32x1x512xf32, #tpu.memory_space<vmem>> -> memref<16x1x512xf32, #tpu.memory_space<vmem>>
      tpu.enqueue_dma source(%dma_start3A_378 : memref<16x1x512xf32, #tpu.memory_space<vmem>>) target(%dma_start3A_374 : memref<16x1x512xf32, #tpu.memory_space<hbm>>) target_semaphore(%arg16 : memref<!tpu.dma_semaphore, #tpu.memory_space<semaphore_mem>>)
      %mul3A_379 = arith.constant 32 : i32
      %mul3A_380 = arith.muli %add3A_285, %mul3A_379 : i32
      %add3A_381 = arith.constant 16 : i32
      %add3A_382 = arith.addi %mul3A_380, %add3A_381 : i32
      %get3A_383 = arith.index_cast %add3A_382 : i32 to index
      %get3A_384 = tpu.vector_load %arg6[%get3A_383] {strides = array<i32>} : memref<512xi32, #tpu.memory_space<vmem>>, vector<16xi32>,
      %get3A_385 = vector.shape_cast %get3A_384 : vector<16xi32> to vector<16xi32>
      %slice3A_386 = vector.extract_strided_slice %get3A_385 {offsets = [0], sizes = [1], strides = [1]} : vector<16xi32> to vector<1xi32>
      %squeeze3A_387 = vector.extract %slice3A_386[0] : i32 from vector<1xi32>
      %slice3A_388 = vector.extract_strided_slice %get3A_385 {offsets = [1], sizes = [1], strides = [1]} : vector<16xi32> to vector<1xi32>
      %squeeze3A_389 = vector.extract %slice3A_388[0] : i32 from vector<1xi32>
      %slice3A_390 = vector.extract_strided_slice %get3A_385 {offsets = [2], sizes = [1], strides = [1]} : vector<16xi32> to vector<1xi32>
      %squeeze3A_391 = vector.extract %slice3A_390[0] : i32 from vector<1xi32>
      %slice3A_392 = vector.extract_strided_slice %get3A_385 {offsets = [3], sizes = [1], strides = [1]} : vector<16xi32> to vector<1xi32>
      %squeeze3A_393 = vector.extract %slice3A_392[0] : i32 from vector<1xi32>
      %slice3A_394 = vector.extract_strided_slice %get3A_385 {offsets = [4], sizes = [1], strides = [1]} : vector<16xi32> to vector<1xi32>
      %squeeze3A_395 = vector.extract %slice3A_394[0] : i32 from vector<1xi32>
      %slice3A_396 = vector.extract_strided_slice %get3A_385 {offsets = [5], sizes = [1], strides = [1]} : vector<16xi32> to vector<1xi32>
      %squeeze3A_397 = vector.extract %slice3A_396[0] : i32 from vector<1xi32>
      %slice3A_398 = vector.extract_strided_slice %get3A_385 {offsets = [6], sizes = [1], strides = [1]} : vector<16xi32> to vector<1xi32>
      %squeeze3A_399 = vector.extract %slice3A_398[0] : i32 from vector<1xi32>
      %slice3A_400 = vector.extract_strided_slice %get3A_385 {offsets = [7], sizes = [1], strides = [1]} : vector<16xi32> to vector<1xi32>
      %squeeze3A_401 = vector.extract %slice3A_400[0] : i32 from vector<1xi32>
      %slice3A_402 = vector.extract_strided_slice %get3A_385 {offsets = [8], sizes = [1], strides = [1]} : vector<16xi32> to vector<1xi32>
      %squeeze3A_403 = vector.extract %slice3A_402[0] : i32 from vector<1xi32>
      %slice3A_404 = vector.extract_strided_slice %get3A_385 {offsets = [9], sizes = [1], strides = [1]} : vector<16xi32> to vector<1xi32>
      %squeeze3A_405 = vector.extract %slice3A_404[0] : i32 from vector<1xi32>
      %slice3A_406 = vector.extract_strided_slice %get3A_385 {offsets = [10], sizes = [1], strides = [1]} : vector<16xi32> to vector<1xi32>
      %squeeze3A_407 = vector.extract %slice3A_406[0] : i32 from vector<1xi32>
      %slice3A_408 = vector.extract_strided_slice %get3A_385 {offsets = [11], sizes = [1], strides = [1]} : vector<16xi32> to vector<1xi32>
      %squeeze3A_409 = vector.extract %slice3A_408[0] : i32 from vector<1xi32>
      %slice3A_410 = vector.extract_strided_slice %get3A_385 {offsets = [12], sizes = [1], strides = [1]} : vector<16xi32> to vector<1xi32>
      %squeeze3A_411 = vector.extract %slice3A_410[0] : i32 from vector<1xi32>
      %slice3A_412 = vector.extract_strided_slice %get3A_385 {offsets = [13], sizes = [1], strides = [1]} : vector<16xi32> to vector<1xi32>
      %squeeze3A_413 = vector.extract %slice3A_412[0] : i32 from vector<1xi32>
      %slice3A_414 = vector.extract_strided_slice %get3A_385 {offsets = [14], sizes = [1], strides = [1]} : vector<16xi32> to vector<1xi32>
      %squeeze3A_415 = vector.extract %slice3A_414[0] : i32 from vector<1xi32>
      %slice3A_416 = vector.extract_strided_slice %get3A_385 {offsets = [15], sizes = [1], strides = [1]} : vector<16xi32> to vector<1xi32>
      %squeeze3A_417 = vector.extract %slice3A_416[0] : i32 from vector<1xi32>
      %parallel_loop3A_418 = arith.constant 0 : i32
      %parallel_loop3A_419 = arith.constant 32 : i32
      %parallel_loop3A_420 = arith.constant 1 : i32
      scf.for %parallel_loop3A_463 = %parallel_loop3A_418 to %parallel_loop3A_419 step %parallel_loop3A_420  : i32 {
        %parallel_loop3A_464 = arith.constant 16 : i32
        %parallel_loop3A_465 = arith.muli %parallel_loop3A_463, %parallel_loop3A_464 : i32
        %parallel_loop3A_466 = arith.constant 16 : i32
        %parallel_loop3A_467 = arith.constant 0 : i32
        %parallel_loop3A_468 = arith.index_cast %parallel_loop3A_466 : i32 to index
        %parallel_loop3A_469 = arith.index_cast %parallel_loop3A_467 : i32 to index
        %parallel_loop3A_470 = arith.index_cast %parallel_loop3A_465 : i32 to index
        %parallel_loop3A_471 = tpu.vector_load %arg11[%parallel_loop3A_468, %parallel_loop3A_469, %parallel_loop3A_470] {strides = array<i32>} : memref<32x1x512xf32, #tpu.memory_space<vmem>>, vector<1x1x16xf32>,
        %parallel_loop3A_472 = vector.shape_cast %parallel_loop3A_471 : vector<1x1x16xf32> to vector<16xf32>
        %parallel_loop3A_473 = arith.constant 0 : i32
        %parallel_loop3A_474 = arith.index_cast %squeeze3A_387 : i32 to index
        %parallel_loop3A_475 = arith.index_cast %parallel_loop3A_473 : i32 to index
        %parallel_loop3A_476 = arith.index_cast %parallel_loop3A_465 : i32 to index
        %parallel_loop3A_477 = tpu.vector_load %arg8[%parallel_loop3A_474, %parallel_loop3A_475, %parallel_loop3A_476] {strides = array<i32>} : memref<6x1x512xf32, #tpu.memory_space<vmem>>, vector<1x1x16xf32>,
        %parallel_loop3A_478 = vector.shape_cast %parallel_loop3A_477 : vector<1x1x16xf32> to vector<16xf32>
        %parallel_loop3A_479 = arith.addf %parallel_loop3A_472, %parallel_loop3A_478 : vector<16xf32>
        %parallel_loop3A_480 = arith.constant 16 : i32
        %parallel_loop3A_481 = arith.constant 0 : i32
        %parallel_loop3A_482 = arith.index_cast %parallel_loop3A_480 : i32 to index
        %parallel_loop3A_483 = arith.index_cast %parallel_loop3A_481 : i32 to index
        %parallel_loop3A_484 = arith.index_cast %parallel_loop3A_465 : i32 to index
        %parallel_loop3A_485 = tpu.vector_load %arg12[%parallel_loop3A_482, %parallel_loop3A_483, %parallel_loop3A_484] {strides = array<i32>} : memref<32x1x512xf32, #tpu.memory_space<vmem>>, vector<1x1x16xf32>,
        %parallel_loop3A_486 = vector.shape_cast %parallel_loop3A_485 : vector<1x1x16xf32> to vector<16xf32>
        %parallel_loop3A_487 = vector.shape_cast %parallel_loop3A_479 : vector<16xf32> to vector<1x1x16xf32>
        tpu.vector_store %arg12[%parallel_loop3A_482, %parallel_loop3A_483, %parallel_loop3A_484], %parallel_loop3A_487 {strides = array<i32>} : memref<32x1x512xf32, #tpu.memory_space<vmem>>, vector<1x1x16xf32>,
        %parallel_loop3A_488 = arith.constant 17 : i32
        %parallel_loop3A_489 = arith.constant 0 : i32
        %parallel_loop3A_490 = arith.index_cast %parallel_loop3A_488 : i32 to index
        %parallel_loop3A_491 = arith.index_cast %parallel_loop3A_489 : i32 to index
        %parallel_loop3A_492 = arith.index_cast %parallel_loop3A_465 : i32 to index
        %parallel_loop3A_493 = tpu.vector_load %arg11[%parallel_loop3A_490, %parallel_loop3A_491, %parallel_loop3A_492] {strides = array<i32>} : memref<32x1x512xf32, #tpu.memory_space<vmem>>, vector<1x1x16xf32>,
        %parallel_loop3A_494 = vector.shape_cast %parallel_loop3A_493 : vector<1x1x16xf32> to vector<16xf32>
        %parallel_loop3A_495 = arith.constant 0 : i32
        %parallel_loop3A_496 = arith.index_cast %squeeze3A_389 : i32 to index
        %parallel_loop3A_497 = arith.index_cast %parallel_loop3A_495 : i32 to index
        %parallel_loop3A_498 = arith.index_cast %parallel_loop3A_465 : i32 to index
        %parallel_loop3A_499 = tpu.vector_load %arg8[%parallel_loop3A_496, %parallel_loop3A_497, %parallel_loop3A_498] {strides = array<i32>} : memref<6x1x512xf32, #tpu.memory_space<vmem>>, vector<1x1x16xf32>,
        %parallel_loop3A_500 = vector.shape_cast %parallel_loop3A_499 : vector<1x1x16xf32> to vector<16xf32>
        %parallel_loop3A_501 = arith.addf %parallel_loop3A_494, %parallel_loop3A_500 : vector<16xf32>
        %parallel_loop3A_502 = arith.constant 17 : i32
        %parallel_loop3A_503 = arith.constant 0 : i32
        %parallel_loop3A_504 = arith.index_cast %parallel_loop3A_502 : i32 to index
        %parallel_loop3A_505 = arith.index_cast %parallel_loop3A_503 : i32 to index
        %parallel_loop3A_506 = arith.index_cast %parallel_loop3A_465 : i32 to index
        %parallel_loop3A_507 = tpu.vector_load %arg12[%parallel_loop3A_504, %parallel_loop3A_505, %parallel_loop3A_506] {strides = array<i32>} : memref<32x1x512xf32, #tpu.memory_space<vmem>>, vector<1x1x16xf32>,
        %parallel_loop3A_508 = vector.shape_cast %parallel_loop3A_507 : vector<1x1x16xf32> to vector<16xf32>
        %parallel_loop3A_509 = vector.shape_cast %parallel_loop3A_501 : vector<16xf32> to vector<1x1x16xf32>
        tpu.vector_store %arg12[%parallel_loop3A_504, %parallel_loop3A_505, %parallel_loop3A_506], %parallel_loop3A_509 {strides = array<i32>} : memref<32x1x512xf32, #tpu.memory_space<vmem>>, vector<1x1x16xf32>,
      } {sc.loop_unroll_factor = 2 : i64, sc.parallel_access}
      %parallel_loop3A_421 = arith.constant 0 : i32
      %parallel_loop3A_422 = arith.constant 32 : i32
      %parallel_loop3A_423 = arith.constant 1 : i32
      scf.for %parallel_loop3A_463 = %parallel_loop3A_421 to %parallel_loop3A_422 step %parallel_loop3A_423  : i32 {
        %parallel_loop3A_464 = arith.constant 16 : i32
        %parallel_loop3A_465 = arith.muli %parallel_loop3A_463, %parallel_loop3A_464 : i32
        %parallel_loop3A_466 = arith.constant 18 : i32
        %parallel_loop3A_467 = arith.constant 0 : i32
        %parallel_loop3A_468 = arith.index_cast %parallel_loop3A_466 : i32 to index
        %parallel_loop3A_469 = arith.index_cast %parallel_loop3A_467 : i32 to index
        %parallel_loop3A_470 = arith.index_cast %parallel_loop3A_465 : i32 to index
        %parallel_loop3A_471 = tpu.vector_load %arg11[%parallel_loop3A_468, %parallel_loop3A_469, %parallel_loop3A_470] {strides = array<i32>} : memref<32x1x512xf32, #tpu.memory_space<vmem>>, vector<1x1x16xf32>,
        %parallel_loop3A_472 = vector.shape_cast %parallel_loop3A_471 : vector<1x1x16xf32> to vector<16xf32>
        %parallel_loop3A_473 = arith.constant 0 : i32
        %parallel_loop3A_474 = arith.index_cast %squeeze3A_391 : i32 to index
        %parallel_loop3A_475 = arith.index_cast %parallel_loop3A_473 : i32 to index
        %parallel_loop3A_476 = arith.index_cast %parallel_loop3A_465 : i32 to index
        %parallel_loop3A_477 = tpu.vector_load %arg8[%parallel_loop3A_474, %parallel_loop3A_475, %parallel_loop3A_476] {strides = array<i32>} : memref<6x1x512xf32, #tpu.memory_space<vmem>>, vector<1x1x16xf32>,
        %parallel_loop3A_478 = vector.shape_cast %parallel_loop3A_477 : vector<1x1x16xf32> to vector<16xf32>
        %parallel_loop3A_479 = arith.addf %parallel_loop3A_472, %parallel_loop3A_478 : vector<16xf32>
        %parallel_loop3A_480 = arith.constant 18 : i32
        %parallel_loop3A_481 = arith.constant 0 : i32
        %parallel_loop3A_482 = arith.index_cast %parallel_loop3A_480 : i32 to index
        %parallel_loop3A_483 = arith.index_cast %parallel_loop3A_481 : i32 to index
        %parallel_loop3A_484 = arith.index_cast %parallel_loop3A_465 : i32 to index
        %parallel_loop3A_485 = tpu.vector_load %arg12[%parallel_loop3A_482, %parallel_loop3A_483, %parallel_loop3A_484] {strides = array<i32>} : memref<32x1x512xf32, #tpu.memory_space<vmem>>, vector<1x1x16xf32>,
        %parallel_loop3A_486 = vector.shape_cast %parallel_loop3A_485 : vector<1x1x16xf32> to vector<16xf32>
        %parallel_loop3A_487 = vector.shape_cast %parallel_loop3A_479 : vector<16xf32> to vector<1x1x16xf32>
        tpu.vector_store %arg12[%parallel_loop3A_482, %parallel_loop3A_483, %parallel_loop3A_484], %parallel_loop3A_487 {strides = array<i32>} : memref<32x1x512xf32, #tpu.memory_space<vmem>>, vector<1x1x16xf32>,
        %parallel_loop3A_488 = arith.constant 19 : i32
        %parallel_loop3A_489 = arith.constant 0 : i32
        %parallel_loop3A_490 = arith.index_cast %parallel_loop3A_488 : i32 to index
        %parallel_loop3A_491 = arith.index_cast %parallel_loop3A_489 : i32 to index
        %parallel_loop3A_492 = arith.index_cast %parallel_loop3A_465 : i32 to index
        %parallel_loop3A_493 = tpu.vector_load %arg11[%parallel_loop3A_490, %parallel_loop3A_491, %parallel_loop3A_492] {strides = array<i32>} : memref<32x1x512xf32, #tpu.memory_space<vmem>>, vector<1x1x16xf32>,
        %parallel_loop3A_494 = vector.shape_cast %parallel_loop3A_493 : vector<1x1x16xf32> to vector<16xf32>
        %parallel_loop3A_495 = arith.constant 0 : i32
        %parallel_loop3A_496 = arith.index_cast %squeeze3A_393 : i32 to index
        %parallel_loop3A_497 = arith.index_cast %parallel_loop3A_495 : i32 to index
        %parallel_loop3A_498 = arith.index_cast %parallel_loop3A_465 : i32 to index
        %parallel_loop3A_499 = tpu.vector_load %arg8[%parallel_loop3A_496, %parallel_loop3A_497, %parallel_loop3A_498] {strides = array<i32>} : memref<6x1x512xf32, #tpu.memory_space<vmem>>, vector<1x1x16xf32>,
        %parallel_loop3A_500 = vector.shape_cast %parallel_loop3A_499 : vector<1x1x16xf32> to vector<16xf32>
        %parallel_loop3A_501 = arith.addf %parallel_loop3A_494, %parallel_loop3A_500 : vector<16xf32>
        %parallel_loop3A_502 = arith.constant 19 : i32
        %parallel_loop3A_503 = arith.constant 0 : i32
        %parallel_loop3A_504 = arith.index_cast %parallel_loop3A_502 : i32 to index
        %parallel_loop3A_505 = arith.index_cast %parallel_loop3A_503 : i32 to index
        %parallel_loop3A_506 = arith.index_cast %parallel_loop3A_465 : i32 to index
        %parallel_loop3A_507 = tpu.vector_load %arg12[%parallel_loop3A_504, %parallel_loop3A_505, %parallel_loop3A_506] {strides = array<i32>} : memref<32x1x512xf32, #tpu.memory_space<vmem>>, vector<1x1x16xf32>,
        %parallel_loop3A_508 = vector.shape_cast %parallel_loop3A_507 : vector<1x1x16xf32> to vector<16xf32>
        %parallel_loop3A_509 = vector.shape_cast %parallel_loop3A_501 : vector<16xf32> to vector<1x1x16xf32>
        tpu.vector_store %arg12[%parallel_loop3A_504, %parallel_loop3A_505, %parallel_loop3A_506], %parallel_loop3A_509 {strides = array<i32>} : memref<32x1x512xf32, #tpu.memory_space<vmem>>, vector<1x1x16xf32>,
      } {sc.loop_unroll_factor = 2 : i64, sc.parallel_access}
      %parallel_loop3A_424 = arith.constant 0 : i32
      %parallel_loop3A_425 = arith.constant 32 : i32
      %parallel_loop3A_426 = arith.constant 1 : i32
      scf.for %parallel_loop3A_463 = %parallel_loop3A_424 to %parallel_loop3A_425 step %parallel_loop3A_426  : i32 {
        %parallel_loop3A_464 = arith.constant 16 : i32
        %parallel_loop3A_465 = arith.muli %parallel_loop3A_463, %parallel_loop3A_464 : i32
        %parallel_loop3A_466 = arith.constant 20 : i32
        %parallel_loop3A_467 = arith.constant 0 : i32
        %parallel_loop3A_468 = arith.index_cast %parallel_loop3A_466 : i32 to index
        %parallel_loop3A_469 = arith.index_cast %parallel_loop3A_467 : i32 to index
        %parallel_loop3A_470 = arith.index_cast %parallel_loop3A_465 : i32 to index
        %parallel_loop3A_471 = tpu.vector_load %arg11[%parallel_loop3A_468, %parallel_loop3A_469, %parallel_loop3A_470] {strides = array<i32>} : memref<32x1x512xf32, #tpu.memory_space<vmem>>, vector<1x1x16xf32>,
        %parallel_loop3A_472 = vector.shape_cast %parallel_loop3A_471 : vector<1x1x16xf32> to vector<16xf32>
        %parallel_loop3A_473 = arith.constant 0 : i32
        %parallel_loop3A_474 = arith.index_cast %squeeze3A_395 : i32 to index
        %parallel_loop3A_475 = arith.index_cast %parallel_loop3A_473 : i32 to index
        %parallel_loop3A_476 = arith.index_cast %parallel_loop3A_465 : i32 to index
        %parallel_loop3A_477 = tpu.vector_load %arg8[%parallel_loop3A_474, %parallel_loop3A_475, %parallel_loop3A_476] {strides = array<i32>} : memref<6x1x512xf32, #tpu.memory_space<vmem>>, vector<1x1x16xf32>,
        %parallel_loop3A_478 = vector.shape_cast %parallel_loop3A_477 : vector<1x1x16xf32> to vector<16xf32>
        %parallel_loop3A_479 = arith.addf %parallel_loop3A_472, %parallel_loop3A_478 : vector<16xf32>
        %parallel_loop3A_480 = arith.constant 20 : i32
        %parallel_loop3A_481 = arith.constant 0 : i32
        %parallel_loop3A_482 = arith.index_cast %parallel_loop3A_480 : i32 to index
        %parallel_loop3A_483 = arith.index_cast %parallel_loop3A_481 : i32 to index
        %parallel_loop3A_484 = arith.index_cast %parallel_loop3A_465 : i32 to index
        %parallel_loop3A_485 = tpu.vector_load %arg12[%parallel_loop3A_482, %parallel_loop3A_483, %parallel_loop3A_484] {strides = array<i32>} : memref<32x1x512xf32, #tpu.memory_space<vmem>>, vector<1x1x16xf32>,
        %parallel_loop3A_486 = vector.shape_cast %parallel_loop3A_485 : vector<1x1x16xf32> to vector<16xf32>
        %parallel_loop3A_487 = vector.shape_cast %parallel_loop3A_479 : vector<16xf32> to vector<1x1x16xf32>
        tpu.vector_store %arg12[%parallel_loop3A_482, %parallel_loop3A_483, %parallel_loop3A_484], %parallel_loop3A_487 {strides = array<i32>} : memref<32x1x512xf32, #tpu.memory_space<vmem>>, vector<1x1x16xf32>,
        %parallel_loop3A_488 = arith.constant 21 : i32
        %parallel_loop3A_489 = arith.constant 0 : i32
        %parallel_loop3A_490 = arith.index_cast %parallel_loop3A_488 : i32 to index
        %parallel_loop3A_491 = arith.index_cast %parallel_loop3A_489 : i32 to index
        %parallel_loop3A_492 = arith.index_cast %parallel_loop3A_465 : i32 to index
        %parallel_loop3A_493 = tpu.vector_load %arg11[%parallel_loop3A_490, %parallel_loop3A_491, %parallel_loop3A_492] {strides = array<i32>} : memref<32x1x512xf32, #tpu.memory_space<vmem>>, vector<1x1x16xf32>,
        %parallel_loop3A_494 = vector.shape_cast %parallel_loop3A_493 : vector<1x1x16xf32> to vector<16xf32>
        %parallel_loop3A_495 = arith.constant 0 : i32
        %parallel_loop3A_496 = arith.index_cast %squeeze3A_397 : i32 to index
        %parallel_loop3A_497 = arith.index_cast %parallel_loop3A_495 : i32 to index
        %parallel_loop3A_498 = arith.index_cast %parallel_loop3A_465 : i32 to index
        %parallel_loop3A_499 = tpu.vector_load %arg8[%parallel_loop3A_496, %parallel_loop3A_497, %parallel_loop3A_498] {strides = array<i32>} : memref<6x1x512xf32, #tpu.memory_space<vmem>>, vector<1x1x16xf32>,
        %parallel_loop3A_500 = vector.shape_cast %parallel_loop3A_499 : vector<1x1x16xf32> to vector<16xf32>
        %parallel_loop3A_501 = arith.addf %parallel_loop3A_494, %parallel_loop3A_500 : vector<16xf32>
        %parallel_loop3A_502 = arith.constant 21 : i32
        %parallel_loop3A_503 = arith.constant 0 : i32
        %parallel_loop3A_504 = arith.index_cast %parallel_loop3A_502 : i32 to index
        %parallel_loop3A_505 = arith.index_cast %parallel_loop3A_503 : i32 to index
        %parallel_loop3A_506 = arith.index_cast %parallel_loop3A_465 : i32 to index
        %parallel_loop3A_507 = tpu.vector_load %arg12[%parallel_loop3A_504, %parallel_loop3A_505, %parallel_loop3A_506] {strides = array<i32>} : memref<32x1x512xf32, #tpu.memory_space<vmem>>, vector<1x1x16xf32>,
        %parallel_loop3A_508 = vector.shape_cast %parallel_loop3A_507 : vector<1x1x16xf32> to vector<16xf32>
        %parallel_loop3A_509 = vector.shape_cast %parallel_loop3A_501 : vector<16xf32> to vector<1x1x16xf32>
        tpu.vector_store %arg12[%parallel_loop3A_504, %parallel_loop3A_505, %parallel_loop3A_506], %parallel_loop3A_509 {strides = array<i32>} : memref<32x1x512xf32, #tpu.memory_space<vmem>>, vector<1x1x16xf32>,
      } {sc.loop_unroll_factor = 2 : i64, sc.parallel_access}
      %parallel_loop3A_427 = arith.constant 0 : i32
      %parallel_loop3A_428 = arith.constant 32 : i32
      %parallel_loop3A_429 = arith.constant 1 : i32
      scf.for %parallel_loop3A_463 = %parallel_loop3A_427 to %parallel_loop3A_428 step %parallel_loop3A_429  : i32 {
        %parallel_loop3A_464 = arith.constant 16 : i32
        %parallel_loop3A_465 = arith.muli %parallel_loop3A_463, %parallel_loop3A_464 : i32
        %parallel_loop3A_466 = arith.constant 22 : i32
        %parallel_loop3A_467 = arith.constant 0 : i32
        %parallel_loop3A_468 = arith.index_cast %parallel_loop3A_466 : i32 to index
        %parallel_loop3A_469 = arith.index_cast %parallel_loop3A_467 : i32 to index
        %parallel_loop3A_470 = arith.index_cast %parallel_loop3A_465 : i32 to index
        %parallel_loop3A_471 = tpu.vector_load %arg11[%parallel_loop3A_468, %parallel_loop3A_469, %parallel_loop3A_470] {strides = array<i32>} : memref<32x1x512xf32, #tpu.memory_space<vmem>>, vector<1x1x16xf32>,
        %parallel_loop3A_472 = vector.shape_cast %parallel_loop3A_471 : vector<1x1x16xf32> to vector<16xf32>
        %parallel_loop3A_473 = arith.constant 0 : i32
        %parallel_loop3A_474 = arith.index_cast %squeeze3A_399 : i32 to index
        %parallel_loop3A_475 = arith.index_cast %parallel_loop3A_473 : i32 to index
        %parallel_loop3A_476 = arith.index_cast %parallel_loop3A_465 : i32 to index
        %parallel_loop3A_477 = tpu.vector_load %arg8[%parallel_loop3A_474, %parallel_loop3A_475, %parallel_loop3A_476] {strides = array<i32>} : memref<6x1x512xf32, #tpu.memory_space<vmem>>, vector<1x1x16xf32>,
        %parallel_loop3A_478 = vector.shape_cast %parallel_loop3A_477 : vector<1x1x16xf32> to vector<16xf32>
        %parallel_loop3A_479 = arith.addf %parallel_loop3A_472, %parallel_loop3A_478 : vector<16xf32>
        %parallel_loop3A_480 = arith.constant 22 : i32
        %parallel_loop3A_481 = arith.constant 0 : i32
        %parallel_loop3A_482 = arith.index_cast %parallel_loop3A_480 : i32 to index
        %parallel_loop3A_483 = arith.index_cast %parallel_loop3A_481 : i32 to index
        %parallel_loop3A_484 = arith.index_cast %parallel_loop3A_465 : i32 to index
        %parallel_loop3A_485 = tpu.vector_load %arg12[%parallel_loop3A_482, %parallel_loop3A_483, %parallel_loop3A_484] {strides = array<i32>} : memref<32x1x512xf32, #tpu.memory_space<vmem>>, vector<1x1x16xf32>,
        %parallel_loop3A_486 = vector.shape_cast %parallel_loop3A_485 : vector<1x1x16xf32> to vector<16xf32>
        %parallel_loop3A_487 = vector.shape_cast %parallel_loop3A_479 : vector<16xf32> to vector<1x1x16xf32>
        tpu.vector_store %arg12[%parallel_loop3A_482, %parallel_loop3A_483, %parallel_loop3A_484], %parallel_loop3A_487 {strides = array<i32>} : memref<32x1x512xf32, #tpu.memory_space<vmem>>, vector<1x1x16xf32>,
        %parallel_loop3A_488 = arith.constant 23 : i32
        %parallel_loop3A_489 = arith.constant 0 : i32
        %parallel_loop3A_490 = arith.index_cast %parallel_loop3A_488 : i32 to index
        %parallel_loop3A_491 = arith.index_cast %parallel_loop3A_489 : i32 to index
        %parallel_loop3A_492 = arith.index_cast %parallel_loop3A_465 : i32 to index
        %parallel_loop3A_493 = tpu.vector_load %arg11[%parallel_loop3A_490, %parallel_loop3A_491, %parallel_loop3A_492] {strides = array<i32>} : memref<32x1x512xf32, #tpu.memory_space<vmem>>, vector<1x1x16xf32>,
        %parallel_loop3A_494 = vector.shape_cast %parallel_loop3A_493 : vector<1x1x16xf32> to vector<16xf32>
        %parallel_loop3A_495 = arith.constant 0 : i32
        %parallel_loop3A_496 = arith.index_cast %squeeze3A_401 : i32 to index
        %parallel_loop3A_497 = arith.index_cast %parallel_loop3A_495 : i32 to index
        %parallel_loop3A_498 = arith.index_cast %parallel_loop3A_465 : i32 to index
        %parallel_loop3A_499 = tpu.vector_load %arg8[%parallel_loop3A_496, %parallel_loop3A_497, %parallel_loop3A_498] {strides = array<i32>} : memref<6x1x512xf32, #tpu.memory_space<vmem>>, vector<1x1x16xf32>,
        %parallel_loop3A_500 = vector.shape_cast %parallel_loop3A_499 : vector<1x1x16xf32> to vector<16xf32>
        %parallel_loop3A_501 = arith.addf %parallel_loop3A_494, %parallel_loop3A_500 : vector<16xf32>
        %parallel_loop3A_502 = arith.constant 23 : i32
        %parallel_loop3A_503 = arith.constant 0 : i32
        %parallel_loop3A_504 = arith.index_cast %parallel_loop3A_502 : i32 to index
        %parallel_loop3A_505 = arith.index_cast %parallel_loop3A_503 : i32 to index
        %parallel_loop3A_506 = arith.index_cast %parallel_loop3A_465 : i32 to index
        %parallel_loop3A_507 = tpu.vector_load %arg12[%parallel_loop3A_504, %parallel_loop3A_505, %parallel_loop3A_506] {strides = array<i32>} : memref<32x1x512xf32, #tpu.memory_space<vmem>>, vector<1x1x16xf32>,
        %parallel_loop3A_508 = vector.shape_cast %parallel_loop3A_507 : vector<1x1x16xf32> to vector<16xf32>
        %parallel_loop3A_509 = vector.shape_cast %parallel_loop3A_501 : vector<16xf32> to vector<1x1x16xf32>
        tpu.vector_store %arg12[%parallel_loop3A_504, %parallel_loop3A_505, %parallel_loop3A_506], %parallel_loop3A_509 {strides = array<i32>} : memref<32x1x512xf32, #tpu.memory_space<vmem>>, vector<1x1x16xf32>,
      } {sc.loop_unroll_factor = 2 : i64, sc.parallel_access}
      %parallel_loop3A_430 = arith.constant 0 : i32
      %parallel_loop3A_431 = arith.constant 32 : i32
      %parallel_loop3A_432 = arith.constant 1 : i32
      scf.for %parallel_loop3A_463 = %parallel_loop3A_430 to %parallel_loop3A_431 step %parallel_loop3A_432  : i32 {
        %parallel_loop3A_464 = arith.constant 16 : i32
        %parallel_loop3A_465 = arith.muli %parallel_loop3A_463, %parallel_loop3A_464 : i32
        %parallel_loop3A_466 = arith.constant 24 : i32
        %parallel_loop3A_467 = arith.constant 0 : i32
        %parallel_loop3A_468 = arith.index_cast %parallel_loop3A_466 : i32 to index
        %parallel_loop3A_469 = arith.index_cast %parallel_loop3A_467 : i32 to index
        %parallel_loop3A_470 = arith.index_cast %parallel_loop3A_465 : i32 to index
        %parallel_loop3A_471 = tpu.vector_load %arg11[%parallel_loop3A_468, %parallel_loop3A_469, %parallel_loop3A_470] {strides = array<i32>} : memref<32x1x512xf32, #tpu.memory_space<vmem>>, vector<1x1x16xf32>,
        %parallel_loop3A_472 = vector.shape_cast %parallel_loop3A_471 : vector<1x1x16xf32> to vector<16xf32>
        %parallel_loop3A_473 = arith.constant 0 : i32
        %parallel_loop3A_474 = arith.index_cast %squeeze3A_403 : i32 to index
        %parallel_loop3A_475 = arith.index_cast %parallel_loop3A_473 : i32 to index
        %parallel_loop3A_476 = arith.index_cast %parallel_loop3A_465 : i32 to index
        %parallel_loop3A_477 = tpu.vector_load %arg8[%parallel_loop3A_474, %parallel_loop3A_475, %parallel_loop3A_476] {strides = array<i32>} : memref<6x1x512xf32, #tpu.memory_space<vmem>>, vector<1x1x16xf32>,
        %parallel_loop3A_478 = vector.shape_cast %parallel_loop3A_477 : vector<1x1x16xf32> to vector<16xf32>
        %parallel_loop3A_479 = arith.addf %parallel_loop3A_472, %parallel_loop3A_478 : vector<16xf32>
        %parallel_loop3A_480 = arith.constant 24 : i32
        %parallel_loop3A_481 = arith.constant 0 : i32
        %parallel_loop3A_482 = arith.index_cast %parallel_loop3A_480 : i32 to index
        %parallel_loop3A_483 = arith.index_cast %parallel_loop3A_481 : i32 to index
        %parallel_loop3A_484 = arith.index_cast %parallel_loop3A_465 : i32 to index
        %parallel_loop3A_485 = tpu.vector_load %arg12[%parallel_loop3A_482, %parallel_loop3A_483, %parallel_loop3A_484] {strides = array<i32>} : memref<32x1x512xf32, #tpu.memory_space<vmem>>, vector<1x1x16xf32>,
        %parallel_loop3A_486 = vector.shape_cast %parallel_loop3A_485 : vector<1x1x16xf32> to vector<16xf32>
        %parallel_loop3A_487 = vector.shape_cast %parallel_loop3A_479 : vector<16xf32> to vector<1x1x16xf32>
        tpu.vector_store %arg12[%parallel_loop3A_482, %parallel_loop3A_483, %parallel_loop3A_484], %parallel_loop3A_487 {strides = array<i32>} : memref<32x1x512xf32, #tpu.memory_space<vmem>>, vector<1x1x16xf32>,
        %parallel_loop3A_488 = arith.constant 25 : i32
        %parallel_loop3A_489 = arith.constant 0 : i32
        %parallel_loop3A_490 = arith.index_cast %parallel_loop3A_488 : i32 to index
        %parallel_loop3A_491 = arith.index_cast %parallel_loop3A_489 : i32 to index
        %parallel_loop3A_492 = arith.index_cast %parallel_loop3A_465 : i32 to index
        %parallel_loop3A_493 = tpu.vector_load %arg11[%parallel_loop3A_490, %parallel_loop3A_491, %parallel_loop3A_492] {strides = array<i32>} : memref<32x1x512xf32, #tpu.memory_space<vmem>>, vector<1x1x16xf32>,
        %parallel_loop3A_494 = vector.shape_cast %parallel_loop3A_493 : vector<1x1x16xf32> to vector<16xf32>
        %parallel_loop3A_495 = arith.constant 0 : i32
        %parallel_loop3A_496 = arith.index_cast %squeeze3A_405 : i32 to index
        %parallel_loop3A_497 = arith.index_cast %parallel_loop3A_495 : i32 to index
        %parallel_loop3A_498 = arith.index_cast %parallel_loop3A_465 : i32 to index
        %parallel_loop3A_499 = tpu.vector_load %arg8[%parallel_loop3A_496, %parallel_loop3A_497, %parallel_loop3A_498] {strides = array<i32>} : memref<6x1x512xf32, #tpu.memory_space<vmem>>, vector<1x1x16xf32>,
        %parallel_loop3A_500 = vector.shape_cast %parallel_loop3A_499 : vector<1x1x16xf32> to vector<16xf32>
        %parallel_loop3A_501 = arith.addf %parallel_loop3A_494, %parallel_loop3A_500 : vector<16xf32>
        %parallel_loop3A_502 = arith.constant 25 : i32
        %parallel_loop3A_503 = arith.constant 0 : i32
        %parallel_loop3A_504 = arith.index_cast %parallel_loop3A_502 : i32 to index
        %parallel_loop3A_505 = arith.index_cast %parallel_loop3A_503 : i32 to index
        %parallel_loop3A_506 = arith.index_cast %parallel_loop3A_465 : i32 to index
        %parallel_loop3A_507 = tpu.vector_load %arg12[%parallel_loop3A_504, %parallel_loop3A_505, %parallel_loop3A_506] {strides = array<i32>} : memref<32x1x512xf32, #tpu.memory_space<vmem>>, vector<1x1x16xf32>,
        %parallel_loop3A_508 = vector.shape_cast %parallel_loop3A_507 : vector<1x1x16xf32> to vector<16xf32>
        %parallel_loop3A_509 = vector.shape_cast %parallel_loop3A_501 : vector<16xf32> to vector<1x1x16xf32>
        tpu.vector_store %arg12[%parallel_loop3A_504, %parallel_loop3A_505, %parallel_loop3A_506], %parallel_loop3A_509 {strides = array<i32>} : memref<32x1x512xf32, #tpu.memory_space<vmem>>, vector<1x1x16xf32>,
      } {sc.loop_unroll_factor = 2 : i64, sc.parallel_access}
      %parallel_loop3A_433 = arith.constant 0 : i32
      %parallel_loop3A_434 = arith.constant 32 : i32
      %parallel_loop3A_435 = arith.constant 1 : i32
      scf.for %parallel_loop3A_463 = %parallel_loop3A_433 to %parallel_loop3A_434 step %parallel_loop3A_435  : i32 {
        %parallel_loop3A_464 = arith.constant 16 : i32
        %parallel_loop3A_465 = arith.muli %parallel_loop3A_463, %parallel_loop3A_464 : i32
        %parallel_loop3A_466 = arith.constant 26 : i32
        %parallel_loop3A_467 = arith.constant 0 : i32
        %parallel_loop3A_468 = arith.index_cast %parallel_loop3A_466 : i32 to index
        %parallel_loop3A_469 = arith.index_cast %parallel_loop3A_467 : i32 to index
        %parallel_loop3A_470 = arith.index_cast %parallel_loop3A_465 : i32 to index
        %parallel_loop3A_471 = tpu.vector_load %arg11[%parallel_loop3A_468, %parallel_loop3A_469, %parallel_loop3A_470] {strides = array<i32>} : memref<32x1x512xf32, #tpu.memory_space<vmem>>, vector<1x1x16xf32>,
        %parallel_loop3A_472 = vector.shape_cast %parallel_loop3A_471 : vector<1x1x16xf32> to vector<16xf32>
        %parallel_loop3A_473 = arith.constant 0 : i32
        %parallel_loop3A_474 = arith.index_cast %squeeze3A_407 : i32 to index
        %parallel_loop3A_475 = arith.index_cast %parallel_loop3A_473 : i32 to index
        %parallel_loop3A_476 = arith.index_cast %parallel_loop3A_465 : i32 to index
        %parallel_loop3A_477 = tpu.vector_load %arg8[%parallel_loop3A_474, %parallel_loop3A_475, %parallel_loop3A_476] {strides = array<i32>} : memref<6x1x512xf32, #tpu.memory_space<vmem>>, vector<1x1x16xf32>,
        %parallel_loop3A_478 = vector.shape_cast %parallel_loop3A_477 : vector<1x1x16xf32> to vector<16xf32>
        %parallel_loop3A_479 = arith.addf %parallel_loop3A_472, %parallel_loop3A_478 : vector<16xf32>
        %parallel_loop3A_480 = arith.constant 26 : i32
        %parallel_loop3A_481 = arith.constant 0 : i32
        %parallel_loop3A_482 = arith.index_cast %parallel_loop3A_480 : i32 to index
        %parallel_loop3A_483 = arith.index_cast %parallel_loop3A_481 : i32 to index
        %parallel_loop3A_484 = arith.index_cast %parallel_loop3A_465 : i32 to index
        %parallel_loop3A_485 = tpu.vector_load %arg12[%parallel_loop3A_482, %parallel_loop3A_483, %parallel_loop3A_484] {strides = array<i32>} : memref<32x1x512xf32, #tpu.memory_space<vmem>>, vector<1x1x16xf32>,
        %parallel_loop3A_486 = vector.shape_cast %parallel_loop3A_485 : vector<1x1x16xf32> to vector<16xf32>
        %parallel_loop3A_487 = vector.shape_cast %parallel_loop3A_479 : vector<16xf32> to vector<1x1x16xf32>
        tpu.vector_store %arg12[%parallel_loop3A_482, %parallel_loop3A_483, %parallel_loop3A_484], %parallel_loop3A_487 {strides = array<i32>} : memref<32x1x512xf32, #tpu.memory_space<vmem>>, vector<1x1x16xf32>,
        %parallel_loop3A_488 = arith.constant 27 : i32
        %parallel_loop3A_489 = arith.constant 0 : i32
        %parallel_loop3A_490 = arith.index_cast %parallel_loop3A_488 : i32 to index
        %parallel_loop3A_491 = arith.index_cast %parallel_loop3A_489 : i32 to index
        %parallel_loop3A_492 = arith.index_cast %parallel_loop3A_465 : i32 to index
        %parallel_loop3A_493 = tpu.vector_load %arg11[%parallel_loop3A_490, %parallel_loop3A_491, %parallel_loop3A_492] {strides = array<i32>} : memref<32x1x512xf32, #tpu.memory_space<vmem>>, vector<1x1x16xf32>,
        %parallel_loop3A_494 = vector.shape_cast %parallel_loop3A_493 : vector<1x1x16xf32> to vector<16xf32>
        %parallel_loop3A_495 = arith.constant 0 : i32
        %parallel_loop3A_496 = arith.index_cast %squeeze3A_409 : i32 to index
        %parallel_loop3A_497 = arith.index_cast %parallel_loop3A_495 : i32 to index
        %parallel_loop3A_498 = arith.index_cast %parallel_loop3A_465 : i32 to index
        %parallel_loop3A_499 = tpu.vector_load %arg8[%parallel_loop3A_496, %parallel_loop3A_497, %parallel_loop3A_498] {strides = array<i32>} : memref<6x1x512xf32, #tpu.memory_space<vmem>>, vector<1x1x16xf32>,
        %parallel_loop3A_500 = vector.shape_cast %parallel_loop3A_499 : vector<1x1x16xf32> to vector<16xf32>
        %parallel_loop3A_501 = arith.addf %parallel_loop3A_494, %parallel_loop3A_500 : vector<16xf32>
        %parallel_loop3A_502 = arith.constant 27 : i32
        %parallel_loop3A_503 = arith.constant 0 : i32
        %parallel_loop3A_504 = arith.index_cast %parallel_loop3A_502 : i32 to index
        %parallel_loop3A_505 = arith.index_cast %parallel_loop3A_503 : i32 to index
        %parallel_loop3A_506 = arith.index_cast %parallel_loop3A_465 : i32 to index
        %parallel_loop3A_507 = tpu.vector_load %arg12[%parallel_loop3A_504, %parallel_loop3A_505, %parallel_loop3A_506] {strides = array<i32>} : memref<32x1x512xf32, #tpu.memory_space<vmem>>, vector<1x1x16xf32>,
        %parallel_loop3A_508 = vector.shape_cast %parallel_loop3A_507 : vector<1x1x16xf32> to vector<16xf32>
        %parallel_loop3A_509 = vector.shape_cast %parallel_loop3A_501 : vector<16xf32> to vector<1x1x16xf32>
        tpu.vector_store %arg12[%parallel_loop3A_504, %parallel_loop3A_505, %parallel_loop3A_506], %parallel_loop3A_509 {strides = array<i32>} : memref<32x1x512xf32, #tpu.memory_space<vmem>>, vector<1x1x16xf32>,
      } {sc.loop_unroll_factor = 2 : i64, sc.parallel_access}
      %parallel_loop3A_436 = arith.constant 0 : i32
      %parallel_loop3A_437 = arith.constant 32 : i32
      %parallel_loop3A_438 = arith.constant 1 : i32
      scf.for %parallel_loop3A_463 = %parallel_loop3A_436 to %parallel_loop3A_437 step %parallel_loop3A_438  : i32 {
        %parallel_loop3A_464 = arith.constant 16 : i32
        %parallel_loop3A_465 = arith.muli %parallel_loop3A_463, %parallel_loop3A_464 : i32
        %parallel_loop3A_466 = arith.constant 28 : i32
        %parallel_loop3A_467 = arith.constant 0 : i32
        %parallel_loop3A_468 = arith.index_cast %parallel_loop3A_466 : i32 to index
        %parallel_loop3A_469 = arith.index_cast %parallel_loop3A_467 : i32 to index
        %parallel_loop3A_470 = arith.index_cast %parallel_loop3A_465 : i32 to index
        %parallel_loop3A_471 = tpu.vector_load %arg11[%parallel_loop3A_468, %parallel_loop3A_469, %parallel_loop3A_470] {strides = array<i32>} : memref<32x1x512xf32, #tpu.memory_space<vmem>>, vector<1x1x16xf32>,
        %parallel_loop3A_472 = vector.shape_cast %parallel_loop3A_471 : vector<1x1x16xf32> to vector<16xf32>
        %parallel_loop3A_473 = arith.constant 0 : i32
        %parallel_loop3A_474 = arith.index_cast %squeeze3A_411 : i32 to index
        %parallel_loop3A_475 = arith.index_cast %parallel_loop3A_473 : i32 to index
        %parallel_loop3A_476 = arith.index_cast %parallel_loop3A_465 : i32 to index
        %parallel_loop3A_477 = tpu.vector_load %arg8[%parallel_loop3A_474, %parallel_loop3A_475, %parallel_loop3A_476] {strides = array<i32>} : memref<6x1x512xf32, #tpu.memory_space<vmem>>, vector<1x1x16xf32>,
        %parallel_loop3A_478 = vector.shape_cast %parallel_loop3A_477 : vector<1x1x16xf32> to vector<16xf32>
        %parallel_loop3A_479 = arith.addf %parallel_loop3A_472, %parallel_loop3A_478 : vector<16xf32>
        %parallel_loop3A_480 = arith.constant 28 : i32
        %parallel_loop3A_481 = arith.constant 0 : i32
        %parallel_loop3A_482 = arith.index_cast %parallel_loop3A_480 : i32 to index
        %parallel_loop3A_483 = arith.index_cast %parallel_loop3A_481 : i32 to index
        %parallel_loop3A_484 = arith.index_cast %parallel_loop3A_465 : i32 to index
        %parallel_loop3A_485 = tpu.vector_load %arg12[%parallel_loop3A_482, %parallel_loop3A_483, %parallel_loop3A_484] {strides = array<i32>} : memref<32x1x512xf32, #tpu.memory_space<vmem>>, vector<1x1x16xf32>,
        %parallel_loop3A_486 = vector.shape_cast %parallel_loop3A_485 : vector<1x1x16xf32> to vector<16xf32>
        %parallel_loop3A_487 = vector.shape_cast %parallel_loop3A_479 : vector<16xf32> to vector<1x1x16xf32>
        tpu.vector_store %arg12[%parallel_loop3A_482, %parallel_loop3A_483, %parallel_loop3A_484], %parallel_loop3A_487 {strides = array<i32>} : memref<32x1x512xf32, #tpu.memory_space<vmem>>, vector<1x1x16xf32>,
        %parallel_loop3A_488 = arith.constant 29 : i32
        %parallel_loop3A_489 = arith.constant 0 : i32
        %parallel_loop3A_490 = arith.index_cast %parallel_loop3A_488 : i32 to index
        %parallel_loop3A_491 = arith.index_cast %parallel_loop3A_489 : i32 to index
        %parallel_loop3A_492 = arith.index_cast %parallel_loop3A_465 : i32 to index
        %parallel_loop3A_493 = tpu.vector_load %arg11[%parallel_loop3A_490, %parallel_loop3A_491, %parallel_loop3A_492] {strides = array<i32>} : memref<32x1x512xf32, #tpu.memory_space<vmem>>, vector<1x1x16xf32>,
        %parallel_loop3A_494 = vector.shape_cast %parallel_loop3A_493 : vector<1x1x16xf32> to vector<16xf32>
        %parallel_loop3A_495 = arith.constant 0 : i32
        %parallel_loop3A_496 = arith.index_cast %squeeze3A_413 : i32 to index
        %parallel_loop3A_497 = arith.index_cast %parallel_loop3A_495 : i32 to index
        %parallel_loop3A_498 = arith.index_cast %parallel_loop3A_465 : i32 to index
        %parallel_loop3A_499 = tpu.vector_load %arg8[%parallel_loop3A_496, %parallel_loop3A_497, %parallel_loop3A_498] {strides = array<i32>} : memref<6x1x512xf32, #tpu.memory_space<vmem>>, vector<1x1x16xf32>,
        %parallel_loop3A_500 = vector.shape_cast %parallel_loop3A_499 : vector<1x1x16xf32> to vector<16xf32>
        %parallel_loop3A_501 = arith.addf %parallel_loop3A_494, %parallel_loop3A_500 : vector<16xf32>
        %parallel_loop3A_502 = arith.constant 29 : i32
        %parallel_loop3A_503 = arith.constant 0 : i32
        %parallel_loop3A_504 = arith.index_cast %parallel_loop3A_502 : i32 to index
        %parallel_loop3A_505 = arith.index_cast %parallel_loop3A_503 : i32 to index
        %parallel_loop3A_506 = arith.index_cast %parallel_loop3A_465 : i32 to index
        %parallel_loop3A_507 = tpu.vector_load %arg12[%parallel_loop3A_504, %parallel_loop3A_505, %parallel_loop3A_506] {strides = array<i32>} : memref<32x1x512xf32, #tpu.memory_space<vmem>>, vector<1x1x16xf32>,
        %parallel_loop3A_508 = vector.shape_cast %parallel_loop3A_507 : vector<1x1x16xf32> to vector<16xf32>
        %parallel_loop3A_509 = vector.shape_cast %parallel_loop3A_501 : vector<16xf32> to vector<1x1x16xf32>
        tpu.vector_store %arg12[%parallel_loop3A_504, %parallel_loop3A_505, %parallel_loop3A_506], %parallel_loop3A_509 {strides = array<i32>} : memref<32x1x512xf32, #tpu.memory_space<vmem>>, vector<1x1x16xf32>,
      } {sc.loop_unroll_factor = 2 : i64, sc.parallel_access}
      %parallel_loop3A_439 = arith.constant 0 : i32
      %parallel_loop3A_440 = arith.constant 32 : i32
      %parallel_loop3A_441 = arith.constant 1 : i32
      scf.for %parallel_loop3A_463 = %parallel_loop3A_439 to %parallel_loop3A_440 step %parallel_loop3A_441  : i32 {
        %parallel_loop3A_464 = arith.constant 16 : i32
        %parallel_loop3A_465 = arith.muli %parallel_loop3A_463, %parallel_loop3A_464 : i32
        %parallel_loop3A_466 = arith.constant 30 : i32
        %parallel_loop3A_467 = arith.constant 0 : i32
        %parallel_loop3A_468 = arith.index_cast %parallel_loop3A_466 : i32 to index
        %parallel_loop3A_469 = arith.index_cast %parallel_loop3A_467 : i32 to index
        %parallel_loop3A_470 = arith.index_cast %parallel_loop3A_465 : i32 to index
        %parallel_loop3A_471 = tpu.vector_load %arg11[%parallel_loop3A_468, %parallel_loop3A_469, %parallel_loop3A_470] {strides = array<i32>} : memref<32x1x512xf32, #tpu.memory_space<vmem>>, vector<1x1x16xf32>,
        %parallel_loop3A_472 = vector.shape_cast %parallel_loop3A_471 : vector<1x1x16xf32> to vector<16xf32>
        %parallel_loop3A_473 = arith.constant 0 : i32
        %parallel_loop3A_474 = arith.index_cast %squeeze3A_415 : i32 to index
        %parallel_loop3A_475 = arith.index_cast %parallel_loop3A_473 : i32 to index
        %parallel_loop3A_476 = arith.index_cast %parallel_loop3A_465 : i32 to index
        %parallel_loop3A_477 = tpu.vector_load %arg8[%parallel_loop3A_474, %parallel_loop3A_475, %parallel_loop3A_476] {strides = array<i32>} : memref<6x1x512xf32, #tpu.memory_space<vmem>>, vector<1x1x16xf32>,
        %parallel_loop3A_478 = vector.shape_cast %parallel_loop3A_477 : vector<1x1x16xf32> to vector<16xf32>
        %parallel_loop3A_479 = arith.addf %parallel_loop3A_472, %parallel_loop3A_478 : vector<16xf32>
        %parallel_loop3A_480 = arith.constant 30 : i32
        %parallel_loop3A_481 = arith.constant 0 : i32
        %parallel_loop3A_482 = arith.index_cast %parallel_loop3A_480 : i32 to index
        %parallel_loop3A_483 = arith.index_cast %parallel_loop3A_481 : i32 to index
        %parallel_loop3A_484 = arith.index_cast %parallel_loop3A_465 : i32 to index
        %parallel_loop3A_485 = tpu.vector_load %arg12[%parallel_loop3A_482, %parallel_loop3A_483, %parallel_loop3A_484] {strides = array<i32>} : memref<32x1x512xf32, #tpu.memory_space<vmem>>, vector<1x1x16xf32>,
        %parallel_loop3A_486 = vector.shape_cast %parallel_loop3A_485 : vector<1x1x16xf32> to vector<16xf32>
        %parallel_loop3A_487 = vector.shape_cast %parallel_loop3A_479 : vector<16xf32> to vector<1x1x16xf32>
        tpu.vector_store %arg12[%parallel_loop3A_482, %parallel_loop3A_483, %parallel_loop3A_484], %parallel_loop3A_487 {strides = array<i32>} : memref<32x1x512xf32, #tpu.memory_space<vmem>>, vector<1x1x16xf32>,
        %parallel_loop3A_488 = arith.constant 31 : i32
        %parallel_loop3A_489 = arith.constant 0 : i32
        %parallel_loop3A_490 = arith.index_cast %parallel_loop3A_488 : i32 to index
        %parallel_loop3A_491 = arith.index_cast %parallel_loop3A_489 : i32 to index
        %parallel_loop3A_492 = arith.index_cast %parallel_loop3A_465 : i32 to index
        %parallel_loop3A_493 = tpu.vector_load %arg11[%parallel_loop3A_490, %parallel_loop3A_491, %parallel_loop3A_492] {strides = array<i32>} : memref<32x1x512xf32, #tpu.memory_space<vmem>>, vector<1x1x16xf32>,
        %parallel_loop3A_494 = vector.shape_cast %parallel_loop3A_493 : vector<1x1x16xf32> to vector<16xf32>
        %parallel_loop3A_495 = arith.constant 0 : i32
        %parallel_loop3A_496 = arith.index_cast %squeeze3A_417 : i32 to index
        %parallel_loop3A_497 = arith.index_cast %parallel_loop3A_495 : i32 to index
        %parallel_loop3A_498 = arith.index_cast %parallel_loop3A_465 : i32 to index
        %parallel_loop3A_499 = tpu.vector_load %arg8[%parallel_loop3A_496, %parallel_loop3A_497, %parallel_loop3A_498] {strides = array<i32>} : memref<6x1x512xf32, #tpu.memory_space<vmem>>, vector<1x1x16xf32>,
        %parallel_loop3A_500 = vector.shape_cast %parallel_loop3A_499 : vector<1x1x16xf32> to vector<16xf32>
        %parallel_loop3A_501 = arith.addf %parallel_loop3A_494, %parallel_loop3A_500 : vector<16xf32>
        %parallel_loop3A_502 = arith.constant 31 : i32
        %parallel_loop3A_503 = arith.constant 0 : i32
        %parallel_loop3A_504 = arith.index_cast %parallel_loop3A_502 : i32 to index
        %parallel_loop3A_505 = arith.index_cast %parallel_loop3A_503 : i32 to index
        %parallel_loop3A_506 = arith.index_cast %parallel_loop3A_465 : i32 to index
        %parallel_loop3A_507 = tpu.vector_load %arg12[%parallel_loop3A_504, %parallel_loop3A_505, %parallel_loop3A_506] {strides = array<i32>} : memref<32x1x512xf32, #tpu.memory_space<vmem>>, vector<1x1x16xf32>,
        %parallel_loop3A_508 = vector.shape_cast %parallel_loop3A_507 : vector<1x1x16xf32> to vector<16xf32>
        %parallel_loop3A_509 = vector.shape_cast %parallel_loop3A_501 : vector<16xf32> to vector<1x1x16xf32>
        tpu.vector_store %arg12[%parallel_loop3A_504, %parallel_loop3A_505, %parallel_loop3A_506], %parallel_loop3A_509 {strides = array<i32>} : memref<32x1x512xf32, #tpu.memory_space<vmem>>, vector<1x1x16xf32>,
      } {sc.loop_unroll_factor = 2 : i64, sc.parallel_access}
      %add3A_442 = arith.constant 16 : i32
      %add3A_443 = arith.addi %add3A_288, %add3A_442 : i32
      %dma_start3A_444 = arith.constant 16 : i32
      %dma_start3A_445 = arith.constant 0 : i32
      %dma_start3A_446 = arith.constant 0 : i32
      %dma_start3A_447 = tpu.memref_slice %arg12[%dma_start3A_444, %dma_start3A_445, %dma_start3A_446] : memref<32x1x512xf32, #tpu.memory_space<vmem>> -> memref<16x1x512xf32, #tpu.memory_space<vmem>>
      %dma_start3A_448 = arith.constant 0 : i32
      %dma_start3A_449 = arith.constant 0 : i32
      %dma_start3A_450 = tpu.memref_slice %arg5[%add3A_443, %dma_start3A_448, %dma_start3A_449] : memref<16384x1x512xf32, #tpu.memory_space<hbm>> -> memref<16x1x512xf32, #tpu.memory_space<hbm>>
      %dma_start3A_451 = arith.constant 0 : i32
      %dma_start3A_452 = arith.constant 0 : i32
      %dma_start3A_453 = tpu.memref_slice %arg5[%add3A_443, %dma_start3A_451, %dma_start3A_452] : memref<16384x1x512xf32, #tpu.memory_space<hbm>> -> memref<16x1x512xf32, #tpu.memory_space<hbm>>
      %dma_start3A_454 = arith.constant 16 : i32
      %dma_start3A_455 = arith.constant 0 : i32
      %dma_start3A_456 = arith.constant 0 : i32
      %dma_start3A_457 = tpu.memref_slice %arg12[%dma_start3A_454, %dma_start3A_455, %dma_start3A_456] : memref<32x1x512xf32, #tpu.memory_space<vmem>> -> memref<16x1x512xf32, #tpu.memory_space<vmem>>
      tpu.enqueue_dma source(%dma_start3A_457 : memref<16x1x512xf32, #tpu.memory_space<vmem>>) target(%dma_start3A_453 : memref<16x1x512xf32, #tpu.memory_space<hbm>>) target_semaphore(%arg16 : memref<!tpu.dma_semaphore, #tpu.memory_space<semaphore_mem>>)
      %lt3A_458 = arith.constant 7 : i32
      %lt3A_459 = arith.cmpi slt, %scan3A_107, %lt3A_458 : i32
      %convert_element_type3A_460 = arith.extui %lt3A_459 : i1 to i32
      %cond3A_461 = arith.constant 0 : i32
      %cond3A_462 = arith.cmpi ne, %convert_element_type3A_460, %cond3A_461 : i32
      scf.if %cond3A_462 {
        %add3A_463 = arith.constant 2 : i32
        %add3A_464 = arith.addi %add3A_285, %add3A_463 : i32
        %mul3A_465 = arith.constant 32 : i32
        %mul3A_466 = arith.muli %add3A_464, %mul3A_465 : i32
        %add3A_467 = arith.addi %mul3A_2, %mul3A_466 : i32
        %dma_start3A_468 = arith.constant 0 : i32
        %dma_start3A_469 = arith.constant 0 : i32
        %dma_start3A_470 = tpu.memref_slice %arg2[%add3A_467, %dma_start3A_468, %dma_start3A_469] : memref<16384x1x512xf32, #tpu.memory_space<hbm>> -> memref<32x1x512xf32, #tpu.memory_space<hbm>>
        %dma_start3A_471 = arith.constant 0 : i32
        %dma_start3A_472 = arith.constant 0 : i32
        %dma_start3A_473 = tpu.memref_slice %arg2[%add3A_467, %dma_start3A_471, %dma_start3A_472] : memref<16384x1x512xf32, #tpu.memory_space<hbm>> -> memref<32x1x512xf32, #tpu.memory_space<hbm>>
        tpu.enqueue_dma source(%dma_start3A_473 : memref<32x1x512xf32, #tpu.memory_space<hbm>>) target(%arg11 : memref<32x1x512xf32, #tpu.memory_space<vmem>>) target_semaphore(%arg15 : memref<!tpu.dma_semaphore, #tpu.memory_space<semaphore_mem>>)
      } else {
      }
    }
    %scan3A_39 = arith.constant 8 : i32
    %add3A_40 = arith.constant 448 : i32
    %add3A_41 = arith.addi %mul3A_2, %add3A_40 : i32
    %add3A_42 = arith.constant 0 : i32
    %add3A_43 = arith.addi %add3A_41, %add3A_42 : i32
    %dma_wait3A = arith.constant 0 : i32
    %dma_wait3A_44 = arith.constant 0 : i32
    %dma_wait3A_45 = arith.constant 0 : i32
    %dma_wait3A_46 = tpu.memref_slice %arg10[%dma_wait3A, %dma_wait3A_44, %dma_wait3A_45] : memref<32x1x512xf32, #tpu.memory_space<vmem>> -> memref<16x1x512xf32, #tpu.memory_space<vmem>>
    %dma_wait3A_47 = arith.constant 0 : i32
    %dma_wait3A_48 = arith.constant 0 : i32
    %dma_wait3A_49 = tpu.memref_slice %arg5[%add3A_43, %dma_wait3A_47, %dma_wait3A_48] : memref<16384x1x512xf32, #tpu.memory_space<hbm>> -> memref<16x1x512xf32, #tpu.memory_space<hbm>>
    %dma_wait3A_50 = arith.constant 0 : i32
    %dma_wait3A_51 = arith.constant 0 : i32
    %dma_wait3A_52 = tpu.memref_slice %arg5[%add3A_43, %dma_wait3A_50, %dma_wait3A_51] : memref<16384x1x512xf32, #tpu.memory_space<hbm>> -> memref<16x1x512xf32, #tpu.memory_space<hbm>>
    %dma_wait3A_53 = arith.constant 0 : i32
    %dma_wait3A_54 = arith.constant 0 : i32
    %dma_wait3A_55 = arith.constant 0 : i32
    %dma_wait3A_56 = tpu.memref_slice %arg10[%dma_wait3A_53, %dma_wait3A_54, %dma_wait3A_55] : memref<32x1x512xf32, #tpu.memory_space<vmem>> -> memref<16x1x512xf32, #tpu.memory_space<vmem>>
    tpu.wait_dma2 semaphore(%arg14 : memref<!tpu.dma_semaphore, #tpu.memory_space<semaphore_mem>>) src(%dma_wait3A_56 : memref<16x1x512xf32, #tpu.memory_space<vmem>>) dst(%dma_wait3A_52 : memref<16x1x512xf32, #tpu.memory_space<hbm>>)
    %add3A_57 = arith.constant 16 : i32
    %add3A_58 = arith.addi %add3A_41, %add3A_57 : i32
    %dma_wait3A_59 = arith.constant 16 : i32
    %dma_wait3A_60 = arith.constant 0 : i32
    %dma_wait3A_61 = arith.constant 0 : i32
    %dma_wait3A_62 = tpu.memref_slice %arg10[%dma_wait3A_59, %dma_wait3A_60, %dma_wait3A_61] : memref<32x1x512xf32, #tpu.memory_space<vmem>> -> memref<16x1x512xf32, #tpu.memory_space<vmem>>
    %dma_wait3A_63 = arith.constant 0 : i32
    %dma_wait3A_64 = arith.constant 0 : i32
    %dma_wait3A_65 = tpu.memref_slice %arg5[%add3A_58, %dma_wait3A_63, %dma_wait3A_64] : memref<16384x1x512xf32, #tpu.memory_space<hbm>> -> memref<16x1x512xf32, #tpu.memory_space<hbm>>
    %dma_wait3A_66 = arith.constant 0 : i32
    %dma_wait3A_67 = arith.constant 0 : i32
    %dma_wait3A_68 = tpu.memref_slice %arg5[%add3A_58, %dma_wait3A_66, %dma_wait3A_67] : memref<16384x1x512xf32, #tpu.memory_space<hbm>> -> memref<16x1x512xf32, #tpu.memory_space<hbm>>
    %dma_wait3A_69 = arith.constant 16 : i32
    %dma_wait3A_70 = arith.constant 0 : i32
    %dma_wait3A_71 = arith.constant 0 : i32
    %dma_wait3A_72 = tpu.memref_slice %arg10[%dma_wait3A_69, %dma_wait3A_70, %dma_wait3A_71] : memref<32x1x512xf32, #tpu.memory_space<vmem>> -> memref<16x1x512xf32, #tpu.memory_space<vmem>>
    tpu.wait_dma2 semaphore(%arg14 : memref<!tpu.dma_semaphore, #tpu.memory_space<semaphore_mem>>) src(%dma_wait3A_72 : memref<16x1x512xf32, #tpu.memory_space<vmem>>) dst(%dma_wait3A_68 : memref<16x1x512xf32, #tpu.memory_space<hbm>>)
    %add3A_73 = arith.constant 480 : i32
    %add3A_74 = arith.addi %mul3A_2, %add3A_73 : i32
    %add3A_75 = arith.constant 0 : i32
    %add3A_76 = arith.addi %add3A_74, %add3A_75 : i32
    %dma_wait3A_77 = arith.constant 0 : i32
    %dma_wait3A_78 = arith.constant 0 : i32
    %dma_wait3A_79 = arith.constant 0 : i32
    %dma_wait3A_80 = tpu.memref_slice %arg12[%dma_wait3A_77, %dma_wait3A_78, %dma_wait3A_79] : memref<32x1x512xf32, #tpu.memory_space<vmem>> -> memref<16x1x512xf32, #tpu.memory_space<vmem>>
    %dma_wait3A_81 = arith.constant 0 : i32
    %dma_wait3A_82 = arith.constant 0 : i32
    %dma_wait3A_83 = tpu.memref_slice %arg5[%add3A_76, %dma_wait3A_81, %dma_wait3A_82] : memref<16384x1x512xf32, #tpu.memory_space<hbm>> -> memref<16x1x512xf32, #tpu.memory_space<hbm>>
    %dma_wait3A_84 = arith.constant 0 : i32
    %dma_wait3A_85 = arith.constant 0 : i32
    %dma_wait3A_86 = tpu.memref_slice %arg5[%add3A_76, %dma_wait3A_84, %dma_wait3A_85] : memref<16384x1x512xf32, #tpu.memory_space<hbm>> -> memref<16x1x512xf32, #tpu.memory_space<hbm>>
    %dma_wait3A_87 = arith.constant 0 : i32
    %dma_wait3A_88 = arith.constant 0 : i32
    %dma_wait3A_89 = arith.constant 0 : i32
    %dma_wait3A_90 = tpu.memref_slice %arg12[%dma_wait3A_87, %dma_wait3A_88, %dma_wait3A_89] : memref<32x1x512xf32, #tpu.memory_space<vmem>> -> memref<16x1x512xf32, #tpu.memory_space<vmem>>
    tpu.wait_dma2 semaphore(%arg16 : memref<!tpu.dma_semaphore, #tpu.memory_space<semaphore_mem>>) src(%dma_wait3A_90 : memref<16x1x512xf32, #tpu.memory_space<vmem>>) dst(%dma_wait3A_86 : memref<16x1x512xf32, #tpu.memory_space<hbm>>)
    %add3A_91 = arith.constant 16 : i32
    %add3A_92 = arith.addi %add3A_74, %add3A_91 : i32
    %dma_wait3A_93 = arith.constant 16 : i32
    %dma_wait3A_94 = arith.constant 0 : i32
    %dma_wait3A_95 = arith.constant 0 : i32
    %dma_wait3A_96 = tpu.memref_slice %arg12[%dma_wait3A_93, %dma_wait3A_94, %dma_wait3A_95] : memref<32x1x512xf32, #tpu.memory_space<vmem>> -> memref<16x1x512xf32, #tpu.memory_space<vmem>>
    %dma_wait3A_97 = arith.constant 0 : i32
    %dma_wait3A_98 = arith.constant 0 : i32
    %dma_wait3A_99 = tpu.memref_slice %arg5[%add3A_92, %dma_wait3A_97, %dma_wait3A_98] : memref<16384x1x512xf32, #tpu.memory_space<hbm>> -> memref<16x1x512xf32, #tpu.memory_space<hbm>>
    %dma_wait3A_100 = arith.constant 0 : i32
    %dma_wait3A_101 = arith.constant 0 : i32
    %dma_wait3A_102 = tpu.memref_slice %arg5[%add3A_92, %dma_wait3A_100, %dma_wait3A_101] : memref<16384x1x512xf32, #tpu.memory_space<hbm>> -> memref<16x1x512xf32, #tpu.memory_space<hbm>>
    %dma_wait3A_103 = arith.constant 16 : i32
    %dma_wait3A_104 = arith.constant 0 : i32
    %dma_wait3A_105 = arith.constant 0 : i32
    %dma_wait3A_106 = tpu.memref_slice %arg12[%dma_wait3A_103, %dma_wait3A_104, %dma_wait3A_105] : memref<32x1x512xf32, #tpu.memory_space<vmem>> -> memref<16x1x512xf32, #tpu.memory_space<vmem>>
    tpu.wait_dma2 semaphore(%arg16 : memref<!tpu.dma_semaphore, #tpu.memory_space<semaphore_mem>>) src(%dma_wait3A_106 : memref<16x1x512xf32, #tpu.memory_space<vmem>>) dst(%dma_wait3A_102 : memref<16x1x512xf32, #tpu.memory_space<hbm>>)
    return
  }
}

</mosaic_0001>

<sc_bundles>
// kernel: kernel.3.cloned.1.call-start
scs
__scs_entry_jumppad:
0x0: {  	(pc) =	sbr.rel $0x88, $3  }
0x1: {  	(tag) =	ssettag $0x0;
	lr =	simm.s32 $0x1  }
0x2: {  	[smem:$0x3F9E] =	sst lr;
	_ =	strace $0xD0000000  }
0x3: {  	_ = 	snop  }
0x4: {  	_ = 	snop  }
0x5: {  	_ = 	snop  }
0x6: {  	_ = 	snop  }
0x7: {  	_ = 	snop  }
__scs_overlays_trampoline_lowered:
0x8: {  	[smem:$0x3FAD] =	sst s0  }
0x9: {  	[smem:$0x3FAE] =	sst s1  }
0xa: {  	[smem:$0x3FAF] =	sst s2  }
0xb: {  	[smem:$0x3FB0] =	sst s3  }
0xc: {  	[smem:$0x3FB1] =	sst s4  }
0xd: {  	[smem:$0x3FB2] =	sst s5  }
0xe: {  	[smem:$0x3FB3] =	sst s6  }
0xf: {  	[smem:$0x3FB4] =	sst s7  }
0x10: {  	[smem:$0x3FB5] =	sst s8  }
0x11: {  	[smem:$0x3FB6] =	sst s9;
	s0 =	simm.s32 @!p0 $0x0  }
0x12: {  	s1 =	sld [smem:$0x3F9C];
	s0 =	simm.s32 @p0 $0x1  }
0x13: {  	[smem:$0x3FB7] =	sst s0;
	s0 =	simm.s32 @!p1 $0x0  }
0x14: {  	s2 =	sld [smem:$0x3F9B];
	s0 =	simm.s32 @p1 $0x1  }
0x15: {  	[smem:$0x3FB8] =	sst s0;
	s0 =	simm.s32 @!p2 $0x0  }
0x16: {  	s3 =	sld [smem:$0x3FDB];
	s0 =	simm.s32 @p2 $0x1  }
0x17: {  	s4 =	simm.s32 $0x1BF5;
	[smem:$0x3FBA] =	sst s0  }
0x18: {  	s0 =	sld [smem:$0x3F9D];
	_ =	swait.ge [sflag:s4], $0x0  }
0x19: {  	s7 =	sld [smem:$0x3F9E]  }
0x1a: {  	s8 =	sadd.s32 $0xFFFFE003, lr  }
0x1b: {  	s9 =	sadd.s32 $0xFFFFFEF7, lr;
	s5 =	simm.s32 $0xFFFFFFFF;
	p2 =	slt.u32 s8, $0xFFFFF086  }
0x1c: {  	p1 =	slt.u32 s9, $0xF7A;
	s5 =	simm.s32 @!p2 $0x0  }
0x1d: {  	s5 =	simm.s32 @p1 $0x1;
	p0 =	seq.s32 s7, s2  }
0x1e: {  	s7 =	smul.u32 @!p0 $0xF7A, s2;
	p2 =	seq.s32 @!p0 s5, $0x0  }
0x1f: {  	s9 =	smul.u32 $0xF7A, s1;
	s8 =	simm.s32 @!p0 $0x1BF5;
	p2 =	por !p2, p0  }
0x20: {  	[sflag:s8] =	ssyncset.s32 @!p0 $0xFFFFF086;
	s6 =	sadd.s32 @!p0 s3, s7;
	s7 =	simm.s32 @!p0 $0x108  }
0x21: {  	s3 =	sadd.s32 s3, s9;
	s6 =	sadd.s32 @!p0 $0x88, s6;
	s7 =	simm.s32 @p2 $0x1082  }
0x22: {  	[simem:s7], [sflag:s8] =	dma.local @!p0 [hbm:s6], $0xF7A  }
0x23: {  	s9 =	sor.u32 $0xD0000000, s2;
	s6 =	simm.s32 $0x108;
	_ =	swait.ge @!p0 [sflag:s8], $0x0  }
0x24: {  	s3 =	sadd.s32 $0x88, s3;
	s6 =	simm.s32 @!p1 $0x1082;
	[sflag:s4] =	ssyncset.s32 $0xFFFFF086  }
0x25: {  	[simem:s6], [sflag:s4] =	dma.local [hbm:s3], $0xF7A  }
0x26: {  	[smem:$0x3F9E] =	sst s1;
	(tag) =	ssettag s2;
	_ =	strace s9  }
0x27: {  	s1 =	sld [smem:$0x3FAE]  }
0x28: {  	s2 =	sld [smem:$0x3FAF]  }
0x29: {  	s4 =	sld [smem:$0x3FB1]  }
0x2a: {  	p0 =	seq.s32 s5, $0x0;
	s5 =	sld [smem:$0x3FB2]  }
0x2b: {  	s6 =	sld [smem:$0x3FB3]  }
0x2c: {  	s7 =	sld [smem:$0x3FB4]  }
0x2d: {  	s3 =	simm.s32 $0x108;
	s8 =	sld [smem:$0x3FB5]  }
0x2e: {  	s3 =	simm.s32 @!p0 $0x1082;
	s9 =	sld [smem:$0x3FB6]  }
0x2f: {  	lr =	sadd.s32 s0, s3;
	s0 =	sld [smem:$0x3FAD]  }
0x30: {  	s3 =	sld [smem:$0x3FB0]  }
0x31: {  	[smem:$0x3FB9] =	sst s10  }
0x32: {  	s10 =	sld [smem:$0x3FB7];
	_ =	sdelay $0x3  }
0x33: {  	p0 =	seq.s32 s10, $0x1;
	s10 =	sld [smem:$0x3FB9];
	_ =	sdelay $0x3  }
0x34: {  	[smem:$0x3FB9] =	sst s10  }
0x35: {  	s10 =	sld [smem:$0x3FB8];
	_ =	sdelay $0x3  }
0x36: {  	p1 =	seq.s32 s10, $0x1;
	s10 =	sld [smem:$0x3FB9];
	_ =	sdelay $0x3  }
0x37: {  	[smem:$0x3FB9] =	sst s10  }
0x38: {  	s10 =	sld [smem:$0x3FBA]  }
0x39: {  	_ = 	snop;
	(pc) =	sbr.ind lr, $3  }
0x3a: {  	_ = 	snop  }
0x3b: {  	_ = 	snop  }
0x3c: {  	p2 =	seq.s32 s10, $0x1;
	s10 =	sld [smem:$0x3FB9]  }
0x3d: {  	_ =	shalt  }
0x3e: {  	_ =	shalt  }
0x3f: {  	_ =	shalt  }
0x40: {  	_ =	shalt  }
0x41: {  	_ =	shalt  }
0x42: {  	_ =	shalt  }
0x43: {  	_ =	shalt  }
0x44: {  	_ =	shalt  }
0x45: {  	_ =	shalt  }
0x46: {  	_ =	shalt  }
0x47: {  	_ =	shalt  }
0x48: {  	_ =	shalt  }
0x49: {  	_ =	shalt  }
0x4a: {  	_ =	shalt  }
0x4b: {  	_ =	shalt  }
0x4c: {  	_ =	shalt  }
0x4d: {  	_ =	shalt  }
0x4e: {  	_ =	shalt  }
0x4f: {  	_ =	shalt  }
0x50: {  	_ =	shalt  }
0x51: {  	_ =	shalt  }
0x52: {  	_ =	shalt  }
0x53: {  	_ =	shalt  }
0x54: {  	_ =	shalt  }
0x55: {  	_ =	shalt  }
0x56: {  	_ =	shalt  }
0x57: {  	_ =	shalt  }
0x58: {  	_ =	shalt  }
0x59: {  	_ =	shalt  }
0x5a: {  	_ =	shalt  }
0x5b: {  	_ =	shalt  }
0x5c: {  	_ =	shalt  }
0x5d: {  	_ =	shalt  }
0x5e: {  	_ =	shalt  }
0x5f: {  	_ =	shalt  }
0x60: {  	_ =	shalt  }
0x61: {  	_ =	shalt  }
0x62: {  	_ =	shalt  }
0x63: {  	_ =	shalt  }
0x64: {  	_ =	shalt  }
0x65: {  	_ =	shalt  }
0x66: {  	_ =	shalt  }
0x67: {  	_ =	shalt  }
0x68: {  	_ =	shalt  }
0x69: {  	_ =	shalt  }
0x6a: {  	_ =	shalt  }
0x6b: {  	_ =	shalt  }
0x6c: {  	_ =	shalt  }
0x6d: {  	_ =	shalt  }
0x6e: {  	_ =	shalt  }
0x6f: {  	_ =	shalt  }
0x70: {  	_ =	shalt  }
0x71: {  	_ =	shalt  }
0x72: {  	_ =	shalt  }
0x73: {  	_ =	shalt  }
0x74: {  	_ =	shalt  }
0x75: {  	_ =	shalt  }
0x76: {  	_ =	shalt  }
0x77: {  	_ =	shalt  }
0x78: {  	_ =	shalt  }
0x79: {  	_ =	shalt  }
0x7a: {  	_ =	shalt  }
0x7b: {  	_ =	shalt  }
0x7c: {  	_ =	shalt  }
0x7d: {  	_ =	shalt  }
0x7e: {  	_ =	shalt  }
0x7f: {  	_ =	shalt  }
0x80: {  	_ =	shalt  }
0x81: {  	_ =	shalt  }
0x82: {  	_ =	shalt  }
0x83: {  	_ =	shalt  }
0x84: {  	_ =	shalt  }
0x85: {  	_ =	shalt  }
0x86: {  	_ =	shalt  }
0x87: {  	_ =	shalt  }
.Lfunc_end0:
.L_simem_size_0:
called_computation_lowered:
.L_overlay_start_0:
0x88: {  	s2 =	sld [smem:$0x3FD9]  }
0x89: {  	s3 =	sld [smem:$0x3FFE];
	_ =	sdelay $0x1  }
0x8a: {  	s1 =	srdreg.scid  }
0x8b: {  	s0 =	sand.u32 $0x1, s1  }
0x8c: {  	s17 =	sshll.u32 s0, $0xA;
	s2 =	sadd.s32 s3, s2  }
0x8d: {  	s2 =	sadd.s32 s2, s17  }
0x8e: {  	[smem:$0x3FC5] =	sst s2  }
0x8f: {  	_ = 	snop  }
0x90: {  	s2 =	sld [smem:$0x3FC9]  }
0x91: {  	s18 =	sld [smem:$0x3FC7]  }
0x92: {  	s4 =	sld [smem:$0x3FD0];
	(tm) =	ssettm $0x1  }
0x93: {  	s5 =	sld [smem:$0x3FFB];
	_ =	sdelay $0x3  }
0x94: {  	_ =	strace s5  }
0x95: {  	s5 =	sld [smem:$0x3FFC];
	_ =	sdelay $0x3  }
0x96: {  	_ =	strace s5  }
0x97: {  	s5 =	sld [smem:$0x3FFD];
	_ =	sdelay $0x3  }
0x98: {  	_ =	strace s5  }
0x99: {  	_ =	strace $0x8FFFFFFF  }
0x9a: {  	s19 =	sld [smem:$0x3FDB];
	_ =	sdelay $0x1  }
0x9b: {  	s6 =	simm.s32 $_scs_section_size  }
0x9c: {  	s7 =	simm.s32 $_size__tile_overlayer_lowered;
	s8 =	simm.s32 $_tile_overlayer_lowered  }
0x9d: {  	s22 =	simm.s32 $0x1BFF;
	s21 =	sshll.u32 s8, $0x1;
	s5 =	sadd.s32 s6, s19  }
0x9e: {  	s9 =	simm.s32 $0x0;
	s20 =	sshll.u32 s7, $0x1;
	s7 =	sadd.s32 s21, s5  }
0x9f: {  	[timem:s9], [sflag:s22] =	dma.local [hbm:s7], s20  }
0xa0: {  	_ =	swait.ge [sflag:s22], s20  }
0xa1: {  	s6 =	ssub.s32 $0x0, s20;
	[sflag:s22] =	ssyncset.done $0x0  }
0xa2: {  	[sflag:s22] =	ssyncadd.s32 s6;
	_ =	sdelay $0x1  }
0xa3: {  	s23 =	simm.s32 $0x1B8B  }
0xa4: {  	_ =	swait.ge [sflag:s23], $0x1  }
0xa5: {  	[sflag:s23] =	ssyncset.done $0x0  }
0xa6: {  	s25 =	simm.s32 $0x1B8E;
	s24 =	sld [smem:$0x3FFE];
	[sflag:s23] =	ssyncadd.s32 $0xFFFFFFFF  }
0xa7: {  	s26 =	simm.s32 $execute0_lowered;
	[smem:$0x3FD2] =	sst s25  }
0xa8: {  	s7 =	sshll.u32 s26, $0x1;
	_ =	strace $0x80000046;
	[dreg:$0x1] =	wrdreg $0xFFFFFFFF  }
0xa9: {  	s28 =	simm.s32 $_size_execute0_lowered;
	s5 =	sadd.s32 s5, s7;
	[dreg:$0x0] =	wrdreg $0x0  }
0xaa: {  	s7 =	sshll.u32 s28, $0x1;
	[dreg:$0x2] =	wrdreg s5  }
0xab: {  	[dreg:$0x3] =	wrdreg s7  }
0xac: {  	[dreg:$0x4] =	wrdreg $0xC0  }
0xad: {  	_ =	task [dreg:s9], $0x5FFFF  }
0xae: {  	[dreg:$0x1] =	wrdreg $0xFFFFFFFF  }
0xaf: {  	[dreg:$0x0] =	wrdreg $0x60  }
0xb0: {  	[dreg:$0x2] =	wrdreg s2  }
0xb1: {  	[dreg:$0x3] =	wrdreg s18  }
0xb2: {  	[dreg:$0x4] =	wrdreg s24  }
0xb3: {  	[dreg:$0x5] =	wrdreg s4  }
0xb4: {  	[dreg:$0x6] =	wrdreg $0x9  }
0xb5: {  	_ =	task.clear_ibuf [dreg:s9], $0x7FFFF;
	_ =	strace $0x90000046  }
0xb6: {  	s29 =	simm.s32 $0x9;
	_ =	strace $0x80000048  }
0xb7: {  	_ =	swait.ge [sflag:s29], $0x1  }
0xb8: {  	[sflag:s29] =	ssyncadd.s32 $0xFFFFFFFF  }
0xb9: {  	_ =	strace $0x90000048  }
0xba: {  	_ =	sfence  }
0xbb: {  	s30 =	sld [smem:$0x0];
	_ =	sdelay $0x2  }
0xbc: {  	s31 =	sshll.u32 s1, $0xD;
	s1 =	sshrl.u32 s1, $0x2  }
0xbd: {  	s3 =	sand.u32 $0x4000, s31;
	s1 =	sadd.s32 s1, s30  }
0xbe: {  	s0 =	sor.u32 s3, s0;
	s1 =	sshll.u32 s1, $0x11  }
0xbf: {  	s0 =	sor.u32 s1, s0  }
0xc0: {  	s0 =	sadd.s32 $0x8F2B, s0  }
0xc1: {  	[sflag:s0] =	ssyncadd.remote.s32 $0x1  }
0xc2: {  	_ =	sfence.sel $0xFFFF  }
0xc3: {  	[dreg:$0x0] =	wrdreg $0xFFFFFFFF;
	(pc) =	sbr.abs _section_cstart, $3  }
0xc4: {  	[dreg:$0x1] =	wrdreg $0xFFFFFFFF  }
0xc5: {  	_ =	task.clear_ibuf [dreg:s9], $0x2FFFF;
	_ =	strace $0x9FFFFFFF  }
0xc6: {  	(tm) =	ssettm $0x7FFFFFFF  }
0xc7: {  	_ =	shalt  }
tec
execute0_lowered:
.L_overlay_start_1:
0x0: {  	(tag) =	ssettag $0x1  }
0x1: {  	s6 =	rddreg [dreg:$0x0]  }
0x2: {  	s0 =	rddreg [dreg:$0x1]  }
0x3: {  	s1 =	rddreg [dreg:$0x2]  }
0x4: {  	s7 =	rddreg [dreg:$0x3];
	s2 =	srdreg.scid  }
0x5: {  	s3 =	stileid.u32;
	s4 =	simm.s32 $0x0;
	s2 =	sand.u32 $0x1, s2  }
0x6: {  	s3 =	sshll.u32 s3, $0xA;
	[smem:$0x7FF] =	sst s4;
	s1 =	sadd.s32 $0x400, s1  }
0x7: {  	s5 =	sshll.u32 s2, $0x9;
	_ =	strace $0x80000047;
	s2 =	ssub.s32 $0x2, s2  }
0x8: {  	[dreg:$0x5] =	wrdreg s1;
	s5 =	sor.u32 s5, s3;
	s26 =	sshrl.u32 s2, $0x1  }
0x9: {  	s3 =	sshll.u32 s5, $0x6;
	s1 =	ssub.s32 s2, s26;
	s25 =	sor.u32 $0x40, s5  }
0xa: {  	s29 =	sshrl.u32 s5, $0x3;
	s26 =	sor.u32 $0x60, s5;
	[dreg:$0x9] =	wrdreg s25  }
.Ltmp0:
0xb: {  	s3 =	sadd.s32 s6, s3;
	[dreg:$0xa] =	wrdreg s26;
	(pc) =	sbr.rel .LBB2_1-.Ltmp0, $4  }
0xc: {  	s0 =	sadd.s32 s0, s29;
	[dreg:$0x6] =	wrdreg s3  }
0xd: {  	s30 =	smax.u32 s1, $0x1;
	[dreg:$0x8] =	wrdreg s0  }
0xe: {  	s31 =	simm.s32 $0x10E00;
	s28 =	sadd.s32 $0x800, s3;
	[dreg:$0xb] =	wrdreg s30  }
0xf: {  	s10 =	sadd.s32 $0x400, s7;
	s2 =	simm.s32 $0x0;
	[dreg:$0x7] =	wrdreg s28  }
.LBB2_80:
0x10: {  	s0 =	simm.s32 $0x2  }
0x11: {  	_ =	swait.ge [sflag:s0], $0x2000  }
0x12: {  	[sflag:s0] =	ssyncset.done $0x0  }
0x13: {  	[sflag:s0] =	ssyncadd.s32 $0xFFFFE000  }
0x14: {  	_ =	swait.ge [sflag:s0], $0x2000  }
0x15: {  	[sflag:s0] =	ssyncset.done $0x0  }
0x16: {  	s1 =	simm.s32 $0x4;
	[sflag:s0] =	ssyncadd.s32 $0xFFFFE000  }
0x17: {  	_ =	swait.ge [sflag:s1], $0x2000  }
0x18: {  	[sflag:s1] =	ssyncset.done $0x0  }
0x19: {  	[sflag:s1] =	ssyncadd.s32 $0xFFFFE000  }
0x1a: {  	_ =	swait.ge [sflag:s1], $0x2000  }
0x1b: {  	s2 =	rddreg [dreg:$0xc]  }
0x1c: {  	s30 =	rddreg [dreg:$0xb];
	s2 =	sadd.s32 $0x1, s2  }
0x1d: {  	p0 =	sne.s32 s2, s30  }
.Ltmp1:
0x1e: {  	_ = 	snop;
	(pc) =	sbr.rel @!p0 .LBB2_81-.Ltmp1, $3  }
0x1f: {  	_ =	sdelay $0x1  }
0x20: {  	[sflag:s1] =	ssyncset.done $0x0  }
0x21: {  	[sflag:s1] =	ssyncadd.s32 $0xFFFFE000  }
.LBB2_1:
0x22: {  	[dreg:$0xc] =	wrdreg s2  }
0x23: {  	s0 =	rddreg [dreg:$0x6]  }
0x24: {  	s1 =	simm.s32 $0x8E00;
	s19 =	rddreg [dreg:$0x7]  }
0x25: {  	[tilespmem:s1], [sflag:$0x1] =	stream.linear.gather [hbm4b:s0+s4], $0x4000, $0x38;
	[tilespmem:$0x18E00] =	vst v63  }
0x26: {  	s20 =	rddreg [dreg:$0x5]  }
0x27: {  	[tilespmem:s31], [sflag:$0x3] =	stream.linear.gather [hbm4b:s19+s4], $0x4000, $0x38;
	[tilespmem:$0x18E00] =	vst v63  }
0x28: {  	s21 =	simm.s32 $0x200;
	s22 =	simm.s32 $0x5;
	s24 =	sand.u32 $0x60, s4  }
0x29: {  	[tilespmem:s21], [sflag:$0x5] =	stream.linear.gather [hbm4b:s20+s4], $0x8000, $0x38;
	[tilespmem:$0x18E00] =	vst v63  }
0x2a: {  	s25 =	simm.s32 $0x210;
	s26 =	sand.u32 $0x3000, s4;
	_ =	swait.ge [sflag:s22], $0x8000  }
0x2b: {  	s3 =	simm.s32 $0x1080;
	s7 =	simm.s32 $0x2080;
	[sflag:s22] =	ssyncset.done $0x0  }
0x2c: {  	s11 =	simm.s32 $0x610;
	s23 =	rddreg [dreg:$0x8];
	[sflag:s22] =	ssyncadd.s32 $0xFFFF8000  }
0x2d: {  	[tilespmem:s4], [sflag:$0x5] =	stream.linear.gather [hbm4b:s23+s4], $0x200, $0x38;
	[tilespmem:$0x18E00] =	vst v63  }
0x2e: {  	s6 =	sand.u32 $0x70, s25;
	s28 =	sshrl.u32 s26, $0x2;
	_ =	swait.ge [sflag:s22], $0x200  }
0x2f: {  	s29 =	sand.u32 $0x1C00, s3;
	s0 =	sor.u32 $0x10, s24;
	[sflag:s22] =	ssyncset.done $0x0  }
0x30: {  	s30 =	sor.u32 $0x200, s28;
	s2 =	sor.u32 s6, s29;
	[sflag:s22] =	ssyncadd.s32 $0xFFFFFE00  }
0x31: {  	s12 =	simm.s32 $0x3080;
	s31 =	simm.s32 $0x410;
	s8 =	sor.u32 s0, s30;
	v0 =	vld [tilespmem:s2+$0x200]  }
0x32: {  	s13 =	sand.u32 $0xC00, s4;
	s9 =	sand.u32 $0x2C00, s7;
	s6 =	sand.u32 $0x70, s31;
	v1 =	vld [tilespmem:s8+$0x0]  }
0x33: {  	s15 =	simm.s32 $0x810;
	s16 =	simm.s32 $0x4080;
	s2 =	sor.u32 s6, s9  }
0x34: {  	s7 =	sand.u32 $0x3C00, s12;
	s3 =	sor.u32 s24, s30;
	s6 =	sand.u32 $0x70, s11;
	v2 =	vld [tilespmem:s2+$0x200]  }
0x35: {  	s17 =	sand.u32 $0x70, s15;
	s18 =	sand.u32 $0x4C00, s16;
	v6 =	vld [tilespmem:s3+$0x0];
	s14 =	sor.u32 s6, s7  }
0x36: {  	s28 =	simm.s32 $0xE10;
	s29 =	simm.s32 $0x7080;
	s8 =	sor.u32 s24, s13;
	v3 =	vld [tilespmem:s14+$0x200]  }
0x37: {  	s19 =	simm.s32 $0xA10;
	s20 =	simm.s32 $0x5080;
	s2 =	sor.u32 s17, s18;
	v7 =	vld [tilespmem:s8+$0x1200];
	v0 =	vadd.f32 v0, v1  }
0x38: {  	s30 =	sand.u32 $0x70, s28;
	s21 =	sand.u32 $0x70, s19;
	s22 =	sand.u32 $0x5C00, s20;
	v5 =	vld [tilespmem:s2+$0x200]  }
0x39: {  	s23 =	simm.s32 $0xC10;
	s1 =	sor.u32 s21, s22;
	s24 =	simm.s32 $0x6080;
	v4 =	vld [tilespmem:s8+$0x3200];
	v1 =	vadd.f32 v2, v0  }
0x3a: {  	s31 =	sand.u32 $0x7C00, s29;
	s25 =	sand.u32 $0x70, s23;
	s26 =	sand.u32 $0x6C00, s24;
	v0 =	vld [tilespmem:s1+$0x200]  }
0x3b: {  	s3 =	sor.u32 s30, s31;
	v2 =	vld [tilespmem:s8+$0x2200];
	s1 =	sor.u32 s25, s26;
	v3 =	vadd.f32 v3, v1  }
0x3c: {  	s11 =	sand.u32 $0x180, s4;
	s6 =	simm.s32 $0x0;
	s7 =	simm.s32 $0x20;
	v1 =	vld [tilespmem:s1+$0x200]  }
0x3d: {  	s2 =	simm.s32 $0x8200;
	v6 =	vadd.f32 v7, v6;
	s1 =	simm.s32 $0x100;
	v5 =	vadd.f32 v5, v3;
	v3 =	vld [tilespmem:s3+$0x200];
	s3 =	simm.s32 $0x400  }
.LBB2_2:
0x3e: {  	s9 =	sand.u32 $0x60, s7  }
0x3f: {  	s12 =	sadd.s32 $0x210, s7;
	s13 =	sadd.s32 $0x1080, s1;
	v7 =	vld [tilespmem:s8+$0x4200];
	v0 =	vadd.f32 v0, v5;
	s14 =	smov.u32 s0  }
0x40: {  	s0 =	sand.u32 $0x3000, s3;
	s6 =	sadd.s32 $0x2, s6;
	s12 =	sand.u32 $0x70, s12;
	v2 =	vadd.f32 v2, v6;
	v5 =	vld [tilespmem:s8+$0x5200]  }
0x41: {  	s0 =	sshrl.u32 s0, $0x2;
	s13 =	sand.u32 $0x1C00, s13;
	p0 =	slt.u32 s6, $0x1E;
	v6 =	vld [tilespmem:s8+$0x6200];
	v0 =	vadd.f32 v1, v0  }
0x42: {  	s15 =	sor.u32 $0x200, s0;
	s0 =	sor.u32 $0x10, s9;
	s12 =	sor.u32 s12, s13;
	v1 =	vadd.f32 v4, v2;
	v2 =	vld [tilespmem:s8+$0x7200]  }
0x43: {  	s13 =	sadd.s32 $0x2080, s1;
	s8 =	sor.u32 s0, s15;
	v4 =	vld [tilespmem:s12+$0x200];
	s12 =	sadd.s32 $0x410, s7;
	v0 =	vadd.f32 v3, v0  }
0x44: {  	s11 =	sor.u32 s14, s11;
	v3 =	vld [tilespmem:s8+$0x0];
	s8 =	sand.u32 $0x70, s12;
	s12 =	sand.u32 $0x2C00, s13;
	v1 =	vadd.f32 v7, v1  }
0x45: {  	s13 =	sadd.s32 $0x3080, s1;
	s8 =	sor.u32 s8, s12;
	s12 =	sadd.s32 $0x610, s7;
	[tilespmem:s11+$0x8200] =	vst v0  }
0x46: {  	s11 =	sand.u32 $0xC00, s1;
	v0 =	vld [tilespmem:s8+$0x200];
	s8 =	sand.u32 $0x70, s12;
	s12 =	sand.u32 $0x3C00, s13;
	v1 =	vadd.f32 v5, v1  }
0x47: {  	s13 =	sadd.s32 $0x4080, s1;
	s8 =	sor.u32 s8, s12;
	s12 =	sadd.s32 $0x810, s7  }
0x48: {  	s14 =	sor.u32 s9, s15;
	v5 =	vld [tilespmem:s8+$0x200];
	s8 =	sand.u32 $0x70, s12;
	s12 =	sand.u32 $0x4C00, s13;
	v1 =	vadd.f32 v6, v1  }
0x49: {  	s13 =	sadd.s32 $0xA10, s7;
	v6 =	vld [tilespmem:s14+$0x0];
	v3 =	vadd.f32 v4, v3;
	s12 =	sor.u32 s8, s12;
	s14 =	sadd.s32 $0x5080, s1  }
0x4a: {  	s8 =	sor.u32 s9, s11;
	s9 =	sand.u32 $0x70, s13;
	v7 =	vld [tilespmem:s12+$0x200];
	s11 =	sand.u32 $0x5C00, s14;
	v1 =	vadd.f32 v2, v1  }
0x4b: {  	s12 =	sadd.s32 $0x6080, s1;
	v8 =	vld [tilespmem:s8+$0x1200];
	v3 =	vadd.f32 v0, v3;
	s9 =	sor.u32 s9, s11;
	s11 =	sadd.s32 $0xC10, s7  }
.Ltmp2:
0x4c: {  	v0 =	vld [tilespmem:s9+$0x200];
	s9 =	sand.u32 $0x70, s11;
	s11 =	sand.u32 $0x6C00, s12;
	[tilespmem:s2+$0x0] =	vst v1;
	(pc) =	sbr.rel @p0 .LBB2_2-.Ltmp2, $4  }
0x4d: {  	s12 =	sadd.s32 $0x7080, s1;
	v2 =	vld [tilespmem:s8+$0x2200];
	v3 =	vadd.f32 v5, v3;
	s9 =	sor.u32 s9, s11;
	s11 =	sadd.s32 $0xE10, s7  }
0x4e: {  	s28 =	simm.s32 $0x0;
	v1 =	vld [tilespmem:s9+$0x200];
	s9 =	sand.u32 $0x70, s11;
	s11 =	sand.u32 $0x7C00, s12  }
0x4f: {  	s1 =	sadd.s32 $0x100, s1;
	s2 =	sadd.s32 $0x20, s2;
	v4 =	vld [tilespmem:s8+$0x3200];
	v5 =	vadd.f32 v7, v3;
	s9 =	sor.u32 s9, s11  }
0x50: {  	s3 =	sadd.s32 $0x400, s3;
	s11 =	sand.u32 $0x180, s7;
	s7 =	sadd.s32 $0x20, s7;
	v6 =	vadd.f32 v8, v6;
	v3 =	vld [tilespmem:s9+$0x200]  }
0x51: {  	v7 =	vld [tilespmem:s8+$0x4200]  }
0x52: {  	v2 =	vadd.f32 v2, v6  }
0x53: {  	v6 =	vld [tilespmem:s8+$0x5200]  }
0x54: {  	v2 =	vadd.f32 v4, v2  }
0x55: {  	v4 =	vld [tilespmem:s8+$0x6200]  }
0x56: {  	v2 =	vadd.f32 v7, v2  }
0x57: {  	v0 =	vadd.f32 v0, v5;
	v5 =	vld [tilespmem:s8+$0x7200]  }
0x58: {  	v2 =	vadd.f32 v6, v2  }
0x59: {  	v0 =	vadd.f32 v1, v0  }
0x5a: {  	s0 =	sor.u32 s0, s11;
	v1 =	vadd.f32 v4, v2  }
0x5b: {  	s16 =	sand.u32 $0x60, s28;
	s1 =	simm.s32 $0x410;
	s3 =	sand.u32 $0x3000, s28;
	v0 =	vadd.f32 v3, v0  }
0x5c: {  	s6 =	simm.s32 $0x210;
	s7 =	simm.s32 $0x1080;
	s22 =	simm.s32 $0x2080;
	v1 =	vadd.f32 v5, v1  }
0x5d: {  	s29 =	sand.u32 $0x70, s6;
	s3 =	sshrl.u32 s3, $0x2;
	s21 =	sand.u32 $0x1C80, s7;
	[tilespmem:s0+$0x8200] =	vst v0  }
0x5e: {  	s24 =	sor.u32 $0x10, s16;
	s3 =	sor.u32 $0x200, s3;
	s0 =	sor.u32 s29, s21;
	[tilespmem:s2+$0x0] =	vst v1  }
0x5f: {  	s25 =	simm.s32 $0x610;
	s26 =	simm.s32 $0x3080;
	s14 =	sor.u32 s24, s3;
	v0 =	vld [tilespmem:s0+$0x200]  }
0x60: {  	s6 =	sand.u32 $0x70, s1;
	s23 =	sand.u32 $0x2C80, s22;
	s9 =	sor.u32 s16, s3;
	v1 =	vld [tilespmem:s14+$0x80]  }
0x61: {  	s12 =	simm.s32 $0xA10;
	s2 =	sand.u32 $0xC00, s28;
	s0 =	sor.u32 s6, s23;
	v3 =	vld [tilespmem:s9+$0x80]  }
0x62: {  	s13 =	sand.u32 $0x70, s25;
	s3 =	sand.u32 $0x3C80, s26;
	s1 =	sor.u32 s16, s2;
	v2 =	vld [tilespmem:s0+$0x200]  }
0x63: {  	s7 =	simm.s32 $0x810;
	s8 =	simm.s32 $0x4080;
	s0 =	sor.u32 s13, s3;
	v5 =	vld [tilespmem:s1+$0x1280]  }
0x64: {  	s15 =	simm.s32 $0x5080;
	s17 =	sand.u32 $0x70, s7;
	s11 =	sand.u32 $0x4C80, s8;
	v4 =	vld [tilespmem:s0+$0x200]  }
0x65: {  	s19 =	simm.s32 $0xC10;
	s20 =	simm.s32 $0x6080;
	v7 =	vld [tilespmem:s1+$0x2280];
	s0 =	sor.u32 s17, s11;
	v0 =	vadd.f32 v0, v1  }
0x66: {  	s25 =	sand.u32 $0x70, s12;
	s18 =	sand.u32 $0x5C80, s15;
	s15 =	sand.u32 $0x70, s19;
	v6 =	vld [tilespmem:s0+$0x200]  }
0x67: {  	s22 =	simm.s32 $0xE10;
	s21 =	sand.u32 $0x6C80, s20;
	s0 =	sor.u32 s25, s18;
	v1 =	vld [tilespmem:s1+$0x3280];
	v2 =	vadd.f32 v2, v0  }
0x68: {  	s12 =	simm.s32 $0x100;
	s23 =	simm.s32 $0x7080;
	v0 =	vld [tilespmem:s0+$0x200];
	s0 =	sor.u32 s15, s21  }
0x69: {  	s30 =	smov.u32 s16;
	s20 =	sand.u32 $0x70, s22;
	s26 =	sand.u32 $0x7C80, s23;
	v3 =	vadd.f32 v5, v3;
	v8 =	vadd.f32 v4, v2;
	v2 =	vld [tilespmem:s0+$0x200]  }
0x6a: {  	s31 =	smov.u32 s24;
	s22 =	simm.s32 $0x0;
	v4 =	vld [tilespmem:s1+$0x4280];
	s0 =	sor.u32 s20, s26  }
0x6b: {  	s3 =	simm.s32 $0x400;
	s23 =	simm.s32 $0x0;
	s11 =	simm.s32 $0x20;
	v5 =	vadd.f32 v6, v8;
	v6 =	vadd.f32 v7, v3;
	v3 =	vld [tilespmem:s0+$0x200]  }
.LBB2_4:
0x6c: {  	s0 =	sand.u32 $0x60, s11  }
0x6d: {  	s7 =	sadd.s32 $0x410, s11;
	v7 =	vld [tilespmem:s1+$0x5280];
	s8 =	sand.u32 $0x180, s23;
	v0 =	vadd.f32 v0, v5;
	s23 =	smov.u32 s11  }
0x6e: {  	s26 =	sand.u32 $0x3000, s3;
	s19 =	sadd.s32 $0x210, s11;
	s18 =	sadd.s32 $0x1080, s12;
	v1 =	vadd.f32 v1, v6;
	v5 =	vld [tilespmem:s1+$0x6280]  }
0x6f: {  	s22 =	sadd.s32 $0x2, s22;
	s19 =	sand.u32 $0x70, s19;
	s21 =	sor.u32 $0x8400, s8;
	v6 =	vld [tilespmem:s1+$0x7280];
	v0 =	vadd.f32 v2, v0  }
0x70: {  	s18 =	sand.u32 $0x1C80, s18;
	p0 =	slt.u32 s22, $0x1E;
	s1 =	sshrl.u32 s26, $0x2;
	v1 =	vadd.f32 v4, v1  }
0x71: {  	s8 =	sor.u32 $0x10, s0;
	s18 =	sor.u32 s19, s18;
	s1 =	sor.u32 $0x200, s1;
	v0 =	vadd.f32 v3, v0  }
0x72: {  	s26 =	sor.u32 s31, s21;
	s19 =	sor.u32 s8, s1;
	v2 =	vld [tilespmem:s18+$0x200];
	s18 =	sadd.s32 $0x2080, s12;
	v1 =	vadd.f32 v7, v1  }
0x73: {  	s7 =	sand.u32 $0x70, s7;
	s31 =	sand.u32 $0xC00, s12;
	v3 =	vld [tilespmem:s19+$0x80];
	s18 =	sand.u32 $0x2C80, s18;
	[tilespmem:s26+$0x0] =	vst v0  }
0x74: {  	s19 =	sadd.s32 $0x3080, s12;
	s7 =	sor.u32 s7, s18;
	s18 =	sadd.s32 $0x610, s11;
	v0 =	vadd.f32 v5, v1  }
0x75: {  	s1 =	sor.u32 s0, s1;
	v1 =	vld [tilespmem:s7+$0x200];
	s7 =	sand.u32 $0x70, s18;
	s18 =	sand.u32 $0x3C80, s19  }
0x76: {  	s19 =	sadd.s32 $0x4080, s12;
	v4 =	vld [tilespmem:s1+$0x80];
	s7 =	sor.u32 s7, s18;
	s18 =	sadd.s32 $0x810, s11;
	v0 =	vadd.f32 v6, v0  }
0x77: {  	s1 =	sor.u32 s0, s31;
	v5 =	vld [tilespmem:s7+$0x200];
	s7 =	sand.u32 $0x70, s18;
	s18 =	sand.u32 $0x4C80, s19  }
0x78: {  	s19 =	sadd.s32 $0x5080, s12;
	v6 =	vld [tilespmem:s1+$0x1280];
	v2 =	vadd.f32 v2, v3;
	s7 =	sor.u32 s7, s18;
	s18 =	sadd.s32 $0xA10, s11  }
0x79: {  	v3 =	vld [tilespmem:s7+$0x200];
	s7 =	sand.u32 $0x70, s18;
	s18 =	sand.u32 $0x5C80, s19;
	s19 =	sor.u32 s30, s21  }
0x7a: {  	s21 =	sadd.s32 $0x6080, s12;
	v7 =	vld [tilespmem:s1+$0x2280];
	v2 =	vadd.f32 v1, v2;
	s7 =	sor.u32 s7, s18;
	s18 =	sadd.s32 $0xC10, s11;
	[tilespmem:s19+$0x0] =	vst v0  }
.Ltmp3:
0x7b: {  	v0 =	vld [tilespmem:s7+$0x200];
	s7 =	sand.u32 $0x70, s18;
	s18 =	sand.u32 $0x6C80, s21;
	(pc) =	sbr.rel @p0 .LBB2_4-.Ltmp3, $4  }
0x7c: {  	s19 =	sadd.s32 $0x7080, s12;
	v1 =	vld [tilespmem:s1+$0x3280];
	v5 =	vadd.f32 v5, v2;
	s7 =	sor.u32 s7, s18;
	s18 =	sadd.s32 $0xE10, s11  }
0x7d: {  	s30 =	smov.u32 s0;
	v6 =	vadd.f32 v6, v4;
	v2 =	vld [tilespmem:s7+$0x200];
	s7 =	sand.u32 $0x70, s18;
	s18 =	sand.u32 $0x7C80, s19  }
0x7e: {  	s31 =	smov.u32 s8;
	v4 =	vld [tilespmem:s1+$0x4280];
	v5 =	vadd.f32 v3, v5;
	s0 =	sor.u32 s7, s18  }
0x7f: {  	s3 =	sadd.s32 $0x400, s3;
	s12 =	sadd.s32 $0x100, s12;
	s11 =	sadd.s32 $0x20, s11;
	v6 =	vadd.f32 v7, v6;
	v3 =	vld [tilespmem:s0+$0x200]  }
0x80: {  	v7 =	vld [tilespmem:s1+$0x5280]  }
0x81: {  	v1 =	vadd.f32 v1, v6  }
0x82: {  	v6 =	vld [tilespmem:s1+$0x6280]  }
0x83: {  	v1 =	vadd.f32 v4, v1  }
0x84: {  	v0 =	vadd.f32 v0, v5;
	v4 =	vld [tilespmem:s1+$0x7280]  }
0x85: {  	v1 =	vadd.f32 v7, v1  }
0x86: {  	v0 =	vadd.f32 v2, v0  }
0x87: {  	s0 =	sand.u32 $0x180, s23;
	v1 =	vadd.f32 v6, v1  }
0x88: {  	s0 =	sor.u32 $0x8400, s0;
	v0 =	vadd.f32 v3, v0  }
0x89: {  	s18 =	simm.s32 $0x1080;
	s12 =	sor.u32 s31, s0;
	v1 =	vadd.f32 v4, v1  }
0x8a: {  	s0 =	sor.u32 s30, s0;
	s1 =	sand.u32 $0x1C00, s18;
	[tilespmem:s12+$0x0] =	vst v0  }
0x8b: {  	s21 =	simm.s32 $0x2080;
	s19 =	sor.u32 s29, s1;
	[tilespmem:s0+$0x0] =	vst v1  }
0x8c: {  	s0 =	sand.u32 $0x2C00, s21;
	v0 =	vld [tilespmem:s19+$0x300]  }
0x8d: {  	s22 =	simm.s32 $0x3080;
	v1 =	vld [tilespmem:s14+$0x100];
	s0 =	sor.u32 s6, s0  }
0x8e: {  	v2 =	vld [tilespmem:s0+$0x300];
	s0 =	sand.u32 $0x3C00, s22  }
0x8f: {  	s23 =	simm.s32 $0x4080;
	v3 =	vld [tilespmem:s9+$0x100];
	s0 =	sor.u32 s13, s0  }
0x90: {  	s6 =	sor.u32 s16, s2;
	v4 =	vld [tilespmem:s0+$0x300];
	s0 =	sand.u32 $0x4C00, s23  }
0x91: {  	s26 =	simm.s32 $0x5080;
	v5 =	vld [tilespmem:s6+$0x1300];
	s0 =	sor.u32 s17, s0  }
0x92: {  	v0 =	vadd.f32 v0, v1;
	v6 =	vld [tilespmem:s0+$0x300];
	s0 =	sand.u32 $0x5C00, s26  }
0x93: {  	s29 =	simm.s32 $0x6080;
	v7 =	vld [tilespmem:s6+$0x2300];
	s0 =	sor.u32 s25, s0  }
0x94: {  	v0 =	vadd.f32 v2, v0;
	v1 =	vld [tilespmem:s0+$0x300];
	s0 =	sand.u32 $0x6C00, s29  }
0x95: {  	s30 =	simm.s32 $0x7080;
	v2 =	vld [tilespmem:s6+$0x3300];
	s0 =	sor.u32 s15, s0  }
0x96: {  	s31 =	sand.u32 $0x7C00, s30;
	v3 =	vadd.f32 v5, v3;
	v8 =	vadd.f32 v4, v0;
	v0 =	vld [tilespmem:s0+$0x300]  }
0x97: {  	s3 =	simm.s32 $0x20;
	s1 =	sor.u32 s20, s31;
	v4 =	vld [tilespmem:s6+$0x4300]  }
0x98: {  	s2 =	simm.s32 $0x400;
	s0 =	simm.s32 $0x0;
	v5 =	vadd.f32 v6, v8;
	v6 =	vadd.f32 v7, v3;
	v3 =	vld [tilespmem:s1+$0x300];
	s1 =	simm.s32 $0x100  }
.LBB2_6:
0x99: {  	s7 =	sand.u32 $0x60, s3  }
0x9a: {  	s9 =	sadd.s32 $0x410, s3;
	v7 =	vld [tilespmem:s6+$0x5300];
	s8 =	sand.u32 $0x180, s28;
	v1 =	vadd.f32 v1, v5;
	s28 =	smov.u32 s3  }
0x9b: {  	s11 =	sand.u32 $0x3000, s2;
	s12 =	sadd.s32 $0x210, s3;
	s13 =	sadd.s32 $0x1080, s1;
	v2 =	vadd.f32 v2, v6;
	v5 =	vld [tilespmem:s6+$0x6300]  }
0x9c: {  	s0 =	sadd.s32 $0x2, s0;
	s12 =	sand.u32 $0x70, s12;
	s14 =	sor.u32 $0x8600, s8;
	v6 =	vld [tilespmem:s6+$0x7300];
	v0 =	vadd.f32 v0, v1  }
0x9d: {  	p0 =	slt.u32 s0, $0x1E;
	s6 =	sshrl.u32 s11, $0x2;
	s11 =	sand.u32 $0x1C00, s13;
	v1 =	vadd.f32 v4, v2  }
0x9e: {  	s8 =	sor.u32 $0x10, s7;
	s6 =	sor.u32 $0x200, s6;
	s11 =	sor.u32 s12, s11;
	v0 =	vadd.f32 v3, v0  }
0x9f: {  	s13 =	sor.u32 s24, s14;
	s12 =	sor.u32 s8, s6;
	v2 =	vld [tilespmem:s11+$0x300];
	s11 =	sadd.s32 $0x2080, s1;
	v1 =	vadd.f32 v7, v1  }
0xa0: {  	s15 =	sand.u32 $0xC00, s1;
	s9 =	sand.u32 $0x70, s9;
	v3 =	vld [tilespmem:s12+$0x100];
	s11 =	sand.u32 $0x2C00, s11;
	[tilespmem:s13+$0x0] =	vst v0  }
0xa1: {  	s12 =	sadd.s32 $0x3080, s1;
	s9 =	sor.u32 s9, s11;
	s11 =	sadd.s32 $0x610, s3;
	v0 =	vadd.f32 v5, v1  }
0xa2: {  	s6 =	sor.u32 s7, s6;
	v1 =	vld [tilespmem:s9+$0x300];
	s9 =	sand.u32 $0x70, s11;
	s11 =	sand.u32 $0x3C00, s12  }
0xa3: {  	s12 =	sadd.s32 $0x4080, s1;
	v4 =	vld [tilespmem:s6+$0x100];
	s9 =	sor.u32 s9, s11;
	s11 =	sadd.s32 $0x810, s3;
	v0 =	vadd.f32 v6, v0  }
0xa4: {  	s6 =	sor.u32 s7, s15;
	v5 =	vld [tilespmem:s9+$0x300];
	s9 =	sand.u32 $0x70, s11;
	s11 =	sand.u32 $0x4C00, s12  }
0xa5: {  	s12 =	sadd.s32 $0x5080, s1;
	v6 =	vld [tilespmem:s6+$0x1300];
	v2 =	vadd.f32 v2, v3;
	s9 =	sor.u32 s9, s11;
	s11 =	sadd.s32 $0xA10, s3  }
0xa6: {  	v3 =	vld [tilespmem:s9+$0x300];
	s9 =	sand.u32 $0x70, s11;
	s11 =	sand.u32 $0x5C00, s12;
	s12 =	sor.u32 s16, s14  }
0xa7: {  	s13 =	sadd.s32 $0x6080, s1;
	v7 =	vld [tilespmem:s6+$0x2300];
	v8 =	vadd.f32 v1, v2;
	s9 =	sor.u32 s9, s11;
	s11 =	sadd.s32 $0xC10, s3;
	[tilespmem:s12+$0x0] =	vst v0  }
.Ltmp4:
0xa8: {  	v1 =	vld [tilespmem:s9+$0x300];
	s9 =	sand.u32 $0x70, s11;
	s11 =	sand.u32 $0x6C00, s13;
	(pc) =	sbr.rel @p0 .LBB2_6-.Ltmp4, $4  }
0xa9: {  	s12 =	sadd.s32 $0x7080, s1;
	v2 =	vld [tilespmem:s6+$0x3300];
	v5 =	vadd.f32 v5, v8;
	s9 =	sor.u32 s9, s11;
	s11 =	sadd.s32 $0xE10, s3  }
0xaa: {  	s16 =	smov.u32 s7;
	v6 =	vadd.f32 v6, v4;
	v0 =	vld [tilespmem:s9+$0x300];
	s9 =	sand.u32 $0x70, s11;
	s11 =	sand.u32 $0x7C00, s12  }
0xab: {  	s29 =	simm.s32 $0x0;
	s24 =	smov.u32 s8;
	v4 =	vld [tilespmem:s6+$0x4300];
	v5 =	vadd.f32 v3, v5;
	s7 =	sor.u32 s9, s11  }
0xac: {  	s2 =	sadd.s32 $0x400, s2;
	s1 =	sadd.s32 $0x100, s1;
	s3 =	sadd.s32 $0x20, s3;
	v6 =	vadd.f32 v7, v6;
	v3 =	vld [tilespmem:s7+$0x300]  }
0xad: {  	v7 =	vld [tilespmem:s6+$0x5300]  }
0xae: {  	v2 =	vadd.f32 v2, v6  }
0xaf: {  	v6 =	vld [tilespmem:s6+$0x6300]  }
0xb0: {  	v2 =	vadd.f32 v4, v2  }
0xb1: {  	v1 =	vadd.f32 v1, v5;
	v4 =	vld [tilespmem:s6+$0x7300]  }
0xb2: {  	v2 =	vadd.f32 v7, v2  }
0xb3: {  	s0 =	sand.u32 $0x180, s28;
	s30 =	sand.u32 $0x60, s29;
	v0 =	vadd.f32 v0, v1  }
0xb4: {  	s3 =	simm.s32 $0x410;
	s2 =	sand.u32 $0x3000, s29;
	s7 =	simm.s32 $0x1080;
	v1 =	vadd.f32 v6, v2  }
0xb5: {  	s18 =	simm.s32 $0x2080;
	s19 =	simm.s32 $0x610;
	s0 =	sor.u32 $0x8600, s0;
	v0 =	vadd.f32 v3, v0  }
0xb6: {  	s1 =	sor.u32 s24, s0;
	s0 =	sor.u32 s16, s0;
	s16 =	simm.s32 $0x210;
	v1 =	vadd.f32 v4, v1  }
0xb7: {  	s2 =	sshrl.u32 s2, $0x2;
	s17 =	sand.u32 $0x1C00, s7;
	s6 =	sand.u32 $0x70, s16;
	[tilespmem:s1+$0x0] =	vst v0  }
0xb8: {  	s31 =	sor.u32 $0x10, s30;
	s8 =	sor.u32 $0x200, s2;
	[tilespmem:s0+$0x0] =	vst v1;
	s0 =	sor.u32 s6, s17  }
0xb9: {  	s3 =	sand.u32 $0x70, s3;
	s2 =	sor.u32 s31, s8;
	s1 =	sand.u32 $0x2C00, s18;
	v0 =	vld [tilespmem:s0+$0x380]  }
0xba: {  	s20 =	simm.s32 $0x3080;
	s21 =	simm.s32 $0x810;
	s7 =	sor.u32 s3, s1;
	v1 =	vld [tilespmem:s2+$0x180]  }
0xbb: {  	s8 =	sor.u32 s30, s8;
	s1 =	sand.u32 $0x70, s19;
	s3 =	sand.u32 $0x3C00, s20;
	v2 =	vld [tilespmem:s7+$0x380]  }
0xbc: {  	s11 =	simm.s32 $0x4080;
	s9 =	sor.u32 s1, s3;
	s6 =	sand.u32 $0xC00, s29;
	v3 =	vld [tilespmem:s8+$0x180]  }
0xbd: {  	s11 =	sand.u32 $0x4C00, s11;
	s3 =	sand.u32 $0x70, s21;
	s1 =	sor.u32 s30, s6;
	v4 =	vld [tilespmem:s9+$0x380]  }
0xbe: {  	s22 =	simm.s32 $0xA10;
	s13 =	sor.u32 s3, s11;
	v5 =	vld [tilespmem:s1+$0x1380]  }
0xbf: {  	s23 =	simm.s32 $0x5080;
	s25 =	simm.s32 $0x6080;
	s26 =	simm.s32 $0xE10;
	v6 =	vld [tilespmem:s13+$0x380];
	v0 =	vadd.f32 v0, v1  }
0xc0: {  	s24 =	simm.s32 $0xC10;
	s3 =	sand.u32 $0x70, s22;
	s11 =	sand.u32 $0x5C00, s23;
	v7 =	vld [tilespmem:s1+$0x2380]  }
0xc1: {  	s14 =	sor.u32 s3, s11;
	s3 =	sand.u32 $0x70, s24;
	s11 =	sand.u32 $0x6C00, s25;
	v1 =	vld [tilespmem:s1+$0x3380];
	v2 =	vadd.f32 v2, v0  }
0xc2: {  	s28 =	simm.s32 $0x7080;
	s12 =	simm.s32 $0x100;
	s15 =	sor.u32 s3, s11;
	v0 =	vld [tilespmem:s14+$0x380]  }
0xc3: {  	s19 =	simm.s32 $0x0;
	s3 =	sand.u32 $0x70, s26;
	s11 =	sand.u32 $0x7C00, s28;
	v3 =	vadd.f32 v5, v3;
	v8 =	vadd.f32 v4, v2;
	v2 =	vld [tilespmem:s15+$0x380]  }
0xc4: {  	s20 =	smov.u32 s30;
	s24 =	smov.u32 s31;
	s16 =	sor.u32 s3, s11;
	v4 =	vld [tilespmem:s1+$0x4380]  }
0xc5: {  	s17 =	simm.s32 $0x0;
	s3 =	simm.s32 $0x400;
	s11 =	simm.s32 $0x20;
	v5 =	vadd.f32 v6, v8;
	v6 =	vadd.f32 v7, v3;
	v3 =	vld [tilespmem:s16+$0x380]  }
.LBB2_8:
0xc6: {  	s22 =	sand.u32 $0x60, s11  }
0xc7: {  	s18 =	sadd.s32 $0x410, s11;
	v7 =	vld [tilespmem:s1+$0x5380];
	s21 =	sand.u32 $0x180, s19;
	v0 =	vadd.f32 v0, v5;
	s19 =	smov.u32 s11  }
0xc8: {  	s23 =	sand.u32 $0x3000, s3;
	s25 =	sadd.s32 $0x210, s11;
	s26 =	sadd.s32 $0x1080, s12;
	v1 =	vadd.f32 v1, v6;
	v5 =	vld [tilespmem:s1+$0x6380]  }
0xc9: {  	s17 =	sadd.s32 $0x2, s17;
	s25 =	sand.u32 $0x70, s25;
	s21 =	sor.u32 $0x8800, s21;
	v6 =	vld [tilespmem:s1+$0x7380];
	v0 =	vadd.f32 v2, v0  }
0xca: {  	s26 =	sand.u32 $0x1C00, s26;
	p0 =	slt.u32 s17, $0x1E;
	s1 =	sshrl.u32 s23, $0x2;
	v1 =	vadd.f32 v4, v1  }
0xcb: {  	s23 =	sor.u32 $0x10, s22;
	s25 =	sor.u32 s25, s26;
	s1 =	sor.u32 $0x200, s1;
	v0 =	vadd.f32 v3, v0  }
0xcc: {  	s24 =	sor.u32 s24, s21;
	s26 =	sor.u32 s23, s1;
	v2 =	vld [tilespmem:s25+$0x380];
	s25 =	sadd.s32 $0x2080, s12;
	v1 =	vadd.f32 v7, v1  }
0xcd: {  	s28 =	sand.u32 $0xC00, s12;
	s18 =	sand.u32 $0x70, s18;
	v3 =	vld [tilespmem:s26+$0x180];
	s25 =	sand.u32 $0x2C00, s25;
	[tilespmem:s24+$0x0] =	vst v0  }
0xce: {  	s24 =	sadd.s32 $0x610, s11;
	s18 =	sor.u32 s18, s25;
	s25 =	sadd.s32 $0x3080, s12;
	v0 =	vadd.f32 v5, v1  }
0xcf: {  	s1 =	sor.u32 s22, s1;
	v1 =	vld [tilespmem:s18+$0x380];
	s18 =	sand.u32 $0x70, s24;
	s24 =	sand.u32 $0x3C00, s25  }
0xd0: {  	s25 =	sadd.s32 $0x4080, s12;
	v4 =	vld [tilespmem:s1+$0x180];
	s18 =	sor.u32 s18, s24;
	s24 =	sadd.s32 $0x810, s11;
	v0 =	vadd.f32 v6, v0  }
0xd1: {  	s1 =	sor.u32 s22, s28;
	v5 =	vld [tilespmem:s18+$0x380];
	s18 =	sand.u32 $0x70, s24;
	s24 =	sand.u32 $0x4C00, s25  }
0xd2: {  	s25 =	sadd.s32 $0x5080, s12;
	v6 =	vld [tilespmem:s1+$0x1380];
	v2 =	vadd.f32 v2, v3;
	s18 =	sor.u32 s18, s24;
	s24 =	sadd.s32 $0xA10, s11  }
0xd3: {  	s20 =	sor.u32 s20, s21;
	v3 =	vld [tilespmem:s18+$0x380];
	s18 =	sand.u32 $0x70, s24;
	s24 =	sand.u32 $0x5C00, s25  }
0xd4: {  	s21 =	sadd.s32 $0xC10, s11;
	v7 =	vld [tilespmem:s1+$0x2380];
	v2 =	vadd.f32 v1, v2;
	s18 =	sor.u32 s18, s24;
	s24 =	sadd.s32 $0x6080, s12;
	[tilespmem:s20+$0x0] =	vst v0  }
.Ltmp5:
0xd5: {  	v0 =	vld [tilespmem:s18+$0x380];
	s18 =	sand.u32 $0x70, s21;
	s20 =	sand.u32 $0x6C00, s24;
	(pc) =	sbr.rel @p0 .LBB2_8-.Ltmp5, $4  }
0xd6: {  	s21 =	sadd.s32 $0x7080, s12;
	v1 =	vld [tilespmem:s1+$0x3380];
	v5 =	vadd.f32 v5, v2;
	s18 =	sor.u32 s18, s20;
	s20 =	sadd.s32 $0xE10, s11  }
0xd7: {  	s21 =	sand.u32 $0x7C00, s21;
	v6 =	vadd.f32 v6, v4;
	v2 =	vld [tilespmem:s18+$0x380];
	s18 =	sand.u32 $0x70, s20;
	s20 =	smov.u32 s22  }
0xd8: {  	s24 =	smov.u32 s23;
	v4 =	vld [tilespmem:s1+$0x4380];
	v5 =	vadd.f32 v3, v5;
	s18 =	sor.u32 s18, s21  }
0xd9: {  	s3 =	sadd.s32 $0x400, s3;
	s12 =	sadd.s32 $0x100, s12;
	s11 =	sadd.s32 $0x20, s11;
	v6 =	vadd.f32 v7, v6;
	v3 =	vld [tilespmem:s18+$0x380]  }
0xda: {  	v7 =	vld [tilespmem:s1+$0x5380]  }
0xdb: {  	v1 =	vadd.f32 v1, v6  }
0xdc: {  	v6 =	vld [tilespmem:s1+$0x6380]  }
0xdd: {  	v1 =	vadd.f32 v4, v1  }
0xde: {  	v0 =	vadd.f32 v0, v5;
	v4 =	vld [tilespmem:s1+$0x7380]  }
0xdf: {  	v1 =	vadd.f32 v7, v1  }
0xe0: {  	v0 =	vadd.f32 v2, v0  }
0xe1: {  	s28 =	sand.u32 $0x180, s19;
	v1 =	vadd.f32 v6, v1  }
0xe2: {  	s1 =	sor.u32 $0x8800, s28;
	v0 =	vadd.f32 v3, v0  }
0xe3: {  	s3 =	sor.u32 s24, s1;
	v1 =	vadd.f32 v4, v1  }
0xe4: {  	s1 =	sor.u32 s20, s1;
	[tilespmem:s3+$0x0] =	vst v0  }
0xe5: {  	[tilespmem:s1+$0x0] =	vst v1  }
0xe6: {  	v0 =	vld [tilespmem:s0+$0x400]  }
0xe7: {  	v1 =	vld [tilespmem:s2+$0x200]  }
0xe8: {  	v2 =	vld [tilespmem:s7+$0x400]  }
0xe9: {  	v3 =	vld [tilespmem:s8+$0x200]  }
0xea: {  	s6 =	sor.u32 s30, s6;
	v4 =	vld [tilespmem:s9+$0x400]  }
0xeb: {  	v5 =	vld [tilespmem:s6+$0x1400]  }
0xec: {  	v6 =	vld [tilespmem:s13+$0x400];
	v0 =	vadd.f32 v0, v1  }
0xed: {  	v7 =	vld [tilespmem:s6+$0x2400]  }
0xee: {  	v1 =	vld [tilespmem:s14+$0x400];
	v0 =	vadd.f32 v2, v0  }
0xef: {  	v2 =	vld [tilespmem:s6+$0x3400]  }
0xf0: {  	v3 =	vadd.f32 v5, v3;
	v8 =	vadd.f32 v4, v0;
	v0 =	vld [tilespmem:s15+$0x400]  }
0xf1: {  	s3 =	simm.s32 $0x20;
	v4 =	vld [tilespmem:s6+$0x4400]  }
0xf2: {  	s1 =	simm.s32 $0x100;
	s0 =	simm.s32 $0x0;
	s2 =	simm.s32 $0x400;
	v5 =	vadd.f32 v6, v8;
	v6 =	vadd.f32 v7, v3;
	v3 =	vld [tilespmem:s16+$0x400]  }
.LBB2_10:
0xf3: {  	s7 =	sand.u32 $0x60, s3  }
0xf4: {  	s9 =	sadd.s32 $0x410, s3;
	v7 =	vld [tilespmem:s6+$0x5400];
	s8 =	sand.u32 $0x180, s29;
	v1 =	vadd.f32 v1, v5;
	s29 =	smov.u32 s3  }
0xf5: {  	s11 =	sand.u32 $0x3000, s2;
	s12 =	sadd.s32 $0x210, s3;
	s13 =	sadd.s32 $0x1080, s1;
	v2 =	vadd.f32 v2, v6;
	v5 =	vld [tilespmem:s6+$0x6400]  }
0xf6: {  	s0 =	sadd.s32 $0x2, s0;
	s12 =	sand.u32 $0x70, s12;
	s14 =	sor.u32 $0x8A00, s8;
	v6 =	vld [tilespmem:s6+$0x7400];
	v0 =	vadd.f32 v0, v1  }
0xf7: {  	p0 =	slt.u32 s0, $0x1E;
	s6 =	sshrl.u32 s11, $0x2;
	s11 =	sand.u32 $0x1C00, s13;
	v1 =	vadd.f32 v4, v2  }
0xf8: {  	s8 =	sor.u32 $0x10, s7;
	s6 =	sor.u32 $0x200, s6;
	s11 =	sor.u32 s12, s11;
	v0 =	vadd.f32 v3, v0  }
0xf9: {  	s13 =	sor.u32 s31, s14;
	s12 =	sor.u32 s8, s6;
	v2 =	vld [tilespmem:s11+$0x400];
	s11 =	sadd.s32 $0x2080, s1;
	v1 =	vadd.f32 v7, v1  }
0xfa: {  	s15 =	sand.u32 $0xC00, s1;
	s9 =	sand.u32 $0x70, s9;
	v3 =	vld [tilespmem:s12+$0x200];
	s11 =	sand.u32 $0x2C00, s11;
	[tilespmem:s13+$0x0] =	vst v0  }
0xfb: {  	s12 =	sadd.s32 $0x3080, s1;
	s9 =	sor.u32 s9, s11;
	s11 =	sadd.s32 $0x610, s3;
	v0 =	vadd.f32 v5, v1  }
0xfc: {  	s6 =	sor.u32 s7, s6;
	v1 =	vld [tilespmem:s9+$0x400];
	s9 =	sand.u32 $0x70, s11;
	s11 =	sand.u32 $0x3C00, s12  }
0xfd: {  	s12 =	sadd.s32 $0x4080, s1;
	v4 =	vld [tilespmem:s6+$0x200];
	s9 =	sor.u32 s9, s11;
	s11 =	sadd.s32 $0x810, s3;
	v0 =	vadd.f32 v6, v0  }
0xfe: {  	s6 =	sor.u32 s7, s15;
	v5 =	vld [tilespmem:s9+$0x400];
	s9 =	sand.u32 $0x70, s11;
	s11 =	sand.u32 $0x4C00, s12  }
0xff: {  	s12 =	sadd.s32 $0x5080, s1;
	v6 =	vld [tilespmem:s6+$0x1400];
	v2 =	vadd.f32 v2, v3;
	s9 =	sor.u32 s9, s11;
	s11 =	sadd.s32 $0xA10, s3  }
0x100: {  	v3 =	vld [tilespmem:s9+$0x400];
	s9 =	sand.u32 $0x70, s11;
	s11 =	sand.u32 $0x5C00, s12;
	s12 =	sor.u32 s30, s14  }
0x101: {  	s13 =	sadd.s32 $0x6080, s1;
	v7 =	vld [tilespmem:s6+$0x2400];
	v8 =	vadd.f32 v1, v2;
	s9 =	sor.u32 s9, s11;
	s11 =	sadd.s32 $0xC10, s3;
	[tilespmem:s12+$0x0] =	vst v0  }
.Ltmp6:
0x102: {  	v1 =	vld [tilespmem:s9+$0x400];
	s9 =	sand.u32 $0x70, s11;
	s11 =	sand.u32 $0x6C00, s13;
	(pc) =	sbr.rel @p0 .LBB2_10-.Ltmp6, $4  }
0x103: {  	s12 =	sadd.s32 $0x7080, s1;
	v2 =	vld [tilespmem:s6+$0x3400];
	v5 =	vadd.f32 v5, v8;
	s9 =	sor.u32 s9, s11;
	s11 =	sadd.s32 $0xE10, s3  }
0x104: {  	s30 =	smov.u32 s7;
	v6 =	vadd.f32 v6, v4;
	v0 =	vld [tilespmem:s9+$0x400];
	s9 =	sand.u32 $0x70, s11;
	s11 =	sand.u32 $0x7C00, s12  }
0x105: {  	s28 =	simm.s32 $0x0;
	s31 =	smov.u32 s8;
	v4 =	vld [tilespmem:s6+$0x4400];
	v5 =	vadd.f32 v3, v5;
	s7 =	sor.u32 s9, s11  }
0x106: {  	s2 =	sadd.s32 $0x400, s2;
	s1 =	sadd.s32 $0x100, s1;
	s3 =	sadd.s32 $0x20, s3;
	v6 =	vadd.f32 v7, v6;
	v3 =	vld [tilespmem:s7+$0x400]  }
0x107: {  	v7 =	vld [tilespmem:s6+$0x5400]  }
0x108: {  	v2 =	vadd.f32 v2, v6  }
0x109: {  	v6 =	vld [tilespmem:s6+$0x6400]  }
0x10a: {  	v2 =	vadd.f32 v4, v2  }
0x10b: {  	v1 =	vadd.f32 v1, v5;
	v4 =	vld [tilespmem:s6+$0x7400]  }
0x10c: {  	v2 =	vadd.f32 v7, v2  }
0x10d: {  	s0 =	sand.u32 $0x180, s29;
	s3 =	simm.s32 $0x210;
	s7 =	sand.u32 $0x3000, s28;
	v0 =	vadd.f32 v0, v1  }
0x10e: {  	s9 =	simm.s32 $0x410;
	s12 =	simm.s32 $0x2080;
	s13 =	simm.s32 $0x610;
	v1 =	vadd.f32 v6, v2  }
0x10f: {  	s14 =	simm.s32 $0x3080;
	s0 =	sor.u32 $0x8A00, s0;
	s8 =	sshrl.u32 s7, $0x2;
	v0 =	vadd.f32 v3, v0  }
0x110: {  	s1 =	sor.u32 s31, s0;
	s2 =	sor.u32 s30, s0;
	s30 =	simm.s32 $0x1080;
	v1 =	vadd.f32 v4, v1  }
0x111: {  	s0 =	sand.u32 $0x60, s28;
	s31 =	sand.u32 $0x70, s3;
	s6 =	sand.u32 $0x1C00, s30;
	[tilespmem:s1+$0x0] =	vst v0  }
0x112: {  	s3 =	sor.u32 $0x200, s8;
	s1 =	sor.u32 s31, s6;
	[tilespmem:s2+$0x0] =	vst v1;
	s2 =	sor.u32 $0x10, s0  }
0x113: {  	s16 =	simm.s32 $0x810;
	s18 =	sand.u32 $0xC00, s28;
	s11 =	sor.u32 s2, s3;
	v1 =	vld [tilespmem:s1+$0x480]  }
0x114: {  	s20 =	simm.s32 $0xA10;
	s6 =	sand.u32 $0x70, s9;
	s1 =	sand.u32 $0x2C00, s12;
	v2 =	vld [tilespmem:s11+$0x280]  }
0x115: {  	s21 =	simm.s32 $0x5080;
	s24 =	simm.s32 $0xC10;
	s1 =	sor.u32 s6, s1  }
0x116: {  	s25 =	simm.s32 $0x6080;
	s7 =	sand.u32 $0x70, s13;
	s15 =	sand.u32 $0x3C00, s14;
	v4 =	vld [tilespmem:s1+$0x480]  }
0x117: {  	s29 =	simm.s32 $0xE10;
	s8 =	simm.s32 $0x4080;
	s1 =	sor.u32 s7, s15  }
0x118: {  	s17 =	sand.u32 $0x4C00, s8;
	s9 =	sor.u32 s0, s18;
	s6 =	sand.u32 $0x70, s16;
	v5 =	vld [tilespmem:s1+$0x480]  }
0x119: {  	s22 =	sand.u32 $0x70, s20;
	s23 =	sand.u32 $0x5C00, s21;
	v3 =	vld [tilespmem:s9+$0x1480];
	s19 =	sor.u32 s6, s17;
	v1 =	vadd.f32 v1, v2  }
0x11a: {  	s26 =	sand.u32 $0x6C00, s25;
	s30 =	simm.s32 $0x7080;
	s3 =	sor.u32 s0, s3;
	v6 =	vld [tilespmem:s19+$0x480]  }
0x11b: {  	s8 =	simm.s32 $0x0;
	s31 =	sand.u32 $0x7C00, s30;
	v0 =	vld [tilespmem:s3+$0x280];
	s1 =	sor.u32 s22, s23;
	v2 =	vadd.f32 v4, v1  }
0x11c: {  	s25 =	rddreg [dreg:$0x9];
	s3 =	sand.u32 $0x70, s29;
	s6 =	sand.u32 $0x70, s24;
	v1 =	vld [tilespmem:s1+$0x480]  }
0x11d: {  	s7 =	simm.s32 $0x0;
	s24 =	rddreg [dreg:$0x3];
	v4 =	vld [tilespmem:s9+$0x2480];
	s1 =	sor.u32 s6, s26;
	v7 =	vadd.f32 v5, v2  }
0x11e: {  	s11 =	sor.u32 s3, s31;
	s3 =	simm.s32 $0x20;
	s23 =	rddreg [dreg:$0x0];
	v2 =	vld [tilespmem:s1+$0x480]  }
0x11f: {  	s6 =	simm.s32 $0x0;
	s26 =	rddreg [dreg:$0xa];
	s1 =	simm.s32 $0x100;
	v5 =	vld [tilespmem:s9+$0x3480];
	v6 =	vadd.f32 v6, v7  }
.LBB2_12:
0x120: {  	s12 =	sadd.s32 $0x410, s3;
	s13 =	sand.u32 $0x180, s6;
	s8 =	sadd.s32 $0x400, s8  }
0x121: {  	v0 =	vadd.f32 v3, v0;
	v3 =	vld [tilespmem:s11+$0x480];
	s14 =	smov.u32 s2;
	s6 =	smov.u32 s3;
	s11 =	sand.u32 $0x60, s3  }
0x122: {  	s2 =	sadd.s32 $0x210, s3;
	s15 =	sadd.s32 $0x1080, s1;
	s7 =	sadd.s32 $0x2, s7;
	v7 =	vld [tilespmem:s9+$0x4480];
	v1 =	vadd.f32 v1, v6  }
0x123: {  	s16 =	sand.u32 $0x3000, s8;
	s17 =	sand.u32 $0x70, s2;
	s15 =	sand.u32 $0x1C00, s15;
	v0 =	vadd.f32 v4, v0;
	v4 =	vld [tilespmem:s9+$0x5480]  }
0x124: {  	p0 =	slt.u32 s7, $0x1E;
	s13 =	sor.u32 $0x8C00, s13;
	s2 =	sshrl.u32 s16, $0x2;
	v6 =	vld [tilespmem:s9+$0x6480];
	v1 =	vadd.f32 v2, v1  }
0x125: {  	s15 =	sor.u32 s17, s15;
	s16 =	sor.u32 $0x200, s2;
	s2 =	sor.u32 $0x10, s11;
	v0 =	vadd.f32 v5, v0;
	v2 =	vld [tilespmem:s9+$0x7480]  }
0x126: {  	s14 =	sor.u32 s14, s13;
	s9 =	sor.u32 s2, s16;
	v5 =	vld [tilespmem:s15+$0x480];
	s15 =	sadd.s32 $0x2080, s1;
	v1 =	vadd.f32 v3, v1  }
0x127: {  	s16 =	sor.u32 s11, s16;
	v3 =	vld [tilespmem:s9+$0x280];
	s9 =	sand.u32 $0x70, s12;
	s12 =	sand.u32 $0x2C00, s15;
	v0 =	vadd.f32 v7, v0  }
0x128: {  	s15 =	sadd.s32 $0x3080, s1;
	s9 =	sor.u32 s9, s12;
	s12 =	sadd.s32 $0x610, s3;
	[tilespmem:s14+$0x0] =	vst v1  }
0x129: {  	s14 =	sand.u32 $0xC00, s1;
	v1 =	vld [tilespmem:s9+$0x480];
	s9 =	sand.u32 $0x70, s12;
	s12 =	sand.u32 $0x3C00, s15;
	v0 =	vadd.f32 v4, v0  }
0x12a: {  	s15 =	sadd.s32 $0x4080, s1;
	s9 =	sor.u32 s9, s12;
	s12 =	sadd.s32 $0x810, s3  }
0x12b: {  	v7 =	vld [tilespmem:s9+$0x480];
	s9 =	sand.u32 $0x70, s12;
	s12 =	sand.u32 $0x4C00, s15;
	v4 =	vadd.f32 v6, v0;
	s15 =	sadd.s32 $0xA10, s3  }
0x12c: {  	v0 =	vld [tilespmem:s16+$0x280];
	v5 =	vadd.f32 v5, v3;
	s12 =	sor.u32 s9, s12;
	s16 =	sadd.s32 $0x5080, s1;
	s9 =	sor.u32 s11, s14  }
0x12d: {  	v6 =	vld [tilespmem:s12+$0x480];
	s12 =	sand.u32 $0x70, s15;
	s14 =	sand.u32 $0x5C00, s16;
	v2 =	vadd.f32 v2, v4;
	s15 =	sadd.s32 $0x6080, s1  }
.Ltmp7:
0x12e: {  	v3 =	vld [tilespmem:s9+$0x1480];
	v5 =	vadd.f32 v1, v5;
	s12 =	sor.u32 s12, s14;
	s14 =	sadd.s32 $0xC10, s3;
	(pc) =	sbr.rel @p0 .LBB2_12-.Ltmp7, $4  }
0x12f: {  	s0 =	sor.u32 s0, s13;
	v1 =	vld [tilespmem:s12+$0x480];
	s12 =	sand.u32 $0x70, s14;
	s14 =	sand.u32 $0x6C00, s15  }
0x130: {  	s13 =	sadd.s32 $0xE10, s3;
	v4 =	vld [tilespmem:s9+$0x2480];
	v7 =	vadd.f32 v7, v5;
	s12 =	sor.u32 s12, s14;
	s14 =	sadd.s32 $0x7080, s1;
	[tilespmem:s0+$0x0] =	vst v2  }
0x131: {  	s0 =	smov.u32 s11;
	v2 =	vld [tilespmem:s12+$0x480];
	s12 =	sand.u32 $0x70, s13;
	s13 =	sand.u32 $0x7C00, s14  }
0x132: {  	s3 =	sadd.s32 $0x20, s3;
	s1 =	sadd.s32 $0x100, s1;
	v5 =	vld [tilespmem:s9+$0x3480];
	v6 =	vadd.f32 v6, v7;
	s11 =	sor.u32 s12, s13  }
0x133: {  	v0 =	vadd.f32 v3, v0  }
0x134: {  	v60 =	vld [tilespmem:s9+$0x4480]  }
0x135: {  	v0 =	vadd.f32 v4, v0  }
0x136: {  	v61 =	vld [tilespmem:s9+$0x5480]  }
0x137: {  	v0 =	vadd.f32 v5, v0  }
0x138: {  	v62 =	vld [tilespmem:s9+$0x6480]  }
0x139: {  	v7 =	vld [tilespmem:s11+$0x480];
	v0 =	vadd.f32 v60, v0  }
0x13a: {  	v63 =	vld [tilespmem:s9+$0x7480];
	v1 =	vadd.f32 v1, v6  }
0x13b: {  	v0 =	vadd.f32 v61, v0  }
0x13c: {  	v1 =	vadd.f32 v2, v1  }
0x13d: {  	s1 =	sand.u32 $0x180, s6;
	v0 =	vadd.f32 v62, v0  }
0x13e: {  	s1 =	sor.u32 $0x8C00, s1;
	v1 =	vadd.f32 v7, v1  }
0x13f: {  	s2 =	sor.u32 s2, s1;
	v0 =	vadd.f32 v63, v0  }
0x140: {  	s0 =	sor.u32 s0, s1;
	[tilespmem:s2+$0x0] =	vst v1  }
0x141: {  	s31 =	simm.s32 $0x10E00;
	[tilespmem:s0+$0x0] =	vst v0  }
.LBB2_14:
0x142: {  	s0 =	simm.s32 $0x1  }
0x143: {  	_ =	swait.ge [sflag:s0], $0x4000  }
0x144: {  	p0 =	seq.s32 s28, $0x0;
	[sflag:s0] =	ssyncset.done $0x0  }
0x145: {  	[sflag:s0] =	ssyncadd.s32 $0xFFFFC000;
	s0 =	simm.s32 @!p0 $0x2  }
0x146: {  	_ =	swait.ge @!p0 [sflag:s0], $0x2000  }
0x147: {  	[sflag:s0] =	ssyncset.done @!p0 $0x0  }
0x148: {  	[sflag:s0] =	ssyncadd.s32 @!p0 $0xFFFFE000  }
0x149: {  	_ =	swait.ge @!p0 [sflag:s0], $0x2000  }
0x14a: {  	[sflag:s0] =	ssyncset.done @!p0 $0x0  }
0x14b: {  	s29 =	sshll.u32 s28, $0x6;
	[sflag:s0] =	ssyncadd.s32 @!p0 $0xFFFFE000  }
0x14c: {  	v0 =	vld [tilespmem:s29+$0x0];
	_ =	sdelay $0x4  }
0x14d: {  	v0 =	vshll.u32 v0, $0xB  }
0x14e: {  	v0 =	vshra.s32 v0, $0x2  }
0x14f: {  	v0 =	vadd.s32 $0x8200, v0  }
0x150: {  	(v2sf) =	vpush v0, $0x0;
	_ =	sdelay $0x7  }
0x151: {  	(v2sf) =	vpush v0, $0x1;
	_ =	sdelay $0x4  }
0x152: {  	s3 =	simm.s32 $0x0  }
0x153: {  	s13 =	sand.u32 $0x60, s3  }
0x154: {  	s14 =	sand.u32 $0x180, s3;
	s15 =	sor.u32 $0x10, s13;
	s2 =	spop (v2sf)  }
0x155: {  	s3 =	sor.u32 s14, s15;
	s6 =	sadd.s32 s14, s2  }
0x156: {  	v1 =	vld [tilespmem:s3+$0x8E00];
	s7 =	sadd.s32 s15, s6  }
0x157: {  	s11 =	simm.s32 $0x9000;
	v2 =	vld [tilespmem:s7+$0x0]  }
0x158: {  	v4 =	vld [tilespmem:s11+$0xFFFFFE00];
	s6 =	sadd.s32 s13, s6  }
0x159: {  	s21 =	simm.s32 $0x20;
	v5 =	vld [tilespmem:s6+$0x0]  }
0x15a: {  	s8 =	simm.s32 $0x9020;
	s7 =	sand.u32 $0x60, s21  }
0x15b: {  	s12 =	sand.u32 $0x180, s21;
	v3 =	vld [tilespmem:s8+$0xFFFFFE00];
	s9 =	sor.u32 $0x10, s7  }
0x15c: {  	s1 =	spop (v2sf);
	s16 =	sadd.s32 s12, s2;
	s6 =	sor.u32 s12, s9;
	v6 =	vadd.f32 v2, v1;
	v1 =	vld [tilespmem:s3+$0x9000]  }
0x15d: {  	s18 =	sadd.s32 s14, s1;
	s17 =	sadd.s32 s9, s16;
	v2 =	vld [tilespmem:s6+$0x8E00]  }
0x15e: {  	s14 =	sadd.s32 s15, s18;
	v4 =	vadd.f32 v5, v4;
	[tilespmem:s3+$0xCE00] =	vst v6;
	v6 =	vld [tilespmem:s17+$0x0]  }
0x15f: {  	s0 =	simm.s32 $0xD000;
	s22 =	sadd.s32 s7, s16;
	v5 =	vld [tilespmem:s14+$0x0]  }
0x160: {  	s30 =	sor.u32 s5, s29;
	s15 =	simm.s32 $0x40;
	s16 =	sadd.s32 s13, s18;
	v7 =	vld [tilespmem:s22+$0x0];
	[tilespmem:s0+$0xFFFFFE00] =	vst v4  }
0x161: {  	s13 =	simm.s32 $0x9020;
	s14 =	simm.s32 $0x2;
	v4 =	vld [tilespmem:s11+$0x0];
	s11 =	simm.s32 $0xD000  }
.LBB2_15:
0x162: {  	s17 =	sand.u32 $0x60, s15;
	s8 =	sadd.s32 $0x20, s8;
	v8 =	vld [tilespmem:s16+$0x0];
	s18 =	sand.u32 $0x180, s15  }
0x163: {  	s0 =	sadd.s32 $0x20, s0;
	s14 =	sadd.s32 $0x2, s14;
	v9 =	vld [tilespmem:s8+$0xFFFFFE00];
	s19 =	sor.u32 $0x10, s17;
	v6 =	vadd.f32 v6, v2  }
0x164: {  	s16 =	sadd.s32 s18, s2;
	p1 =	slt.u32 s14, $0x1E;
	s20 =	sor.u32 s18, s19;
	v5 =	vadd.f32 v5, v1;
	v1 =	vld [tilespmem:s6+$0x9000]  }
.Ltmp8:
0x165: {  	s12 =	sadd.s32 s12, s1;
	s21 =	sadd.s32 s19, s16;
	v2 =	vld [tilespmem:s20+$0x8E00];
	v10 =	vadd.f32 v7, v3;
	[tilespmem:s6+$0xCE00] =	vst v6;
	(pc) =	sbr.rel @p1 .LBB2_15-.Ltmp8, $4  }
0x166: {  	s22 =	sadd.s32 s17, s16;
	s16 =	sadd.s32 s7, s12;
	s7 =	sadd.s32 s9, s12;
	v6 =	vld [tilespmem:s21+$0x0];
	[tilespmem:s3+$0xD000] =	vst v5  }
0x167: {  	s12 =	smov.u32 s18;
	s9 =	smov.u32 s19;
	[tilespmem:s0+$0xFFFFFE00] =	vst v10;
	v5 =	vld [tilespmem:s7+$0x0];
	v8 =	vadd.f32 v8, v4;
	s7 =	smov.u32 s17  }
0x168: {  	s3 =	smov.u32 s6;
	s6 =	smov.u32 s20;
	v7 =	vld [tilespmem:s22+$0x0];
	v3 =	vmov v9  }
0x169: {  	s15 =	sadd.s32 $0x20, s15;
	v4 =	vld [tilespmem:s13+$0x0];
	[tilespmem:s11+$0x0] =	vst v8;
	s13 =	smov.u32 s8;
	s11 =	smov.u32 s0  }
0x16a: {  	(v2sf) =	vpush v0, $0x2;
	_ =	sdelay $0x3  }
0x16b: {  	v2 =	vadd.f32 v6, v2  }
0x16c: {  	s1 =	sadd.s32 s12, s1;
	v6 =	vld [tilespmem:s6+$0x9000];
	v3 =	vadd.f32 v7, v3  }
0x16d: {  	s0 =	sadd.s32 $0x20, s0;
	s2 =	sadd.s32 s9, s1;
	v7 =	vld [tilespmem:s16+$0x0];
	[tilespmem:s6+$0xCE00] =	vst v2  }
0x16e: {  	v2 =	vld [tilespmem:s2+$0x0];
	[tilespmem:s0+$0xFFFFFE00] =	vst v3  }
0x16f: {  	s1 =	sadd.s32 s7, s1;
	(v2sf) =	vpush v0, $0x3;
	v3 =	vld [tilespmem:s13+$0x0]  }
0x170: {  	v8 =	vld [tilespmem:s1+$0x0];
	_ =	sdelay $0x1  }
0x171: {  	v1 =	vadd.f32 v5, v1  }
0x172: {  	v4 =	vadd.f32 v7, v4  }
0x173: {  	s17 =	simm.s32 $0x0;
	[tilespmem:s3+$0xD000] =	vst v1;
	v1 =	vadd.f32 v2, v6  }
0x174: {  	s13 =	sand.u32 $0x60, s17;
	[tilespmem:s11+$0x0] =	vst v4;
	v2 =	vadd.f32 v8, v3  }
0x175: {  	s14 =	sand.u32 $0x180, s17;
	s15 =	sor.u32 $0x10, s13;
	[tilespmem:s6+$0xD000] =	vst v1;
	s2 =	spop (v2sf)  }
0x176: {  	s3 =	sor.u32 s14, s15;
	[tilespmem:s0+$0x0] =	vst v2;
	s18 =	sadd.s32 s14, s2  }
0x177: {  	v1 =	vld [tilespmem:s3+$0x9200];
	s19 =	sadd.s32 s15, s18  }
0x178: {  	s11 =	simm.s32 $0x9400;
	v2 =	vld [tilespmem:s19+$0x0]  }
0x179: {  	v4 =	vld [tilespmem:s11+$0xFFFFFE00];
	s6 =	sadd.s32 s13, s18  }
0x17a: {  	s20 =	simm.s32 $0x20;
	v5 =	vld [tilespmem:s6+$0x0]  }
0x17b: {  	s8 =	simm.s32 $0x9420;
	s7 =	sand.u32 $0x60, s20  }
0x17c: {  	s12 =	sand.u32 $0x180, s20;
	s9 =	sor.u32 $0x10, s7;
	v3 =	vld [tilespmem:s8+$0xFFFFFE00]  }
0x17d: {  	s1 =	spop (v2sf);
	s21 =	sadd.s32 s12, s2;
	s6 =	sor.u32 s12, s9;
	v6 =	vadd.f32 v2, v1;
	v1 =	vld [tilespmem:s3+$0x9400]  }
0x17e: {  	s17 =	sadd.s32 s9, s21;
	s18 =	sadd.s32 s14, s1;
	v2 =	vld [tilespmem:s6+$0x9200]  }
0x17f: {  	s14 =	sadd.s32 s15, s18;
	v4 =	vadd.f32 v5, v4;
	[tilespmem:s3+$0xD200] =	vst v6;
	v6 =	vld [tilespmem:s17+$0x0]  }
0x180: {  	s0 =	simm.s32 $0xD400;
	s22 =	sadd.s32 s7, s21;
	v5 =	vld [tilespmem:s14+$0x0]  }
0x181: {  	s16 =	sadd.s32 s13, s18;
	v7 =	vld [tilespmem:s22+$0x0];
	s15 =	simm.s32 $0x40;
	[tilespmem:s0+$0xFFFFFE00] =	vst v4  }
0x182: {  	s13 =	simm.s32 $0x9420;
	s14 =	simm.s32 $0x2;
	v4 =	vld [tilespmem:s11+$0x0];
	s11 =	simm.s32 $0xD400  }
.LBB2_17:
0x183: {  	s17 =	sand.u32 $0x60, s15;
	s8 =	sadd.s32 $0x20, s8;
	v8 =	vld [tilespmem:s16+$0x0];
	s18 =	sand.u32 $0x180, s15  }
0x184: {  	s0 =	sadd.s32 $0x20, s0;
	s14 =	sadd.s32 $0x2, s14;
	v9 =	vld [tilespmem:s8+$0xFFFFFE00];
	s19 =	sor.u32 $0x10, s17;
	v6 =	vadd.f32 v6, v2  }
0x185: {  	s16 =	sadd.s32 s18, s2;
	p1 =	slt.u32 s14, $0x1E;
	s20 =	sor.u32 s18, s19;
	v5 =	vadd.f32 v5, v1;
	v1 =	vld [tilespmem:s6+$0x9400]  }
.Ltmp9:
0x186: {  	s12 =	sadd.s32 s12, s1;
	s21 =	sadd.s32 s19, s16;
	v2 =	vld [tilespmem:s20+$0x9200];
	v10 =	vadd.f32 v7, v3;
	[tilespmem:s6+$0xD200] =	vst v6;
	(pc) =	sbr.rel @p1 .LBB2_17-.Ltmp9, $4  }
0x187: {  	s22 =	sadd.s32 s17, s16;
	s16 =	sadd.s32 s7, s12;
	s7 =	sadd.s32 s9, s12;
	v6 =	vld [tilespmem:s21+$0x0];
	[tilespmem:s3+$0xD400] =	vst v5  }
0x188: {  	s12 =	smov.u32 s18;
	s9 =	smov.u32 s19;
	[tilespmem:s0+$0xFFFFFE00] =	vst v10;
	v5 =	vld [tilespmem:s7+$0x0];
	v8 =	vadd.f32 v8, v4;
	s7 =	smov.u32 s17  }
0x189: {  	s3 =	smov.u32 s6;
	s6 =	smov.u32 s20;
	v7 =	vld [tilespmem:s22+$0x0];
	v3 =	vmov v9  }
0x18a: {  	s15 =	sadd.s32 $0x20, s15;
	v4 =	vld [tilespmem:s13+$0x0];
	[tilespmem:s11+$0x0] =	vst v8;
	s13 =	smov.u32 s8;
	s11 =	smov.u32 s0  }
0x18b: {  	(v2sf) =	vpush v0, $0x4;
	_ =	sdelay $0x3  }
0x18c: {  	v2 =	vadd.f32 v6, v2  }
0x18d: {  	s1 =	sadd.s32 s12, s1;
	v6 =	vld [tilespmem:s6+$0x9400];
	v3 =	vadd.f32 v7, v3  }
0x18e: {  	s0 =	sadd.s32 $0x20, s0;
	s2 =	sadd.s32 s9, s1;
	v7 =	vld [tilespmem:s16+$0x0];
	[tilespmem:s6+$0xD200] =	vst v2  }
0x18f: {  	v2 =	vld [tilespmem:s2+$0x0];
	[tilespmem:s0+$0xFFFFFE00] =	vst v3  }
0x190: {  	s1 =	sadd.s32 s7, s1;
	(v2sf) =	vpush v0, $0x5;
	v3 =	vld [tilespmem:s13+$0x0]  }
0x191: {  	v8 =	vld [tilespmem:s1+$0x0];
	_ =	sdelay $0x1  }
0x192: {  	v1 =	vadd.f32 v5, v1  }
0x193: {  	v4 =	vadd.f32 v7, v4  }
0x194: {  	s17 =	simm.s32 $0x0;
	[tilespmem:s3+$0xD400] =	vst v1;
	v1 =	vadd.f32 v2, v6  }
0x195: {  	s13 =	sand.u32 $0x60, s17;
	[tilespmem:s11+$0x0] =	vst v4;
	v2 =	vadd.f32 v8, v3  }
0x196: {  	s14 =	sand.u32 $0x180, s17;
	s15 =	sor.u32 $0x10, s13;
	[tilespmem:s6+$0xD400] =	vst v1;
	s2 =	spop (v2sf)  }
0x197: {  	s3 =	sor.u32 s14, s15;
	[tilespmem:s0+$0x0] =	vst v2;
	s18 =	sadd.s32 s14, s2  }
0x198: {  	v1 =	vld [tilespmem:s3+$0x9600];
	s19 =	sadd.s32 s15, s18  }
0x199: {  	s11 =	simm.s32 $0x9800;
	v2 =	vld [tilespmem:s19+$0x0]  }
0x19a: {  	v4 =	vld [tilespmem:s11+$0xFFFFFE00];
	s6 =	sadd.s32 s13, s18  }
0x19b: {  	s20 =	simm.s32 $0x20;
	v5 =	vld [tilespmem:s6+$0x0]  }
0x19c: {  	s8 =	simm.s32 $0x9820;
	s7 =	sand.u32 $0x60, s20  }
0x19d: {  	s12 =	sand.u32 $0x180, s20;
	s9 =	sor.u32 $0x10, s7;
	v3 =	vld [tilespmem:s8+$0xFFFFFE00]  }
0x19e: {  	s1 =	spop (v2sf);
	s21 =	sadd.s32 s12, s2;
	s6 =	sor.u32 s12, s9;
	v6 =	vadd.f32 v2, v1;
	v1 =	vld [tilespmem:s3+$0x9800]  }
0x19f: {  	s17 =	sadd.s32 s9, s21;
	s18 =	sadd.s32 s14, s1;
	v2 =	vld [tilespmem:s6+$0x9600]  }
0x1a0: {  	s14 =	sadd.s32 s15, s18;
	v4 =	vadd.f32 v5, v4;
	[tilespmem:s3+$0xD600] =	vst v6;
	v6 =	vld [tilespmem:s17+$0x0]  }
0x1a1: {  	s0 =	simm.s32 $0xD800;
	s22 =	sadd.s32 s7, s21;
	v5 =	vld [tilespmem:s14+$0x0]  }
0x1a2: {  	s16 =	sadd.s32 s13, s18;
	v7 =	vld [tilespmem:s22+$0x0];
	s15 =	simm.s32 $0x40;
	[tilespmem:s0+$0xFFFFFE00] =	vst v4  }
0x1a3: {  	s13 =	simm.s32 $0x9820;
	s14 =	simm.s32 $0x2;
	v4 =	vld [tilespmem:s11+$0x0];
	s11 =	simm.s32 $0xD800  }
.LBB2_19:
0x1a4: {  	s17 =	sand.u32 $0x60, s15;
	s8 =	sadd.s32 $0x20, s8;
	v8 =	vld [tilespmem:s16+$0x0];
	s18 =	sand.u32 $0x180, s15  }
0x1a5: {  	s0 =	sadd.s32 $0x20, s0;
	s14 =	sadd.s32 $0x2, s14;
	v9 =	vld [tilespmem:s8+$0xFFFFFE00];
	s19 =	sor.u32 $0x10, s17;
	v6 =	vadd.f32 v6, v2  }
0x1a6: {  	s16 =	sadd.s32 s18, s2;
	p1 =	slt.u32 s14, $0x1E;
	s20 =	sor.u32 s18, s19;
	v5 =	vadd.f32 v5, v1;
	v1 =	vld [tilespmem:s6+$0x9800]  }
.Ltmp10:
0x1a7: {  	s12 =	sadd.s32 s12, s1;
	s21 =	sadd.s32 s19, s16;
	v2 =	vld [tilespmem:s20+$0x9600];
	v10 =	vadd.f32 v7, v3;
	[tilespmem:s6+$0xD600] =	vst v6;
	(pc) =	sbr.rel @p1 .LBB2_19-.Ltmp10, $4  }
0x1a8: {  	s22 =	sadd.s32 s17, s16;
	s16 =	sadd.s32 s7, s12;
	s7 =	sadd.s32 s9, s12;
	v6 =	vld [tilespmem:s21+$0x0];
	[tilespmem:s3+$0xD800] =	vst v5  }
0x1a9: {  	s12 =	smov.u32 s18;
	s9 =	smov.u32 s19;
	[tilespmem:s0+$0xFFFFFE00] =	vst v10;
	v5 =	vld [tilespmem:s7+$0x0];
	v8 =	vadd.f32 v8, v4;
	s7 =	smov.u32 s17  }
0x1aa: {  	s3 =	smov.u32 s6;
	s6 =	smov.u32 s20;
	v7 =	vld [tilespmem:s22+$0x0];
	v3 =	vmov v9  }
0x1ab: {  	s15 =	sadd.s32 $0x20, s15;
	v4 =	vld [tilespmem:s13+$0x0];
	[tilespmem:s11+$0x0] =	vst v8;
	s13 =	smov.u32 s8;
	s11 =	smov.u32 s0  }
0x1ac: {  	(v2sf) =	vpush v0, $0x6;
	_ =	sdelay $0x3  }
0x1ad: {  	v2 =	vadd.f32 v6, v2  }
0x1ae: {  	s1 =	sadd.s32 s12, s1;
	v6 =	vld [tilespmem:s6+$0x9800];
	v3 =	vadd.f32 v7, v3  }
0x1af: {  	s0 =	sadd.s32 $0x20, s0;
	s2 =	sadd.s32 s9, s1;
	v7 =	vld [tilespmem:s16+$0x0];
	[tilespmem:s6+$0xD600] =	vst v2  }
0x1b0: {  	v2 =	vld [tilespmem:s2+$0x0];
	[tilespmem:s0+$0xFFFFFE00] =	vst v3  }
0x1b1: {  	s1 =	sadd.s32 s7, s1;
	(v2sf) =	vpush v0, $0x7;
	v3 =	vld [tilespmem:s13+$0x0]  }
0x1b2: {  	v8 =	vld [tilespmem:s1+$0x0];
	_ =	sdelay $0x1  }
0x1b3: {  	v1 =	vadd.f32 v5, v1  }
0x1b4: {  	v4 =	vadd.f32 v7, v4  }
0x1b5: {  	s17 =	simm.s32 $0x0;
	[tilespmem:s3+$0xD800] =	vst v1;
	v1 =	vadd.f32 v2, v6  }
0x1b6: {  	s13 =	sand.u32 $0x60, s17;
	[tilespmem:s11+$0x0] =	vst v4;
	v2 =	vadd.f32 v8, v3  }
0x1b7: {  	s14 =	sand.u32 $0x180, s17;
	s15 =	sor.u32 $0x10, s13;
	[tilespmem:s6+$0xD800] =	vst v1;
	s2 =	spop (v2sf)  }
0x1b8: {  	s3 =	sor.u32 s14, s15;
	[tilespmem:s0+$0x0] =	vst v2;
	s18 =	sadd.s32 s14, s2  }
0x1b9: {  	v1 =	vld [tilespmem:s3+$0x9A00];
	s19 =	sadd.s32 s15, s18  }
0x1ba: {  	s11 =	simm.s32 $0x9C00;
	v2 =	vld [tilespmem:s19+$0x0]  }
0x1bb: {  	v4 =	vld [tilespmem:s11+$0xFFFFFE00];
	s6 =	sadd.s32 s13, s18  }
0x1bc: {  	s20 =	simm.s32 $0x20;
	v5 =	vld [tilespmem:s6+$0x0]  }
0x1bd: {  	s8 =	simm.s32 $0x9C20;
	s7 =	sand.u32 $0x60, s20  }
0x1be: {  	s12 =	sand.u32 $0x180, s20;
	s9 =	sor.u32 $0x10, s7;
	v3 =	vld [tilespmem:s8+$0xFFFFFE00]  }
0x1bf: {  	s1 =	spop (v2sf);
	s21 =	sadd.s32 s12, s2;
	s6 =	sor.u32 s12, s9;
	v6 =	vadd.f32 v2, v1;
	v1 =	vld [tilespmem:s3+$0x9C00]  }
0x1c0: {  	s17 =	sadd.s32 s9, s21;
	s18 =	sadd.s32 s14, s1;
	v2 =	vld [tilespmem:s6+$0x9A00]  }
0x1c1: {  	s14 =	sadd.s32 s15, s18;
	v4 =	vadd.f32 v5, v4;
	[tilespmem:s3+$0xDA00] =	vst v6;
	v6 =	vld [tilespmem:s17+$0x0]  }
0x1c2: {  	s0 =	simm.s32 $0xDC00;
	s22 =	sadd.s32 s7, s21;
	v5 =	vld [tilespmem:s14+$0x0]  }
0x1c3: {  	s16 =	sadd.s32 s13, s18;
	v7 =	vld [tilespmem:s22+$0x0];
	s15 =	simm.s32 $0x40;
	[tilespmem:s0+$0xFFFFFE00] =	vst v4  }
0x1c4: {  	s13 =	simm.s32 $0x9C20;
	s14 =	simm.s32 $0x2;
	v4 =	vld [tilespmem:s11+$0x0];
	s11 =	simm.s32 $0xDC00  }
.LBB2_21:
0x1c5: {  	s17 =	sand.u32 $0x60, s15;
	s8 =	sadd.s32 $0x20, s8;
	v8 =	vld [tilespmem:s16+$0x0];
	s18 =	sand.u32 $0x180, s15  }
0x1c6: {  	s0 =	sadd.s32 $0x20, s0;
	s14 =	sadd.s32 $0x2, s14;
	v9 =	vld [tilespmem:s8+$0xFFFFFE00];
	s19 =	sor.u32 $0x10, s17;
	v6 =	vadd.f32 v6, v2  }
0x1c7: {  	s16 =	sadd.s32 s18, s2;
	p1 =	slt.u32 s14, $0x1E;
	s20 =	sor.u32 s18, s19;
	v5 =	vadd.f32 v5, v1;
	v1 =	vld [tilespmem:s6+$0x9C00]  }
.Ltmp11:
0x1c8: {  	s12 =	sadd.s32 s12, s1;
	s21 =	sadd.s32 s19, s16;
	v2 =	vld [tilespmem:s20+$0x9A00];
	v10 =	vadd.f32 v7, v3;
	[tilespmem:s6+$0xDA00] =	vst v6;
	(pc) =	sbr.rel @p1 .LBB2_21-.Ltmp11, $4  }
0x1c9: {  	s22 =	sadd.s32 s17, s16;
	s16 =	sadd.s32 s7, s12;
	s7 =	sadd.s32 s9, s12;
	v6 =	vld [tilespmem:s21+$0x0];
	[tilespmem:s3+$0xDC00] =	vst v5  }
0x1ca: {  	s12 =	smov.u32 s18;
	s9 =	smov.u32 s19;
	[tilespmem:s0+$0xFFFFFE00] =	vst v10;
	v5 =	vld [tilespmem:s7+$0x0];
	v8 =	vadd.f32 v8, v4;
	s7 =	smov.u32 s17  }
0x1cb: {  	s3 =	smov.u32 s6;
	s6 =	smov.u32 s20;
	v7 =	vld [tilespmem:s22+$0x0];
	v3 =	vmov v9  }
0x1cc: {  	s15 =	sadd.s32 $0x20, s15;
	v4 =	vld [tilespmem:s13+$0x0];
	[tilespmem:s11+$0x0] =	vst v8;
	s13 =	smov.u32 s8;
	s11 =	smov.u32 s0  }
0x1cd: {  	(v2sf) =	vpush v0, $0x8;
	_ =	sdelay $0x3  }
0x1ce: {  	v2 =	vadd.f32 v6, v2  }
0x1cf: {  	s1 =	sadd.s32 s12, s1;
	v6 =	vld [tilespmem:s6+$0x9C00];
	v3 =	vadd.f32 v7, v3  }
0x1d0: {  	s0 =	sadd.s32 $0x20, s0;
	s2 =	sadd.s32 s9, s1;
	v7 =	vld [tilespmem:s16+$0x0];
	[tilespmem:s6+$0xDA00] =	vst v2  }
0x1d1: {  	v2 =	vld [tilespmem:s2+$0x0];
	[tilespmem:s0+$0xFFFFFE00] =	vst v3  }
0x1d2: {  	s1 =	sadd.s32 s7, s1;
	(v2sf) =	vpush v0, $0x9;
	v3 =	vld [tilespmem:s13+$0x0]  }
0x1d3: {  	v8 =	vld [tilespmem:s1+$0x0];
	_ =	sdelay $0x1  }
0x1d4: {  	v1 =	vadd.f32 v5, v1  }
0x1d5: {  	v4 =	vadd.f32 v7, v4  }
0x1d6: {  	s17 =	simm.s32 $0x0;
	[tilespmem:s3+$0xDC00] =	vst v1;
	v1 =	vadd.f32 v2, v6  }
0x1d7: {  	s13 =	sand.u32 $0x60, s17;
	[tilespmem:s11+$0x0] =	vst v4;
	v2 =	vadd.f32 v8, v3  }
0x1d8: {  	s14 =	sand.u32 $0x180, s17;
	s15 =	sor.u32 $0x10, s13;
	[tilespmem:s6+$0xDC00] =	vst v1;
	s2 =	spop (v2sf)  }
0x1d9: {  	s3 =	sor.u32 s14, s15;
	[tilespmem:s0+$0x0] =	vst v2;
	s18 =	sadd.s32 s14, s2  }
0x1da: {  	v1 =	vld [tilespmem:s3+$0x9E00];
	s19 =	sadd.s32 s15, s18  }
0x1db: {  	s11 =	simm.s32 $0xA000;
	v2 =	vld [tilespmem:s19+$0x0]  }
0x1dc: {  	v4 =	vld [tilespmem:s11+$0xFFFFFE00];
	s6 =	sadd.s32 s13, s18  }
0x1dd: {  	s20 =	simm.s32 $0x20;
	v5 =	vld [tilespmem:s6+$0x0]  }
0x1de: {  	s8 =	simm.s32 $0xA020;
	s7 =	sand.u32 $0x60, s20  }
0x1df: {  	s12 =	sand.u32 $0x180, s20;
	s9 =	sor.u32 $0x10, s7;
	v3 =	vld [tilespmem:s8+$0xFFFFFE00]  }
0x1e0: {  	s1 =	spop (v2sf);
	s21 =	sadd.s32 s12, s2;
	s6 =	sor.u32 s12, s9;
	v6 =	vadd.f32 v2, v1;
	v1 =	vld [tilespmem:s3+$0xA000]  }
0x1e1: {  	s17 =	sadd.s32 s9, s21;
	s18 =	sadd.s32 s14, s1;
	v2 =	vld [tilespmem:s6+$0x9E00]  }
0x1e2: {  	s14 =	sadd.s32 s15, s18;
	v4 =	vadd.f32 v5, v4;
	[tilespmem:s3+$0xDE00] =	vst v6;
	v6 =	vld [tilespmem:s17+$0x0]  }
0x1e3: {  	s0 =	simm.s32 $0xE000;
	s22 =	sadd.s32 s7, s21;
	v5 =	vld [tilespmem:s14+$0x0]  }
0x1e4: {  	s16 =	sadd.s32 s13, s18;
	v7 =	vld [tilespmem:s22+$0x0];
	s15 =	simm.s32 $0x40;
	[tilespmem:s0+$0xFFFFFE00] =	vst v4  }
0x1e5: {  	s13 =	simm.s32 $0xA020;
	s14 =	simm.s32 $0x2;
	v4 =	vld [tilespmem:s11+$0x0];
	s11 =	simm.s32 $0xE000  }
.LBB2_23:
0x1e6: {  	s17 =	sand.u32 $0x60, s15;
	s8 =	sadd.s32 $0x20, s8;
	v8 =	vld [tilespmem:s16+$0x0];
	s18 =	sand.u32 $0x180, s15  }
0x1e7: {  	s0 =	sadd.s32 $0x20, s0;
	s14 =	sadd.s32 $0x2, s14;
	v9 =	vld [tilespmem:s8+$0xFFFFFE00];
	s19 =	sor.u32 $0x10, s17;
	v6 =	vadd.f32 v6, v2  }
0x1e8: {  	s16 =	sadd.s32 s18, s2;
	p1 =	slt.u32 s14, $0x1E;
	s20 =	sor.u32 s18, s19;
	v5 =	vadd.f32 v5, v1;
	v1 =	vld [tilespmem:s6+$0xA000]  }
.Ltmp12:
0x1e9: {  	s12 =	sadd.s32 s12, s1;
	s21 =	sadd.s32 s19, s16;
	v2 =	vld [tilespmem:s20+$0x9E00];
	v10 =	vadd.f32 v7, v3;
	[tilespmem:s6+$0xDE00] =	vst v6;
	(pc) =	sbr.rel @p1 .LBB2_23-.Ltmp12, $4  }
0x1ea: {  	s22 =	sadd.s32 s17, s16;
	s16 =	sadd.s32 s7, s12;
	s7 =	sadd.s32 s9, s12;
	v6 =	vld [tilespmem:s21+$0x0];
	[tilespmem:s3+$0xE000] =	vst v5  }
0x1eb: {  	s12 =	smov.u32 s18;
	s9 =	smov.u32 s19;
	[tilespmem:s0+$0xFFFFFE00] =	vst v10;
	v5 =	vld [tilespmem:s7+$0x0];
	v8 =	vadd.f32 v8, v4;
	s7 =	smov.u32 s17  }
0x1ec: {  	s3 =	smov.u32 s6;
	s6 =	smov.u32 s20;
	v7 =	vld [tilespmem:s22+$0x0];
	v3 =	vmov v9  }
0x1ed: {  	s15 =	sadd.s32 $0x20, s15;
	v4 =	vld [tilespmem:s13+$0x0];
	[tilespmem:s11+$0x0] =	vst v8;
	s13 =	smov.u32 s8;
	s11 =	smov.u32 s0  }
0x1ee: {  	(v2sf) =	vpush v0, $0xA;
	_ =	sdelay $0x3  }
0x1ef: {  	v2 =	vadd.f32 v6, v2  }
0x1f0: {  	s1 =	sadd.s32 s12, s1;
	v6 =	vld [tilespmem:s6+$0xA000];
	v3 =	vadd.f32 v7, v3  }
0x1f1: {  	s0 =	sadd.s32 $0x20, s0;
	s2 =	sadd.s32 s9, s1;
	v7 =	vld [tilespmem:s16+$0x0];
	[tilespmem:s6+$0xDE00] =	vst v2  }
0x1f2: {  	v2 =	vld [tilespmem:s2+$0x0];
	[tilespmem:s0+$0xFFFFFE00] =	vst v3  }
0x1f3: {  	s1 =	sadd.s32 s7, s1;
	(v2sf) =	vpush v0, $0xB;
	v3 =	vld [tilespmem:s13+$0x0]  }
0x1f4: {  	v8 =	vld [tilespmem:s1+$0x0];
	_ =	sdelay $0x1  }
0x1f5: {  	v1 =	vadd.f32 v5, v1  }
0x1f6: {  	v4 =	vadd.f32 v7, v4  }
0x1f7: {  	s17 =	simm.s32 $0x0;
	[tilespmem:s3+$0xE000] =	vst v1;
	v1 =	vadd.f32 v2, v6  }
0x1f8: {  	s13 =	sand.u32 $0x60, s17;
	[tilespmem:s11+$0x0] =	vst v4;
	v2 =	vadd.f32 v8, v3  }
0x1f9: {  	s14 =	sand.u32 $0x180, s17;
	s15 =	sor.u32 $0x10, s13;
	[tilespmem:s6+$0xE000] =	vst v1;
	s2 =	spop (v2sf)  }
0x1fa: {  	s3 =	sor.u32 s14, s15;
	[tilespmem:s0+$0x0] =	vst v2;
	s18 =	sadd.s32 s14, s2  }
0x1fb: {  	v1 =	vld [tilespmem:s3+$0xA200];
	s19 =	sadd.s32 s15, s18  }
0x1fc: {  	s11 =	simm.s32 $0xA400;
	v2 =	vld [tilespmem:s19+$0x0]  }
0x1fd: {  	v4 =	vld [tilespmem:s11+$0xFFFFFE00];
	s6 =	sadd.s32 s13, s18  }
0x1fe: {  	s20 =	simm.s32 $0x20;
	v5 =	vld [tilespmem:s6+$0x0]  }
0x1ff: {  	s8 =	simm.s32 $0xA420;
	s7 =	sand.u32 $0x60, s20  }
0x200: {  	s12 =	sand.u32 $0x180, s20;
	s9 =	sor.u32 $0x10, s7;
	v3 =	vld [tilespmem:s8+$0xFFFFFE00]  }
0x201: {  	s1 =	spop (v2sf);
	s21 =	sadd.s32 s12, s2;
	s6 =	sor.u32 s12, s9;
	v6 =	vadd.f32 v2, v1;
	v1 =	vld [tilespmem:s3+$0xA400]  }
0x202: {  	s17 =	sadd.s32 s9, s21;
	s18 =	sadd.s32 s14, s1;
	v2 =	vld [tilespmem:s6+$0xA200]  }
0x203: {  	s14 =	sadd.s32 s15, s18;
	v4 =	vadd.f32 v5, v4;
	[tilespmem:s3+$0xE200] =	vst v6;
	v6 =	vld [tilespmem:s17+$0x0]  }
0x204: {  	s0 =	simm.s32 $0xE400;
	s22 =	sadd.s32 s7, s21;
	v5 =	vld [tilespmem:s14+$0x0]  }
0x205: {  	s16 =	sadd.s32 s13, s18;
	v7 =	vld [tilespmem:s22+$0x0];
	s15 =	simm.s32 $0x40;
	[tilespmem:s0+$0xFFFFFE00] =	vst v4  }
0x206: {  	s13 =	simm.s32 $0xA420;
	s14 =	simm.s32 $0x2;
	v4 =	vld [tilespmem:s11+$0x0];
	s11 =	simm.s32 $0xE400  }
.LBB2_25:
0x207: {  	s17 =	sand.u32 $0x60, s15;
	s8 =	sadd.s32 $0x20, s8;
	v8 =	vld [tilespmem:s16+$0x0];
	s18 =	sand.u32 $0x180, s15  }
0x208: {  	s0 =	sadd.s32 $0x20, s0;
	s14 =	sadd.s32 $0x2, s14;
	v9 =	vld [tilespmem:s8+$0xFFFFFE00];
	s19 =	sor.u32 $0x10, s17;
	v6 =	vadd.f32 v6, v2  }
0x209: {  	s16 =	sadd.s32 s18, s2;
	p1 =	slt.u32 s14, $0x1E;
	s20 =	sor.u32 s18, s19;
	v5 =	vadd.f32 v5, v1;
	v1 =	vld [tilespmem:s6+$0xA400]  }
.Ltmp13:
0x20a: {  	s12 =	sadd.s32 s12, s1;
	s21 =	sadd.s32 s19, s16;
	v2 =	vld [tilespmem:s20+$0xA200];
	v10 =	vadd.f32 v7, v3;
	[tilespmem:s6+$0xE200] =	vst v6;
	(pc) =	sbr.rel @p1 .LBB2_25-.Ltmp13, $4  }
0x20b: {  	s22 =	sadd.s32 s17, s16;
	s16 =	sadd.s32 s7, s12;
	s7 =	sadd.s32 s9, s12;
	v6 =	vld [tilespmem:s21+$0x0];
	[tilespmem:s3+$0xE400] =	vst v5  }
0x20c: {  	s12 =	smov.u32 s18;
	s9 =	smov.u32 s19;
	[tilespmem:s0+$0xFFFFFE00] =	vst v10;
	v5 =	vld [tilespmem:s7+$0x0];
	v8 =	vadd.f32 v8, v4;
	s7 =	smov.u32 s17  }
0x20d: {  	s3 =	smov.u32 s6;
	s6 =	smov.u32 s20;
	v7 =	vld [tilespmem:s22+$0x0];
	v3 =	vmov v9  }
0x20e: {  	s15 =	sadd.s32 $0x20, s15;
	v4 =	vld [tilespmem:s13+$0x0];
	[tilespmem:s11+$0x0] =	vst v8;
	s13 =	smov.u32 s8;
	s11 =	smov.u32 s0  }
0x20f: {  	(v2sf) =	vpush v0, $0xC;
	_ =	sdelay $0x3  }
0x210: {  	v2 =	vadd.f32 v6, v2  }
0x211: {  	s1 =	sadd.s32 s12, s1;
	v6 =	vld [tilespmem:s6+$0xA400];
	v3 =	vadd.f32 v7, v3  }
0x212: {  	s0 =	sadd.s32 $0x20, s0;
	s2 =	sadd.s32 s9, s1;
	v7 =	vld [tilespmem:s16+$0x0];
	[tilespmem:s6+$0xE200] =	vst v2  }
0x213: {  	v2 =	vld [tilespmem:s2+$0x0];
	[tilespmem:s0+$0xFFFFFE00] =	vst v3  }
0x214: {  	s1 =	sadd.s32 s7, s1;
	(v2sf) =	vpush v0, $0xD;
	v3 =	vld [tilespmem:s13+$0x0]  }
0x215: {  	v8 =	vld [tilespmem:s1+$0x0];
	_ =	sdelay $0x1  }
0x216: {  	v1 =	vadd.f32 v5, v1  }
0x217: {  	v4 =	vadd.f32 v7, v4  }
0x218: {  	s17 =	simm.s32 $0x0;
	[tilespmem:s3+$0xE400] =	vst v1;
	v1 =	vadd.f32 v2, v6  }
0x219: {  	s13 =	sand.u32 $0x60, s17;
	[tilespmem:s11+$0x0] =	vst v4;
	v2 =	vadd.f32 v8, v3  }
0x21a: {  	s14 =	sand.u32 $0x180, s17;
	s15 =	sor.u32 $0x10, s13;
	[tilespmem:s6+$0xE400] =	vst v1;
	s2 =	spop (v2sf)  }
0x21b: {  	s3 =	sor.u32 s14, s15;
	[tilespmem:s0+$0x0] =	vst v2;
	s18 =	sadd.s32 s14, s2  }
0x21c: {  	v1 =	vld [tilespmem:s3+$0xA600];
	s19 =	sadd.s32 s15, s18  }
0x21d: {  	s11 =	simm.s32 $0xA800;
	v2 =	vld [tilespmem:s19+$0x0]  }
0x21e: {  	v4 =	vld [tilespmem:s11+$0xFFFFFE00];
	s6 =	sadd.s32 s13, s18  }
0x21f: {  	s20 =	simm.s32 $0x20;
	v5 =	vld [tilespmem:s6+$0x0]  }
0x220: {  	s8 =	simm.s32 $0xA820;
	s7 =	sand.u32 $0x60, s20  }
0x221: {  	s12 =	sand.u32 $0x180, s20;
	s9 =	sor.u32 $0x10, s7;
	v3 =	vld [tilespmem:s8+$0xFFFFFE00]  }
0x222: {  	s1 =	spop (v2sf);
	s21 =	sadd.s32 s12, s2;
	s6 =	sor.u32 s12, s9;
	v6 =	vadd.f32 v2, v1;
	v1 =	vld [tilespmem:s3+$0xA800]  }
0x223: {  	s17 =	sadd.s32 s9, s21;
	s18 =	sadd.s32 s14, s1;
	v2 =	vld [tilespmem:s6+$0xA600]  }
0x224: {  	s14 =	sadd.s32 s15, s18;
	v4 =	vadd.f32 v5, v4;
	[tilespmem:s3+$0xE600] =	vst v6;
	v6 =	vld [tilespmem:s17+$0x0]  }
0x225: {  	s0 =	simm.s32 $0xE800;
	s22 =	sadd.s32 s7, s21;
	v5 =	vld [tilespmem:s14+$0x0]  }
0x226: {  	s16 =	sadd.s32 s13, s18;
	v7 =	vld [tilespmem:s22+$0x0];
	s15 =	simm.s32 $0x40;
	[tilespmem:s0+$0xFFFFFE00] =	vst v4  }
0x227: {  	s13 =	simm.s32 $0xA820;
	s14 =	simm.s32 $0x2;
	v4 =	vld [tilespmem:s11+$0x0];
	s11 =	simm.s32 $0xE800  }
.LBB2_27:
0x228: {  	s17 =	sand.u32 $0x60, s15;
	s8 =	sadd.s32 $0x20, s8;
	v8 =	vld [tilespmem:s16+$0x0];
	s18 =	sand.u32 $0x180, s15  }
0x229: {  	s0 =	sadd.s32 $0x20, s0;
	s14 =	sadd.s32 $0x2, s14;
	v9 =	vld [tilespmem:s8+$0xFFFFFE00];
	s19 =	sor.u32 $0x10, s17;
	v6 =	vadd.f32 v6, v2  }
0x22a: {  	s16 =	sadd.s32 s18, s2;
	p1 =	slt.u32 s14, $0x1E;
	s20 =	sor.u32 s18, s19;
	v5 =	vadd.f32 v5, v1;
	v1 =	vld [tilespmem:s6+$0xA800]  }
.Ltmp14:
0x22b: {  	s12 =	sadd.s32 s12, s1;
	s21 =	sadd.s32 s19, s16;
	v2 =	vld [tilespmem:s20+$0xA600];
	v10 =	vadd.f32 v7, v3;
	[tilespmem:s6+$0xE600] =	vst v6;
	(pc) =	sbr.rel @p1 .LBB2_27-.Ltmp14, $4  }
0x22c: {  	s22 =	sadd.s32 s17, s16;
	s16 =	sadd.s32 s7, s12;
	s7 =	sadd.s32 s9, s12;
	v6 =	vld [tilespmem:s21+$0x0];
	[tilespmem:s3+$0xE800] =	vst v5  }
0x22d: {  	s12 =	smov.u32 s18;
	s9 =	smov.u32 s19;
	[tilespmem:s0+$0xFFFFFE00] =	vst v10;
	v5 =	vld [tilespmem:s7+$0x0];
	v8 =	vadd.f32 v8, v4;
	s7 =	smov.u32 s17  }
0x22e: {  	s3 =	smov.u32 s6;
	s6 =	smov.u32 s20;
	v7 =	vld [tilespmem:s22+$0x0];
	v3 =	vmov v9  }
0x22f: {  	s15 =	sadd.s32 $0x20, s15;
	v4 =	vld [tilespmem:s13+$0x0];
	[tilespmem:s11+$0x0] =	vst v8;
	s13 =	smov.u32 s8;
	s11 =	smov.u32 s0  }
0x230: {  	(v2sf) =	vpush v0, $0xE;
	_ =	sdelay $0x3  }
0x231: {  	v2 =	vadd.f32 v6, v2  }
0x232: {  	s1 =	sadd.s32 s12, s1;
	v6 =	vld [tilespmem:s6+$0xA800];
	v3 =	vadd.f32 v7, v3  }
0x233: {  	s0 =	sadd.s32 $0x20, s0;
	s2 =	sadd.s32 s9, s1;
	v7 =	vld [tilespmem:s16+$0x0];
	[tilespmem:s6+$0xE600] =	vst v2  }
0x234: {  	v2 =	vld [tilespmem:s2+$0x0];
	[tilespmem:s0+$0xFFFFFE00] =	vst v3  }
0x235: {  	s1 =	sadd.s32 s7, s1;
	(v2sf) =	vpush v0, $0xF;
	v3 =	vld [tilespmem:s13+$0x0]  }
0x236: {  	v8 =	vld [tilespmem:s1+$0x0];
	_ =	sdelay $0x1  }
0x237: {  	v1 =	vadd.f32 v5, v1  }
0x238: {  	v4 =	vadd.f32 v7, v4  }
0x239: {  	s17 =	simm.s32 $0x0;
	[tilespmem:s3+$0xE800] =	vst v1;
	v1 =	vadd.f32 v2, v6  }
0x23a: {  	s13 =	sand.u32 $0x60, s17;
	[tilespmem:s11+$0x0] =	vst v4;
	v2 =	vadd.f32 v8, v3  }
0x23b: {  	s14 =	sand.u32 $0x180, s17;
	s15 =	sor.u32 $0x10, s13;
	[tilespmem:s6+$0xE800] =	vst v1;
	s2 =	spop (v2sf)  }
0x23c: {  	s3 =	sor.u32 s14, s15;
	[tilespmem:s0+$0x0] =	vst v2;
	s18 =	sadd.s32 s14, s2  }
0x23d: {  	v0 =	vld [tilespmem:s3+$0xAA00];
	s19 =	sadd.s32 s15, s18  }
0x23e: {  	s11 =	simm.s32 $0xAC00;
	v1 =	vld [tilespmem:s19+$0x0]  }
0x23f: {  	v3 =	vld [tilespmem:s11+$0xFFFFFE00];
	s6 =	sadd.s32 s13, s18  }
0x240: {  	s20 =	simm.s32 $0x20;
	v4 =	vld [tilespmem:s6+$0x0]  }
0x241: {  	s8 =	simm.s32 $0xAC20;
	s7 =	sand.u32 $0x60, s20  }
0x242: {  	s12 =	sand.u32 $0x180, s20;
	s9 =	sor.u32 $0x10, s7;
	v2 =	vld [tilespmem:s8+$0xFFFFFE00]  }
0x243: {  	s1 =	spop (v2sf);
	s21 =	sadd.s32 s12, s2;
	s6 =	sor.u32 s12, s9;
	v5 =	vadd.f32 v1, v0;
	v0 =	vld [tilespmem:s3+$0xAC00]  }
0x244: {  	s17 =	sadd.s32 s9, s21;
	s18 =	sadd.s32 s14, s1;
	v1 =	vld [tilespmem:s6+$0xAA00]  }
0x245: {  	s14 =	sadd.s32 s15, s18;
	v3 =	vadd.f32 v4, v3;
	[tilespmem:s3+$0xEA00] =	vst v5;
	v5 =	vld [tilespmem:s17+$0x0]  }
0x246: {  	s0 =	simm.s32 $0xEC00;
	s22 =	sadd.s32 s7, s21;
	v4 =	vld [tilespmem:s14+$0x0]  }
0x247: {  	s16 =	sadd.s32 s13, s18;
	v6 =	vld [tilespmem:s22+$0x0];
	s15 =	simm.s32 $0x40;
	[tilespmem:s0+$0xFFFFFE00] =	vst v3  }
0x248: {  	s13 =	simm.s32 $0xAC20;
	s14 =	simm.s32 $0x2;
	v3 =	vld [tilespmem:s11+$0x0];
	s11 =	simm.s32 $0xEC00  }
.LBB2_29:
0x249: {  	s17 =	sand.u32 $0x60, s15;
	s8 =	sadd.s32 $0x20, s8;
	v7 =	vld [tilespmem:s16+$0x0];
	s18 =	sand.u32 $0x180, s15  }
0x24a: {  	s0 =	sadd.s32 $0x20, s0;
	s14 =	sadd.s32 $0x2, s14;
	v8 =	vld [tilespmem:s8+$0xFFFFFE00];
	s19 =	sor.u32 $0x10, s17;
	v5 =	vadd.f32 v5, v1  }
0x24b: {  	s16 =	sadd.s32 s18, s2;
	p1 =	slt.u32 s14, $0x1E;
	s20 =	sor.u32 s18, s19;
	v4 =	vadd.f32 v4, v0;
	v0 =	vld [tilespmem:s6+$0xAC00]  }
.Ltmp15:
0x24c: {  	s12 =	sadd.s32 s12, s1;
	s21 =	sadd.s32 s19, s16;
	v1 =	vld [tilespmem:s20+$0xAA00];
	v9 =	vadd.f32 v6, v2;
	[tilespmem:s6+$0xEA00] =	vst v5;
	(pc) =	sbr.rel @p1 .LBB2_29-.Ltmp15, $4  }
0x24d: {  	s22 =	sadd.s32 s17, s16;
	s16 =	sadd.s32 s7, s12;
	s7 =	sadd.s32 s9, s12;
	v5 =	vld [tilespmem:s21+$0x0];
	[tilespmem:s3+$0xEC00] =	vst v4  }
0x24e: {  	s12 =	smov.u32 s18;
	s9 =	smov.u32 s19;
	[tilespmem:s0+$0xFFFFFE00] =	vst v9;
	v4 =	vld [tilespmem:s7+$0x0];
	v7 =	vadd.f32 v7, v3;
	s7 =	smov.u32 s17  }
0x24f: {  	s3 =	smov.u32 s6;
	s6 =	smov.u32 s20;
	v6 =	vld [tilespmem:s22+$0x0];
	v2 =	vmov v8  }
0x250: {  	s15 =	sadd.s32 $0x20, s15;
	v3 =	vld [tilespmem:s13+$0x0];
	[tilespmem:s11+$0x0] =	vst v7;
	s13 =	smov.u32 s8;
	s11 =	smov.u32 s0  }
0x251: {  	_ =	sdelay $0x1  }
0x252: {  	v1 =	vadd.f32 v5, v1  }
0x253: {  	s1 =	sadd.s32 s12, s1;
	v5 =	vld [tilespmem:s6+$0xAC00];
	v2 =	vadd.f32 v6, v2  }
0x254: {  	s0 =	sadd.s32 $0x20, s0;
	s2 =	sadd.s32 s9, s1;
	v6 =	vld [tilespmem:s16+$0x0];
	[tilespmem:s6+$0xEA00] =	vst v1  }
0x255: {  	v1 =	vld [tilespmem:s2+$0x0];
	[tilespmem:s0+$0xFFFFFE00] =	vst v2  }
0x256: {  	s1 =	sadd.s32 s7, s1;
	v2 =	vld [tilespmem:s13+$0x0]  }
0x257: {  	v7 =	vld [tilespmem:s1+$0x0];
	_ =	sdelay $0x1  }
0x258: {  	v0 =	vadd.f32 v4, v0  }
0x259: {  	v3 =	vadd.f32 v6, v3  }
0x25a: {  	[tilespmem:s3+$0xEC00] =	vst v0;
	v0 =	vadd.f32 v1, v5  }
0x25b: {  	[tilespmem:s11+$0x0] =	vst v3;
	v1 =	vadd.f32 v7, v2  }
0x25c: {  	s30 =	sshll.u32 s30, $0x6;
	[tilespmem:s6+$0xEC00] =	vst v0  }
0x25d: {  	s17 =	simm.s32 $0xCE00;
	s15 =	sadd.s32 s24, s30;
	s16 =	simm.s32 $0x0;
	[tilespmem:s0+$0x0] =	vst v1  }
0x25e: {  	[hbm4b:s15+s16] =	stream.linear.scatter [tilespmem:s17], [sflag:$0x2], $0x2000, $0x38;
	[tilespmem:$0x18E00] =	vst v63  }
0x25f: {  	v0 =	vld [tilespmem:s29+$0x10];
	_ =	sdelay $0x4  }
0x260: {  	v0 =	vshll.u32 v0, $0xB  }
0x261: {  	v0 =	vshra.s32 v0, $0x2  }
0x262: {  	v0 =	vadd.s32 $0x8200, v0  }
0x263: {  	(v2sf) =	vpush v0, $0x0;
	_ =	sdelay $0x7  }
0x264: {  	(v2sf) =	vpush v0, $0x1;
	_ =	sdelay $0x5  }
0x265: {  	s13 =	sand.u32 $0x60, s16  }
0x266: {  	s14 =	sand.u32 $0x180, s16;
	s15 =	sor.u32 $0x10, s13;
	s2 =	spop (v2sf)  }
0x267: {  	s3 =	sor.u32 s14, s15;
	s18 =	sadd.s32 s14, s2  }
0x268: {  	v1 =	vld [tilespmem:s3+$0xAE00];
	s19 =	sadd.s32 s15, s18  }
0x269: {  	s11 =	simm.s32 $0xB000;
	v2 =	vld [tilespmem:s19+$0x0]  }
0x26a: {  	v4 =	vld [tilespmem:s11+$0xFFFFFE00];
	s6 =	sadd.s32 s13, s18  }
0x26b: {  	s20 =	simm.s32 $0x20;
	v5 =	vld [tilespmem:s6+$0x0]  }
0x26c: {  	s8 =	simm.s32 $0xB020;
	s7 =	sand.u32 $0x60, s20  }
0x26d: {  	s12 =	sand.u32 $0x180, s20;
	s9 =	sor.u32 $0x10, s7;
	v3 =	vld [tilespmem:s8+$0xFFFFFE00]  }
0x26e: {  	s1 =	spop (v2sf);
	s21 =	sadd.s32 s12, s2;
	s6 =	sor.u32 s12, s9;
	v6 =	vadd.f32 v2, v1;
	v1 =	vld [tilespmem:s3+$0xB000]  }
0x26f: {  	s17 =	sadd.s32 s9, s21;
	s18 =	sadd.s32 s14, s1;
	v2 =	vld [tilespmem:s6+$0xAE00]  }
0x270: {  	s14 =	sadd.s32 s15, s18;
	v4 =	vadd.f32 v5, v4;
	[tilespmem:s3+$0xEE00] =	vst v6;
	v6 =	vld [tilespmem:s17+$0x0]  }
0x271: {  	s0 =	simm.s32 $0xF000;
	s22 =	sadd.s32 s7, s21;
	v5 =	vld [tilespmem:s14+$0x0]  }
0x272: {  	s16 =	sadd.s32 s13, s18;
	v7 =	vld [tilespmem:s22+$0x0];
	s15 =	simm.s32 $0x40;
	[tilespmem:s0+$0xFFFFFE00] =	vst v4  }
0x273: {  	s13 =	simm.s32 $0xB020;
	s14 =	simm.s32 $0x2;
	v4 =	vld [tilespmem:s11+$0x0];
	s11 =	simm.s32 $0xF000  }
.LBB2_31:
0x274: {  	s17 =	sand.u32 $0x60, s15;
	s8 =	sadd.s32 $0x20, s8;
	v8 =	vld [tilespmem:s16+$0x0];
	s18 =	sand.u32 $0x180, s15  }
0x275: {  	s0 =	sadd.s32 $0x20, s0;
	s14 =	sadd.s32 $0x2, s14;
	v9 =	vld [tilespmem:s8+$0xFFFFFE00];
	s19 =	sor.u32 $0x10, s17;
	v6 =	vadd.f32 v6, v2  }
0x276: {  	s16 =	sadd.s32 s18, s2;
	p1 =	slt.u32 s14, $0x1E;
	s20 =	sor.u32 s18, s19;
	v5 =	vadd.f32 v5, v1;
	v1 =	vld [tilespmem:s6+$0xB000]  }
.Ltmp16:
0x277: {  	s12 =	sadd.s32 s12, s1;
	s21 =	sadd.s32 s19, s16;
	v2 =	vld [tilespmem:s20+$0xAE00];
	v10 =	vadd.f32 v7, v3;
	[tilespmem:s6+$0xEE00] =	vst v6;
	(pc) =	sbr.rel @p1 .LBB2_31-.Ltmp16, $4  }
0x278: {  	s22 =	sadd.s32 s17, s16;
	s16 =	sadd.s32 s7, s12;
	s7 =	sadd.s32 s9, s12;
	v6 =	vld [tilespmem:s21+$0x0];
	[tilespmem:s3+$0xF000] =	vst v5  }
0x279: {  	s12 =	smov.u32 s18;
	s9 =	smov.u32 s19;
	[tilespmem:s0+$0xFFFFFE00] =	vst v10;
	v5 =	vld [tilespmem:s7+$0x0];
	v8 =	vadd.f32 v8, v4;
	s7 =	smov.u32 s17  }
0x27a: {  	s3 =	smov.u32 s6;
	s6 =	smov.u32 s20;
	v7 =	vld [tilespmem:s22+$0x0];
	v3 =	vmov v9  }
0x27b: {  	s15 =	sadd.s32 $0x20, s15;
	v4 =	vld [tilespmem:s13+$0x0];
	[tilespmem:s11+$0x0] =	vst v8;
	s13 =	smov.u32 s8;
	s11 =	smov.u32 s0  }
0x27c: {  	(v2sf) =	vpush v0, $0x2;
	_ =	sdelay $0x3  }
0x27d: {  	v2 =	vadd.f32 v6, v2  }
0x27e: {  	s1 =	sadd.s32 s12, s1;
	v6 =	vld [tilespmem:s6+$0xB000];
	v3 =	vadd.f32 v7, v3  }
0x27f: {  	s0 =	sadd.s32 $0x20, s0;
	s2 =	sadd.s32 s9, s1;
	v7 =	vld [tilespmem:s16+$0x0];
	[tilespmem:s6+$0xEE00] =	vst v2  }
0x280: {  	v2 =	vld [tilespmem:s2+$0x0];
	[tilespmem:s0+$0xFFFFFE00] =	vst v3  }
0x281: {  	s1 =	sadd.s32 s7, s1;
	(v2sf) =	vpush v0, $0x3;
	v3 =	vld [tilespmem:s13+$0x0]  }
0x282: {  	v8 =	vld [tilespmem:s1+$0x0];
	_ =	sdelay $0x1  }
0x283: {  	v1 =	vadd.f32 v5, v1  }
0x284: {  	v4 =	vadd.f32 v7, v4  }
0x285: {  	s17 =	simm.s32 $0x0;
	[tilespmem:s3+$0xF000] =	vst v1;
	v1 =	vadd.f32 v2, v6  }
0x286: {  	s13 =	sand.u32 $0x60, s17;
	[tilespmem:s11+$0x0] =	vst v4;
	v2 =	vadd.f32 v8, v3  }
0x287: {  	s14 =	sand.u32 $0x180, s17;
	s15 =	sor.u32 $0x10, s13;
	[tilespmem:s6+$0xF000] =	vst v1;
	s2 =	spop (v2sf)  }
0x288: {  	s3 =	sor.u32 s14, s15;
	[tilespmem:s0+$0x0] =	vst v2;
	s18 =	sadd.s32 s14, s2  }
0x289: {  	v1 =	vld [tilespmem:s3+$0xB200];
	s19 =	sadd.s32 s15, s18  }
0x28a: {  	s11 =	simm.s32 $0xB400;
	v2 =	vld [tilespmem:s19+$0x0]  }
0x28b: {  	v4 =	vld [tilespmem:s11+$0xFFFFFE00];
	s6 =	sadd.s32 s13, s18  }
0x28c: {  	s20 =	simm.s32 $0x20;
	v5 =	vld [tilespmem:s6+$0x0]  }
0x28d: {  	s8 =	simm.s32 $0xB420;
	s7 =	sand.u32 $0x60, s20  }
0x28e: {  	s12 =	sand.u32 $0x180, s20;
	s9 =	sor.u32 $0x10, s7;
	v3 =	vld [tilespmem:s8+$0xFFFFFE00]  }
0x28f: {  	s1 =	spop (v2sf);
	s21 =	sadd.s32 s12, s2;
	s6 =	sor.u32 s12, s9;
	v6 =	vadd.f32 v2, v1;
	v1 =	vld [tilespmem:s3+$0xB400]  }
0x290: {  	s17 =	sadd.s32 s9, s21;
	s18 =	sadd.s32 s14, s1;
	v2 =	vld [tilespmem:s6+$0xB200]  }
0x291: {  	s14 =	sadd.s32 s15, s18;
	v4 =	vadd.f32 v5, v4;
	[tilespmem:s3+$0xF200] =	vst v6;
	v6 =	vld [tilespmem:s17+$0x0]  }
0x292: {  	s0 =	simm.s32 $0xF400;
	s22 =	sadd.s32 s7, s21;
	v5 =	vld [tilespmem:s14+$0x0]  }
0x293: {  	s16 =	sadd.s32 s13, s18;
	v7 =	vld [tilespmem:s22+$0x0];
	s15 =	simm.s32 $0x40;
	[tilespmem:s0+$0xFFFFFE00] =	vst v4  }
0x294: {  	s13 =	simm.s32 $0xB420;
	s14 =	simm.s32 $0x2;
	v4 =	vld [tilespmem:s11+$0x0];
	s11 =	simm.s32 $0xF400  }
.LBB2_33:
0x295: {  	s17 =	sand.u32 $0x60, s15;
	s8 =	sadd.s32 $0x20, s8;
	v8 =	vld [tilespmem:s16+$0x0];
	s18 =	sand.u32 $0x180, s15  }
0x296: {  	s0 =	sadd.s32 $0x20, s0;
	s14 =	sadd.s32 $0x2, s14;
	v9 =	vld [tilespmem:s8+$0xFFFFFE00];
	s19 =	sor.u32 $0x10, s17;
	v6 =	vadd.f32 v6, v2  }
0x297: {  	s16 =	sadd.s32 s18, s2;
	p1 =	slt.u32 s14, $0x1E;
	s20 =	sor.u32 s18, s19;
	v5 =	vadd.f32 v5, v1;
	v1 =	vld [tilespmem:s6+$0xB400]  }
.Ltmp17:
0x298: {  	s12 =	sadd.s32 s12, s1;
	s21 =	sadd.s32 s19, s16;
	v2 =	vld [tilespmem:s20+$0xB200];
	v10 =	vadd.f32 v7, v3;
	[tilespmem:s6+$0xF200] =	vst v6;
	(pc) =	sbr.rel @p1 .LBB2_33-.Ltmp17, $4  }
0x299: {  	s22 =	sadd.s32 s17, s16;
	s16 =	sadd.s32 s7, s12;
	s7 =	sadd.s32 s9, s12;
	v6 =	vld [tilespmem:s21+$0x0];
	[tilespmem:s3+$0xF400] =	vst v5  }
0x29a: {  	s12 =	smov.u32 s18;
	s9 =	smov.u32 s19;
	[tilespmem:s0+$0xFFFFFE00] =	vst v10;
	v5 =	vld [tilespmem:s7+$0x0];
	v8 =	vadd.f32 v8, v4;
	s7 =	smov.u32 s17  }
0x29b: {  	s3 =	smov.u32 s6;
	s6 =	smov.u32 s20;
	v7 =	vld [tilespmem:s22+$0x0];
	v3 =	vmov v9  }
0x29c: {  	s15 =	sadd.s32 $0x20, s15;
	v4 =	vld [tilespmem:s13+$0x0];
	[tilespmem:s11+$0x0] =	vst v8;
	s13 =	smov.u32 s8;
	s11 =	smov.u32 s0  }
0x29d: {  	(v2sf) =	vpush v0, $0x4;
	_ =	sdelay $0x3  }
0x29e: {  	v2 =	vadd.f32 v6, v2  }
0x29f: {  	s1 =	sadd.s32 s12, s1;
	v6 =	vld [tilespmem:s6+$0xB400];
	v3 =	vadd.f32 v7, v3  }
0x2a0: {  	s0 =	sadd.s32 $0x20, s0;
	s2 =	sadd.s32 s9, s1;
	v7 =	vld [tilespmem:s16+$0x0];
	[tilespmem:s6+$0xF200] =	vst v2  }
0x2a1: {  	v2 =	vld [tilespmem:s2+$0x0];
	[tilespmem:s0+$0xFFFFFE00] =	vst v3  }
0x2a2: {  	s1 =	sadd.s32 s7, s1;
	(v2sf) =	vpush v0, $0x5;
	v3 =	vld [tilespmem:s13+$0x0]  }
0x2a3: {  	v8 =	vld [tilespmem:s1+$0x0];
	_ =	sdelay $0x1  }
0x2a4: {  	v1 =	vadd.f32 v5, v1  }
0x2a5: {  	v4 =	vadd.f32 v7, v4  }
0x2a6: {  	s17 =	simm.s32 $0x0;
	[tilespmem:s3+$0xF400] =	vst v1;
	v1 =	vadd.f32 v2, v6  }
0x2a7: {  	s13 =	sand.u32 $0x60, s17;
	[tilespmem:s11+$0x0] =	vst v4;
	v2 =	vadd.f32 v8, v3  }
0x2a8: {  	s14 =	sand.u32 $0x180, s17;
	s15 =	sor.u32 $0x10, s13;
	[tilespmem:s6+$0xF400] =	vst v1;
	s2 =	spop (v2sf)  }
0x2a9: {  	s3 =	sor.u32 s14, s15;
	[tilespmem:s0+$0x0] =	vst v2;
	s18 =	sadd.s32 s14, s2  }
0x2aa: {  	v1 =	vld [tilespmem:s3+$0xB600];
	s19 =	sadd.s32 s15, s18  }
0x2ab: {  	s11 =	simm.s32 $0xB800;
	v2 =	vld [tilespmem:s19+$0x0]  }
0x2ac: {  	v4 =	vld [tilespmem:s11+$0xFFFFFE00];
	s6 =	sadd.s32 s13, s18  }
0x2ad: {  	s20 =	simm.s32 $0x20;
	v5 =	vld [tilespmem:s6+$0x0]  }
0x2ae: {  	s8 =	simm.s32 $0xB820;
	s7 =	sand.u32 $0x60, s20  }
0x2af: {  	s12 =	sand.u32 $0x180, s20;
	s9 =	sor.u32 $0x10, s7;
	v3 =	vld [tilespmem:s8+$0xFFFFFE00]  }
0x2b0: {  	s1 =	spop (v2sf);
	s21 =	sadd.s32 s12, s2;
	s6 =	sor.u32 s12, s9;
	v6 =	vadd.f32 v2, v1;
	v1 =	vld [tilespmem:s3+$0xB800]  }
0x2b1: {  	s17 =	sadd.s32 s9, s21;
	s18 =	sadd.s32 s14, s1;
	v2 =	vld [tilespmem:s6+$0xB600]  }
0x2b2: {  	s14 =	sadd.s32 s15, s18;
	v4 =	vadd.f32 v5, v4;
	[tilespmem:s3+$0xF600] =	vst v6;
	v6 =	vld [tilespmem:s17+$0x0]  }
0x2b3: {  	s0 =	simm.s32 $0xF800;
	s22 =	sadd.s32 s7, s21;
	v5 =	vld [tilespmem:s14+$0x0]  }
0x2b4: {  	s16 =	sadd.s32 s13, s18;
	v7 =	vld [tilespmem:s22+$0x0];
	s15 =	simm.s32 $0x40;
	[tilespmem:s0+$0xFFFFFE00] =	vst v4  }
0x2b5: {  	s13 =	simm.s32 $0xB820;
	s14 =	simm.s32 $0x2;
	v4 =	vld [tilespmem:s11+$0x0];
	s11 =	simm.s32 $0xF800  }
.LBB2_35:
0x2b6: {  	s17 =	sand.u32 $0x60, s15;
	s8 =	sadd.s32 $0x20, s8;
	v8 =	vld [tilespmem:s16+$0x0];
	s18 =	sand.u32 $0x180, s15  }
0x2b7: {  	s0 =	sadd.s32 $0x20, s0;
	s14 =	sadd.s32 $0x2, s14;
	v9 =	vld [tilespmem:s8+$0xFFFFFE00];
	s19 =	sor.u32 $0x10, s17;
	v6 =	vadd.f32 v6, v2  }
0x2b8: {  	s16 =	sadd.s32 s18, s2;
	p1 =	slt.u32 s14, $0x1E;
	s20 =	sor.u32 s18, s19;
	v5 =	vadd.f32 v5, v1;
	v1 =	vld [tilespmem:s6+$0xB800]  }
.Ltmp18:
0x2b9: {  	s12 =	sadd.s32 s12, s1;
	s21 =	sadd.s32 s19, s16;
	v2 =	vld [tilespmem:s20+$0xB600];
	v10 =	vadd.f32 v7, v3;
	[tilespmem:s6+$0xF600] =	vst v6;
	(pc) =	sbr.rel @p1 .LBB2_35-.Ltmp18, $4  }
0x2ba: {  	s22 =	sadd.s32 s17, s16;
	s16 =	sadd.s32 s7, s12;
	s7 =	sadd.s32 s9, s12;
	v6 =	vld [tilespmem:s21+$0x0];
	[tilespmem:s3+$0xF800] =	vst v5  }
0x2bb: {  	s12 =	smov.u32 s18;
	s9 =	smov.u32 s19;
	[tilespmem:s0+$0xFFFFFE00] =	vst v10;
	v5 =	vld [tilespmem:s7+$0x0];
	v8 =	vadd.f32 v8, v4;
	s7 =	smov.u32 s17  }
0x2bc: {  	s3 =	smov.u32 s6;
	s6 =	smov.u32 s20;
	v7 =	vld [tilespmem:s22+$0x0];
	v3 =	vmov v9  }
0x2bd: {  	s15 =	sadd.s32 $0x20, s15;
	v4 =	vld [tilespmem:s13+$0x0];
	[tilespmem:s11+$0x0] =	vst v8;
	s13 =	smov.u32 s8;
	s11 =	smov.u32 s0  }
0x2be: {  	(v2sf) =	vpush v0, $0x6;
	_ =	sdelay $0x3  }
0x2bf: {  	v2 =	vadd.f32 v6, v2  }
0x2c0: {  	s1 =	sadd.s32 s12, s1;
	v6 =	vld [tilespmem:s6+$0xB800];
	v3 =	vadd.f32 v7, v3  }
0x2c1: {  	s0 =	sadd.s32 $0x20, s0;
	s2 =	sadd.s32 s9, s1;
	v7 =	vld [tilespmem:s16+$0x0];
	[tilespmem:s6+$0xF600] =	vst v2  }
0x2c2: {  	v2 =	vld [tilespmem:s2+$0x0];
	[tilespmem:s0+$0xFFFFFE00] =	vst v3  }
0x2c3: {  	s1 =	sadd.s32 s7, s1;
	(v2sf) =	vpush v0, $0x7;
	v3 =	vld [tilespmem:s13+$0x0]  }
0x2c4: {  	v8 =	vld [tilespmem:s1+$0x0];
	_ =	sdelay $0x1  }
0x2c5: {  	v1 =	vadd.f32 v5, v1  }
0x2c6: {  	v4 =	vadd.f32 v7, v4  }
0x2c7: {  	s17 =	simm.s32 $0x0;
	[tilespmem:s3+$0xF800] =	vst v1;
	v1 =	vadd.f32 v2, v6  }
0x2c8: {  	s13 =	sand.u32 $0x60, s17;
	[tilespmem:s11+$0x0] =	vst v4;
	v2 =	vadd.f32 v8, v3  }
0x2c9: {  	s14 =	sand.u32 $0x180, s17;
	s15 =	sor.u32 $0x10, s13;
	[tilespmem:s6+$0xF800] =	vst v1;
	s2 =	spop (v2sf)  }
0x2ca: {  	s3 =	sor.u32 s14, s15;
	[tilespmem:s0+$0x0] =	vst v2;
	s18 =	sadd.s32 s14, s2  }
0x2cb: {  	v1 =	vld [tilespmem:s3+$0xBA00];
	s19 =	sadd.s32 s15, s18  }
0x2cc: {  	s11 =	simm.s32 $0xBC00;
	v2 =	vld [tilespmem:s19+$0x0]  }
0x2cd: {  	v4 =	vld [tilespmem:s11+$0xFFFFFE00];
	s6 =	sadd.s32 s13, s18  }
0x2ce: {  	s20 =	simm.s32 $0x20;
	v5 =	vld [tilespmem:s6+$0x0]  }
0x2cf: {  	s8 =	simm.s32 $0xBC20;
	s7 =	sand.u32 $0x60, s20  }
0x2d0: {  	s12 =	sand.u32 $0x180, s20;
	s9 =	sor.u32 $0x10, s7;
	v3 =	vld [tilespmem:s8+$0xFFFFFE00]  }
0x2d1: {  	s1 =	spop (v2sf);
	s21 =	sadd.s32 s12, s2;
	s6 =	sor.u32 s12, s9;
	v6 =	vadd.f32 v2, v1;
	v1 =	vld [tilespmem:s3+$0xBC00]  }
0x2d2: {  	s17 =	sadd.s32 s9, s21;
	s18 =	sadd.s32 s14, s1;
	v2 =	vld [tilespmem:s6+$0xBA00]  }
0x2d3: {  	s14 =	sadd.s32 s15, s18;
	v4 =	vadd.f32 v5, v4;
	[tilespmem:s3+$0xFA00] =	vst v6;
	v6 =	vld [tilespmem:s17+$0x0]  }
0x2d4: {  	s0 =	simm.s32 $0xFC00;
	s22 =	sadd.s32 s7, s21;
	v5 =	vld [tilespmem:s14+$0x0]  }
0x2d5: {  	s16 =	sadd.s32 s13, s18;
	v7 =	vld [tilespmem:s22+$0x0];
	s15 =	simm.s32 $0x40;
	[tilespmem:s0+$0xFFFFFE00] =	vst v4  }
0x2d6: {  	s13 =	simm.s32 $0xBC20;
	s14 =	simm.s32 $0x2;
	v4 =	vld [tilespmem:s11+$0x0];
	s11 =	simm.s32 $0xFC00  }
.LBB2_37:
0x2d7: {  	s17 =	sand.u32 $0x60, s15;
	s8 =	sadd.s32 $0x20, s8;
	v8 =	vld [tilespmem:s16+$0x0];
	s18 =	sand.u32 $0x180, s15  }
0x2d8: {  	s0 =	sadd.s32 $0x20, s0;
	s14 =	sadd.s32 $0x2, s14;
	v9 =	vld [tilespmem:s8+$0xFFFFFE00];
	s19 =	sor.u32 $0x10, s17;
	v6 =	vadd.f32 v6, v2  }
0x2d9: {  	s16 =	sadd.s32 s18, s2;
	p1 =	slt.u32 s14, $0x1E;
	s20 =	sor.u32 s18, s19;
	v5 =	vadd.f32 v5, v1;
	v1 =	vld [tilespmem:s6+$0xBC00]  }
.Ltmp19:
0x2da: {  	s12 =	sadd.s32 s12, s1;
	s21 =	sadd.s32 s19, s16;
	v2 =	vld [tilespmem:s20+$0xBA00];
	v10 =	vadd.f32 v7, v3;
	[tilespmem:s6+$0xFA00] =	vst v6;
	(pc) =	sbr.rel @p1 .LBB2_37-.Ltmp19, $4  }
0x2db: {  	s22 =	sadd.s32 s17, s16;
	s16 =	sadd.s32 s7, s12;
	s7 =	sadd.s32 s9, s12;
	v6 =	vld [tilespmem:s21+$0x0];
	[tilespmem:s3+$0xFC00] =	vst v5  }
0x2dc: {  	s12 =	smov.u32 s18;
	s9 =	smov.u32 s19;
	[tilespmem:s0+$0xFFFFFE00] =	vst v10;
	v5 =	vld [tilespmem:s7+$0x0];
	v8 =	vadd.f32 v8, v4;
	s7 =	smov.u32 s17  }
0x2dd: {  	s3 =	smov.u32 s6;
	s6 =	smov.u32 s20;
	v7 =	vld [tilespmem:s22+$0x0];
	v3 =	vmov v9  }
0x2de: {  	s15 =	sadd.s32 $0x20, s15;
	v4 =	vld [tilespmem:s13+$0x0];
	[tilespmem:s11+$0x0] =	vst v8;
	s13 =	smov.u32 s8;
	s11 =	smov.u32 s0  }
0x2df: {  	(v2sf) =	vpush v0, $0x8;
	_ =	sdelay $0x3  }
0x2e0: {  	v2 =	vadd.f32 v6, v2  }
0x2e1: {  	s1 =	sadd.s32 s12, s1;
	v6 =	vld [tilespmem:s6+$0xBC00];
	v3 =	vadd.f32 v7, v3  }
0x2e2: {  	s0 =	sadd.s32 $0x20, s0;
	s2 =	sadd.s32 s9, s1;
	v7 =	vld [tilespmem:s16+$0x0];
	[tilespmem:s6+$0xFA00] =	vst v2  }
0x2e3: {  	v2 =	vld [tilespmem:s2+$0x0];
	[tilespmem:s0+$0xFFFFFE00] =	vst v3  }
0x2e4: {  	s1 =	sadd.s32 s7, s1;
	(v2sf) =	vpush v0, $0x9;
	v3 =	vld [tilespmem:s13+$0x0]  }
0x2e5: {  	v8 =	vld [tilespmem:s1+$0x0];
	_ =	sdelay $0x1  }
0x2e6: {  	v1 =	vadd.f32 v5, v1  }
0x2e7: {  	v4 =	vadd.f32 v7, v4  }
0x2e8: {  	s17 =	simm.s32 $0x0;
	[tilespmem:s3+$0xFC00] =	vst v1;
	v1 =	vadd.f32 v2, v6  }
0x2e9: {  	s13 =	sand.u32 $0x60, s17;
	[tilespmem:s11+$0x0] =	vst v4;
	v2 =	vadd.f32 v8, v3  }
0x2ea: {  	s14 =	sand.u32 $0x180, s17;
	s15 =	sor.u32 $0x10, s13;
	[tilespmem:s6+$0xFC00] =	vst v1;
	s2 =	spop (v2sf)  }
0x2eb: {  	s3 =	sor.u32 s14, s15;
	[tilespmem:s0+$0x0] =	vst v2;
	s18 =	sadd.s32 s14, s2  }
0x2ec: {  	v1 =	vld [tilespmem:s3+$0xBE00];
	s19 =	sadd.s32 s15, s18  }
0x2ed: {  	s11 =	simm.s32 $0xC000;
	v2 =	vld [tilespmem:s19+$0x0]  }
0x2ee: {  	v4 =	vld [tilespmem:s11+$0xFFFFFE00];
	s6 =	sadd.s32 s13, s18  }
0x2ef: {  	s20 =	simm.s32 $0x20;
	v5 =	vld [tilespmem:s6+$0x0]  }
0x2f0: {  	s8 =	simm.s32 $0xC020;
	s7 =	sand.u32 $0x60, s20  }
0x2f1: {  	s12 =	sand.u32 $0x180, s20;
	s9 =	sor.u32 $0x10, s7;
	v3 =	vld [tilespmem:s8+$0xFFFFFE00]  }
0x2f2: {  	s1 =	spop (v2sf);
	s21 =	sadd.s32 s12, s2;
	s6 =	sor.u32 s12, s9;
	v6 =	vadd.f32 v2, v1;
	v1 =	vld [tilespmem:s3+$0xC000]  }
0x2f3: {  	s17 =	sadd.s32 s9, s21;
	s18 =	sadd.s32 s14, s1;
	v2 =	vld [tilespmem:s6+$0xBE00]  }
0x2f4: {  	s14 =	sadd.s32 s15, s18;
	v4 =	vadd.f32 v5, v4;
	[tilespmem:s3+$0xFE00] =	vst v6;
	v6 =	vld [tilespmem:s17+$0x0]  }
0x2f5: {  	s0 =	simm.s32 $0x10000;
	s22 =	sadd.s32 s7, s21;
	v5 =	vld [tilespmem:s14+$0x0]  }
0x2f6: {  	s16 =	sadd.s32 s13, s18;
	v7 =	vld [tilespmem:s22+$0x0];
	s15 =	simm.s32 $0x40;
	[tilespmem:s0+$0xFFFFFE00] =	vst v4  }
0x2f7: {  	s13 =	simm.s32 $0xC020;
	s14 =	simm.s32 $0x2;
	v4 =	vld [tilespmem:s11+$0x0];
	s11 =	simm.s32 $0x10000  }
.LBB2_39:
0x2f8: {  	s17 =	sand.u32 $0x60, s15;
	s8 =	sadd.s32 $0x20, s8;
	v8 =	vld [tilespmem:s16+$0x0];
	s18 =	sand.u32 $0x180, s15  }
0x2f9: {  	s0 =	sadd.s32 $0x20, s0;
	s14 =	sadd.s32 $0x2, s14;
	v9 =	vld [tilespmem:s8+$0xFFFFFE00];
	s19 =	sor.u32 $0x10, s17;
	v6 =	vadd.f32 v6, v2  }
0x2fa: {  	s16 =	sadd.s32 s18, s2;
	p1 =	slt.u32 s14, $0x1E;
	s20 =	sor.u32 s18, s19;
	v5 =	vadd.f32 v5, v1;
	v1 =	vld [tilespmem:s6+$0xC000]  }
.Ltmp20:
0x2fb: {  	s12 =	sadd.s32 s12, s1;
	s21 =	sadd.s32 s19, s16;
	v2 =	vld [tilespmem:s20+$0xBE00];
	v10 =	vadd.f32 v7, v3;
	[tilespmem:s6+$0xFE00] =	vst v6;
	(pc) =	sbr.rel @p1 .LBB2_39-.Ltmp20, $4  }
0x2fc: {  	s22 =	sadd.s32 s17, s16;
	s16 =	sadd.s32 s7, s12;
	s7 =	sadd.s32 s9, s12;
	v6 =	vld [tilespmem:s21+$0x0];
	[tilespmem:s3+$0x10000] =	vst v5  }
0x2fd: {  	s12 =	smov.u32 s18;
	s9 =	smov.u32 s19;
	[tilespmem:s0+$0xFFFFFE00] =	vst v10;
	v5 =	vld [tilespmem:s7+$0x0];
	v8 =	vadd.f32 v8, v4;
	s7 =	smov.u32 s17  }
0x2fe: {  	s3 =	smov.u32 s6;
	s6 =	smov.u32 s20;
	v7 =	vld [tilespmem:s22+$0x0];
	v3 =	vmov v9  }
0x2ff: {  	s15 =	sadd.s32 $0x20, s15;
	v4 =	vld [tilespmem:s13+$0x0];
	[tilespmem:s11+$0x0] =	vst v8;
	s13 =	smov.u32 s8;
	s11 =	smov.u32 s0  }
0x300: {  	(v2sf) =	vpush v0, $0xA;
	_ =	sdelay $0x3  }
0x301: {  	v2 =	vadd.f32 v6, v2  }
0x302: {  	s1 =	sadd.s32 s12, s1;
	v6 =	vld [tilespmem:s6+$0xC000];
	v3 =	vadd.f32 v7, v3  }
0x303: {  	s0 =	sadd.s32 $0x20, s0;
	s2 =	sadd.s32 s9, s1;
	v7 =	vld [tilespmem:s16+$0x0];
	[tilespmem:s6+$0xFE00] =	vst v2  }
0x304: {  	v2 =	vld [tilespmem:s2+$0x0];
	[tilespmem:s0+$0xFFFFFE00] =	vst v3  }
0x305: {  	s1 =	sadd.s32 s7, s1;
	(v2sf) =	vpush v0, $0xB;
	v3 =	vld [tilespmem:s13+$0x0]  }
0x306: {  	v8 =	vld [tilespmem:s1+$0x0];
	_ =	sdelay $0x1  }
0x307: {  	v1 =	vadd.f32 v5, v1  }
0x308: {  	v4 =	vadd.f32 v7, v4  }
0x309: {  	s17 =	simm.s32 $0x0;
	[tilespmem:s3+$0x10000] =	vst v1;
	v1 =	vadd.f32 v2, v6  }
0x30a: {  	s13 =	sand.u32 $0x60, s17;
	[tilespmem:s11+$0x0] =	vst v4;
	v2 =	vadd.f32 v8, v3  }
0x30b: {  	s14 =	sand.u32 $0x180, s17;
	s15 =	sor.u32 $0x10, s13;
	[tilespmem:s6+$0x10000] =	vst v1;
	s2 =	spop (v2sf)  }
0x30c: {  	s3 =	sor.u32 s14, s15;
	[tilespmem:s0+$0x0] =	vst v2;
	s18 =	sadd.s32 s14, s2  }
0x30d: {  	v1 =	vld [tilespmem:s3+$0xC200];
	s19 =	sadd.s32 s15, s18  }
0x30e: {  	s11 =	simm.s32 $0xC400;
	v2 =	vld [tilespmem:s19+$0x0]  }
0x30f: {  	v4 =	vld [tilespmem:s11+$0xFFFFFE00];
	s6 =	sadd.s32 s13, s18  }
0x310: {  	s20 =	simm.s32 $0x20;
	v5 =	vld [tilespmem:s6+$0x0]  }
0x311: {  	s8 =	simm.s32 $0xC420;
	s7 =	sand.u32 $0x60, s20  }
0x312: {  	s12 =	sand.u32 $0x180, s20;
	s9 =	sor.u32 $0x10, s7;
	v3 =	vld [tilespmem:s8+$0xFFFFFE00]  }
0x313: {  	s1 =	spop (v2sf);
	s21 =	sadd.s32 s12, s2;
	s6 =	sor.u32 s12, s9;
	v6 =	vadd.f32 v2, v1;
	v1 =	vld [tilespmem:s3+$0xC400]  }
0x314: {  	s17 =	sadd.s32 s9, s21;
	s18 =	sadd.s32 s14, s1;
	v2 =	vld [tilespmem:s6+$0xC200]  }
0x315: {  	s14 =	sadd.s32 s15, s18;
	v4 =	vadd.f32 v5, v4;
	[tilespmem:s3+$0x10200] =	vst v6;
	v6 =	vld [tilespmem:s17+$0x0]  }
0x316: {  	s0 =	simm.s32 $0x10400;
	s22 =	sadd.s32 s7, s21;
	v5 =	vld [tilespmem:s14+$0x0]  }
0x317: {  	s16 =	sadd.s32 s13, s18;
	v7 =	vld [tilespmem:s22+$0x0];
	s15 =	simm.s32 $0x40;
	[tilespmem:s0+$0xFFFFFE00] =	vst v4  }
0x318: {  	s13 =	simm.s32 $0xC420;
	s14 =	simm.s32 $0x2;
	v4 =	vld [tilespmem:s11+$0x0];
	s11 =	simm.s32 $0x10400  }
.LBB2_41:
0x319: {  	s17 =	sand.u32 $0x60, s15;
	s8 =	sadd.s32 $0x20, s8;
	v8 =	vld [tilespmem:s16+$0x0];
	s18 =	sand.u32 $0x180, s15  }
0x31a: {  	s0 =	sadd.s32 $0x20, s0;
	s14 =	sadd.s32 $0x2, s14;
	v9 =	vld [tilespmem:s8+$0xFFFFFE00];
	s19 =	sor.u32 $0x10, s17;
	v6 =	vadd.f32 v6, v2  }
0x31b: {  	s16 =	sadd.s32 s18, s2;
	p1 =	slt.u32 s14, $0x1E;
	s20 =	sor.u32 s18, s19;
	v5 =	vadd.f32 v5, v1;
	v1 =	vld [tilespmem:s6+$0xC400]  }
.Ltmp21:
0x31c: {  	s12 =	sadd.s32 s12, s1;
	s21 =	sadd.s32 s19, s16;
	v2 =	vld [tilespmem:s20+$0xC200];
	v10 =	vadd.f32 v7, v3;
	[tilespmem:s6+$0x10200] =	vst v6;
	(pc) =	sbr.rel @p1 .LBB2_41-.Ltmp21, $4  }
0x31d: {  	s22 =	sadd.s32 s17, s16;
	s16 =	sadd.s32 s7, s12;
	s7 =	sadd.s32 s9, s12;
	v6 =	vld [tilespmem:s21+$0x0];
	[tilespmem:s3+$0x10400] =	vst v5  }
0x31e: {  	s12 =	smov.u32 s18;
	s9 =	smov.u32 s19;
	[tilespmem:s0+$0xFFFFFE00] =	vst v10;
	v5 =	vld [tilespmem:s7+$0x0];
	v8 =	vadd.f32 v8, v4;
	s7 =	smov.u32 s17  }
0x31f: {  	s3 =	smov.u32 s6;
	s6 =	smov.u32 s20;
	v7 =	vld [tilespmem:s22+$0x0];
	v3 =	vmov v9  }
0x320: {  	s15 =	sadd.s32 $0x20, s15;
	v4 =	vld [tilespmem:s13+$0x0];
	[tilespmem:s11+$0x0] =	vst v8;
	s13 =	smov.u32 s8;
	s11 =	smov.u32 s0  }
0x321: {  	(v2sf) =	vpush v0, $0xC;
	_ =	sdelay $0x3  }
0x322: {  	v2 =	vadd.f32 v6, v2  }
0x323: {  	s1 =	sadd.s32 s12, s1;
	v6 =	vld [tilespmem:s6+$0xC400];
	v3 =	vadd.f32 v7, v3  }
0x324: {  	s0 =	sadd.s32 $0x20, s0;
	s2 =	sadd.s32 s9, s1;
	v7 =	vld [tilespmem:s16+$0x0];
	[tilespmem:s6+$0x10200] =	vst v2  }
0x325: {  	v2 =	vld [tilespmem:s2+$0x0];
	[tilespmem:s0+$0xFFFFFE00] =	vst v3  }
0x326: {  	s1 =	sadd.s32 s7, s1;
	(v2sf) =	vpush v0, $0xD;
	v3 =	vld [tilespmem:s13+$0x0]  }
0x327: {  	v8 =	vld [tilespmem:s1+$0x0];
	_ =	sdelay $0x1  }
0x328: {  	v1 =	vadd.f32 v5, v1  }
0x329: {  	v4 =	vadd.f32 v7, v4  }
0x32a: {  	s17 =	simm.s32 $0x0;
	[tilespmem:s3+$0x10400] =	vst v1;
	v1 =	vadd.f32 v2, v6  }
0x32b: {  	s13 =	sand.u32 $0x60, s17;
	[tilespmem:s11+$0x0] =	vst v4;
	v2 =	vadd.f32 v8, v3  }
0x32c: {  	s14 =	sand.u32 $0x180, s17;
	s15 =	sor.u32 $0x10, s13;
	[tilespmem:s6+$0x10400] =	vst v1;
	s2 =	spop (v2sf)  }
0x32d: {  	s3 =	sor.u32 s14, s15;
	[tilespmem:s0+$0x0] =	vst v2;
	s18 =	sadd.s32 s14, s2  }
0x32e: {  	v1 =	vld [tilespmem:s3+$0xC600];
	s19 =	sadd.s32 s15, s18  }
0x32f: {  	s11 =	simm.s32 $0xC800;
	v2 =	vld [tilespmem:s19+$0x0]  }
0x330: {  	v4 =	vld [tilespmem:s11+$0xFFFFFE00];
	s6 =	sadd.s32 s13, s18  }
0x331: {  	s20 =	simm.s32 $0x20;
	v5 =	vld [tilespmem:s6+$0x0]  }
0x332: {  	s8 =	simm.s32 $0xC820;
	s7 =	sand.u32 $0x60, s20  }
0x333: {  	s12 =	sand.u32 $0x180, s20;
	s9 =	sor.u32 $0x10, s7;
	v3 =	vld [tilespmem:s8+$0xFFFFFE00]  }
0x334: {  	s1 =	spop (v2sf);
	s21 =	sadd.s32 s12, s2;
	s6 =	sor.u32 s12, s9;
	v6 =	vadd.f32 v2, v1;
	v1 =	vld [tilespmem:s3+$0xC800]  }
0x335: {  	s17 =	sadd.s32 s9, s21;
	s18 =	sadd.s32 s14, s1;
	v2 =	vld [tilespmem:s6+$0xC600]  }
0x336: {  	s14 =	sadd.s32 s15, s18;
	v4 =	vadd.f32 v5, v4;
	[tilespmem:s3+$0x10600] =	vst v6;
	v6 =	vld [tilespmem:s17+$0x0]  }
0x337: {  	s0 =	simm.s32 $0x10800;
	s22 =	sadd.s32 s7, s21;
	v5 =	vld [tilespmem:s14+$0x0]  }
0x338: {  	s16 =	sadd.s32 s13, s18;
	v7 =	vld [tilespmem:s22+$0x0];
	s15 =	simm.s32 $0x40;
	[tilespmem:s0+$0xFFFFFE00] =	vst v4  }
0x339: {  	s13 =	simm.s32 $0xC820;
	s14 =	simm.s32 $0x2;
	v4 =	vld [tilespmem:s11+$0x0];
	s11 =	simm.s32 $0x10800  }
.LBB2_43:
0x33a: {  	s17 =	sand.u32 $0x60, s15;
	s8 =	sadd.s32 $0x20, s8;
	v8 =	vld [tilespmem:s16+$0x0];
	s18 =	sand.u32 $0x180, s15  }
0x33b: {  	s0 =	sadd.s32 $0x20, s0;
	s14 =	sadd.s32 $0x2, s14;
	v9 =	vld [tilespmem:s8+$0xFFFFFE00];
	s19 =	sor.u32 $0x10, s17;
	v6 =	vadd.f32 v6, v2  }
0x33c: {  	s16 =	sadd.s32 s18, s2;
	p1 =	slt.u32 s14, $0x1E;
	s20 =	sor.u32 s18, s19;
	v5 =	vadd.f32 v5, v1;
	v1 =	vld [tilespmem:s6+$0xC800]  }
.Ltmp22:
0x33d: {  	s12 =	sadd.s32 s12, s1;
	s21 =	sadd.s32 s19, s16;
	v2 =	vld [tilespmem:s20+$0xC600];
	v10 =	vadd.f32 v7, v3;
	[tilespmem:s6+$0x10600] =	vst v6;
	(pc) =	sbr.rel @p1 .LBB2_43-.Ltmp22, $4  }
0x33e: {  	s22 =	sadd.s32 s17, s16;
	s16 =	sadd.s32 s7, s12;
	s7 =	sadd.s32 s9, s12;
	v6 =	vld [tilespmem:s21+$0x0];
	[tilespmem:s3+$0x10800] =	vst v5  }
0x33f: {  	s12 =	smov.u32 s18;
	s9 =	smov.u32 s19;
	[tilespmem:s0+$0xFFFFFE00] =	vst v10;
	v5 =	vld [tilespmem:s7+$0x0];
	v8 =	vadd.f32 v8, v4;
	s7 =	smov.u32 s17  }
0x340: {  	s3 =	smov.u32 s6;
	s6 =	smov.u32 s20;
	v7 =	vld [tilespmem:s22+$0x0];
	v3 =	vmov v9  }
0x341: {  	s15 =	sadd.s32 $0x20, s15;
	v4 =	vld [tilespmem:s13+$0x0];
	[tilespmem:s11+$0x0] =	vst v8;
	s13 =	smov.u32 s8;
	s11 =	smov.u32 s0  }
0x342: {  	(v2sf) =	vpush v0, $0xE;
	_ =	sdelay $0x3  }
0x343: {  	v2 =	vadd.f32 v6, v2  }
0x344: {  	s1 =	sadd.s32 s12, s1;
	v6 =	vld [tilespmem:s6+$0xC800];
	v3 =	vadd.f32 v7, v3  }
0x345: {  	s0 =	sadd.s32 $0x20, s0;
	s2 =	sadd.s32 s9, s1;
	v7 =	vld [tilespmem:s16+$0x0];
	[tilespmem:s6+$0x10600] =	vst v2  }
0x346: {  	v2 =	vld [tilespmem:s2+$0x0];
	[tilespmem:s0+$0xFFFFFE00] =	vst v3  }
0x347: {  	s1 =	sadd.s32 s7, s1;
	(v2sf) =	vpush v0, $0xF;
	v3 =	vld [tilespmem:s13+$0x0]  }
0x348: {  	v8 =	vld [tilespmem:s1+$0x0];
	_ =	sdelay $0x1  }
0x349: {  	v1 =	vadd.f32 v5, v1  }
0x34a: {  	v4 =	vadd.f32 v7, v4  }
0x34b: {  	s17 =	simm.s32 $0x0;
	[tilespmem:s3+$0x10800] =	vst v1;
	v1 =	vadd.f32 v2, v6  }
0x34c: {  	s13 =	sand.u32 $0x60, s17;
	[tilespmem:s11+$0x0] =	vst v4;
	v2 =	vadd.f32 v8, v3  }
0x34d: {  	s14 =	sand.u32 $0x180, s17;
	s15 =	sor.u32 $0x10, s13;
	[tilespmem:s6+$0x10800] =	vst v1;
	s2 =	spop (v2sf)  }
0x34e: {  	s3 =	sor.u32 s14, s15;
	[tilespmem:s0+$0x0] =	vst v2;
	s18 =	sadd.s32 s14, s2  }
0x34f: {  	v0 =	vld [tilespmem:s3+$0xCA00];
	s19 =	sadd.s32 s15, s18  }
0x350: {  	s11 =	simm.s32 $0xCC00;
	v1 =	vld [tilespmem:s19+$0x0]  }
0x351: {  	v3 =	vld [tilespmem:s11+$0xFFFFFE00];
	s6 =	sadd.s32 s13, s18  }
0x352: {  	s20 =	simm.s32 $0x20;
	v4 =	vld [tilespmem:s6+$0x0]  }
0x353: {  	s8 =	simm.s32 $0xCC20;
	s7 =	sand.u32 $0x60, s20  }
0x354: {  	s12 =	sand.u32 $0x180, s20;
	s9 =	sor.u32 $0x10, s7;
	v2 =	vld [tilespmem:s8+$0xFFFFFE00]  }
0x355: {  	s1 =	spop (v2sf);
	s21 =	sadd.s32 s12, s2;
	s6 =	sor.u32 s12, s9;
	v5 =	vadd.f32 v1, v0;
	v0 =	vld [tilespmem:s3+$0xCC00]  }
0x356: {  	s17 =	sadd.s32 s9, s21;
	s18 =	sadd.s32 s14, s1;
	v1 =	vld [tilespmem:s6+$0xCA00]  }
0x357: {  	s14 =	sadd.s32 s15, s18;
	v3 =	vadd.f32 v4, v3;
	[tilespmem:s3+$0x10A00] =	vst v5;
	v5 =	vld [tilespmem:s17+$0x0]  }
0x358: {  	s0 =	simm.s32 $0x10C00;
	s22 =	sadd.s32 s7, s21;
	v4 =	vld [tilespmem:s14+$0x0]  }
0x359: {  	s16 =	sadd.s32 s13, s18;
	v6 =	vld [tilespmem:s22+$0x0];
	s15 =	simm.s32 $0x40;
	[tilespmem:s0+$0xFFFFFE00] =	vst v3  }
0x35a: {  	s13 =	simm.s32 $0xCC20;
	s14 =	simm.s32 $0x2;
	v3 =	vld [tilespmem:s11+$0x0];
	s11 =	simm.s32 $0x10C00  }
.LBB2_45:
0x35b: {  	s17 =	sand.u32 $0x60, s15;
	s8 =	sadd.s32 $0x20, s8;
	v7 =	vld [tilespmem:s16+$0x0];
	s18 =	sand.u32 $0x180, s15  }
0x35c: {  	s0 =	sadd.s32 $0x20, s0;
	s14 =	sadd.s32 $0x2, s14;
	v8 =	vld [tilespmem:s8+$0xFFFFFE00];
	s19 =	sor.u32 $0x10, s17;
	v5 =	vadd.f32 v5, v1  }
0x35d: {  	s16 =	sadd.s32 s18, s2;
	p1 =	slt.u32 s14, $0x1E;
	s20 =	sor.u32 s18, s19;
	v4 =	vadd.f32 v4, v0;
	v0 =	vld [tilespmem:s6+$0xCC00]  }
.Ltmp23:
0x35e: {  	s12 =	sadd.s32 s12, s1;
	s21 =	sadd.s32 s19, s16;
	v1 =	vld [tilespmem:s20+$0xCA00];
	v9 =	vadd.f32 v6, v2;
	[tilespmem:s6+$0x10A00] =	vst v5;
	(pc) =	sbr.rel @p1 .LBB2_45-.Ltmp23, $4  }
0x35f: {  	s22 =	sadd.s32 s17, s16;
	s16 =	sadd.s32 s7, s12;
	s7 =	sadd.s32 s9, s12;
	v5 =	vld [tilespmem:s21+$0x0];
	[tilespmem:s3+$0x10C00] =	vst v4  }
0x360: {  	s12 =	smov.u32 s18;
	s9 =	smov.u32 s19;
	[tilespmem:s0+$0xFFFFFE00] =	vst v9;
	v4 =	vld [tilespmem:s7+$0x0];
	v7 =	vadd.f32 v7, v3;
	s7 =	smov.u32 s17  }
0x361: {  	s3 =	smov.u32 s6;
	s6 =	smov.u32 s20;
	v6 =	vld [tilespmem:s22+$0x0];
	v2 =	vmov v8  }
0x362: {  	s15 =	sadd.s32 $0x20, s15;
	v3 =	vld [tilespmem:s13+$0x0];
	[tilespmem:s11+$0x0] =	vst v7;
	s13 =	smov.u32 s8;
	s11 =	smov.u32 s0  }
0x363: {  	_ =	sdelay $0x1  }
0x364: {  	v1 =	vadd.f32 v5, v1  }
0x365: {  	s1 =	sadd.s32 s12, s1;
	v5 =	vld [tilespmem:s6+$0xCC00];
	v2 =	vadd.f32 v6, v2  }
0x366: {  	s0 =	sadd.s32 $0x20, s0;
	s2 =	sadd.s32 s9, s1;
	v6 =	vld [tilespmem:s16+$0x0];
	[tilespmem:s6+$0x10A00] =	vst v1  }
0x367: {  	v1 =	vld [tilespmem:s2+$0x0];
	[tilespmem:s0+$0xFFFFFE00] =	vst v2  }
0x368: {  	s1 =	sadd.s32 s7, s1;
	v2 =	vld [tilespmem:s13+$0x0]  }
0x369: {  	v7 =	vld [tilespmem:s1+$0x0];
	_ =	sdelay $0x1  }
0x36a: {  	v0 =	vadd.f32 v4, v0  }
0x36b: {  	v3 =	vadd.f32 v6, v3  }
0x36c: {  	[tilespmem:s3+$0x10C00] =	vst v0;
	v0 =	vadd.f32 v1, v5  }
0x36d: {  	[tilespmem:s11+$0x0] =	vst v3;
	v1 =	vadd.f32 v7, v2  }
0x36e: {  	p1 =	seq.s32 s28, $0x7;
	[tilespmem:s6+$0x10C00] =	vst v0  }
0x36f: {  	s14 =	simm.s32 $0xEE00;
	s13 =	sadd.s32 s30, s10;
	[tilespmem:s0+$0x0] =	vst v1;
	s0 =	sadd.s32 @!p1 s29, s25  }
0x370: {  	[hbm4b:s13+s4] =	stream.linear.scatter [tilespmem:s14], [sflag:$0x2], $0x2000, $0x38;
	[tilespmem:$0x18E00] =	vst v63  }
0x371: {  	s15 =	simm.s32 $0x3;
	s0 =	sshll.u32 @!p1 s0, $0x6  }
0x372: {  	s2 =	simm.s32 @!p1 $0x8E00;
	s1 =	simm.s32 @!p1 $0x0;
	s0 =	sadd.s32 @!p1 s23, s0  }
0x373: {  	[tilespmem:s2], [sflag:$0x1] =	stream.linear.gather @!p1 [hbm4b:s0+s1], $0x4000, $0x38;
	[tilespmem:$0x18E00] =	vst v63  }
0x374: {  	_ =	swait.ge [sflag:s15], $0x4000  }
0x375: {  	[sflag:s15] =	ssyncset.done $0x0  }
0x376: {  	s0 =	simm.s32 @!p0 $0x4;
	[sflag:s15] =	ssyncadd.s32 $0xFFFFC000  }
0x377: {  	_ =	swait.ge @!p0 [sflag:s0], $0x2000  }
0x378: {  	[sflag:s0] =	ssyncset.done @!p0 $0x0  }
0x379: {  	[sflag:s0] =	ssyncadd.s32 @!p0 $0xFFFFE000  }
0x37a: {  	_ =	swait.ge @!p0 [sflag:s0], $0x2000  }
0x37b: {  	[sflag:s0] =	ssyncset.done @!p0 $0x0  }
0x37c: {  	s16 =	sor.u32 $0x20, s29;
	[sflag:s0] =	ssyncadd.s32 @!p0 $0xFFFFE000  }
0x37d: {  	v0 =	vld [tilespmem:s16+$0x0];
	_ =	sdelay $0x4  }
0x37e: {  	v0 =	vshll.u32 v0, $0xB  }
0x37f: {  	v0 =	vshra.s32 v0, $0x2  }
0x380: {  	v0 =	vadd.s32 $0x8200, v0  }
0x381: {  	(v2sf) =	vpush v0, $0x0;
	_ =	sdelay $0x7  }
0x382: {  	(v2sf) =	vpush v0, $0x1;
	_ =	sdelay $0x4  }
0x383: {  	s17 =	simm.s32 $0x0  }
0x384: {  	s13 =	sand.u32 $0x60, s17  }
0x385: {  	s14 =	sand.u32 $0x180, s17;
	s15 =	sor.u32 $0x10, s13;
	s2 =	spop (v2sf)  }
0x386: {  	s3 =	sor.u32 s14, s15;
	s18 =	sadd.s32 s14, s2  }
0x387: {  	v1 =	vld [tilespmem:s3+$0x10E00];
	s19 =	sadd.s32 s15, s18  }
0x388: {  	s11 =	simm.s32 $0x11000;
	v2 =	vld [tilespmem:s19+$0x0]  }
0x389: {  	v4 =	vld [tilespmem:s11+$0xFFFFFE00];
	s6 =	sadd.s32 s13, s18  }
0x38a: {  	s20 =	simm.s32 $0x20;
	v5 =	vld [tilespmem:s6+$0x0]  }
0x38b: {  	s8 =	simm.s32 $0x11020;
	s7 =	sand.u32 $0x60, s20  }
0x38c: {  	s12 =	sand.u32 $0x180, s20;
	s9 =	sor.u32 $0x10, s7;
	v3 =	vld [tilespmem:s8+$0xFFFFFE00]  }
0x38d: {  	s1 =	spop (v2sf);
	s21 =	sadd.s32 s12, s2;
	s6 =	sor.u32 s12, s9;
	v6 =	vadd.f32 v2, v1;
	v1 =	vld [tilespmem:s3+$0x11000]  }
0x38e: {  	s17 =	sadd.s32 s9, s21;
	s18 =	sadd.s32 s14, s1;
	v2 =	vld [tilespmem:s6+$0x10E00]  }
0x38f: {  	s14 =	sadd.s32 s15, s18;
	v4 =	vadd.f32 v5, v4;
	[tilespmem:s3+$0x14E00] =	vst v6;
	v6 =	vld [tilespmem:s17+$0x0]  }
0x390: {  	s0 =	simm.s32 $0x15000;
	s22 =	sadd.s32 s7, s21;
	v5 =	vld [tilespmem:s14+$0x0]  }
0x391: {  	s30 =	sor.u32 s5, s16;
	s16 =	sadd.s32 s13, s18;
	v7 =	vld [tilespmem:s22+$0x0];
	s15 =	simm.s32 $0x40;
	[tilespmem:s0+$0xFFFFFE00] =	vst v4  }
0x392: {  	s13 =	simm.s32 $0x11020;
	s14 =	simm.s32 $0x2;
	v4 =	vld [tilespmem:s11+$0x0];
	s11 =	simm.s32 $0x15000  }
.LBB2_47:
0x393: {  	s17 =	sand.u32 $0x60, s15;
	s8 =	sadd.s32 $0x20, s8;
	v8 =	vld [tilespmem:s16+$0x0];
	s18 =	sand.u32 $0x180, s15  }
0x394: {  	s0 =	sadd.s32 $0x20, s0;
	s14 =	sadd.s32 $0x2, s14;
	v9 =	vld [tilespmem:s8+$0xFFFFFE00];
	s19 =	sor.u32 $0x10, s17;
	v6 =	vadd.f32 v6, v2  }
0x395: {  	s16 =	sadd.s32 s18, s2;
	p0 =	slt.u32 s14, $0x1E;
	s20 =	sor.u32 s18, s19;
	v5 =	vadd.f32 v5, v1;
	v1 =	vld [tilespmem:s6+$0x11000]  }
.Ltmp24:
0x396: {  	s12 =	sadd.s32 s12, s1;
	s21 =	sadd.s32 s19, s16;
	v2 =	vld [tilespmem:s20+$0x10E00];
	v10 =	vadd.f32 v7, v3;
	[tilespmem:s6+$0x14E00] =	vst v6;
	(pc) =	sbr.rel @p0 .LBB2_47-.Ltmp24, $4  }
0x397: {  	s22 =	sadd.s32 s17, s16;
	s16 =	sadd.s32 s7, s12;
	s7 =	sadd.s32 s9, s12;
	v6 =	vld [tilespmem:s21+$0x0];
	[tilespmem:s3+$0x15000] =	vst v5  }
0x398: {  	s12 =	smov.u32 s18;
	s9 =	smov.u32 s19;
	[tilespmem:s0+$0xFFFFFE00] =	vst v10;
	v5 =	vld [tilespmem:s7+$0x0];
	v8 =	vadd.f32 v8, v4;
	s7 =	smov.u32 s17  }
0x399: {  	s3 =	smov.u32 s6;
	s6 =	smov.u32 s20;
	v7 =	vld [tilespmem:s22+$0x0];
	v3 =	vmov v9  }
0x39a: {  	s15 =	sadd.s32 $0x20, s15;
	v4 =	vld [tilespmem:s13+$0x0];
	[tilespmem:s11+$0x0] =	vst v8;
	s13 =	smov.u32 s8;
	s11 =	smov.u32 s0  }
0x39b: {  	(v2sf) =	vpush v0, $0x2;
	_ =	sdelay $0x3  }
0x39c: {  	v2 =	vadd.f32 v6, v2  }
0x39d: {  	s1 =	sadd.s32 s12, s1;
	v6 =	vld [tilespmem:s6+$0x11000];
	v3 =	vadd.f32 v7, v3  }
0x39e: {  	s0 =	sadd.s32 $0x20, s0;
	s2 =	sadd.s32 s9, s1;
	v7 =	vld [tilespmem:s16+$0x0];
	[tilespmem:s6+$0x14E00] =	vst v2  }
0x39f: {  	v2 =	vld [tilespmem:s2+$0x0];
	[tilespmem:s0+$0xFFFFFE00] =	vst v3  }
0x3a0: {  	s1 =	sadd.s32 s7, s1;
	(v2sf) =	vpush v0, $0x3;
	v3 =	vld [tilespmem:s13+$0x0]  }
0x3a1: {  	v8 =	vld [tilespmem:s1+$0x0];
	_ =	sdelay $0x1  }
0x3a2: {  	v1 =	vadd.f32 v5, v1  }
0x3a3: {  	v4 =	vadd.f32 v7, v4  }
0x3a4: {  	s17 =	simm.s32 $0x0;
	[tilespmem:s3+$0x15000] =	vst v1;
	v1 =	vadd.f32 v2, v6  }
0x3a5: {  	s13 =	sand.u32 $0x60, s17;
	[tilespmem:s11+$0x0] =	vst v4;
	v2 =	vadd.f32 v8, v3  }
0x3a6: {  	s14 =	sand.u32 $0x180, s17;
	s15 =	sor.u32 $0x10, s13;
	[tilespmem:s6+$0x15000] =	vst v1;
	s2 =	spop (v2sf)  }
0x3a7: {  	s3 =	sor.u32 s14, s15;
	[tilespmem:s0+$0x0] =	vst v2;
	s18 =	sadd.s32 s14, s2  }
0x3a8: {  	v1 =	vld [tilespmem:s3+$0x11200];
	s19 =	sadd.s32 s15, s18  }
0x3a9: {  	s11 =	simm.s32 $0x11400;
	v2 =	vld [tilespmem:s19+$0x0]  }
0x3aa: {  	v4 =	vld [tilespmem:s11+$0xFFFFFE00];
	s6 =	sadd.s32 s13, s18  }
0x3ab: {  	s20 =	simm.s32 $0x20;
	v5 =	vld [tilespmem:s6+$0x0]  }
0x3ac: {  	s8 =	simm.s32 $0x11420;
	s7 =	sand.u32 $0x60, s20  }
0x3ad: {  	s12 =	sand.u32 $0x180, s20;
	s9 =	sor.u32 $0x10, s7;
	v3 =	vld [tilespmem:s8+$0xFFFFFE00]  }
0x3ae: {  	s1 =	spop (v2sf);
	s21 =	sadd.s32 s12, s2;
	s6 =	sor.u32 s12, s9;
	v6 =	vadd.f32 v2, v1;
	v1 =	vld [tilespmem:s3+$0x11400]  }
0x3af: {  	s17 =	sadd.s32 s9, s21;
	s18 =	sadd.s32 s14, s1;
	v2 =	vld [tilespmem:s6+$0x11200]  }
0x3b0: {  	s14 =	sadd.s32 s15, s18;
	v4 =	vadd.f32 v5, v4;
	[tilespmem:s3+$0x15200] =	vst v6;
	v6 =	vld [tilespmem:s17+$0x0]  }
0x3b1: {  	s0 =	simm.s32 $0x15400;
	s22 =	sadd.s32 s7, s21;
	v5 =	vld [tilespmem:s14+$0x0]  }
0x3b2: {  	s16 =	sadd.s32 s13, s18;
	v7 =	vld [tilespmem:s22+$0x0];
	s15 =	simm.s32 $0x40;
	[tilespmem:s0+$0xFFFFFE00] =	vst v4  }
0x3b3: {  	s13 =	simm.s32 $0x11420;
	s14 =	simm.s32 $0x2;
	v4 =	vld [tilespmem:s11+$0x0];
	s11 =	simm.s32 $0x15400  }
.LBB2_49:
0x3b4: {  	s17 =	sand.u32 $0x60, s15;
	s8 =	sadd.s32 $0x20, s8;
	v8 =	vld [tilespmem:s16+$0x0];
	s18 =	sand.u32 $0x180, s15  }
0x3b5: {  	s0 =	sadd.s32 $0x20, s0;
	s14 =	sadd.s32 $0x2, s14;
	v9 =	vld [tilespmem:s8+$0xFFFFFE00];
	s19 =	sor.u32 $0x10, s17;
	v6 =	vadd.f32 v6, v2  }
0x3b6: {  	s16 =	sadd.s32 s18, s2;
	p0 =	slt.u32 s14, $0x1E;
	s20 =	sor.u32 s18, s19;
	v5 =	vadd.f32 v5, v1;
	v1 =	vld [tilespmem:s6+$0x11400]  }
.Ltmp25:
0x3b7: {  	s12 =	sadd.s32 s12, s1;
	s21 =	sadd.s32 s19, s16;
	v2 =	vld [tilespmem:s20+$0x11200];
	v10 =	vadd.f32 v7, v3;
	[tilespmem:s6+$0x15200] =	vst v6;
	(pc) =	sbr.rel @p0 .LBB2_49-.Ltmp25, $4  }
0x3b8: {  	s22 =	sadd.s32 s17, s16;
	s16 =	sadd.s32 s7, s12;
	s7 =	sadd.s32 s9, s12;
	v6 =	vld [tilespmem:s21+$0x0];
	[tilespmem:s3+$0x15400] =	vst v5  }
0x3b9: {  	s12 =	smov.u32 s18;
	s9 =	smov.u32 s19;
	[tilespmem:s0+$0xFFFFFE00] =	vst v10;
	v5 =	vld [tilespmem:s7+$0x0];
	v8 =	vadd.f32 v8, v4;
	s7 =	smov.u32 s17  }
0x3ba: {  	s3 =	smov.u32 s6;
	s6 =	smov.u32 s20;
	v7 =	vld [tilespmem:s22+$0x0];
	v3 =	vmov v9  }
0x3bb: {  	s15 =	sadd.s32 $0x20, s15;
	v4 =	vld [tilespmem:s13+$0x0];
	[tilespmem:s11+$0x0] =	vst v8;
	s13 =	smov.u32 s8;
	s11 =	smov.u32 s0  }
0x3bc: {  	(v2sf) =	vpush v0, $0x4;
	_ =	sdelay $0x3  }
0x3bd: {  	v2 =	vadd.f32 v6, v2  }
0x3be: {  	s1 =	sadd.s32 s12, s1;
	v6 =	vld [tilespmem:s6+$0x11400];
	v3 =	vadd.f32 v7, v3  }
0x3bf: {  	s0 =	sadd.s32 $0x20, s0;
	s2 =	sadd.s32 s9, s1;
	v7 =	vld [tilespmem:s16+$0x0];
	[tilespmem:s6+$0x15200] =	vst v2  }
0x3c0: {  	v2 =	vld [tilespmem:s2+$0x0];
	[tilespmem:s0+$0xFFFFFE00] =	vst v3  }
0x3c1: {  	s1 =	sadd.s32 s7, s1;
	(v2sf) =	vpush v0, $0x5;
	v3 =	vld [tilespmem:s13+$0x0]  }
0x3c2: {  	v8 =	vld [tilespmem:s1+$0x0];
	_ =	sdelay $0x1  }
0x3c3: {  	v1 =	vadd.f32 v5, v1  }
0x3c4: {  	v4 =	vadd.f32 v7, v4  }
0x3c5: {  	s17 =	simm.s32 $0x0;
	[tilespmem:s3+$0x15400] =	vst v1;
	v1 =	vadd.f32 v2, v6  }
0x3c6: {  	s13 =	sand.u32 $0x60, s17;
	[tilespmem:s11+$0x0] =	vst v4;
	v2 =	vadd.f32 v8, v3  }
0x3c7: {  	s14 =	sand.u32 $0x180, s17;
	s15 =	sor.u32 $0x10, s13;
	[tilespmem:s6+$0x15400] =	vst v1;
	s2 =	spop (v2sf)  }
0x3c8: {  	s3 =	sor.u32 s14, s15;
	[tilespmem:s0+$0x0] =	vst v2;
	s18 =	sadd.s32 s14, s2  }
0x3c9: {  	v1 =	vld [tilespmem:s3+$0x11600];
	s19 =	sadd.s32 s15, s18  }
0x3ca: {  	s11 =	simm.s32 $0x11800;
	v2 =	vld [tilespmem:s19+$0x0]  }
0x3cb: {  	v4 =	vld [tilespmem:s11+$0xFFFFFE00];
	s6 =	sadd.s32 s13, s18  }
0x3cc: {  	s20 =	simm.s32 $0x20;
	v5 =	vld [tilespmem:s6+$0x0]  }
0x3cd: {  	s8 =	simm.s32 $0x11820;
	s7 =	sand.u32 $0x60, s20  }
0x3ce: {  	s12 =	sand.u32 $0x180, s20;
	s9 =	sor.u32 $0x10, s7;
	v3 =	vld [tilespmem:s8+$0xFFFFFE00]  }
0x3cf: {  	s1 =	spop (v2sf);
	s21 =	sadd.s32 s12, s2;
	s6 =	sor.u32 s12, s9;
	v6 =	vadd.f32 v2, v1;
	v1 =	vld [tilespmem:s3+$0x11800]  }
0x3d0: {  	s17 =	sadd.s32 s9, s21;
	s18 =	sadd.s32 s14, s1;
	v2 =	vld [tilespmem:s6+$0x11600]  }
0x3d1: {  	s14 =	sadd.s32 s15, s18;
	v4 =	vadd.f32 v5, v4;
	[tilespmem:s3+$0x15600] =	vst v6;
	v6 =	vld [tilespmem:s17+$0x0]  }
0x3d2: {  	s0 =	simm.s32 $0x15800;
	s22 =	sadd.s32 s7, s21;
	v5 =	vld [tilespmem:s14+$0x0]  }
0x3d3: {  	s16 =	sadd.s32 s13, s18;
	v7 =	vld [tilespmem:s22+$0x0];
	s15 =	simm.s32 $0x40;
	[tilespmem:s0+$0xFFFFFE00] =	vst v4  }
0x3d4: {  	s13 =	simm.s32 $0x11820;
	s14 =	simm.s32 $0x2;
	v4 =	vld [tilespmem:s11+$0x0];
	s11 =	simm.s32 $0x15800  }
.LBB2_51:
0x3d5: {  	s17 =	sand.u32 $0x60, s15;
	s8 =	sadd.s32 $0x20, s8;
	v8 =	vld [tilespmem:s16+$0x0];
	s18 =	sand.u32 $0x180, s15  }
0x3d6: {  	s0 =	sadd.s32 $0x20, s0;
	s14 =	sadd.s32 $0x2, s14;
	v9 =	vld [tilespmem:s8+$0xFFFFFE00];
	s19 =	sor.u32 $0x10, s17;
	v6 =	vadd.f32 v6, v2  }
0x3d7: {  	s16 =	sadd.s32 s18, s2;
	p0 =	slt.u32 s14, $0x1E;
	s20 =	sor.u32 s18, s19;
	v5 =	vadd.f32 v5, v1;
	v1 =	vld [tilespmem:s6+$0x11800]  }
.Ltmp26:
0x3d8: {  	s12 =	sadd.s32 s12, s1;
	s21 =	sadd.s32 s19, s16;
	v2 =	vld [tilespmem:s20+$0x11600];
	v10 =	vadd.f32 v7, v3;
	[tilespmem:s6+$0x15600] =	vst v6;
	(pc) =	sbr.rel @p0 .LBB2_51-.Ltmp26, $4  }
0x3d9: {  	s22 =	sadd.s32 s17, s16;
	s16 =	sadd.s32 s7, s12;
	s7 =	sadd.s32 s9, s12;
	v6 =	vld [tilespmem:s21+$0x0];
	[tilespmem:s3+$0x15800] =	vst v5  }
0x3da: {  	s12 =	smov.u32 s18;
	s9 =	smov.u32 s19;
	[tilespmem:s0+$0xFFFFFE00] =	vst v10;
	v5 =	vld [tilespmem:s7+$0x0];
	v8 =	vadd.f32 v8, v4;
	s7 =	smov.u32 s17  }
0x3db: {  	s3 =	smov.u32 s6;
	s6 =	smov.u32 s20;
	v7 =	vld [tilespmem:s22+$0x0];
	v3 =	vmov v9  }
0x3dc: {  	s15 =	sadd.s32 $0x20, s15;
	v4 =	vld [tilespmem:s13+$0x0];
	[tilespmem:s11+$0x0] =	vst v8;
	s13 =	smov.u32 s8;
	s11 =	smov.u32 s0  }
0x3dd: {  	(v2sf) =	vpush v0, $0x6;
	_ =	sdelay $0x3  }
0x3de: {  	v2 =	vadd.f32 v6, v2  }
0x3df: {  	s1 =	sadd.s32 s12, s1;
	v6 =	vld [tilespmem:s6+$0x11800];
	v3 =	vadd.f32 v7, v3  }
0x3e0: {  	s0 =	sadd.s32 $0x20, s0;
	s2 =	sadd.s32 s9, s1;
	v7 =	vld [tilespmem:s16+$0x0];
	[tilespmem:s6+$0x15600] =	vst v2  }
0x3e1: {  	v2 =	vld [tilespmem:s2+$0x0];
	[tilespmem:s0+$0xFFFFFE00] =	vst v3  }
0x3e2: {  	s1 =	sadd.s32 s7, s1;
	(v2sf) =	vpush v0, $0x7;
	v3 =	vld [tilespmem:s13+$0x0]  }
0x3e3: {  	v8 =	vld [tilespmem:s1+$0x0];
	_ =	sdelay $0x1  }
0x3e4: {  	v1 =	vadd.f32 v5, v1  }
0x3e5: {  	v4 =	vadd.f32 v7, v4  }
0x3e6: {  	s17 =	simm.s32 $0x0;
	[tilespmem:s3+$0x15800] =	vst v1;
	v1 =	vadd.f32 v2, v6  }
0x3e7: {  	s13 =	sand.u32 $0x60, s17;
	[tilespmem:s11+$0x0] =	vst v4;
	v2 =	vadd.f32 v8, v3  }
0x3e8: {  	s14 =	sand.u32 $0x180, s17;
	s15 =	sor.u32 $0x10, s13;
	[tilespmem:s6+$0x15800] =	vst v1;
	s2 =	spop (v2sf)  }
0x3e9: {  	s3 =	sor.u32 s14, s15;
	[tilespmem:s0+$0x0] =	vst v2;
	s18 =	sadd.s32 s14, s2  }
0x3ea: {  	v1 =	vld [tilespmem:s3+$0x11A00];
	s19 =	sadd.s32 s15, s18  }
0x3eb: {  	s11 =	simm.s32 $0x11C00;
	v2 =	vld [tilespmem:s19+$0x0]  }
0x3ec: {  	v4 =	vld [tilespmem:s11+$0xFFFFFE00];
	s6 =	sadd.s32 s13, s18  }
0x3ed: {  	s20 =	simm.s32 $0x20;
	v5 =	vld [tilespmem:s6+$0x0]  }
0x3ee: {  	s8 =	simm.s32 $0x11C20;
	s7 =	sand.u32 $0x60, s20  }
0x3ef: {  	s12 =	sand.u32 $0x180, s20;
	s9 =	sor.u32 $0x10, s7;
	v3 =	vld [tilespmem:s8+$0xFFFFFE00]  }
0x3f0: {  	s1 =	spop (v2sf);
	s21 =	sadd.s32 s12, s2;
	s6 =	sor.u32 s12, s9;
	v6 =	vadd.f32 v2, v1;
	v1 =	vld [tilespmem:s3+$0x11C00]  }
0x3f1: {  	s17 =	sadd.s32 s9, s21;
	s18 =	sadd.s32 s14, s1;
	v2 =	vld [tilespmem:s6+$0x11A00]  }
0x3f2: {  	s14 =	sadd.s32 s15, s18;
	v4 =	vadd.f32 v5, v4;
	[tilespmem:s3+$0x15A00] =	vst v6;
	v6 =	vld [tilespmem:s17+$0x0]  }
0x3f3: {  	s0 =	simm.s32 $0x15C00;
	s22 =	sadd.s32 s7, s21;
	v5 =	vld [tilespmem:s14+$0x0]  }
0x3f4: {  	s16 =	sadd.s32 s13, s18;
	v7 =	vld [tilespmem:s22+$0x0];
	s15 =	simm.s32 $0x40;
	[tilespmem:s0+$0xFFFFFE00] =	vst v4  }
0x3f5: {  	s13 =	simm.s32 $0x11C20;
	s14 =	simm.s32 $0x2;
	v4 =	vld [tilespmem:s11+$0x0];
	s11 =	simm.s32 $0x15C00  }
.LBB2_53:
0x3f6: {  	s17 =	sand.u32 $0x60, s15;
	s8 =	sadd.s32 $0x20, s8;
	v8 =	vld [tilespmem:s16+$0x0];
	s18 =	sand.u32 $0x180, s15  }
0x3f7: {  	s0 =	sadd.s32 $0x20, s0;
	s14 =	sadd.s32 $0x2, s14;
	v9 =	vld [tilespmem:s8+$0xFFFFFE00];
	s19 =	sor.u32 $0x10, s17;
	v6 =	vadd.f32 v6, v2  }
0x3f8: {  	s16 =	sadd.s32 s18, s2;
	p0 =	slt.u32 s14, $0x1E;
	s20 =	sor.u32 s18, s19;
	v5 =	vadd.f32 v5, v1;
	v1 =	vld [tilespmem:s6+$0x11C00]  }
.Ltmp27:
0x3f9: {  	s12 =	sadd.s32 s12, s1;
	s21 =	sadd.s32 s19, s16;
	v2 =	vld [tilespmem:s20+$0x11A00];
	v10 =	vadd.f32 v7, v3;
	[tilespmem:s6+$0x15A00] =	vst v6;
	(pc) =	sbr.rel @p0 .LBB2_53-.Ltmp27, $4  }
0x3fa: {  	s22 =	sadd.s32 s17, s16;
	s16 =	sadd.s32 s7, s12;
	s7 =	sadd.s32 s9, s12;
	v6 =	vld [tilespmem:s21+$0x0];
	[tilespmem:s3+$0x15C00] =	vst v5  }
0x3fb: {  	s12 =	smov.u32 s18;
	s9 =	smov.u32 s19;
	[tilespmem:s0+$0xFFFFFE00] =	vst v10;
	v5 =	vld [tilespmem:s7+$0x0];
	v8 =	vadd.f32 v8, v4;
	s7 =	smov.u32 s17  }
0x3fc: {  	s3 =	smov.u32 s6;
	s6 =	smov.u32 s20;
	v7 =	vld [tilespmem:s22+$0x0];
	v3 =	vmov v9  }
0x3fd: {  	s15 =	sadd.s32 $0x20, s15;
	v4 =	vld [tilespmem:s13+$0x0];
	[tilespmem:s11+$0x0] =	vst v8;
	s13 =	smov.u32 s8;
	s11 =	smov.u32 s0  }
0x3fe: {  	(v2sf) =	vpush v0, $0x8;
	_ =	sdelay $0x3  }
0x3ff: {  	v2 =	vadd.f32 v6, v2  }
0x400: {  	s1 =	sadd.s32 s12, s1;
	v6 =	vld [tilespmem:s6+$0x11C00];
	v3 =	vadd.f32 v7, v3  }
0x401: {  	s0 =	sadd.s32 $0x20, s0;
	s2 =	sadd.s32 s9, s1;
	v7 =	vld [tilespmem:s16+$0x0];
	[tilespmem:s6+$0x15A00] =	vst v2  }
0x402: {  	v2 =	vld [tilespmem:s2+$0x0];
	[tilespmem:s0+$0xFFFFFE00] =	vst v3  }
0x403: {  	s1 =	sadd.s32 s7, s1;
	(v2sf) =	vpush v0, $0x9;
	v3 =	vld [tilespmem:s13+$0x0]  }
0x404: {  	v8 =	vld [tilespmem:s1+$0x0];
	_ =	sdelay $0x1  }
0x405: {  	v1 =	vadd.f32 v5, v1  }
0x406: {  	v4 =	vadd.f32 v7, v4  }
0x407: {  	s17 =	simm.s32 $0x0;
	[tilespmem:s3+$0x15C00] =	vst v1;
	v1 =	vadd.f32 v2, v6  }
0x408: {  	s13 =	sand.u32 $0x60, s17;
	[tilespmem:s11+$0x0] =	vst v4;
	v2 =	vadd.f32 v8, v3  }
0x409: {  	s14 =	sand.u32 $0x180, s17;
	s15 =	sor.u32 $0x10, s13;
	[tilespmem:s6+$0x15C00] =	vst v1;
	s2 =	spop (v2sf)  }
0x40a: {  	s3 =	sor.u32 s14, s15;
	[tilespmem:s0+$0x0] =	vst v2;
	s18 =	sadd.s32 s14, s2  }
0x40b: {  	v1 =	vld [tilespmem:s3+$0x11E00];
	s19 =	sadd.s32 s15, s18  }
0x40c: {  	s11 =	simm.s32 $0x12000;
	v2 =	vld [tilespmem:s19+$0x0]  }
0x40d: {  	v4 =	vld [tilespmem:s11+$0xFFFFFE00];
	s6 =	sadd.s32 s13, s18  }
0x40e: {  	s20 =	simm.s32 $0x20;
	v5 =	vld [tilespmem:s6+$0x0]  }
0x40f: {  	s8 =	simm.s32 $0x12020;
	s7 =	sand.u32 $0x60, s20  }
0x410: {  	s12 =	sand.u32 $0x180, s20;
	s9 =	sor.u32 $0x10, s7;
	v3 =	vld [tilespmem:s8+$0xFFFFFE00]  }
0x411: {  	s1 =	spop (v2sf);
	s21 =	sadd.s32 s12, s2;
	s6 =	sor.u32 s12, s9;
	v6 =	vadd.f32 v2, v1;
	v1 =	vld [tilespmem:s3+$0x12000]  }
0x412: {  	s17 =	sadd.s32 s9, s21;
	s18 =	sadd.s32 s14, s1;
	v2 =	vld [tilespmem:s6+$0x11E00]  }
0x413: {  	s14 =	sadd.s32 s15, s18;
	v4 =	vadd.f32 v5, v4;
	[tilespmem:s3+$0x15E00] =	vst v6;
	v6 =	vld [tilespmem:s17+$0x0]  }
0x414: {  	s0 =	simm.s32 $0x16000;
	s22 =	sadd.s32 s7, s21;
	v5 =	vld [tilespmem:s14+$0x0]  }
0x415: {  	s16 =	sadd.s32 s13, s18;
	v7 =	vld [tilespmem:s22+$0x0];
	s15 =	simm.s32 $0x40;
	[tilespmem:s0+$0xFFFFFE00] =	vst v4  }
0x416: {  	s13 =	simm.s32 $0x12020;
	s14 =	simm.s32 $0x2;
	v4 =	vld [tilespmem:s11+$0x0];
	s11 =	simm.s32 $0x16000  }
.LBB2_55:
0x417: {  	s17 =	sand.u32 $0x60, s15;
	s8 =	sadd.s32 $0x20, s8;
	v8 =	vld [tilespmem:s16+$0x0];
	s18 =	sand.u32 $0x180, s15  }
0x418: {  	s0 =	sadd.s32 $0x20, s0;
	s14 =	sadd.s32 $0x2, s14;
	v9 =	vld [tilespmem:s8+$0xFFFFFE00];
	s19 =	sor.u32 $0x10, s17;
	v6 =	vadd.f32 v6, v2  }
0x419: {  	s16 =	sadd.s32 s18, s2;
	p0 =	slt.u32 s14, $0x1E;
	s20 =	sor.u32 s18, s19;
	v5 =	vadd.f32 v5, v1;
	v1 =	vld [tilespmem:s6+$0x12000]  }
.Ltmp28:
0x41a: {  	s12 =	sadd.s32 s12, s1;
	s21 =	sadd.s32 s19, s16;
	v2 =	vld [tilespmem:s20+$0x11E00];
	v10 =	vadd.f32 v7, v3;
	[tilespmem:s6+$0x15E00] =	vst v6;
	(pc) =	sbr.rel @p0 .LBB2_55-.Ltmp28, $4  }
0x41b: {  	s22 =	sadd.s32 s17, s16;
	s16 =	sadd.s32 s7, s12;
	s7 =	sadd.s32 s9, s12;
	v6 =	vld [tilespmem:s21+$0x0];
	[tilespmem:s3+$0x16000] =	vst v5  }
0x41c: {  	s12 =	smov.u32 s18;
	s9 =	smov.u32 s19;
	[tilespmem:s0+$0xFFFFFE00] =	vst v10;
	v5 =	vld [tilespmem:s7+$0x0];
	v8 =	vadd.f32 v8, v4;
	s7 =	smov.u32 s17  }
0x41d: {  	s3 =	smov.u32 s6;
	s6 =	smov.u32 s20;
	v7 =	vld [tilespmem:s22+$0x0];
	v3 =	vmov v9  }
0x41e: {  	s15 =	sadd.s32 $0x20, s15;
	v4 =	vld [tilespmem:s13+$0x0];
	[tilespmem:s11+$0x0] =	vst v8;
	s13 =	smov.u32 s8;
	s11 =	smov.u32 s0  }
0x41f: {  	(v2sf) =	vpush v0, $0xA;
	_ =	sdelay $0x3  }
0x420: {  	v2 =	vadd.f32 v6, v2  }
0x421: {  	s1 =	sadd.s32 s12, s1;
	v6 =	vld [tilespmem:s6+$0x12000];
	v3 =	vadd.f32 v7, v3  }
0x422: {  	s0 =	sadd.s32 $0x20, s0;
	s2 =	sadd.s32 s9, s1;
	v7 =	vld [tilespmem:s16+$0x0];
	[tilespmem:s6+$0x15E00] =	vst v2  }
0x423: {  	v2 =	vld [tilespmem:s2+$0x0];
	[tilespmem:s0+$0xFFFFFE00] =	vst v3  }
0x424: {  	s1 =	sadd.s32 s7, s1;
	(v2sf) =	vpush v0, $0xB;
	v3 =	vld [tilespmem:s13+$0x0]  }
0x425: {  	v8 =	vld [tilespmem:s1+$0x0];
	_ =	sdelay $0x1  }
0x426: {  	v1 =	vadd.f32 v5, v1  }
0x427: {  	v4 =	vadd.f32 v7, v4  }
0x428: {  	s17 =	simm.s32 $0x0;
	[tilespmem:s3+$0x16000] =	vst v1;
	v1 =	vadd.f32 v2, v6  }
0x429: {  	s13 =	sand.u32 $0x60, s17;
	[tilespmem:s11+$0x0] =	vst v4;
	v2 =	vadd.f32 v8, v3  }
0x42a: {  	s14 =	sand.u32 $0x180, s17;
	s15 =	sor.u32 $0x10, s13;
	[tilespmem:s6+$0x16000] =	vst v1;
	s2 =	spop (v2sf)  }
0x42b: {  	s3 =	sor.u32 s14, s15;
	[tilespmem:s0+$0x0] =	vst v2;
	s18 =	sadd.s32 s14, s2  }
0x42c: {  	v1 =	vld [tilespmem:s3+$0x12200];
	s19 =	sadd.s32 s15, s18  }
0x42d: {  	s11 =	simm.s32 $0x12400;
	v2 =	vld [tilespmem:s19+$0x0]  }
0x42e: {  	v4 =	vld [tilespmem:s11+$0xFFFFFE00];
	s6 =	sadd.s32 s13, s18  }
0x42f: {  	s20 =	simm.s32 $0x20;
	v5 =	vld [tilespmem:s6+$0x0]  }
0x430: {  	s8 =	simm.s32 $0x12420;
	s7 =	sand.u32 $0x60, s20  }
0x431: {  	s12 =	sand.u32 $0x180, s20;
	s9 =	sor.u32 $0x10, s7;
	v3 =	vld [tilespmem:s8+$0xFFFFFE00]  }
0x432: {  	s1 =	spop (v2sf);
	s21 =	sadd.s32 s12, s2;
	s6 =	sor.u32 s12, s9;
	v6 =	vadd.f32 v2, v1;
	v1 =	vld [tilespmem:s3+$0x12400]  }
0x433: {  	s17 =	sadd.s32 s9, s21;
	s18 =	sadd.s32 s14, s1;
	v2 =	vld [tilespmem:s6+$0x12200]  }
0x434: {  	s14 =	sadd.s32 s15, s18;
	v4 =	vadd.f32 v5, v4;
	[tilespmem:s3+$0x16200] =	vst v6;
	v6 =	vld [tilespmem:s17+$0x0]  }
0x435: {  	s0 =	simm.s32 $0x16400;
	s22 =	sadd.s32 s7, s21;
	v5 =	vld [tilespmem:s14+$0x0]  }
0x436: {  	s16 =	sadd.s32 s13, s18;
	v7 =	vld [tilespmem:s22+$0x0];
	s15 =	simm.s32 $0x40;
	[tilespmem:s0+$0xFFFFFE00] =	vst v4  }
0x437: {  	s13 =	simm.s32 $0x12420;
	s14 =	simm.s32 $0x2;
	v4 =	vld [tilespmem:s11+$0x0];
	s11 =	simm.s32 $0x16400  }
.LBB2_57:
0x438: {  	s17 =	sand.u32 $0x60, s15;
	s8 =	sadd.s32 $0x20, s8;
	v8 =	vld [tilespmem:s16+$0x0];
	s18 =	sand.u32 $0x180, s15  }
0x439: {  	s0 =	sadd.s32 $0x20, s0;
	s14 =	sadd.s32 $0x2, s14;
	v9 =	vld [tilespmem:s8+$0xFFFFFE00];
	s19 =	sor.u32 $0x10, s17;
	v6 =	vadd.f32 v6, v2  }
0x43a: {  	s16 =	sadd.s32 s18, s2;
	p0 =	slt.u32 s14, $0x1E;
	s20 =	sor.u32 s18, s19;
	v5 =	vadd.f32 v5, v1;
	v1 =	vld [tilespmem:s6+$0x12400]  }
.Ltmp29:
0x43b: {  	s12 =	sadd.s32 s12, s1;
	s21 =	sadd.s32 s19, s16;
	v2 =	vld [tilespmem:s20+$0x12200];
	v10 =	vadd.f32 v7, v3;
	[tilespmem:s6+$0x16200] =	vst v6;
	(pc) =	sbr.rel @p0 .LBB2_57-.Ltmp29, $4  }
0x43c: {  	s22 =	sadd.s32 s17, s16;
	s16 =	sadd.s32 s7, s12;
	s7 =	sadd.s32 s9, s12;
	v6 =	vld [tilespmem:s21+$0x0];
	[tilespmem:s3+$0x16400] =	vst v5  }
0x43d: {  	s12 =	smov.u32 s18;
	s9 =	smov.u32 s19;
	[tilespmem:s0+$0xFFFFFE00] =	vst v10;
	v5 =	vld [tilespmem:s7+$0x0];
	v8 =	vadd.f32 v8, v4;
	s7 =	smov.u32 s17  }
0x43e: {  	s3 =	smov.u32 s6;
	s6 =	smov.u32 s20;
	v7 =	vld [tilespmem:s22+$0x0];
	v3 =	vmov v9  }
0x43f: {  	s15 =	sadd.s32 $0x20, s15;
	v4 =	vld [tilespmem:s13+$0x0];
	[tilespmem:s11+$0x0] =	vst v8;
	s13 =	smov.u32 s8;
	s11 =	smov.u32 s0  }
0x440: {  	(v2sf) =	vpush v0, $0xC;
	_ =	sdelay $0x3  }
0x441: {  	v2 =	vadd.f32 v6, v2  }
0x442: {  	s1 =	sadd.s32 s12, s1;
	v6 =	vld [tilespmem:s6+$0x12400];
	v3 =	vadd.f32 v7, v3  }
0x443: {  	s0 =	sadd.s32 $0x20, s0;
	s2 =	sadd.s32 s9, s1;
	v7 =	vld [tilespmem:s16+$0x0];
	[tilespmem:s6+$0x16200] =	vst v2  }
0x444: {  	v2 =	vld [tilespmem:s2+$0x0];
	[tilespmem:s0+$0xFFFFFE00] =	vst v3  }
0x445: {  	s1 =	sadd.s32 s7, s1;
	(v2sf) =	vpush v0, $0xD;
	v3 =	vld [tilespmem:s13+$0x0]  }
0x446: {  	v8 =	vld [tilespmem:s1+$0x0];
	_ =	sdelay $0x1  }
0x447: {  	v1 =	vadd.f32 v5, v1  }
0x448: {  	v4 =	vadd.f32 v7, v4  }
0x449: {  	s17 =	simm.s32 $0x0;
	[tilespmem:s3+$0x16400] =	vst v1;
	v1 =	vadd.f32 v2, v6  }
0x44a: {  	s13 =	sand.u32 $0x60, s17;
	[tilespmem:s11+$0x0] =	vst v4;
	v2 =	vadd.f32 v8, v3  }
0x44b: {  	s14 =	sand.u32 $0x180, s17;
	s15 =	sor.u32 $0x10, s13;
	[tilespmem:s6+$0x16400] =	vst v1;
	s2 =	spop (v2sf)  }
0x44c: {  	s3 =	sor.u32 s14, s15;
	[tilespmem:s0+$0x0] =	vst v2;
	s18 =	sadd.s32 s14, s2  }
0x44d: {  	v1 =	vld [tilespmem:s3+$0x12600];
	s19 =	sadd.s32 s15, s18  }
0x44e: {  	s11 =	simm.s32 $0x12800;
	v2 =	vld [tilespmem:s19+$0x0]  }
0x44f: {  	v4 =	vld [tilespmem:s11+$0xFFFFFE00];
	s6 =	sadd.s32 s13, s18  }
0x450: {  	s20 =	simm.s32 $0x20;
	v5 =	vld [tilespmem:s6+$0x0]  }
0x451: {  	s8 =	simm.s32 $0x12820;
	s7 =	sand.u32 $0x60, s20  }
0x452: {  	s12 =	sand.u32 $0x180, s20;
	s9 =	sor.u32 $0x10, s7;
	v3 =	vld [tilespmem:s8+$0xFFFFFE00]  }
0x453: {  	s1 =	spop (v2sf);
	s21 =	sadd.s32 s12, s2;
	s6 =	sor.u32 s12, s9;
	v6 =	vadd.f32 v2, v1;
	v1 =	vld [tilespmem:s3+$0x12800]  }
0x454: {  	s17 =	sadd.s32 s9, s21;
	s18 =	sadd.s32 s14, s1;
	v2 =	vld [tilespmem:s6+$0x12600]  }
0x455: {  	s14 =	sadd.s32 s15, s18;
	v4 =	vadd.f32 v5, v4;
	[tilespmem:s3+$0x16600] =	vst v6;
	v6 =	vld [tilespmem:s17+$0x0]  }
0x456: {  	s0 =	simm.s32 $0x16800;
	s22 =	sadd.s32 s7, s21;
	v5 =	vld [tilespmem:s14+$0x0]  }
0x457: {  	s16 =	sadd.s32 s13, s18;
	v7 =	vld [tilespmem:s22+$0x0];
	s15 =	simm.s32 $0x40;
	[tilespmem:s0+$0xFFFFFE00] =	vst v4  }
0x458: {  	s13 =	simm.s32 $0x12820;
	s14 =	simm.s32 $0x2;
	v4 =	vld [tilespmem:s11+$0x0];
	s11 =	simm.s32 $0x16800  }
.LBB2_59:
0x459: {  	s17 =	sand.u32 $0x60, s15;
	s8 =	sadd.s32 $0x20, s8;
	v8 =	vld [tilespmem:s16+$0x0];
	s18 =	sand.u32 $0x180, s15  }
0x45a: {  	s0 =	sadd.s32 $0x20, s0;
	s14 =	sadd.s32 $0x2, s14;
	v9 =	vld [tilespmem:s8+$0xFFFFFE00];
	s19 =	sor.u32 $0x10, s17;
	v6 =	vadd.f32 v6, v2  }
0x45b: {  	s16 =	sadd.s32 s18, s2;
	p0 =	slt.u32 s14, $0x1E;
	s20 =	sor.u32 s18, s19;
	v5 =	vadd.f32 v5, v1;
	v1 =	vld [tilespmem:s6+$0x12800]  }
.Ltmp30:
0x45c: {  	s12 =	sadd.s32 s12, s1;
	s21 =	sadd.s32 s19, s16;
	v2 =	vld [tilespmem:s20+$0x12600];
	v10 =	vadd.f32 v7, v3;
	[tilespmem:s6+$0x16600] =	vst v6;
	(pc) =	sbr.rel @p0 .LBB2_59-.Ltmp30, $4  }
0x45d: {  	s22 =	sadd.s32 s17, s16;
	s16 =	sadd.s32 s7, s12;
	s7 =	sadd.s32 s9, s12;
	v6 =	vld [tilespmem:s21+$0x0];
	[tilespmem:s3+$0x16800] =	vst v5  }
0x45e: {  	s12 =	smov.u32 s18;
	s9 =	smov.u32 s19;
	[tilespmem:s0+$0xFFFFFE00] =	vst v10;
	v5 =	vld [tilespmem:s7+$0x0];
	v8 =	vadd.f32 v8, v4;
	s7 =	smov.u32 s17  }
0x45f: {  	s3 =	smov.u32 s6;
	s6 =	smov.u32 s20;
	v7 =	vld [tilespmem:s22+$0x0];
	v3 =	vmov v9  }
0x460: {  	s15 =	sadd.s32 $0x20, s15;
	v4 =	vld [tilespmem:s13+$0x0];
	[tilespmem:s11+$0x0] =	vst v8;
	s13 =	smov.u32 s8;
	s11 =	smov.u32 s0  }
0x461: {  	(v2sf) =	vpush v0, $0xE;
	_ =	sdelay $0x3  }
0x462: {  	v2 =	vadd.f32 v6, v2  }
0x463: {  	s1 =	sadd.s32 s12, s1;
	v6 =	vld [tilespmem:s6+$0x12800];
	v3 =	vadd.f32 v7, v3  }
0x464: {  	s0 =	sadd.s32 $0x20, s0;
	s2 =	sadd.s32 s9, s1;
	v7 =	vld [tilespmem:s16+$0x0];
	[tilespmem:s6+$0x16600] =	vst v2  }
0x465: {  	v2 =	vld [tilespmem:s2+$0x0];
	[tilespmem:s0+$0xFFFFFE00] =	vst v3  }
0x466: {  	s1 =	sadd.s32 s7, s1;
	(v2sf) =	vpush v0, $0xF;
	v3 =	vld [tilespmem:s13+$0x0]  }
0x467: {  	v8 =	vld [tilespmem:s1+$0x0];
	_ =	sdelay $0x1  }
0x468: {  	v1 =	vadd.f32 v5, v1  }
0x469: {  	v4 =	vadd.f32 v7, v4  }
0x46a: {  	s17 =	simm.s32 $0x0;
	[tilespmem:s3+$0x16800] =	vst v1;
	v1 =	vadd.f32 v2, v6  }
0x46b: {  	s13 =	sand.u32 $0x60, s17;
	[tilespmem:s11+$0x0] =	vst v4;
	v2 =	vadd.f32 v8, v3  }
0x46c: {  	s14 =	sand.u32 $0x180, s17;
	s15 =	sor.u32 $0x10, s13;
	[tilespmem:s6+$0x16800] =	vst v1;
	s2 =	spop (v2sf)  }
0x46d: {  	s3 =	sor.u32 s14, s15;
	[tilespmem:s0+$0x0] =	vst v2;
	s18 =	sadd.s32 s14, s2  }
0x46e: {  	v0 =	vld [tilespmem:s3+$0x12A00];
	s19 =	sadd.s32 s15, s18  }
0x46f: {  	s11 =	simm.s32 $0x12C00;
	v1 =	vld [tilespmem:s19+$0x0]  }
0x470: {  	v3 =	vld [tilespmem:s11+$0xFFFFFE00];
	s6 =	sadd.s32 s13, s18  }
0x471: {  	s20 =	simm.s32 $0x20;
	v4 =	vld [tilespmem:s6+$0x0]  }
0x472: {  	s8 =	simm.s32 $0x12C20;
	s7 =	sand.u32 $0x60, s20  }
0x473: {  	s12 =	sand.u32 $0x180, s20;
	s9 =	sor.u32 $0x10, s7;
	v2 =	vld [tilespmem:s8+$0xFFFFFE00]  }
0x474: {  	s1 =	spop (v2sf);
	s21 =	sadd.s32 s12, s2;
	s6 =	sor.u32 s12, s9;
	v5 =	vadd.f32 v1, v0;
	v0 =	vld [tilespmem:s3+$0x12C00]  }
0x475: {  	s17 =	sadd.s32 s9, s21;
	s18 =	sadd.s32 s14, s1;
	v1 =	vld [tilespmem:s6+$0x12A00]  }
0x476: {  	s14 =	sadd.s32 s15, s18;
	v3 =	vadd.f32 v4, v3;
	[tilespmem:s3+$0x16A00] =	vst v5;
	v5 =	vld [tilespmem:s17+$0x0]  }
0x477: {  	s0 =	simm.s32 $0x16C00;
	s22 =	sadd.s32 s7, s21;
	v4 =	vld [tilespmem:s14+$0x0]  }
0x478: {  	s16 =	sadd.s32 s13, s18;
	v6 =	vld [tilespmem:s22+$0x0];
	s15 =	simm.s32 $0x40;
	[tilespmem:s0+$0xFFFFFE00] =	vst v3  }
0x479: {  	s13 =	simm.s32 $0x12C20;
	s14 =	simm.s32 $0x2;
	v3 =	vld [tilespmem:s11+$0x0];
	s11 =	simm.s32 $0x16C00  }
.LBB2_61:
0x47a: {  	s17 =	sand.u32 $0x60, s15;
	s8 =	sadd.s32 $0x20, s8;
	v7 =	vld [tilespmem:s16+$0x0];
	s18 =	sand.u32 $0x180, s15  }
0x47b: {  	s0 =	sadd.s32 $0x20, s0;
	s14 =	sadd.s32 $0x2, s14;
	v8 =	vld [tilespmem:s8+$0xFFFFFE00];
	s19 =	sor.u32 $0x10, s17;
	v5 =	vadd.f32 v5, v1  }
0x47c: {  	s16 =	sadd.s32 s18, s2;
	p0 =	slt.u32 s14, $0x1E;
	s20 =	sor.u32 s18, s19;
	v4 =	vadd.f32 v4, v0;
	v0 =	vld [tilespmem:s6+$0x12C00]  }
.Ltmp31:
0x47d: {  	s12 =	sadd.s32 s12, s1;
	s21 =	sadd.s32 s19, s16;
	v1 =	vld [tilespmem:s20+$0x12A00];
	v9 =	vadd.f32 v6, v2;
	[tilespmem:s6+$0x16A00] =	vst v5;
	(pc) =	sbr.rel @p0 .LBB2_61-.Ltmp31, $4  }
0x47e: {  	s22 =	sadd.s32 s17, s16;
	s16 =	sadd.s32 s7, s12;
	s7 =	sadd.s32 s9, s12;
	v5 =	vld [tilespmem:s21+$0x0];
	[tilespmem:s3+$0x16C00] =	vst v4  }
0x47f: {  	s12 =	smov.u32 s18;
	s9 =	smov.u32 s19;
	[tilespmem:s0+$0xFFFFFE00] =	vst v9;
	v4 =	vld [tilespmem:s7+$0x0];
	v7 =	vadd.f32 v7, v3;
	s7 =	smov.u32 s17  }
0x480: {  	s3 =	smov.u32 s6;
	s6 =	smov.u32 s20;
	v6 =	vld [tilespmem:s22+$0x0];
	v2 =	vmov v8  }
0x481: {  	s15 =	sadd.s32 $0x20, s15;
	v3 =	vld [tilespmem:s13+$0x0];
	[tilespmem:s11+$0x0] =	vst v7;
	s13 =	smov.u32 s8;
	s11 =	smov.u32 s0  }
0x482: {  	_ =	sdelay $0x1  }
0x483: {  	v1 =	vadd.f32 v5, v1  }
0x484: {  	s1 =	sadd.s32 s12, s1;
	v5 =	vld [tilespmem:s6+$0x12C00];
	v2 =	vadd.f32 v6, v2  }
0x485: {  	s0 =	sadd.s32 $0x20, s0;
	s2 =	sadd.s32 s9, s1;
	v6 =	vld [tilespmem:s16+$0x0];
	[tilespmem:s6+$0x16A00] =	vst v1  }
0x486: {  	v1 =	vld [tilespmem:s2+$0x0];
	[tilespmem:s0+$0xFFFFFE00] =	vst v2  }
0x487: {  	s1 =	sadd.s32 s7, s1;
	v2 =	vld [tilespmem:s13+$0x0]  }
0x488: {  	v7 =	vld [tilespmem:s1+$0x0];
	_ =	sdelay $0x1  }
0x489: {  	v0 =	vadd.f32 v4, v0  }
0x48a: {  	v3 =	vadd.f32 v6, v3  }
0x48b: {  	[tilespmem:s3+$0x16C00] =	vst v0;
	v0 =	vadd.f32 v1, v5  }
0x48c: {  	[tilespmem:s11+$0x0] =	vst v3;
	v1 =	vadd.f32 v7, v2  }
0x48d: {  	s30 =	sshll.u32 s30, $0x6;
	[tilespmem:s6+$0x16C00] =	vst v0  }
0x48e: {  	s17 =	simm.s32 $0x14E00;
	s15 =	sadd.s32 s24, s30;
	s16 =	simm.s32 $0x0;
	[tilespmem:s0+$0x0] =	vst v1  }
0x48f: {  	[hbm4b:s15+s16] =	stream.linear.scatter [tilespmem:s17], [sflag:$0x4], $0x2000, $0x38;
	[tilespmem:$0x18E00] =	vst v63  }
0x490: {  	v0 =	vld [tilespmem:s29+$0x30];
	_ =	sdelay $0x4  }
0x491: {  	v0 =	vshll.u32 v0, $0xB  }
0x492: {  	v0 =	vshra.s32 v0, $0x2  }
0x493: {  	v0 =	vadd.s32 $0x8200, v0  }
0x494: {  	(v2sf) =	vpush v0, $0x0;
	_ =	sdelay $0x7  }
0x495: {  	(v2sf) =	vpush v0, $0x1;
	_ =	sdelay $0x5  }
0x496: {  	s13 =	sand.u32 $0x60, s16  }
0x497: {  	s14 =	sand.u32 $0x180, s16;
	s15 =	sor.u32 $0x10, s13;
	s2 =	spop (v2sf)  }
0x498: {  	s3 =	sor.u32 s14, s15;
	s18 =	sadd.s32 s14, s2  }
0x499: {  	v1 =	vld [tilespmem:s3+$0x12E00];
	s19 =	sadd.s32 s15, s18  }
0x49a: {  	s11 =	simm.s32 $0x13000;
	v2 =	vld [tilespmem:s19+$0x0]  }
0x49b: {  	v4 =	vld [tilespmem:s11+$0xFFFFFE00];
	s6 =	sadd.s32 s13, s18  }
0x49c: {  	s20 =	simm.s32 $0x20;
	v5 =	vld [tilespmem:s6+$0x0]  }
0x49d: {  	s8 =	simm.s32 $0x13020;
	s7 =	sand.u32 $0x60, s20  }
0x49e: {  	s12 =	sand.u32 $0x180, s20;
	s9 =	sor.u32 $0x10, s7;
	v3 =	vld [tilespmem:s8+$0xFFFFFE00]  }
0x49f: {  	s1 =	spop (v2sf);
	s21 =	sadd.s32 s12, s2;
	s6 =	sor.u32 s12, s9;
	v6 =	vadd.f32 v2, v1;
	v1 =	vld [tilespmem:s3+$0x13000]  }
0x4a0: {  	s17 =	sadd.s32 s9, s21;
	s18 =	sadd.s32 s14, s1;
	v2 =	vld [tilespmem:s6+$0x12E00]  }
0x4a1: {  	s14 =	sadd.s32 s15, s18;
	v4 =	vadd.f32 v5, v4;
	[tilespmem:s3+$0x16E00] =	vst v6;
	v6 =	vld [tilespmem:s17+$0x0]  }
0x4a2: {  	s0 =	simm.s32 $0x17000;
	s22 =	sadd.s32 s7, s21;
	v5 =	vld [tilespmem:s14+$0x0]  }
0x4a3: {  	s16 =	sadd.s32 s13, s18;
	v7 =	vld [tilespmem:s22+$0x0];
	s15 =	simm.s32 $0x40;
	[tilespmem:s0+$0xFFFFFE00] =	vst v4  }
0x4a4: {  	s13 =	simm.s32 $0x13020;
	s14 =	simm.s32 $0x2;
	v4 =	vld [tilespmem:s11+$0x0];
	s11 =	simm.s32 $0x17000  }
.LBB2_63:
0x4a5: {  	s17 =	sand.u32 $0x60, s15;
	s8 =	sadd.s32 $0x20, s8;
	v8 =	vld [tilespmem:s16+$0x0];
	s18 =	sand.u32 $0x180, s15  }
0x4a6: {  	s0 =	sadd.s32 $0x20, s0;
	s14 =	sadd.s32 $0x2, s14;
	v9 =	vld [tilespmem:s8+$0xFFFFFE00];
	s19 =	sor.u32 $0x10, s17;
	v6 =	vadd.f32 v6, v2  }
0x4a7: {  	s16 =	sadd.s32 s18, s2;
	p0 =	slt.u32 s14, $0x1E;
	s20 =	sor.u32 s18, s19;
	v5 =	vadd.f32 v5, v1;
	v1 =	vld [tilespmem:s6+$0x13000]  }
.Ltmp32:
0x4a8: {  	s12 =	sadd.s32 s12, s1;
	s21 =	sadd.s32 s19, s16;
	v2 =	vld [tilespmem:s20+$0x12E00];
	v10 =	vadd.f32 v7, v3;
	[tilespmem:s6+$0x16E00] =	vst v6;
	(pc) =	sbr.rel @p0 .LBB2_63-.Ltmp32, $4  }
0x4a9: {  	s22 =	sadd.s32 s17, s16;
	s16 =	sadd.s32 s7, s12;
	s7 =	sadd.s32 s9, s12;
	v6 =	vld [tilespmem:s21+$0x0];
	[tilespmem:s3+$0x17000] =	vst v5  }
0x4aa: {  	s12 =	smov.u32 s18;
	s9 =	smov.u32 s19;
	[tilespmem:s0+$0xFFFFFE00] =	vst v10;
	v5 =	vld [tilespmem:s7+$0x0];
	v8 =	vadd.f32 v8, v4;
	s7 =	smov.u32 s17  }
0x4ab: {  	s3 =	smov.u32 s6;
	s6 =	smov.u32 s20;
	v7 =	vld [tilespmem:s22+$0x0];
	v3 =	vmov v9  }
0x4ac: {  	s15 =	sadd.s32 $0x20, s15;
	v4 =	vld [tilespmem:s13+$0x0];
	[tilespmem:s11+$0x0] =	vst v8;
	s13 =	smov.u32 s8;
	s11 =	smov.u32 s0  }
0x4ad: {  	(v2sf) =	vpush v0, $0x2;
	_ =	sdelay $0x3  }
0x4ae: {  	v2 =	vadd.f32 v6, v2  }
0x4af: {  	s1 =	sadd.s32 s12, s1;
	v6 =	vld [tilespmem:s6+$0x13000];
	v3 =	vadd.f32 v7, v3  }
0x4b0: {  	s0 =	sadd.s32 $0x20, s0;
	s2 =	sadd.s32 s9, s1;
	v7 =	vld [tilespmem:s16+$0x0];
	[tilespmem:s6+$0x16E00] =	vst v2  }
0x4b1: {  	v2 =	vld [tilespmem:s2+$0x0];
	[tilespmem:s0+$0xFFFFFE00] =	vst v3  }
0x4b2: {  	s1 =	sadd.s32 s7, s1;
	(v2sf) =	vpush v0, $0x3;
	v3 =	vld [tilespmem:s13+$0x0]  }
0x4b3: {  	v8 =	vld [tilespmem:s1+$0x0];
	_ =	sdelay $0x1  }
0x4b4: {  	v1 =	vadd.f32 v5, v1  }
0x4b5: {  	v4 =	vadd.f32 v7, v4  }
0x4b6: {  	s17 =	simm.s32 $0x0;
	[tilespmem:s3+$0x17000] =	vst v1;
	v1 =	vadd.f32 v2, v6  }
0x4b7: {  	s13 =	sand.u32 $0x60, s17;
	[tilespmem:s11+$0x0] =	vst v4;
	v2 =	vadd.f32 v8, v3  }
0x4b8: {  	s14 =	sand.u32 $0x180, s17;
	s15 =	sor.u32 $0x10, s13;
	[tilespmem:s6+$0x17000] =	vst v1;
	s2 =	spop (v2sf)  }
0x4b9: {  	s3 =	sor.u32 s14, s15;
	[tilespmem:s0+$0x0] =	vst v2;
	s18 =	sadd.s32 s14, s2  }
0x4ba: {  	v1 =	vld [tilespmem:s3+$0x13200];
	s19 =	sadd.s32 s15, s18  }
0x4bb: {  	s11 =	simm.s32 $0x13400;
	v2 =	vld [tilespmem:s19+$0x0]  }
0x4bc: {  	v4 =	vld [tilespmem:s11+$0xFFFFFE00];
	s6 =	sadd.s32 s13, s18  }
0x4bd: {  	s20 =	simm.s32 $0x20;
	v5 =	vld [tilespmem:s6+$0x0]  }
0x4be: {  	s8 =	simm.s32 $0x13420;
	s7 =	sand.u32 $0x60, s20  }
0x4bf: {  	s12 =	sand.u32 $0x180, s20;
	s9 =	sor.u32 $0x10, s7;
	v3 =	vld [tilespmem:s8+$0xFFFFFE00]  }
0x4c0: {  	s1 =	spop (v2sf);
	s21 =	sadd.s32 s12, s2;
	s6 =	sor.u32 s12, s9;
	v6 =	vadd.f32 v2, v1;
	v1 =	vld [tilespmem:s3+$0x13400]  }
0x4c1: {  	s17 =	sadd.s32 s9, s21;
	s18 =	sadd.s32 s14, s1;
	v2 =	vld [tilespmem:s6+$0x13200]  }
0x4c2: {  	s14 =	sadd.s32 s15, s18;
	v4 =	vadd.f32 v5, v4;
	[tilespmem:s3+$0x17200] =	vst v6;
	v6 =	vld [tilespmem:s17+$0x0]  }
0x4c3: {  	s0 =	simm.s32 $0x17400;
	s22 =	sadd.s32 s7, s21;
	v5 =	vld [tilespmem:s14+$0x0]  }
0x4c4: {  	s16 =	sadd.s32 s13, s18;
	v7 =	vld [tilespmem:s22+$0x0];
	s15 =	simm.s32 $0x40;
	[tilespmem:s0+$0xFFFFFE00] =	vst v4  }
0x4c5: {  	s13 =	simm.s32 $0x13420;
	s14 =	simm.s32 $0x2;
	v4 =	vld [tilespmem:s11+$0x0];
	s11 =	simm.s32 $0x17400  }
.LBB2_65:
0x4c6: {  	s17 =	sand.u32 $0x60, s15;
	s8 =	sadd.s32 $0x20, s8;
	v8 =	vld [tilespmem:s16+$0x0];
	s18 =	sand.u32 $0x180, s15  }
0x4c7: {  	s0 =	sadd.s32 $0x20, s0;
	s14 =	sadd.s32 $0x2, s14;
	v9 =	vld [tilespmem:s8+$0xFFFFFE00];
	s19 =	sor.u32 $0x10, s17;
	v6 =	vadd.f32 v6, v2  }
0x4c8: {  	s16 =	sadd.s32 s18, s2;
	p0 =	slt.u32 s14, $0x1E;
	s20 =	sor.u32 s18, s19;
	v5 =	vadd.f32 v5, v1;
	v1 =	vld [tilespmem:s6+$0x13400]  }
.Ltmp33:
0x4c9: {  	s12 =	sadd.s32 s12, s1;
	s21 =	sadd.s32 s19, s16;
	v2 =	vld [tilespmem:s20+$0x13200];
	v10 =	vadd.f32 v7, v3;
	[tilespmem:s6+$0x17200] =	vst v6;
	(pc) =	sbr.rel @p0 .LBB2_65-.Ltmp33, $4  }
0x4ca: {  	s22 =	sadd.s32 s17, s16;
	s16 =	sadd.s32 s7, s12;
	s7 =	sadd.s32 s9, s12;
	v6 =	vld [tilespmem:s21+$0x0];
	[tilespmem:s3+$0x17400] =	vst v5  }
0x4cb: {  	s12 =	smov.u32 s18;
	s9 =	smov.u32 s19;
	[tilespmem:s0+$0xFFFFFE00] =	vst v10;
	v5 =	vld [tilespmem:s7+$0x0];
	v8 =	vadd.f32 v8, v4;
	s7 =	smov.u32 s17  }
0x4cc: {  	s3 =	smov.u32 s6;
	s6 =	smov.u32 s20;
	v7 =	vld [tilespmem:s22+$0x0];
	v3 =	vmov v9  }
0x4cd: {  	s15 =	sadd.s32 $0x20, s15;
	v4 =	vld [tilespmem:s13+$0x0];
	[tilespmem:s11+$0x0] =	vst v8;
	s13 =	smov.u32 s8;
	s11 =	smov.u32 s0  }
0x4ce: {  	(v2sf) =	vpush v0, $0x4;
	_ =	sdelay $0x3  }
0x4cf: {  	v2 =	vadd.f32 v6, v2  }
0x4d0: {  	s1 =	sadd.s32 s12, s1;
	v6 =	vld [tilespmem:s6+$0x13400];
	v3 =	vadd.f32 v7, v3  }
0x4d1: {  	s0 =	sadd.s32 $0x20, s0;
	s2 =	sadd.s32 s9, s1;
	v7 =	vld [tilespmem:s16+$0x0];
	[tilespmem:s6+$0x17200] =	vst v2  }
0x4d2: {  	v2 =	vld [tilespmem:s2+$0x0];
	[tilespmem:s0+$0xFFFFFE00] =	vst v3  }
0x4d3: {  	s1 =	sadd.s32 s7, s1;
	(v2sf) =	vpush v0, $0x5;
	v3 =	vld [tilespmem:s13+$0x0]  }
0x4d4: {  	v8 =	vld [tilespmem:s1+$0x0];
	_ =	sdelay $0x1  }
0x4d5: {  	v1 =	vadd.f32 v5, v1  }
0x4d6: {  	v4 =	vadd.f32 v7, v4  }
0x4d7: {  	s17 =	simm.s32 $0x0;
	[tilespmem:s3+$0x17400] =	vst v1;
	v1 =	vadd.f32 v2, v6  }
0x4d8: {  	s13 =	sand.u32 $0x60, s17;
	[tilespmem:s11+$0x0] =	vst v4;
	v2 =	vadd.f32 v8, v3  }
0x4d9: {  	s14 =	sand.u32 $0x180, s17;
	s15 =	sor.u32 $0x10, s13;
	[tilespmem:s6+$0x17400] =	vst v1;
	s2 =	spop (v2sf)  }
0x4da: {  	s3 =	sor.u32 s14, s15;
	[tilespmem:s0+$0x0] =	vst v2;
	s18 =	sadd.s32 s14, s2  }
0x4db: {  	v1 =	vld [tilespmem:s3+$0x13600];
	s19 =	sadd.s32 s15, s18  }
0x4dc: {  	s11 =	simm.s32 $0x13800;
	v2 =	vld [tilespmem:s19+$0x0]  }
0x4dd: {  	v4 =	vld [tilespmem:s11+$0xFFFFFE00];
	s6 =	sadd.s32 s13, s18  }
0x4de: {  	s20 =	simm.s32 $0x20;
	v5 =	vld [tilespmem:s6+$0x0]  }
0x4df: {  	s8 =	simm.s32 $0x13820;
	s7 =	sand.u32 $0x60, s20  }
0x4e0: {  	s12 =	sand.u32 $0x180, s20;
	s9 =	sor.u32 $0x10, s7;
	v3 =	vld [tilespmem:s8+$0xFFFFFE00]  }
0x4e1: {  	s1 =	spop (v2sf);
	s21 =	sadd.s32 s12, s2;
	s6 =	sor.u32 s12, s9;
	v6 =	vadd.f32 v2, v1;
	v1 =	vld [tilespmem:s3+$0x13800]  }
0x4e2: {  	s17 =	sadd.s32 s9, s21;
	s18 =	sadd.s32 s14, s1;
	v2 =	vld [tilespmem:s6+$0x13600]  }
0x4e3: {  	s14 =	sadd.s32 s15, s18;
	v4 =	vadd.f32 v5, v4;
	[tilespmem:s3+$0x17600] =	vst v6;
	v6 =	vld [tilespmem:s17+$0x0]  }
0x4e4: {  	s0 =	simm.s32 $0x17800;
	s22 =	sadd.s32 s7, s21;
	v5 =	vld [tilespmem:s14+$0x0]  }
0x4e5: {  	s16 =	sadd.s32 s13, s18;
	v7 =	vld [tilespmem:s22+$0x0];
	s15 =	simm.s32 $0x40;
	[tilespmem:s0+$0xFFFFFE00] =	vst v4  }
0x4e6: {  	s13 =	simm.s32 $0x13820;
	s14 =	simm.s32 $0x2;
	v4 =	vld [tilespmem:s11+$0x0];
	s11 =	simm.s32 $0x17800  }
.LBB2_67:
0x4e7: {  	s17 =	sand.u32 $0x60, s15;
	s8 =	sadd.s32 $0x20, s8;
	v8 =	vld [tilespmem:s16+$0x0];
	s18 =	sand.u32 $0x180, s15  }
0x4e8: {  	s0 =	sadd.s32 $0x20, s0;
	s14 =	sadd.s32 $0x2, s14;
	v9 =	vld [tilespmem:s8+$0xFFFFFE00];
	s19 =	sor.u32 $0x10, s17;
	v6 =	vadd.f32 v6, v2  }
0x4e9: {  	s16 =	sadd.s32 s18, s2;
	p0 =	slt.u32 s14, $0x1E;
	s20 =	sor.u32 s18, s19;
	v5 =	vadd.f32 v5, v1;
	v1 =	vld [tilespmem:s6+$0x13800]  }
.Ltmp34:
0x4ea: {  	s12 =	sadd.s32 s12, s1;
	s21 =	sadd.s32 s19, s16;
	v2 =	vld [tilespmem:s20+$0x13600];
	v10 =	vadd.f32 v7, v3;
	[tilespmem:s6+$0x17600] =	vst v6;
	(pc) =	sbr.rel @p0 .LBB2_67-.Ltmp34, $4  }
0x4eb: {  	s22 =	sadd.s32 s17, s16;
	s16 =	sadd.s32 s7, s12;
	s7 =	sadd.s32 s9, s12;
	v6 =	vld [tilespmem:s21+$0x0];
	[tilespmem:s3+$0x17800] =	vst v5  }
0x4ec: {  	s12 =	smov.u32 s18;
	s9 =	smov.u32 s19;
	[tilespmem:s0+$0xFFFFFE00] =	vst v10;
	v5 =	vld [tilespmem:s7+$0x0];
	v8 =	vadd.f32 v8, v4;
	s7 =	smov.u32 s17  }
0x4ed: {  	s3 =	smov.u32 s6;
	s6 =	smov.u32 s20;
	v7 =	vld [tilespmem:s22+$0x0];
	v3 =	vmov v9  }
0x4ee: {  	s15 =	sadd.s32 $0x20, s15;
	v4 =	vld [tilespmem:s13+$0x0];
	[tilespmem:s11+$0x0] =	vst v8;
	s13 =	smov.u32 s8;
	s11 =	smov.u32 s0  }
0x4ef: {  	(v2sf) =	vpush v0, $0x6;
	_ =	sdelay $0x3  }
0x4f0: {  	v2 =	vadd.f32 v6, v2  }
0x4f1: {  	s1 =	sadd.s32 s12, s1;
	v6 =	vld [tilespmem:s6+$0x13800];
	v3 =	vadd.f32 v7, v3  }
0x4f2: {  	s0 =	sadd.s32 $0x20, s0;
	s2 =	sadd.s32 s9, s1;
	v7 =	vld [tilespmem:s16+$0x0];
	[tilespmem:s6+$0x17600] =	vst v2  }
0x4f3: {  	v2 =	vld [tilespmem:s2+$0x0];
	[tilespmem:s0+$0xFFFFFE00] =	vst v3  }
0x4f4: {  	s1 =	sadd.s32 s7, s1;
	(v2sf) =	vpush v0, $0x7;
	v3 =	vld [tilespmem:s13+$0x0]  }
0x4f5: {  	v8 =	vld [tilespmem:s1+$0x0];
	_ =	sdelay $0x1  }
0x4f6: {  	v1 =	vadd.f32 v5, v1  }
0x4f7: {  	v4 =	vadd.f32 v7, v4  }
0x4f8: {  	s17 =	simm.s32 $0x0;
	[tilespmem:s3+$0x17800] =	vst v1;
	v1 =	vadd.f32 v2, v6  }
0x4f9: {  	s13 =	sand.u32 $0x60, s17;
	[tilespmem:s11+$0x0] =	vst v4;
	v2 =	vadd.f32 v8, v3  }
0x4fa: {  	s14 =	sand.u32 $0x180, s17;
	s15 =	sor.u32 $0x10, s13;
	[tilespmem:s6+$0x17800] =	vst v1;
	s2 =	spop (v2sf)  }
0x4fb: {  	s3 =	sor.u32 s14, s15;
	[tilespmem:s0+$0x0] =	vst v2;
	s18 =	sadd.s32 s14, s2  }
0x4fc: {  	v1 =	vld [tilespmem:s3+$0x13A00];
	s19 =	sadd.s32 s15, s18  }
0x4fd: {  	s11 =	simm.s32 $0x13C00;
	v2 =	vld [tilespmem:s19+$0x0]  }
0x4fe: {  	v4 =	vld [tilespmem:s11+$0xFFFFFE00];
	s6 =	sadd.s32 s13, s18  }
0x4ff: {  	s20 =	simm.s32 $0x20;
	v5 =	vld [tilespmem:s6+$0x0]  }
0x500: {  	s8 =	simm.s32 $0x13C20;
	s7 =	sand.u32 $0x60, s20  }
0x501: {  	s12 =	sand.u32 $0x180, s20;
	s9 =	sor.u32 $0x10, s7;
	v3 =	vld [tilespmem:s8+$0xFFFFFE00]  }
0x502: {  	s1 =	spop (v2sf);
	s21 =	sadd.s32 s12, s2;
	s6 =	sor.u32 s12, s9;
	v6 =	vadd.f32 v2, v1;
	v1 =	vld [tilespmem:s3+$0x13C00]  }
0x503: {  	s17 =	sadd.s32 s9, s21;
	s18 =	sadd.s32 s14, s1;
	v2 =	vld [tilespmem:s6+$0x13A00]  }
0x504: {  	s14 =	sadd.s32 s15, s18;
	v4 =	vadd.f32 v5, v4;
	[tilespmem:s3+$0x17A00] =	vst v6;
	v6 =	vld [tilespmem:s17+$0x0]  }
0x505: {  	s0 =	simm.s32 $0x17C00;
	s22 =	sadd.s32 s7, s21;
	v5 =	vld [tilespmem:s14+$0x0]  }
0x506: {  	s16 =	sadd.s32 s13, s18;
	v7 =	vld [tilespmem:s22+$0x0];
	s15 =	simm.s32 $0x40;
	[tilespmem:s0+$0xFFFFFE00] =	vst v4  }
0x507: {  	s13 =	simm.s32 $0x13C20;
	s14 =	simm.s32 $0x2;
	v4 =	vld [tilespmem:s11+$0x0];
	s11 =	simm.s32 $0x17C00  }
.LBB2_69:
0x508: {  	s17 =	sand.u32 $0x60, s15;
	s8 =	sadd.s32 $0x20, s8;
	v8 =	vld [tilespmem:s16+$0x0];
	s18 =	sand.u32 $0x180, s15  }
0x509: {  	s0 =	sadd.s32 $0x20, s0;
	s14 =	sadd.s32 $0x2, s14;
	v9 =	vld [tilespmem:s8+$0xFFFFFE00];
	s19 =	sor.u32 $0x10, s17;
	v6 =	vadd.f32 v6, v2  }
0x50a: {  	s16 =	sadd.s32 s18, s2;
	p0 =	slt.u32 s14, $0x1E;
	s20 =	sor.u32 s18, s19;
	v5 =	vadd.f32 v5, v1;
	v1 =	vld [tilespmem:s6+$0x13C00]  }
.Ltmp35:
0x50b: {  	s12 =	sadd.s32 s12, s1;
	s21 =	sadd.s32 s19, s16;
	v2 =	vld [tilespmem:s20+$0x13A00];
	v10 =	vadd.f32 v7, v3;
	[tilespmem:s6+$0x17A00] =	vst v6;
	(pc) =	sbr.rel @p0 .LBB2_69-.Ltmp35, $4  }
0x50c: {  	s22 =	sadd.s32 s17, s16;
	s16 =	sadd.s32 s7, s12;
	s7 =	sadd.s32 s9, s12;
	v6 =	vld [tilespmem:s21+$0x0];
	[tilespmem:s3+$0x17C00] =	vst v5  }
0x50d: {  	s12 =	smov.u32 s18;
	s9 =	smov.u32 s19;
	[tilespmem:s0+$0xFFFFFE00] =	vst v10;
	v5 =	vld [tilespmem:s7+$0x0];
	v8 =	vadd.f32 v8, v4;
	s7 =	smov.u32 s17  }
0x50e: {  	s3 =	smov.u32 s6;
	s6 =	smov.u32 s20;
	v7 =	vld [tilespmem:s22+$0x0];
	v3 =	vmov v9  }
0x50f: {  	s15 =	sadd.s32 $0x20, s15;
	v4 =	vld [tilespmem:s13+$0x0];
	[tilespmem:s11+$0x0] =	vst v8;
	s13 =	smov.u32 s8;
	s11 =	smov.u32 s0  }
0x510: {  	(v2sf) =	vpush v0, $0x8;
	_ =	sdelay $0x3  }
0x511: {  	v2 =	vadd.f32 v6, v2  }
0x512: {  	s1 =	sadd.s32 s12, s1;
	v6 =	vld [tilespmem:s6+$0x13C00];
	v3 =	vadd.f32 v7, v3  }
0x513: {  	s0 =	sadd.s32 $0x20, s0;
	s2 =	sadd.s32 s9, s1;
	v7 =	vld [tilespmem:s16+$0x0];
	[tilespmem:s6+$0x17A00] =	vst v2  }
0x514: {  	v2 =	vld [tilespmem:s2+$0x0];
	[tilespmem:s0+$0xFFFFFE00] =	vst v3  }
0x515: {  	s1 =	sadd.s32 s7, s1;
	(v2sf) =	vpush v0, $0x9;
	v3 =	vld [tilespmem:s13+$0x0]  }
0x516: {  	v8 =	vld [tilespmem:s1+$0x0];
	_ =	sdelay $0x1  }
0x517: {  	v1 =	vadd.f32 v5, v1  }
0x518: {  	v4 =	vadd.f32 v7, v4  }
0x519: {  	s17 =	simm.s32 $0x0;
	[tilespmem:s3+$0x17C00] =	vst v1;
	v1 =	vadd.f32 v2, v6  }
0x51a: {  	s13 =	sand.u32 $0x60, s17;
	[tilespmem:s11+$0x0] =	vst v4;
	v2 =	vadd.f32 v8, v3  }
0x51b: {  	s14 =	sand.u32 $0x180, s17;
	s15 =	sor.u32 $0x10, s13;
	[tilespmem:s6+$0x17C00] =	vst v1;
	s2 =	spop (v2sf)  }
0x51c: {  	s3 =	sor.u32 s14, s15;
	[tilespmem:s0+$0x0] =	vst v2;
	s18 =	sadd.s32 s14, s2  }
0x51d: {  	v1 =	vld [tilespmem:s3+$0x13E00];
	s19 =	sadd.s32 s15, s18  }
0x51e: {  	s11 =	simm.s32 $0x14000;
	v2 =	vld [tilespmem:s19+$0x0]  }
0x51f: {  	v4 =	vld [tilespmem:s11+$0xFFFFFE00];
	s6 =	sadd.s32 s13, s18  }
0x520: {  	s20 =	simm.s32 $0x20;
	v5 =	vld [tilespmem:s6+$0x0]  }
0x521: {  	s8 =	simm.s32 $0x14020;
	s7 =	sand.u32 $0x60, s20  }
0x522: {  	s12 =	sand.u32 $0x180, s20;
	s9 =	sor.u32 $0x10, s7;
	v3 =	vld [tilespmem:s8+$0xFFFFFE00]  }
0x523: {  	s1 =	spop (v2sf);
	s21 =	sadd.s32 s12, s2;
	s6 =	sor.u32 s12, s9;
	v6 =	vadd.f32 v2, v1;
	v1 =	vld [tilespmem:s3+$0x14000]  }
0x524: {  	s17 =	sadd.s32 s9, s21;
	s18 =	sadd.s32 s14, s1;
	v2 =	vld [tilespmem:s6+$0x13E00]  }
0x525: {  	s14 =	sadd.s32 s15, s18;
	v4 =	vadd.f32 v5, v4;
	[tilespmem:s3+$0x17E00] =	vst v6;
	v6 =	vld [tilespmem:s17+$0x0]  }
0x526: {  	s0 =	simm.s32 $0x18000;
	s22 =	sadd.s32 s7, s21;
	v5 =	vld [tilespmem:s14+$0x0]  }
0x527: {  	s16 =	sadd.s32 s13, s18;
	v7 =	vld [tilespmem:s22+$0x0];
	s15 =	simm.s32 $0x40;
	[tilespmem:s0+$0xFFFFFE00] =	vst v4  }
0x528: {  	s13 =	simm.s32 $0x14020;
	s14 =	simm.s32 $0x2;
	v4 =	vld [tilespmem:s11+$0x0];
	s11 =	simm.s32 $0x18000  }
.LBB2_71:
0x529: {  	s17 =	sand.u32 $0x60, s15;
	s8 =	sadd.s32 $0x20, s8;
	v8 =	vld [tilespmem:s16+$0x0];
	s18 =	sand.u32 $0x180, s15  }
0x52a: {  	s0 =	sadd.s32 $0x20, s0;
	s14 =	sadd.s32 $0x2, s14;
	v9 =	vld [tilespmem:s8+$0xFFFFFE00];
	s19 =	sor.u32 $0x10, s17;
	v6 =	vadd.f32 v6, v2  }
0x52b: {  	s16 =	sadd.s32 s18, s2;
	p0 =	slt.u32 s14, $0x1E;
	s20 =	sor.u32 s18, s19;
	v5 =	vadd.f32 v5, v1;
	v1 =	vld [tilespmem:s6+$0x14000]  }
.Ltmp36:
0x52c: {  	s12 =	sadd.s32 s12, s1;
	s21 =	sadd.s32 s19, s16;
	v2 =	vld [tilespmem:s20+$0x13E00];
	v10 =	vadd.f32 v7, v3;
	[tilespmem:s6+$0x17E00] =	vst v6;
	(pc) =	sbr.rel @p0 .LBB2_71-.Ltmp36, $4  }
0x52d: {  	s22 =	sadd.s32 s17, s16;
	s16 =	sadd.s32 s7, s12;
	s7 =	sadd.s32 s9, s12;
	v6 =	vld [tilespmem:s21+$0x0];
	[tilespmem:s3+$0x18000] =	vst v5  }
0x52e: {  	s12 =	smov.u32 s18;
	s9 =	smov.u32 s19;
	[tilespmem:s0+$0xFFFFFE00] =	vst v10;
	v5 =	vld [tilespmem:s7+$0x0];
	v8 =	vadd.f32 v8, v4;
	s7 =	smov.u32 s17  }
0x52f: {  	s3 =	smov.u32 s6;
	s6 =	smov.u32 s20;
	v7 =	vld [tilespmem:s22+$0x0];
	v3 =	vmov v9  }
0x530: {  	s15 =	sadd.s32 $0x20, s15;
	v4 =	vld [tilespmem:s13+$0x0];
	[tilespmem:s11+$0x0] =	vst v8;
	s13 =	smov.u32 s8;
	s11 =	smov.u32 s0  }
0x531: {  	(v2sf) =	vpush v0, $0xA;
	_ =	sdelay $0x3  }
0x532: {  	v2 =	vadd.f32 v6, v2  }
0x533: {  	s1 =	sadd.s32 s12, s1;
	v6 =	vld [tilespmem:s6+$0x14000];
	v3 =	vadd.f32 v7, v3  }
0x534: {  	s0 =	sadd.s32 $0x20, s0;
	s2 =	sadd.s32 s9, s1;
	v7 =	vld [tilespmem:s16+$0x0];
	[tilespmem:s6+$0x17E00] =	vst v2  }
0x535: {  	v2 =	vld [tilespmem:s2+$0x0];
	[tilespmem:s0+$0xFFFFFE00] =	vst v3  }
0x536: {  	s1 =	sadd.s32 s7, s1;
	(v2sf) =	vpush v0, $0xB;
	v3 =	vld [tilespmem:s13+$0x0]  }
0x537: {  	v8 =	vld [tilespmem:s1+$0x0];
	_ =	sdelay $0x1  }
0x538: {  	v1 =	vadd.f32 v5, v1  }
0x539: {  	v4 =	vadd.f32 v7, v4  }
0x53a: {  	s17 =	simm.s32 $0x0;
	[tilespmem:s3+$0x18000] =	vst v1;
	v1 =	vadd.f32 v2, v6  }
0x53b: {  	s13 =	sand.u32 $0x60, s17;
	[tilespmem:s11+$0x0] =	vst v4;
	v2 =	vadd.f32 v8, v3  }
0x53c: {  	s14 =	sand.u32 $0x180, s17;
	s15 =	sor.u32 $0x10, s13;
	[tilespmem:s6+$0x18000] =	vst v1;
	s2 =	spop (v2sf)  }
0x53d: {  	s3 =	sor.u32 s14, s15;
	[tilespmem:s0+$0x0] =	vst v2;
	s18 =	sadd.s32 s14, s2  }
0x53e: {  	v1 =	vld [tilespmem:s3+$0x14200];
	s19 =	sadd.s32 s15, s18  }
0x53f: {  	s11 =	simm.s32 $0x14400;
	v2 =	vld [tilespmem:s19+$0x0]  }
0x540: {  	v4 =	vld [tilespmem:s11+$0xFFFFFE00];
	s6 =	sadd.s32 s13, s18  }
0x541: {  	s20 =	simm.s32 $0x20;
	v5 =	vld [tilespmem:s6+$0x0]  }
0x542: {  	s8 =	simm.s32 $0x14420;
	s7 =	sand.u32 $0x60, s20  }
0x543: {  	s12 =	sand.u32 $0x180, s20;
	s9 =	sor.u32 $0x10, s7;
	v3 =	vld [tilespmem:s8+$0xFFFFFE00]  }
0x544: {  	s1 =	spop (v2sf);
	s21 =	sadd.s32 s12, s2;
	s6 =	sor.u32 s12, s9;
	v6 =	vadd.f32 v2, v1;
	v1 =	vld [tilespmem:s3+$0x14400]  }
0x545: {  	s17 =	sadd.s32 s9, s21;
	s18 =	sadd.s32 s14, s1;
	v2 =	vld [tilespmem:s6+$0x14200]  }
0x546: {  	s14 =	sadd.s32 s15, s18;
	v4 =	vadd.f32 v5, v4;
	[tilespmem:s3+$0x18200] =	vst v6;
	v6 =	vld [tilespmem:s17+$0x0]  }
0x547: {  	s0 =	simm.s32 $0x18400;
	s22 =	sadd.s32 s7, s21;
	v5 =	vld [tilespmem:s14+$0x0]  }
0x548: {  	s16 =	sadd.s32 s13, s18;
	v7 =	vld [tilespmem:s22+$0x0];
	s15 =	simm.s32 $0x40;
	[tilespmem:s0+$0xFFFFFE00] =	vst v4  }
0x549: {  	s13 =	simm.s32 $0x14420;
	s14 =	simm.s32 $0x2;
	v4 =	vld [tilespmem:s11+$0x0];
	s11 =	simm.s32 $0x18400  }
.LBB2_73:
0x54a: {  	s17 =	sand.u32 $0x60, s15;
	s8 =	sadd.s32 $0x20, s8;
	v8 =	vld [tilespmem:s16+$0x0];
	s18 =	sand.u32 $0x180, s15  }
0x54b: {  	s0 =	sadd.s32 $0x20, s0;
	s14 =	sadd.s32 $0x2, s14;
	v9 =	vld [tilespmem:s8+$0xFFFFFE00];
	s19 =	sor.u32 $0x10, s17;
	v6 =	vadd.f32 v6, v2  }
0x54c: {  	s16 =	sadd.s32 s18, s2;
	p0 =	slt.u32 s14, $0x1E;
	s20 =	sor.u32 s18, s19;
	v5 =	vadd.f32 v5, v1;
	v1 =	vld [tilespmem:s6+$0x14400]  }
.Ltmp37:
0x54d: {  	s12 =	sadd.s32 s12, s1;
	s21 =	sadd.s32 s19, s16;
	v2 =	vld [tilespmem:s20+$0x14200];
	v10 =	vadd.f32 v7, v3;
	[tilespmem:s6+$0x18200] =	vst v6;
	(pc) =	sbr.rel @p0 .LBB2_73-.Ltmp37, $4  }
0x54e: {  	s22 =	sadd.s32 s17, s16;
	s16 =	sadd.s32 s7, s12;
	s7 =	sadd.s32 s9, s12;
	v6 =	vld [tilespmem:s21+$0x0];
	[tilespmem:s3+$0x18400] =	vst v5  }
0x54f: {  	s12 =	smov.u32 s18;
	s9 =	smov.u32 s19;
	[tilespmem:s0+$0xFFFFFE00] =	vst v10;
	v5 =	vld [tilespmem:s7+$0x0];
	v8 =	vadd.f32 v8, v4;
	s7 =	smov.u32 s17  }
0x550: {  	s3 =	smov.u32 s6;
	s6 =	smov.u32 s20;
	v7 =	vld [tilespmem:s22+$0x0];
	v3 =	vmov v9  }
0x551: {  	s15 =	sadd.s32 $0x20, s15;
	v4 =	vld [tilespmem:s13+$0x0];
	[tilespmem:s11+$0x0] =	vst v8;
	s13 =	smov.u32 s8;
	s11 =	smov.u32 s0  }
0x552: {  	(v2sf) =	vpush v0, $0xC;
	_ =	sdelay $0x3  }
0x553: {  	v2 =	vadd.f32 v6, v2  }
0x554: {  	s1 =	sadd.s32 s12, s1;
	v6 =	vld [tilespmem:s6+$0x14400];
	v3 =	vadd.f32 v7, v3  }
0x555: {  	s0 =	sadd.s32 $0x20, s0;
	s2 =	sadd.s32 s9, s1;
	v7 =	vld [tilespmem:s16+$0x0];
	[tilespmem:s6+$0x18200] =	vst v2  }
0x556: {  	v2 =	vld [tilespmem:s2+$0x0];
	[tilespmem:s0+$0xFFFFFE00] =	vst v3  }
0x557: {  	s1 =	sadd.s32 s7, s1;
	(v2sf) =	vpush v0, $0xD;
	v3 =	vld [tilespmem:s13+$0x0]  }
0x558: {  	v8 =	vld [tilespmem:s1+$0x0];
	_ =	sdelay $0x1  }
0x559: {  	v1 =	vadd.f32 v5, v1  }
0x55a: {  	v4 =	vadd.f32 v7, v4  }
0x55b: {  	s17 =	simm.s32 $0x0;
	[tilespmem:s3+$0x18400] =	vst v1;
	v1 =	vadd.f32 v2, v6  }
0x55c: {  	s13 =	sand.u32 $0x60, s17;
	[tilespmem:s11+$0x0] =	vst v4;
	v2 =	vadd.f32 v8, v3  }
0x55d: {  	s14 =	sand.u32 $0x180, s17;
	s15 =	sor.u32 $0x10, s13;
	[tilespmem:s6+$0x18400] =	vst v1;
	s2 =	spop (v2sf)  }
0x55e: {  	s3 =	sor.u32 s14, s15;
	[tilespmem:s0+$0x0] =	vst v2;
	s18 =	sadd.s32 s14, s2  }
0x55f: {  	v1 =	vld [tilespmem:s3+$0x14600];
	s19 =	sadd.s32 s15, s18  }
0x560: {  	s11 =	simm.s32 $0x14800;
	v2 =	vld [tilespmem:s19+$0x0]  }
0x561: {  	v4 =	vld [tilespmem:s11+$0xFFFFFE00];
	s6 =	sadd.s32 s13, s18  }
0x562: {  	s20 =	simm.s32 $0x20;
	v5 =	vld [tilespmem:s6+$0x0]  }
0x563: {  	s8 =	simm.s32 $0x14820;
	s7 =	sand.u32 $0x60, s20  }
0x564: {  	s12 =	sand.u32 $0x180, s20;
	s9 =	sor.u32 $0x10, s7;
	v3 =	vld [tilespmem:s8+$0xFFFFFE00]  }
0x565: {  	s1 =	spop (v2sf);
	s21 =	sadd.s32 s12, s2;
	s6 =	sor.u32 s12, s9;
	v6 =	vadd.f32 v2, v1;
	v1 =	vld [tilespmem:s3+$0x14800]  }
0x566: {  	s17 =	sadd.s32 s9, s21;
	s18 =	sadd.s32 s14, s1;
	v2 =	vld [tilespmem:s6+$0x14600]  }
0x567: {  	s14 =	sadd.s32 s15, s18;
	v4 =	vadd.f32 v5, v4;
	[tilespmem:s3+$0x18600] =	vst v6;
	v6 =	vld [tilespmem:s17+$0x0]  }
0x568: {  	s0 =	simm.s32 $0x18800;
	s22 =	sadd.s32 s7, s21;
	v5 =	vld [tilespmem:s14+$0x0]  }
0x569: {  	s16 =	sadd.s32 s13, s18;
	v7 =	vld [tilespmem:s22+$0x0];
	s15 =	simm.s32 $0x40;
	[tilespmem:s0+$0xFFFFFE00] =	vst v4  }
0x56a: {  	s13 =	simm.s32 $0x14820;
	s14 =	simm.s32 $0x2;
	v4 =	vld [tilespmem:s11+$0x0];
	s11 =	simm.s32 $0x18800  }
.LBB2_75:
0x56b: {  	s17 =	sand.u32 $0x60, s15;
	s8 =	sadd.s32 $0x20, s8;
	v8 =	vld [tilespmem:s16+$0x0];
	s18 =	sand.u32 $0x180, s15  }
0x56c: {  	s0 =	sadd.s32 $0x20, s0;
	s14 =	sadd.s32 $0x2, s14;
	v9 =	vld [tilespmem:s8+$0xFFFFFE00];
	s19 =	sor.u32 $0x10, s17;
	v6 =	vadd.f32 v6, v2  }
0x56d: {  	s16 =	sadd.s32 s18, s2;
	p0 =	slt.u32 s14, $0x1E;
	s20 =	sor.u32 s18, s19;
	v5 =	vadd.f32 v5, v1;
	v1 =	vld [tilespmem:s6+$0x14800]  }
.Ltmp38:
0x56e: {  	s12 =	sadd.s32 s12, s1;
	s21 =	sadd.s32 s19, s16;
	v2 =	vld [tilespmem:s20+$0x14600];
	v10 =	vadd.f32 v7, v3;
	[tilespmem:s6+$0x18600] =	vst v6;
	(pc) =	sbr.rel @p0 .LBB2_75-.Ltmp38, $4  }
0x56f: {  	s22 =	sadd.s32 s17, s16;
	s16 =	sadd.s32 s7, s12;
	s7 =	sadd.s32 s9, s12;
	v6 =	vld [tilespmem:s21+$0x0];
	[tilespmem:s3+$0x18800] =	vst v5  }
0x570: {  	s12 =	smov.u32 s18;
	s9 =	smov.u32 s19;
	[tilespmem:s0+$0xFFFFFE00] =	vst v10;
	v5 =	vld [tilespmem:s7+$0x0];
	v8 =	vadd.f32 v8, v4;
	s7 =	smov.u32 s17  }
0x571: {  	s3 =	smov.u32 s6;
	s6 =	smov.u32 s20;
	v7 =	vld [tilespmem:s22+$0x0];
	v3 =	vmov v9  }
0x572: {  	s15 =	sadd.s32 $0x20, s15;
	v4 =	vld [tilespmem:s13+$0x0];
	[tilespmem:s11+$0x0] =	vst v8;
	s13 =	smov.u32 s8;
	s11 =	smov.u32 s0  }
0x573: {  	(v2sf) =	vpush v0, $0xE;
	_ =	sdelay $0x3  }
0x574: {  	v2 =	vadd.f32 v6, v2  }
0x575: {  	s1 =	sadd.s32 s12, s1;
	v6 =	vld [tilespmem:s6+$0x14800];
	v3 =	vadd.f32 v7, v3  }
0x576: {  	s0 =	sadd.s32 $0x20, s0;
	s2 =	sadd.s32 s9, s1;
	v7 =	vld [tilespmem:s16+$0x0];
	[tilespmem:s6+$0x18600] =	vst v2  }
0x577: {  	v2 =	vld [tilespmem:s2+$0x0];
	[tilespmem:s0+$0xFFFFFE00] =	vst v3  }
0x578: {  	s1 =	sadd.s32 s7, s1;
	(v2sf) =	vpush v0, $0xF;
	v3 =	vld [tilespmem:s13+$0x0]  }
0x579: {  	v8 =	vld [tilespmem:s1+$0x0];
	_ =	sdelay $0x1  }
0x57a: {  	v1 =	vadd.f32 v5, v1  }
0x57b: {  	v4 =	vadd.f32 v7, v4  }
0x57c: {  	s17 =	simm.s32 $0x0;
	[tilespmem:s3+$0x18800] =	vst v1;
	v1 =	vadd.f32 v2, v6  }
0x57d: {  	s13 =	sand.u32 $0x60, s17;
	[tilespmem:s11+$0x0] =	vst v4;
	v2 =	vadd.f32 v8, v3  }
0x57e: {  	s14 =	sand.u32 $0x180, s17;
	s15 =	sor.u32 $0x10, s13;
	[tilespmem:s6+$0x18800] =	vst v1;
	s2 =	spop (v2sf)  }
0x57f: {  	s3 =	sor.u32 s14, s15;
	[tilespmem:s0+$0x0] =	vst v2;
	s18 =	sadd.s32 s14, s2  }
0x580: {  	v0 =	vld [tilespmem:s3+$0x14A00];
	s19 =	sadd.s32 s15, s18  }
0x581: {  	s11 =	simm.s32 $0x14C00;
	v1 =	vld [tilespmem:s19+$0x0]  }
0x582: {  	v3 =	vld [tilespmem:s11+$0xFFFFFE00];
	s6 =	sadd.s32 s13, s18  }
0x583: {  	s20 =	simm.s32 $0x20;
	v4 =	vld [tilespmem:s6+$0x0]  }
0x584: {  	s8 =	simm.s32 $0x14C20;
	s7 =	sand.u32 $0x60, s20  }
0x585: {  	s12 =	sand.u32 $0x180, s20;
	s9 =	sor.u32 $0x10, s7;
	v2 =	vld [tilespmem:s8+$0xFFFFFE00]  }
0x586: {  	s1 =	spop (v2sf);
	s21 =	sadd.s32 s12, s2;
	s6 =	sor.u32 s12, s9;
	v5 =	vadd.f32 v1, v0;
	v0 =	vld [tilespmem:s3+$0x14C00]  }
0x587: {  	s17 =	sadd.s32 s9, s21;
	s18 =	sadd.s32 s14, s1;
	v1 =	vld [tilespmem:s6+$0x14A00]  }
0x588: {  	s14 =	sadd.s32 s15, s18;
	v3 =	vadd.f32 v4, v3;
	[tilespmem:s3+$0x18A00] =	vst v5;
	v5 =	vld [tilespmem:s17+$0x0]  }
0x589: {  	s0 =	simm.s32 $0x18C00;
	s22 =	sadd.s32 s7, s21;
	v4 =	vld [tilespmem:s14+$0x0]  }
0x58a: {  	s16 =	sadd.s32 s13, s18;
	v6 =	vld [tilespmem:s22+$0x0];
	s15 =	simm.s32 $0x40;
	[tilespmem:s0+$0xFFFFFE00] =	vst v3  }
0x58b: {  	s13 =	simm.s32 $0x14C20;
	s14 =	simm.s32 $0x2;
	v3 =	vld [tilespmem:s11+$0x0];
	s11 =	simm.s32 $0x18C00  }
.LBB2_77:
0x58c: {  	s17 =	sand.u32 $0x60, s15;
	s8 =	sadd.s32 $0x20, s8;
	v7 =	vld [tilespmem:s16+$0x0];
	s18 =	sand.u32 $0x180, s15  }
0x58d: {  	s0 =	sadd.s32 $0x20, s0;
	s14 =	sadd.s32 $0x2, s14;
	v8 =	vld [tilespmem:s8+$0xFFFFFE00];
	s19 =	sor.u32 $0x10, s17;
	v5 =	vadd.f32 v5, v1  }
0x58e: {  	s16 =	sadd.s32 s18, s2;
	p0 =	slt.u32 s14, $0x1E;
	s20 =	sor.u32 s18, s19;
	v4 =	vadd.f32 v4, v0;
	v0 =	vld [tilespmem:s6+$0x14C00]  }
.Ltmp39:
0x58f: {  	s12 =	sadd.s32 s12, s1;
	s21 =	sadd.s32 s19, s16;
	v1 =	vld [tilespmem:s20+$0x14A00];
	v9 =	vadd.f32 v6, v2;
	[tilespmem:s6+$0x18A00] =	vst v5;
	(pc) =	sbr.rel @p0 .LBB2_77-.Ltmp39, $4  }
0x590: {  	s22 =	sadd.s32 s17, s16;
	s16 =	sadd.s32 s7, s12;
	s7 =	sadd.s32 s9, s12;
	v5 =	vld [tilespmem:s21+$0x0];
	[tilespmem:s3+$0x18C00] =	vst v4  }
0x591: {  	s12 =	smov.u32 s18;
	s9 =	smov.u32 s19;
	[tilespmem:s0+$0xFFFFFE00] =	vst v9;
	v4 =	vld [tilespmem:s7+$0x0];
	v7 =	vadd.f32 v7, v3;
	s7 =	smov.u32 s17  }
0x592: {  	s3 =	smov.u32 s6;
	s6 =	smov.u32 s20;
	v6 =	vld [tilespmem:s22+$0x0];
	v2 =	vmov v8  }
0x593: {  	s15 =	sadd.s32 $0x20, s15;
	v3 =	vld [tilespmem:s13+$0x0];
	[tilespmem:s11+$0x0] =	vst v7;
	s13 =	smov.u32 s8;
	s11 =	smov.u32 s0  }
0x594: {  	_ =	sdelay $0x1  }
0x595: {  	v1 =	vadd.f32 v5, v1  }
0x596: {  	v60 =	vld [tilespmem:s6+$0x14C00];
	s1 =	sadd.s32 s12, s1;
	v2 =	vadd.f32 v6, v2  }
0x597: {  	v61 =	vld [tilespmem:s16+$0x0];
	s0 =	sadd.s32 $0x20, s0;
	s2 =	sadd.s32 s9, s1;
	[tilespmem:s6+$0x18A00] =	vst v1  }
0x598: {  	v1 =	vld [tilespmem:s2+$0x0];
	[tilespmem:s0+$0xFFFFFE00] =	vst v2  }
0x599: {  	s1 =	sadd.s32 s7, s1;
	v2 =	vld [tilespmem:s13+$0x0]  }
0x59a: {  	v7 =	vld [tilespmem:s1+$0x0];
	_ =	sdelay $0x1  }
0x59b: {  	v0 =	vadd.f32 v4, v0  }
0x59c: {  	v3 =	vadd.f32 v61, v3  }
.Ltmp40:
0x59d: {  	[tilespmem:s3+$0x18C00] =	vst v0;
	v62 =	vadd.f32 v1, v60;
	(pc) =	sbr.rel @p1 .LBB2_80-.Ltmp40, $4  }
0x59e: {  	[tilespmem:s11+$0x0] =	vst v3;
	v63 =	vadd.f32 v7, v2  }
0x59f: {  	[tilespmem:s6+$0x18C00] =	vst v62  }
0x5a0: {  	s22 =	sadd.s32 s30, s10;
	s30 =	simm.s32 $0x16E00;
	[tilespmem:s0+$0x0] =	vst v63  }
0x5a1: {  	[hbm4b:s22+s4] =	stream.linear.scatter [tilespmem:s30], [sflag:$0x4], $0x2000, $0x38;
	[tilespmem:$0x18E00] =	vst v63  }
.Ltmp41:
0x5a2: {  	(pc) =	sbr.rel .LBB2_14-.Ltmp41, $4  }
0x5a3: {  	s0 =	sadd.s32 s29, s26  }
0x5a4: {  	s0 =	sshll.u32 s0, $0x6  }
0x5a5: {  	s28 =	sadd.s32 $0x1, s28;
	s0 =	sadd.s32 s23, s0  }
0x5a6: {  	[tilespmem:s31], [sflag:$0x3] =	stream.linear.gather [hbm4b:s0+s4], $0x4000, $0x38;
	[tilespmem:$0x18E00] =	vst v63  }
.LBB2_81:
0x5a7: {  	_ =	sfence.sel $0x180000  }
0x5a8: {  	[bflag:$0x0] =	sbarrier.arrive $0xFFFF  }
0x5a9: {  	_ =	strace $0x90000047  }
0x5aa: {  	s0 =	stileid.u32;
	[bflag:$0x2] =	sbarrier.arrive $0xFFFF  }
0x5ab: {  	p0 =	sne.s32 s0, $0x0;
	s0 =	rddreg [dreg:$0x4]  }
0x5ac: {  	s0 =	sadd.s32 @!p0 $0x100000, s0  }
0x5ad: {  	[sflag:s0] =	ssyncadd.tile.s32 @!p0 $0x1;
	_ =	shalt  }
.Lfunc_end2:
_tile_overlayer_lowered:
.L_overlay_start_2:
0x5ae: {  	(tag) =	ssettag $0x2  }
0x5af: {  	s0 =	rddreg [dreg:$0x0];
	s2 =	stileid.u32  }
0x5b0: {  	s1 =	rddreg [dreg:$0x1];
	p0 =	sne.s32 s2, $0x0  }
0x5b1: {  	s3 =	rddreg [dreg:$0x2];
	[bflag:$0x3] =	sbarrier.arrive $0xFFFF;
	s2 =	simm.s32 @!p0 $0x1C05  }
0x5b2: {  	[timem:s3], [sflag:s2] =	dma.local @!p0 [hbm:s0], s1  }
0x5b3: {  	s0 =	simm.s32 @!p0 $0x5  }
0x5b4: {  	_ =	swait.ge @!p0 [sflag:s0], s1  }
0x5b5: {  	s1 =	ssub.s32 @!p0 $0x0, s1;
	[sflag:s0] =	ssyncset.done @!p0 $0x0  }
0x5b6: {  	[sflag:s0] =	ssyncadd.s32 @!p0 s1  }
0x5b7: {  	[bflag:$0x3] =	sbarrier.arrive $0xFFFF  }
0x5b8: {  	_ =	shalt  }

</sc_bundles>
